<compile_context>
chip_gen: v7x
topology: tpu7x:2x2x1
jax: 0.10.2.dev20260603
libtpu: 0.0.44.dev20260713+nightly
codegen_flags: <defaults>
</compile_context>

<pallas_src>
import functools

import jax
import jax.numpy as jnp
from jax import lax
from jax.experimental import pallas as pl
from jax.experimental.pallas import tpu as pltpu
from jax.experimental.pallas import tpu_sc as plsc

_DEPTH = 14
_LANES = 16


def _fff_call(x, X, Y):
    B, D = x.shape
    NC, NS = 2, 16
    NW = NC * NS
    T = _LANES
    b_per_w = B // NW
    n_chunks = b_per_w // T
    n_dot = D // _LANES

    mesh = plsc.VectorSubcoreMesh(core_axis_name="c", subcore_axis_name="s")

    @functools.partial(
        pl.kernel,
        mesh=mesh,
        out_type=jax.ShapeDtypeStruct((B, D), jnp.float32),
        compiler_params=pltpu.CompilerParams(needs_layout_passes=False),
        scratch_types=[
            pltpu.VMEM((T, D), jnp.float32),
            pltpu.VMEM((T, D), jnp.float32),
            pltpu.VMEM((T, D), jnp.float32),
            pltpu.VMEM((T, D), jnp.float32),
            pltpu.VMEM((T,), jnp.int32),
            pltpu.VMEM((T,), jnp.float32),
            pltpu.SemaphoreType.DMA,
            pltpu.SemaphoreType.DMA,
        ],
    )
    def fff(x_hbm, X_hbm, Y_hbm, out_hbm,
            x_v, y_v, xg_v, yg_v, idx_v, lam_v, semx, semy):
        wid = lax.axis_index("s") * NC + lax.axis_index("c")
        base = wid * b_per_w

        lane = lax.iota(jnp.int32, T)

        def dot_pass(t, lam_vec):
            accs = [None] * 4
            for k in range(n_dot):
                sl = pl.ds(k * _LANES, _LANES)
                prod = x_v[t, sl] * xg_v[t, sl]
                a = k % 4
                accs[a] = prod if accs[a] is None else accs[a] + prod
            acc = (accs[0] + accs[1]) + (accs[2] + accs[3])
            return jnp.where(lane == t, jnp.sum(acc), lam_vec)

        def make_axpy(first):
            def axpy_pass(t, carry):
                lam_t = jnp.sum(jnp.where(lane == t, lam_v[...], 0.0))
                for k in range(n_dot):
                    sl = pl.ds(k * _LANES, _LANES)
                    if first:
                        y_v[t, sl] = lam_t * yg_v[t, sl]
                    else:
                        y_v[t, sl] = y_v[t, sl] + lam_t * yg_v[t, sl]
                return carry
            return axpy_pass

        def level(first):
            cx = pltpu.async_copy(X_hbm.at[idx_v], xg_v, semx)
            cy = pltpu.async_copy(Y_hbm.at[idx_v], yg_v, semy)
            cx.wait()
            lam_vec = lax.fori_loop(0, T, dot_pass,
                                    jnp.zeros((T,), jnp.float32))
            lam_v[...] = lam_vec
            cy.wait()
            lax.fori_loop(0, T, make_axpy(first), 0)
            node = idx_v[...]
            idx_v[...] = node * 2 + 1 + (lam_vec > 0.0).astype(jnp.int32)

        def chunk_body(ci, carry):
            tok0 = base + ci * T
            pltpu.sync_copy(x_hbm.at[pl.ds(tok0, T)], x_v)
            idx_v[...] = jnp.zeros((T,), jnp.int32)
            level(True)

            def lvl_body(_d, c):
                level(False)
                return c

            lax.fori_loop(1, _DEPTH, lvl_body, 0)
            pltpu.sync_copy(y_v, out_hbm.at[pl.ds(tok0, T)])
            return carry

        lax.fori_loop(0, n_chunks, chunk_body, 0)

    return fff(x, X, Y)


def kernel(x, X, Y):
    return _fff_call(x, X, Y)

# --- scband reference (transcript-rebuilt; emitter-appended) ---
"""Pipeline reference for scband-fff-120259084544 (READ-ONLY COPY).

The authoritative reference and input builder live on the scoring server;
editing this copy changes nothing except your own understanding.
"""

import jax, jax.numpy as jnp
import numpy as np

DEPTH = 14
N_IN = 1024
N_OUT = 1024
N_NODES = 2 ** DEPTH - 1  # 16383
N_BATCH = 8192


def _unit_rows(key, n, d):
    w = jax.random.normal(key, (n, d), dtype=jnp.float32)
    norm = jnp.sqrt(jnp.sum(w * w, axis=-1, keepdims=True))
    return w / jnp.maximum(norm, 1e-12)


def setup_inputs(seed: int = 0) -> dict:
    key = jax.random.key(seed)
    kx, kX, kY = jax.random.split(key, 3)
    x = jax.random.normal(kx, (N_BATCH, N_IN), dtype=jnp.float32)
    X = _unit_rows(kX, N_NODES, N_IN)
    Y = _unit_rows(kY, N_NODES, N_OUT)
    return {"x": x, "X": X, "Y": Y}


def reference(x, X, Y):
    nBatch = x.shape[0]
    nOut = Y.shape[-1]
    current_node = jnp.zeros((nBatch,), dtype=jnp.int32)
    y = jnp.zeros((nBatch, nOut), dtype=jnp.float32)
    for _ in range(DEPTH):
        Xc = jnp.take(X, current_node, axis=0)          # gather [B, nIn]
        lam = jnp.einsum('bi,bi->b', x, Xc)             # [B]
        Yc = jnp.take(Y, current_node, axis=0)          # gather [B, nOut]
        y = y + lam[:, None] * Yc
        branch_choice = (lam > 0).astype(jnp.int32)
        current_node = current_node * 2 + 1 + branch_choice
    return y

if __name__ == "__main__":
    import jax
    _d = setup_inputs()
    print(jax.jit(kernel)(*tuple(_d.values())))

</pallas_src>

<mosaic_0001>
#map = affine_map<(d0, d1) -> (0, 0)>
module attributes {stable_mosaic.version = 14 : i64} {
  func.func @fff(%arg0: i32, %arg1: i32, %arg2: memref<8192x1024xf32, #tpu.memory_space<hbm>>, %arg3: memref<16383x1024xf32, #tpu.memory_space<hbm>>, %arg4: memref<16383x1024xf32, #tpu.memory_space<hbm>>, %arg5: memref<8192x1024xf32, #tpu.memory_space<hbm>>, %arg6: memref<16x1024xf32, #tpu.memory_space<vmem>>, %arg7: memref<16x1024xf32, #tpu.memory_space<vmem>>, %arg8: memref<16x1024xf32, #tpu.memory_space<vmem>>, %arg9: memref<16x1024xf32, #tpu.memory_space<vmem>>, %arg10: memref<16xi32, #tpu.memory_space<vmem>>, %arg11: memref<16xf32, #tpu.memory_space<vmem>>, %arg12: memref<!tpu.dma_semaphore, #tpu.memory_space<semaphore_mem>>, %arg13: memref<!tpu.dma_semaphore, #tpu.memory_space<semaphore_mem>>) attributes {dimension_semantics = [#tpu.dimension_semantics<core_parallel>, #tpu.dimension_semantics<subcore_parallel>], iteration_bounds = array<i64: 2, 16>, scalar_prefetch = 0 : i64, scratch_operands = 8 : i64, tpu.core_type = #tpu.core_type<sc_vector_subcore>, window_params = [{transform_indices = #map}, {transform_indices = #map}, {transform_indices = #map}, {transform_indices = #map}]} {
    %mul3A = arith.constant 2 : i32
    %mul3A_0 = arith.muli %arg1, %mul3A : i32
    %add3A = arith.addi %mul3A_0, %arg0 : i32
    %mul3A_1 = arith.constant 256 : i32
    %mul3A_2 = arith.muli %add3A, %mul3A_1 : i32
    %iota3A = tpu.iota {dimensions = array<i32: 0>} : vector<16xi32>
    %scan3A = arith.constant 0 : i32
    %scan3A_3 = arith.constant 0 : i32
    %scan3A_4 = arith.constant 16 : i32
    %scan3A_5 = arith.addi %scan3A_3, %scan3A_4 : i32
    %scan3A_6 = arith.constant 1 : i32
    scf.for %scan3A_8 = %scan3A_3 to %scan3A_5 step %scan3A_6  : i32 {
      %mul3A_9 = arith.constant 16 : i32
      %mul3A_10 = arith.muli %scan3A_8, %mul3A_9 : i32
      %add3A_11 = arith.addi %mul3A_2, %mul3A_10 : i32
      "tpu.region"() ({
        %run_scoped3A = tpu.sem_alloc : memref<!tpu.dma_semaphore, #tpu.memory_space<semaphore_mem>>
        %dma_start3A_58 = arith.constant 0 : i32
        %dma_start3A_59 = tpu.memref_slice %arg2[%add3A_11, %dma_start3A_58] : memref<8192x1024xf32, #tpu.memory_space<hbm>> -> memref<16x1024xf32, #tpu.memory_space<hbm>>
        %dma_start3A_60 = arith.constant 0 : i32
        %dma_start3A_61 = tpu.memref_slice %arg2[%add3A_11, %dma_start3A_60] : memref<8192x1024xf32, #tpu.memory_space<hbm>> -> memref<16x1024xf32, #tpu.memory_space<hbm>>
        tpu.enqueue_dma source(%dma_start3A_61 : memref<16x1024xf32, #tpu.memory_space<hbm>>) target(%arg6 : memref<16x1024xf32, #tpu.memory_space<vmem>>) target_semaphore(%run_scoped3A : memref<!tpu.dma_semaphore, #tpu.memory_space<semaphore_mem>>)
        %dma_wait3A_62 = arith.constant 0 : i32
        %dma_wait3A_63 = tpu.memref_slice %arg2[%add3A_11, %dma_wait3A_62] : memref<8192x1024xf32, #tpu.memory_space<hbm>> -> memref<16x1024xf32, #tpu.memory_space<hbm>>
        %dma_wait3A_64 = arith.constant 0 : i32
        %dma_wait3A_65 = tpu.memref_slice %arg2[%add3A_11, %dma_wait3A_64] : memref<8192x1024xf32, #tpu.memory_space<hbm>> -> memref<16x1024xf32, #tpu.memory_space<hbm>>
        tpu.wait_dma2 semaphore(%run_scoped3A : memref<!tpu.dma_semaphore, #tpu.memory_space<semaphore_mem>>) src(%dma_wait3A_65 : memref<16x1024xf32, #tpu.memory_space<hbm>>) dst(%arg6 : memref<16x1024xf32, #tpu.memory_space<vmem>>)
        tpu.yield
      }) : () -> ()
      %broadcast_in_dim3A = arith.constant 0 : i32
      %broadcast_in_dim3A_12 = vector.broadcast %broadcast_in_dim3A : i32 to vector<16xi32>
      %swap3A = arith.constant 0 : index
      %swap3A_13 = tpu.vector_load %arg10[%swap3A] {strides = array<i32>} : memref<16xi32, #tpu.memory_space<vmem>>, vector<16xi32>,
      tpu.vector_store %arg10[%swap3A], %broadcast_in_dim3A_12 {strides = array<i32>} : memref<16xi32, #tpu.memory_space<vmem>>, vector<16xi32>,
      %dma_start3A = arith.constant 0 : i32
      %dma_start3A_14 = arith.constant 0 : i32
      %dma_start3A_15 = tpu.memref_slice %arg3[%dma_start3A, %dma_start3A_14] : memref<16383x1024xf32, #tpu.memory_space<hbm>> -> memref<16383x1024xf32, #tpu.memory_space<hbm>>
      tpu.enqueue_indirect_dma source(%dma_start3A_15 : memref<16383x1024xf32, #tpu.memory_space<hbm>>) target(%arg8 : memref<16x1024xf32, #tpu.memory_space<vmem>>) offsets(%arg10 : memref<16xi32, #tpu.memory_space<vmem>>) semaphore(%arg12 : memref<!tpu.dma_semaphore, #tpu.memory_space<semaphore_mem>>)
      %dma_start3A_16 = arith.constant 0 : i32
      %dma_start3A_17 = arith.constant 0 : i32
      %dma_start3A_18 = tpu.memref_slice %arg4[%dma_start3A_16, %dma_start3A_17] : memref<16383x1024xf32, #tpu.memory_space<hbm>> -> memref<16383x1024xf32, #tpu.memory_space<hbm>>
      tpu.enqueue_indirect_dma source(%dma_start3A_18 : memref<16383x1024xf32, #tpu.memory_space<hbm>>) target(%arg9 : memref<16x1024xf32, #tpu.memory_space<vmem>>) offsets(%arg10 : memref<16xi32, #tpu.memory_space<vmem>>) semaphore(%arg13 : memref<!tpu.dma_semaphore, #tpu.memory_space<semaphore_mem>>)
      %dma_wait3A = arith.constant 0 : i32
      %dma_wait3A_19 = arith.constant 0 : i32
      %dma_wait3A_20 = tpu.memref_slice %arg3[%dma_wait3A, %dma_wait3A_19] : memref<16383x1024xf32, #tpu.memory_space<hbm>> -> memref<16383x1024xf32, #tpu.memory_space<hbm>>
      tpu.wait_indirect_dma semaphore(%arg12 : memref<!tpu.dma_semaphore, #tpu.memory_space<semaphore_mem>>) src(%dma_wait3A_20 : memref<16383x1024xf32, #tpu.memory_space<hbm>>) dst(%arg8 : memref<16x1024xf32, #tpu.memory_space<vmem>>)
      %broadcast_in_dim3A_21 = arith.constant 0.000000e+00 : f32
      %broadcast_in_dim3A_22 = vector.broadcast %broadcast_in_dim3A_21 : f32 to vector<16xf32>
      %scan3A_23 = arith.constant 0 : i32
      %scan3A_24 = arith.constant 16 : i32
      %scan3A_25 = arith.addi %scan3A_23, %scan3A_24 : i32
      %scan3A_26 = arith.constant 1 : i32
      %scan3A_27 = scf.for %scan3A_58 = %scan3A_23 to %scan3A_25 step %scan3A_26 iter_args(%scan3A_59 = %broadcast_in_dim3A_22) -> (vector<16xf32>)  : i32 {
        %get3A_60 = arith.index_cast %scan3A_58 : i32 to index
        %get3A_61 = arith.constant 0 : index
        %get3A_62 = tpu.vector_load %arg6[%get3A_60, %get3A_61] {strides = array<i32>} : memref<16x1024xf32, #tpu.memory_space<vmem>>, vector<16xf32>,
        %get3A_63 = arith.index_cast %scan3A_58 : i32 to index
        %get3A_64 = arith.constant 0 : index
        %get3A_65 = tpu.vector_load %arg8[%get3A_63, %get3A_64] {strides = array<i32>} : memref<16x1024xf32, #tpu.memory_space<vmem>>, vector<16xf32>,
        %mul3A_66 = arith.mulf %get3A_62, %get3A_65 : vector<16xf32>
        %get3A_67 = arith.index_cast %scan3A_58 : i32 to index
        %get3A_68 = arith.constant 16 : index
        %get3A_69 = tpu.vector_load %arg6[%get3A_67, %get3A_68] {strides = array<i32>} : memref<16x1024xf32, #tpu.memory_space<vmem>>, vector<16xf32>,
        %get3A_70 = arith.index_cast %scan3A_58 : i32 to index
        %get3A_71 = arith.constant 16 : index
        %get3A_72 = tpu.vector_load %arg8[%get3A_70, %get3A_71] {strides = array<i32>} : memref<16x1024xf32, #tpu.memory_space<vmem>>, vector<16xf32>,
        %mul3A_73 = arith.mulf %get3A_69, %get3A_72 : vector<16xf32>
        %get3A_74 = arith.index_cast %scan3A_58 : i32 to index
        %get3A_75 = arith.constant 32 : index
        %get3A_76 = tpu.vector_load %arg6[%get3A_74, %get3A_75] {strides = array<i32>} : memref<16x1024xf32, #tpu.memory_space<vmem>>, vector<16xf32>,
        %get3A_77 = arith.index_cast %scan3A_58 : i32 to index
        %get3A_78 = arith.constant 32 : index
        %get3A_79 = tpu.vector_load %arg8[%get3A_77, %get3A_78] {strides = array<i32>} : memref<16x1024xf32, #tpu.memory_space<vmem>>, vector<16xf32>,
        %mul3A_80 = arith.mulf %get3A_76, %get3A_79 : vector<16xf32>
        %get3A_81 = arith.index_cast %scan3A_58 : i32 to index
        %get3A_82 = arith.constant 48 : index
        %get3A_83 = tpu.vector_load %arg6[%get3A_81, %get3A_82] {strides = array<i32>} : memref<16x1024xf32, #tpu.memory_space<vmem>>, vector<16xf32>,
        %get3A_84 = arith.index_cast %scan3A_58 : i32 to index
        %get3A_85 = arith.constant 48 : index
        %get3A_86 = tpu.vector_load %arg8[%get3A_84, %get3A_85] {strides = array<i32>} : memref<16x1024xf32, #tpu.memory_space<vmem>>, vector<16xf32>,
        %mul3A_87 = arith.mulf %get3A_83, %get3A_86 : vector<16xf32>
        %get3A_88 = arith.index_cast %scan3A_58 : i32 to index
        %get3A_89 = arith.constant 64 : index
        %get3A_90 = tpu.vector_load %arg6[%get3A_88, %get3A_89] {strides = array<i32>} : memref<16x1024xf32, #tpu.memory_space<vmem>>, vector<16xf32>,
        %get3A_91 = arith.index_cast %scan3A_58 : i32 to index
        %get3A_92 = arith.constant 64 : index
        %get3A_93 = tpu.vector_load %arg8[%get3A_91, %get3A_92] {strides = array<i32>} : memref<16x1024xf32, #tpu.memory_space<vmem>>, vector<16xf32>,
        %mul3A_94 = arith.mulf %get3A_90, %get3A_93 : vector<16xf32>
        %add3A_95 = arith.addf %mul3A_66, %mul3A_94 : vector<16xf32>
        %get3A_96 = arith.index_cast %scan3A_58 : i32 to index
        %get3A_97 = arith.constant 80 : index
        %get3A_98 = tpu.vector_load %arg6[%get3A_96, %get3A_97] {strides = array<i32>} : memref<16x1024xf32, #tpu.memory_space<vmem>>, vector<16xf32>,
        %get3A_99 = arith.index_cast %scan3A_58 : i32 to index
        %get3A_100 = arith.constant 80 : index
        %get3A_101 = tpu.vector_load %arg8[%get3A_99, %get3A_100] {strides = array<i32>} : memref<16x1024xf32, #tpu.memory_space<vmem>>, vector<16xf32>,
        %mul3A_102 = arith.mulf %get3A_98, %get3A_101 : vector<16xf32>
        %add3A_103 = arith.addf %mul3A_73, %mul3A_102 : vector<16xf32>
        %get3A_104 = arith.index_cast %scan3A_58 : i32 to index
        %get3A_105 = arith.constant 96 : index
        %get3A_106 = tpu.vector_load %arg6[%get3A_104, %get3A_105] {strides = array<i32>} : memref<16x1024xf32, #tpu.memory_space<vmem>>, vector<16xf32>,
        %get3A_107 = arith.index_cast %scan3A_58 : i32 to index
        %get3A_108 = arith.constant 96 : index
        %get3A_109 = tpu.vector_load %arg8[%get3A_107, %get3A_108] {strides = array<i32>} : memref<16x1024xf32, #tpu.memory_space<vmem>>, vector<16xf32>,
        %mul3A_110 = arith.mulf %get3A_106, %get3A_109 : vector<16xf32>
        %add3A_111 = arith.addf %mul3A_80, %mul3A_110 : vector<16xf32>
        %get3A_112 = arith.index_cast %scan3A_58 : i32 to index
        %get3A_113 = arith.constant 112 : index
        %get3A_114 = tpu.vector_load %arg6[%get3A_112, %get3A_113] {strides = array<i32>} : memref<16x1024xf32, #tpu.memory_space<vmem>>, vector<16xf32>,
        %get3A_115 = arith.index_cast %scan3A_58 : i32 to index
        %get3A_116 = arith.constant 112 : index
        %get3A_117 = tpu.vector_load %arg8[%get3A_115, %get3A_116] {strides = array<i32>} : memref<16x1024xf32, #tpu.memory_space<vmem>>, vector<16xf32>,
        %mul3A_118 = arith.mulf %get3A_114, %get3A_117 : vector<16xf32>
        %add3A_119 = arith.addf %mul3A_87, %mul3A_118 : vector<16xf32>
        %get3A_120 = arith.index_cast %scan3A_58 : i32 to index
        %get3A_121 = arith.constant 128 : index
        %get3A_122 = tpu.vector_load %arg6[%get3A_120, %get3A_121] {strides = array<i32>} : memref<16x1024xf32, #tpu.memory_space<vmem>>, vector<16xf32>,
        %get3A_123 = arith.index_cast %scan3A_58 : i32 to index
        %get3A_124 = arith.constant 128 : index
        %get3A_125 = tpu.vector_load %arg8[%get3A_123, %get3A_124] {strides = array<i32>} : memref<16x1024xf32, #tpu.memory_space<vmem>>, vector<16xf32>,
        %mul3A_126 = arith.mulf %get3A_122, %get3A_125 : vector<16xf32>
        %add3A_127 = arith.addf %add3A_95, %mul3A_126 : vector<16xf32>
        %get3A_128 = arith.index_cast %scan3A_58 : i32 to index
        %get3A_129 = arith.constant 144 : index
        %get3A_130 = tpu.vector_load %arg6[%get3A_128, %get3A_129] {strides = array<i32>} : memref<16x1024xf32, #tpu.memory_space<vmem>>, vector<16xf32>,
        %get3A_131 = arith.index_cast %scan3A_58 : i32 to index
        %get3A_132 = arith.constant 144 : index
        %get3A_133 = tpu.vector_load %arg8[%get3A_131, %get3A_132] {strides = array<i32>} : memref<16x1024xf32, #tpu.memory_space<vmem>>, vector<16xf32>,
        %mul3A_134 = arith.mulf %get3A_130, %get3A_133 : vector<16xf32>
        %add3A_135 = arith.addf %add3A_103, %mul3A_134 : vector<16xf32>
        %get3A_136 = arith.index_cast %scan3A_58 : i32 to index
        %get3A_137 = arith.constant 160 : index
        %get3A_138 = tpu.vector_load %arg6[%get3A_136, %get3A_137] {strides = array<i32>} : memref<16x1024xf32, #tpu.memory_space<vmem>>, vector<16xf32>,
        %get3A_139 = arith.index_cast %scan3A_58 : i32 to index
        %get3A_140 = arith.constant 160 : index
        %get3A_141 = tpu.vector_load %arg8[%get3A_139, %get3A_140] {strides = array<i32>} : memref<16x1024xf32, #tpu.memory_space<vmem>>, vector<16xf32>,
        %mul3A_142 = arith.mulf %get3A_138, %get3A_141 : vector<16xf32>
        %add3A_143 = arith.addf %add3A_111, %mul3A_142 : vector<16xf32>
        %get3A_144 = arith.index_cast %scan3A_58 : i32 to index
        %get3A_145 = arith.constant 176 : index
        %get3A_146 = tpu.vector_load %arg6[%get3A_144, %get3A_145] {strides = array<i32>} : memref<16x1024xf32, #tpu.memory_space<vmem>>, vector<16xf32>,
        %get3A_147 = arith.index_cast %scan3A_58 : i32 to index
        %get3A_148 = arith.constant 176 : index
        %get3A_149 = tpu.vector_load %arg8[%get3A_147, %get3A_148] {strides = array<i32>} : memref<16x1024xf32, #tpu.memory_space<vmem>>, vector<16xf32>,
        %mul3A_150 = arith.mulf %get3A_146, %get3A_149 : vector<16xf32>
        %add3A_151 = arith.addf %add3A_119, %mul3A_150 : vector<16xf32>
        %get3A_152 = arith.index_cast %scan3A_58 : i32 to index
        %get3A_153 = arith.constant 192 : index
        %get3A_154 = tpu.vector_load %arg6[%get3A_152, %get3A_153] {strides = array<i32>} : memref<16x1024xf32, #tpu.memory_space<vmem>>, vector<16xf32>,
        %get3A_155 = arith.index_cast %scan3A_58 : i32 to index
        %get3A_156 = arith.constant 192 : index
        %get3A_157 = tpu.vector_load %arg8[%get3A_155, %get3A_156] {strides = array<i32>} : memref<16x1024xf32, #tpu.memory_space<vmem>>, vector<16xf32>,
        %mul3A_158 = arith.mulf %get3A_154, %get3A_157 : vector<16xf32>
        %add3A_159 = arith.addf %add3A_127, %mul3A_158 : vector<16xf32>
        %get3A_160 = arith.index_cast %scan3A_58 : i32 to index
        %get3A_161 = arith.constant 208 : index
        %get3A_162 = tpu.vector_load %arg6[%get3A_160, %get3A_161] {strides = array<i32>} : memref<16x1024xf32, #tpu.memory_space<vmem>>, vector<16xf32>,
        %get3A_163 = arith.index_cast %scan3A_58 : i32 to index
        %get3A_164 = arith.constant 208 : index
        %get3A_165 = tpu.vector_load %arg8[%get3A_163, %get3A_164] {strides = array<i32>} : memref<16x1024xf32, #tpu.memory_space<vmem>>, vector<16xf32>,
        %mul3A_166 = arith.mulf %get3A_162, %get3A_165 : vector<16xf32>
        %add3A_167 = arith.addf %add3A_135, %mul3A_166 : vector<16xf32>
        %get3A_168 = arith.index_cast %scan3A_58 : i32 to index
        %get3A_169 = arith.constant 224 : index
        %get3A_170 = tpu.vector_load %arg6[%get3A_168, %get3A_169] {strides = array<i32>} : memref<16x1024xf32, #tpu.memory_space<vmem>>, vector<16xf32>,
        %get3A_171 = arith.index_cast %scan3A_58 : i32 to index
        %get3A_172 = arith.constant 224 : index
        %get3A_173 = tpu.vector_load %arg8[%get3A_171, %get3A_172] {strides = array<i32>} : memref<16x1024xf32, #tpu.memory_space<vmem>>, vector<16xf32>,
        %mul3A_174 = arith.mulf %get3A_170, %get3A_173 : vector<16xf32>
        %add3A_175 = arith.addf %add3A_143, %mul3A_174 : vector<16xf32>
        %get3A_176 = arith.index_cast %scan3A_58 : i32 to index
        %get3A_177 = arith.constant 240 : index
        %get3A_178 = tpu.vector_load %arg6[%get3A_176, %get3A_177] {strides = array<i32>} : memref<16x1024xf32, #tpu.memory_space<vmem>>, vector<16xf32>,
        %get3A_179 = arith.index_cast %scan3A_58 : i32 to index
        %get3A_180 = arith.constant 240 : index
        %get3A_181 = tpu.vector_load %arg8[%get3A_179, %get3A_180] {strides = array<i32>} : memref<16x1024xf32, #tpu.memory_space<vmem>>, vector<16xf32>,
        %mul3A_182 = arith.mulf %get3A_178, %get3A_181 : vector<16xf32>
        %add3A_183 = arith.addf %add3A_151, %mul3A_182 : vector<16xf32>
        %get3A_184 = arith.index_cast %scan3A_58 : i32 to index
        %get3A_185 = arith.constant 256 : index
        %get3A_186 = tpu.vector_load %arg6[%get3A_184, %get3A_185] {strides = array<i32>} : memref<16x1024xf32, #tpu.memory_space<vmem>>, vector<16xf32>,
        %get3A_187 = arith.index_cast %scan3A_58 : i32 to index
        %get3A_188 = arith.constant 256 : index
        %get3A_189 = tpu.vector_load %arg8[%get3A_187, %get3A_188] {strides = array<i32>} : memref<16x1024xf32, #tpu.memory_space<vmem>>, vector<16xf32>,
        %mul3A_190 = arith.mulf %get3A_186, %get3A_189 : vector<16xf32>
        %add3A_191 = arith.addf %add3A_159, %mul3A_190 : vector<16xf32>
        %get3A_192 = arith.index_cast %scan3A_58 : i32 to index
        %get3A_193 = arith.constant 272 : index
        %get3A_194 = tpu.vector_load %arg6[%get3A_192, %get3A_193] {strides = array<i32>} : memref<16x1024xf32, #tpu.memory_space<vmem>>, vector<16xf32>,
        %get3A_195 = arith.index_cast %scan3A_58 : i32 to index
        %get3A_196 = arith.constant 272 : index
        %get3A_197 = tpu.vector_load %arg8[%get3A_195, %get3A_196] {strides = array<i32>} : memref<16x1024xf32, #tpu.memory_space<vmem>>, vector<16xf32>,
        %mul3A_198 = arith.mulf %get3A_194, %get3A_197 : vector<16xf32>
        %add3A_199 = arith.addf %add3A_167, %mul3A_198 : vector<16xf32>
        %get3A_200 = arith.index_cast %scan3A_58 : i32 to index
        %get3A_201 = arith.constant 288 : index
        %get3A_202 = tpu.vector_load %arg6[%get3A_200, %get3A_201] {strides = array<i32>} : memref<16x1024xf32, #tpu.memory_space<vmem>>, vector<16xf32>,
        %get3A_203 = arith.index_cast %scan3A_58 : i32 to index
        %get3A_204 = arith.constant 288 : index
        %get3A_205 = tpu.vector_load %arg8[%get3A_203, %get3A_204] {strides = array<i32>} : memref<16x1024xf32, #tpu.memory_space<vmem>>, vector<16xf32>,
        %mul3A_206 = arith.mulf %get3A_202, %get3A_205 : vector<16xf32>
        %add3A_207 = arith.addf %add3A_175, %mul3A_206 : vector<16xf32>
        %get3A_208 = arith.index_cast %scan3A_58 : i32 to index
        %get3A_209 = arith.constant 304 : index
        %get3A_210 = tpu.vector_load %arg6[%get3A_208, %get3A_209] {strides = array<i32>} : memref<16x1024xf32, #tpu.memory_space<vmem>>, vector<16xf32>,
        %get3A_211 = arith.index_cast %scan3A_58 : i32 to index
        %get3A_212 = arith.constant 304 : index
        %get3A_213 = tpu.vector_load %arg8[%get3A_211, %get3A_212] {strides = array<i32>} : memref<16x1024xf32, #tpu.memory_space<vmem>>, vector<16xf32>,
        %mul3A_214 = arith.mulf %get3A_210, %get3A_213 : vector<16xf32>
        %add3A_215 = arith.addf %add3A_183, %mul3A_214 : vector<16xf32>
        %get3A_216 = arith.index_cast %scan3A_58 : i32 to index
        %get3A_217 = arith.constant 320 : index
        %get3A_218 = tpu.vector_load %arg6[%get3A_216, %get3A_217] {strides = array<i32>} : memref<16x1024xf32, #tpu.memory_space<vmem>>, vector<16xf32>,
        %get3A_219 = arith.index_cast %scan3A_58 : i32 to index
        %get3A_220 = arith.constant 320 : index
        %get3A_221 = tpu.vector_load %arg8[%get3A_219, %get3A_220] {strides = array<i32>} : memref<16x1024xf32, #tpu.memory_space<vmem>>, vector<16xf32>,
        %mul3A_222 = arith.mulf %get3A_218, %get3A_221 : vector<16xf32>
        %add3A_223 = arith.addf %add3A_191, %mul3A_222 : vector<16xf32>
        %get3A_224 = arith.index_cast %scan3A_58 : i32 to index
        %get3A_225 = arith.constant 336 : index
        %get3A_226 = tpu.vector_load %arg6[%get3A_224, %get3A_225] {strides = array<i32>} : memref<16x1024xf32, #tpu.memory_space<vmem>>, vector<16xf32>,
        %get3A_227 = arith.index_cast %scan3A_58 : i32 to index
        %get3A_228 = arith.constant 336 : index
        %get3A_229 = tpu.vector_load %arg8[%get3A_227, %get3A_228] {strides = array<i32>} : memref<16x1024xf32, #tpu.memory_space<vmem>>, vector<16xf32>,
        %mul3A_230 = arith.mulf %get3A_226, %get3A_229 : vector<16xf32>
        %add3A_231 = arith.addf %add3A_199, %mul3A_230 : vector<16xf32>
        %get3A_232 = arith.index_cast %scan3A_58 : i32 to index
        %get3A_233 = arith.constant 352 : index
        %get3A_234 = tpu.vector_load %arg6[%get3A_232, %get3A_233] {strides = array<i32>} : memref<16x1024xf32, #tpu.memory_space<vmem>>, vector<16xf32>,
        %get3A_235 = arith.index_cast %scan3A_58 : i32 to index
        %get3A_236 = arith.constant 352 : index
        %get3A_237 = tpu.vector_load %arg8[%get3A_235, %get3A_236] {strides = array<i32>} : memref<16x1024xf32, #tpu.memory_space<vmem>>, vector<16xf32>,
        %mul3A_238 = arith.mulf %get3A_234, %get3A_237 : vector<16xf32>
        %add3A_239 = arith.addf %add3A_207, %mul3A_238 : vector<16xf32>
        %get3A_240 = arith.index_cast %scan3A_58 : i32 to index
        %get3A_241 = arith.constant 368 : index
        %get3A_242 = tpu.vector_load %arg6[%get3A_240, %get3A_241] {strides = array<i32>} : memref<16x1024xf32, #tpu.memory_space<vmem>>, vector<16xf32>,
        %get3A_243 = arith.index_cast %scan3A_58 : i32 to index
        %get3A_244 = arith.constant 368 : index
        %get3A_245 = tpu.vector_load %arg8[%get3A_243, %get3A_244] {strides = array<i32>} : memref<16x1024xf32, #tpu.memory_space<vmem>>, vector<16xf32>,
        %mul3A_246 = arith.mulf %get3A_242, %get3A_245 : vector<16xf32>
        %add3A_247 = arith.addf %add3A_215, %mul3A_246 : vector<16xf32>
        %get3A_248 = arith.index_cast %scan3A_58 : i32 to index
        %get3A_249 = arith.constant 384 : index
        %get3A_250 = tpu.vector_load %arg6[%get3A_248, %get3A_249] {strides = array<i32>} : memref<16x1024xf32, #tpu.memory_space<vmem>>, vector<16xf32>,
        %get3A_251 = arith.index_cast %scan3A_58 : i32 to index
        %get3A_252 = arith.constant 384 : index
        %get3A_253 = tpu.vector_load %arg8[%get3A_251, %get3A_252] {strides = array<i32>} : memref<16x1024xf32, #tpu.memory_space<vmem>>, vector<16xf32>,
        %mul3A_254 = arith.mulf %get3A_250, %get3A_253 : vector<16xf32>
        %add3A_255 = arith.addf %add3A_223, %mul3A_254 : vector<16xf32>
        %get3A_256 = arith.index_cast %scan3A_58 : i32 to index
        %get3A_257 = arith.constant 400 : index
        %get3A_258 = tpu.vector_load %arg6[%get3A_256, %get3A_257] {strides = array<i32>} : memref<16x1024xf32, #tpu.memory_space<vmem>>, vector<16xf32>,
        %get3A_259 = arith.index_cast %scan3A_58 : i32 to index
        %get3A_260 = arith.constant 400 : index
        %get3A_261 = tpu.vector_load %arg8[%get3A_259, %get3A_260] {strides = array<i32>} : memref<16x1024xf32, #tpu.memory_space<vmem>>, vector<16xf32>,
        %mul3A_262 = arith.mulf %get3A_258, %get3A_261 : vector<16xf32>
        %add3A_263 = arith.addf %add3A_231, %mul3A_262 : vector<16xf32>
        %get3A_264 = arith.index_cast %scan3A_58 : i32 to index
        %get3A_265 = arith.constant 416 : index
        %get3A_266 = tpu.vector_load %arg6[%get3A_264, %get3A_265] {strides = array<i32>} : memref<16x1024xf32, #tpu.memory_space<vmem>>, vector<16xf32>,
        %get3A_267 = arith.index_cast %scan3A_58 : i32 to index
        %get3A_268 = arith.constant 416 : index
        %get3A_269 = tpu.vector_load %arg8[%get3A_267, %get3A_268] {strides = array<i32>} : memref<16x1024xf32, #tpu.memory_space<vmem>>, vector<16xf32>,
        %mul3A_270 = arith.mulf %get3A_266, %get3A_269 : vector<16xf32>
        %add3A_271 = arith.addf %add3A_239, %mul3A_270 : vector<16xf32>
        %get3A_272 = arith.index_cast %scan3A_58 : i32 to index
        %get3A_273 = arith.constant 432 : index
        %get3A_274 = tpu.vector_load %arg6[%get3A_272, %get3A_273] {strides = array<i32>} : memref<16x1024xf32, #tpu.memory_space<vmem>>, vector<16xf32>,
        %get3A_275 = arith.index_cast %scan3A_58 : i32 to index
        %get3A_276 = arith.constant 432 : index
        %get3A_277 = tpu.vector_load %arg8[%get3A_275, %get3A_276] {strides = array<i32>} : memref<16x1024xf32, #tpu.memory_space<vmem>>, vector<16xf32>,
        %mul3A_278 = arith.mulf %get3A_274, %get3A_277 : vector<16xf32>
        %add3A_279 = arith.addf %add3A_247, %mul3A_278 : vector<16xf32>
        %get3A_280 = arith.index_cast %scan3A_58 : i32 to index
        %get3A_281 = arith.constant 448 : index
        %get3A_282 = tpu.vector_load %arg6[%get3A_280, %get3A_281] {strides = array<i32>} : memref<16x1024xf32, #tpu.memory_space<vmem>>, vector<16xf32>,
        %get3A_283 = arith.index_cast %scan3A_58 : i32 to index
        %get3A_284 = arith.constant 448 : index
        %get3A_285 = tpu.vector_load %arg8[%get3A_283, %get3A_284] {strides = array<i32>} : memref<16x1024xf32, #tpu.memory_space<vmem>>, vector<16xf32>,
        %mul3A_286 = arith.mulf %get3A_282, %get3A_285 : vector<16xf32>
        %add3A_287 = arith.addf %add3A_255, %mul3A_286 : vector<16xf32>
        %get3A_288 = arith.index_cast %scan3A_58 : i32 to index
        %get3A_289 = arith.constant 464 : index
        %get3A_290 = tpu.vector_load %arg6[%get3A_288, %get3A_289] {strides = array<i32>} : memref<16x1024xf32, #tpu.memory_space<vmem>>, vector<16xf32>,
        %get3A_291 = arith.index_cast %scan3A_58 : i32 to index
        %get3A_292 = arith.constant 464 : index
        %get3A_293 = tpu.vector_load %arg8[%get3A_291, %get3A_292] {strides = array<i32>} : memref<16x1024xf32, #tpu.memory_space<vmem>>, vector<16xf32>,
        %mul3A_294 = arith.mulf %get3A_290, %get3A_293 : vector<16xf32>
        %add3A_295 = arith.addf %add3A_263, %mul3A_294 : vector<16xf32>
        %get3A_296 = arith.index_cast %scan3A_58 : i32 to index
        %get3A_297 = arith.constant 480 : index
        %get3A_298 = tpu.vector_load %arg6[%get3A_296, %get3A_297] {strides = array<i32>} : memref<16x1024xf32, #tpu.memory_space<vmem>>, vector<16xf32>,
        %get3A_299 = arith.index_cast %scan3A_58 : i32 to index
        %get3A_300 = arith.constant 480 : index
        %get3A_301 = tpu.vector_load %arg8[%get3A_299, %get3A_300] {strides = array<i32>} : memref<16x1024xf32, #tpu.memory_space<vmem>>, vector<16xf32>,
        %mul3A_302 = arith.mulf %get3A_298, %get3A_301 : vector<16xf32>
        %add3A_303 = arith.addf %add3A_271, %mul3A_302 : vector<16xf32>
        %get3A_304 = arith.index_cast %scan3A_58 : i32 to index
        %get3A_305 = arith.constant 496 : index
        %get3A_306 = tpu.vector_load %arg6[%get3A_304, %get3A_305] {strides = array<i32>} : memref<16x1024xf32, #tpu.memory_space<vmem>>, vector<16xf32>,
        %get3A_307 = arith.index_cast %scan3A_58 : i32 to index
        %get3A_308 = arith.constant 496 : index
        %get3A_309 = tpu.vector_load %arg8[%get3A_307, %get3A_308] {strides = array<i32>} : memref<16x1024xf32, #tpu.memory_space<vmem>>, vector<16xf32>,
        %mul3A_310 = arith.mulf %get3A_306, %get3A_309 : vector<16xf32>
        %add3A_311 = arith.addf %add3A_279, %mul3A_310 : vector<16xf32>
        %get3A_312 = arith.index_cast %scan3A_58 : i32 to index
        %get3A_313 = arith.constant 512 : index
        %get3A_314 = tpu.vector_load %arg6[%get3A_312, %get3A_313] {strides = array<i32>} : memref<16x1024xf32, #tpu.memory_space<vmem>>, vector<16xf32>,
        %get3A_315 = arith.index_cast %scan3A_58 : i32 to index
        %get3A_316 = arith.constant 512 : index
        %get3A_317 = tpu.vector_load %arg8[%get3A_315, %get3A_316] {strides = array<i32>} : memref<16x1024xf32, #tpu.memory_space<vmem>>, vector<16xf32>,
        %mul3A_318 = arith.mulf %get3A_314, %get3A_317 : vector<16xf32>
        %add3A_319 = arith.addf %add3A_287, %mul3A_318 : vector<16xf32>
        %get3A_320 = arith.index_cast %scan3A_58 : i32 to index
        %get3A_321 = arith.constant 528 : index
        %get3A_322 = tpu.vector_load %arg6[%get3A_320, %get3A_321] {strides = array<i32>} : memref<16x1024xf32, #tpu.memory_space<vmem>>, vector<16xf32>,
        %get3A_323 = arith.index_cast %scan3A_58 : i32 to index
        %get3A_324 = arith.constant 528 : index
        %get3A_325 = tpu.vector_load %arg8[%get3A_323, %get3A_324] {strides = array<i32>} : memref<16x1024xf32, #tpu.memory_space<vmem>>, vector<16xf32>,
        %mul3A_326 = arith.mulf %get3A_322, %get3A_325 : vector<16xf32>
        %add3A_327 = arith.addf %add3A_295, %mul3A_326 : vector<16xf32>
        %get3A_328 = arith.index_cast %scan3A_58 : i32 to index
        %get3A_329 = arith.constant 544 : index
        %get3A_330 = tpu.vector_load %arg6[%get3A_328, %get3A_329] {strides = array<i32>} : memref<16x1024xf32, #tpu.memory_space<vmem>>, vector<16xf32>,
        %get3A_331 = arith.index_cast %scan3A_58 : i32 to index
        %get3A_332 = arith.constant 544 : index
        %get3A_333 = tpu.vector_load %arg8[%get3A_331, %get3A_332] {strides = array<i32>} : memref<16x1024xf32, #tpu.memory_space<vmem>>, vector<16xf32>,
        %mul3A_334 = arith.mulf %get3A_330, %get3A_333 : vector<16xf32>
        %add3A_335 = arith.addf %add3A_303, %mul3A_334 : vector<16xf32>
        %get3A_336 = arith.index_cast %scan3A_58 : i32 to index
        %get3A_337 = arith.constant 560 : index
        %get3A_338 = tpu.vector_load %arg6[%get3A_336, %get3A_337] {strides = array<i32>} : memref<16x1024xf32, #tpu.memory_space<vmem>>, vector<16xf32>,
        %get3A_339 = arith.index_cast %scan3A_58 : i32 to index
        %get3A_340 = arith.constant 560 : index
        %get3A_341 = tpu.vector_load %arg8[%get3A_339, %get3A_340] {strides = array<i32>} : memref<16x1024xf32, #tpu.memory_space<vmem>>, vector<16xf32>,
        %mul3A_342 = arith.mulf %get3A_338, %get3A_341 : vector<16xf32>
        %add3A_343 = arith.addf %add3A_311, %mul3A_342 : vector<16xf32>
        %get3A_344 = arith.index_cast %scan3A_58 : i32 to index
        %get3A_345 = arith.constant 576 : index
        %get3A_346 = tpu.vector_load %arg6[%get3A_344, %get3A_345] {strides = array<i32>} : memref<16x1024xf32, #tpu.memory_space<vmem>>, vector<16xf32>,
        %get3A_347 = arith.index_cast %scan3A_58 : i32 to index
        %get3A_348 = arith.constant 576 : index
        %get3A_349 = tpu.vector_load %arg8[%get3A_347, %get3A_348] {strides = array<i32>} : memref<16x1024xf32, #tpu.memory_space<vmem>>, vector<16xf32>,
        %mul3A_350 = arith.mulf %get3A_346, %get3A_349 : vector<16xf32>
        %add3A_351 = arith.addf %add3A_319, %mul3A_350 : vector<16xf32>
        %get3A_352 = arith.index_cast %scan3A_58 : i32 to index
        %get3A_353 = arith.constant 592 : index
        %get3A_354 = tpu.vector_load %arg6[%get3A_352, %get3A_353] {strides = array<i32>} : memref<16x1024xf32, #tpu.memory_space<vmem>>, vector<16xf32>,
        %get3A_355 = arith.index_cast %scan3A_58 : i32 to index
        %get3A_356 = arith.constant 592 : index
        %get3A_357 = tpu.vector_load %arg8[%get3A_355, %get3A_356] {strides = array<i32>} : memref<16x1024xf32, #tpu.memory_space<vmem>>, vector<16xf32>,
        %mul3A_358 = arith.mulf %get3A_354, %get3A_357 : vector<16xf32>
        %add3A_359 = arith.addf %add3A_327, %mul3A_358 : vector<16xf32>
        %get3A_360 = arith.index_cast %scan3A_58 : i32 to index
        %get3A_361 = arith.constant 608 : index
        %get3A_362 = tpu.vector_load %arg6[%get3A_360, %get3A_361] {strides = array<i32>} : memref<16x1024xf32, #tpu.memory_space<vmem>>, vector<16xf32>,
        %get3A_363 = arith.index_cast %scan3A_58 : i32 to index
        %get3A_364 = arith.constant 608 : index
        %get3A_365 = tpu.vector_load %arg8[%get3A_363, %get3A_364] {strides = array<i32>} : memref<16x1024xf32, #tpu.memory_space<vmem>>, vector<16xf32>,
        %mul3A_366 = arith.mulf %get3A_362, %get3A_365 : vector<16xf32>
        %add3A_367 = arith.addf %add3A_335, %mul3A_366 : vector<16xf32>
        %get3A_368 = arith.index_cast %scan3A_58 : i32 to index
        %get3A_369 = arith.constant 624 : index
        %get3A_370 = tpu.vector_load %arg6[%get3A_368, %get3A_369] {strides = array<i32>} : memref<16x1024xf32, #tpu.memory_space<vmem>>, vector<16xf32>,
        %get3A_371 = arith.index_cast %scan3A_58 : i32 to index
        %get3A_372 = arith.constant 624 : index
        %get3A_373 = tpu.vector_load %arg8[%get3A_371, %get3A_372] {strides = array<i32>} : memref<16x1024xf32, #tpu.memory_space<vmem>>, vector<16xf32>,
        %mul3A_374 = arith.mulf %get3A_370, %get3A_373 : vector<16xf32>
        %add3A_375 = arith.addf %add3A_343, %mul3A_374 : vector<16xf32>
        %get3A_376 = arith.index_cast %scan3A_58 : i32 to index
        %get3A_377 = arith.constant 640 : index
        %get3A_378 = tpu.vector_load %arg6[%get3A_376, %get3A_377] {strides = array<i32>} : memref<16x1024xf32, #tpu.memory_space<vmem>>, vector<16xf32>,
        %get3A_379 = arith.index_cast %scan3A_58 : i32 to index
        %get3A_380 = arith.constant 640 : index
        %get3A_381 = tpu.vector_load %arg8[%get3A_379, %get3A_380] {strides = array<i32>} : memref<16x1024xf32, #tpu.memory_space<vmem>>, vector<16xf32>,
        %mul3A_382 = arith.mulf %get3A_378, %get3A_381 : vector<16xf32>
        %add3A_383 = arith.addf %add3A_351, %mul3A_382 : vector<16xf32>
        %get3A_384 = arith.index_cast %scan3A_58 : i32 to index
        %get3A_385 = arith.constant 656 : index
        %get3A_386 = tpu.vector_load %arg6[%get3A_384, %get3A_385] {strides = array<i32>} : memref<16x1024xf32, #tpu.memory_space<vmem>>, vector<16xf32>,
        %get3A_387 = arith.index_cast %scan3A_58 : i32 to index
        %get3A_388 = arith.constant 656 : index
        %get3A_389 = tpu.vector_load %arg8[%get3A_387, %get3A_388] {strides = array<i32>} : memref<16x1024xf32, #tpu.memory_space<vmem>>, vector<16xf32>,
        %mul3A_390 = arith.mulf %get3A_386, %get3A_389 : vector<16xf32>
        %add3A_391 = arith.addf %add3A_359, %mul3A_390 : vector<16xf32>
        %get3A_392 = arith.index_cast %scan3A_58 : i32 to index
        %get3A_393 = arith.constant 672 : index
        %get3A_394 = tpu.vector_load %arg6[%get3A_392, %get3A_393] {strides = array<i32>} : memref<16x1024xf32, #tpu.memory_space<vmem>>, vector<16xf32>,
        %get3A_395 = arith.index_cast %scan3A_58 : i32 to index
        %get3A_396 = arith.constant 672 : index
        %get3A_397 = tpu.vector_load %arg8[%get3A_395, %get3A_396] {strides = array<i32>} : memref<16x1024xf32, #tpu.memory_space<vmem>>, vector<16xf32>,
        %mul3A_398 = arith.mulf %get3A_394, %get3A_397 : vector<16xf32>
        %add3A_399 = arith.addf %add3A_367, %mul3A_398 : vector<16xf32>
        %get3A_400 = arith.index_cast %scan3A_58 : i32 to index
        %get3A_401 = arith.constant 688 : index
        %get3A_402 = tpu.vector_load %arg6[%get3A_400, %get3A_401] {strides = array<i32>} : memref<16x1024xf32, #tpu.memory_space<vmem>>, vector<16xf32>,
        %get3A_403 = arith.index_cast %scan3A_58 : i32 to index
        %get3A_404 = arith.constant 688 : index
        %get3A_405 = tpu.vector_load %arg8[%get3A_403, %get3A_404] {strides = array<i32>} : memref<16x1024xf32, #tpu.memory_space<vmem>>, vector<16xf32>,
        %mul3A_406 = arith.mulf %get3A_402, %get3A_405 : vector<16xf32>
        %add3A_407 = arith.addf %add3A_375, %mul3A_406 : vector<16xf32>
        %get3A_408 = arith.index_cast %scan3A_58 : i32 to index
        %get3A_409 = arith.constant 704 : index
        %get3A_410 = tpu.vector_load %arg6[%get3A_408, %get3A_409] {strides = array<i32>} : memref<16x1024xf32, #tpu.memory_space<vmem>>, vector<16xf32>,
        %get3A_411 = arith.index_cast %scan3A_58 : i32 to index
        %get3A_412 = arith.constant 704 : index
        %get3A_413 = tpu.vector_load %arg8[%get3A_411, %get3A_412] {strides = array<i32>} : memref<16x1024xf32, #tpu.memory_space<vmem>>, vector<16xf32>,
        %mul3A_414 = arith.mulf %get3A_410, %get3A_413 : vector<16xf32>
        %add3A_415 = arith.addf %add3A_383, %mul3A_414 : vector<16xf32>
        %get3A_416 = arith.index_cast %scan3A_58 : i32 to index
        %get3A_417 = arith.constant 720 : index
        %get3A_418 = tpu.vector_load %arg6[%get3A_416, %get3A_417] {strides = array<i32>} : memref<16x1024xf32, #tpu.memory_space<vmem>>, vector<16xf32>,
        %get3A_419 = arith.index_cast %scan3A_58 : i32 to index
        %get3A_420 = arith.constant 720 : index
        %get3A_421 = tpu.vector_load %arg8[%get3A_419, %get3A_420] {strides = array<i32>} : memref<16x1024xf32, #tpu.memory_space<vmem>>, vector<16xf32>,
        %mul3A_422 = arith.mulf %get3A_418, %get3A_421 : vector<16xf32>
        %add3A_423 = arith.addf %add3A_391, %mul3A_422 : vector<16xf32>
        %get3A_424 = arith.index_cast %scan3A_58 : i32 to index
        %get3A_425 = arith.constant 736 : index
        %get3A_426 = tpu.vector_load %arg6[%get3A_424, %get3A_425] {strides = array<i32>} : memref<16x1024xf32, #tpu.memory_space<vmem>>, vector<16xf32>,
        %get3A_427 = arith.index_cast %scan3A_58 : i32 to index
        %get3A_428 = arith.constant 736 : index
        %get3A_429 = tpu.vector_load %arg8[%get3A_427, %get3A_428] {strides = array<i32>} : memref<16x1024xf32, #tpu.memory_space<vmem>>, vector<16xf32>,
        %mul3A_430 = arith.mulf %get3A_426, %get3A_429 : vector<16xf32>
        %add3A_431 = arith.addf %add3A_399, %mul3A_430 : vector<16xf32>
        %get3A_432 = arith.index_cast %scan3A_58 : i32 to index
        %get3A_433 = arith.constant 752 : index
        %get3A_434 = tpu.vector_load %arg6[%get3A_432, %get3A_433] {strides = array<i32>} : memref<16x1024xf32, #tpu.memory_space<vmem>>, vector<16xf32>,
        %get3A_435 = arith.index_cast %scan3A_58 : i32 to index
        %get3A_436 = arith.constant 752 : index
        %get3A_437 = tpu.vector_load %arg8[%get3A_435, %get3A_436] {strides = array<i32>} : memref<16x1024xf32, #tpu.memory_space<vmem>>, vector<16xf32>,
        %mul3A_438 = arith.mulf %get3A_434, %get3A_437 : vector<16xf32>
        %add3A_439 = arith.addf %add3A_407, %mul3A_438 : vector<16xf32>
        %get3A_440 = arith.index_cast %scan3A_58 : i32 to index
        %get3A_441 = arith.constant 768 : index
        %get3A_442 = tpu.vector_load %arg6[%get3A_440, %get3A_441] {strides = array<i32>} : memref<16x1024xf32, #tpu.memory_space<vmem>>, vector<16xf32>,
        %get3A_443 = arith.index_cast %scan3A_58 : i32 to index
        %get3A_444 = arith.constant 768 : index
        %get3A_445 = tpu.vector_load %arg8[%get3A_443, %get3A_444] {strides = array<i32>} : memref<16x1024xf32, #tpu.memory_space<vmem>>, vector<16xf32>,
        %mul3A_446 = arith.mulf %get3A_442, %get3A_445 : vector<16xf32>
        %add3A_447 = arith.addf %add3A_415, %mul3A_446 : vector<16xf32>
        %get3A_448 = arith.index_cast %scan3A_58 : i32 to index
        %get3A_449 = arith.constant 784 : index
        %get3A_450 = tpu.vector_load %arg6[%get3A_448, %get3A_449] {strides = array<i32>} : memref<16x1024xf32, #tpu.memory_space<vmem>>, vector<16xf32>,
        %get3A_451 = arith.index_cast %scan3A_58 : i32 to index
        %get3A_452 = arith.constant 784 : index
        %get3A_453 = tpu.vector_load %arg8[%get3A_451, %get3A_452] {strides = array<i32>} : memref<16x1024xf32, #tpu.memory_space<vmem>>, vector<16xf32>,
        %mul3A_454 = arith.mulf %get3A_450, %get3A_453 : vector<16xf32>
        %add3A_455 = arith.addf %add3A_423, %mul3A_454 : vector<16xf32>
        %get3A_456 = arith.index_cast %scan3A_58 : i32 to index
        %get3A_457 = arith.constant 800 : index
        %get3A_458 = tpu.vector_load %arg6[%get3A_456, %get3A_457] {strides = array<i32>} : memref<16x1024xf32, #tpu.memory_space<vmem>>, vector<16xf32>,
        %get3A_459 = arith.index_cast %scan3A_58 : i32 to index
        %get3A_460 = arith.constant 800 : index
        %get3A_461 = tpu.vector_load %arg8[%get3A_459, %get3A_460] {strides = array<i32>} : memref<16x1024xf32, #tpu.memory_space<vmem>>, vector<16xf32>,
        %mul3A_462 = arith.mulf %get3A_458, %get3A_461 : vector<16xf32>
        %add3A_463 = arith.addf %add3A_431, %mul3A_462 : vector<16xf32>
        %get3A_464 = arith.index_cast %scan3A_58 : i32 to index
        %get3A_465 = arith.constant 816 : index
        %get3A_466 = tpu.vector_load %arg6[%get3A_464, %get3A_465] {strides = array<i32>} : memref<16x1024xf32, #tpu.memory_space<vmem>>, vector<16xf32>,
        %get3A_467 = arith.index_cast %scan3A_58 : i32 to index
        %get3A_468 = arith.constant 816 : index
        %get3A_469 = tpu.vector_load %arg8[%get3A_467, %get3A_468] {strides = array<i32>} : memref<16x1024xf32, #tpu.memory_space<vmem>>, vector<16xf32>,
        %mul3A_470 = arith.mulf %get3A_466, %get3A_469 : vector<16xf32>
        %add3A_471 = arith.addf %add3A_439, %mul3A_470 : vector<16xf32>
        %get3A_472 = arith.index_cast %scan3A_58 : i32 to index
        %get3A_473 = arith.constant 832 : index
        %get3A_474 = tpu.vector_load %arg6[%get3A_472, %get3A_473] {strides = array<i32>} : memref<16x1024xf32, #tpu.memory_space<vmem>>, vector<16xf32>,
        %get3A_475 = arith.index_cast %scan3A_58 : i32 to index
        %get3A_476 = arith.constant 832 : index
        %get3A_477 = tpu.vector_load %arg8[%get3A_475, %get3A_476] {strides = array<i32>} : memref<16x1024xf32, #tpu.memory_space<vmem>>, vector<16xf32>,
        %mul3A_478 = arith.mulf %get3A_474, %get3A_477 : vector<16xf32>
        %add3A_479 = arith.addf %add3A_447, %mul3A_478 : vector<16xf32>
        %get3A_480 = arith.index_cast %scan3A_58 : i32 to index
        %get3A_481 = arith.constant 848 : index
        %get3A_482 = tpu.vector_load %arg6[%get3A_480, %get3A_481] {strides = array<i32>} : memref<16x1024xf32, #tpu.memory_space<vmem>>, vector<16xf32>,
        %get3A_483 = arith.index_cast %scan3A_58 : i32 to index
        %get3A_484 = arith.constant 848 : index
        %get3A_485 = tpu.vector_load %arg8[%get3A_483, %get3A_484] {strides = array<i32>} : memref<16x1024xf32, #tpu.memory_space<vmem>>, vector<16xf32>,
        %mul3A_486 = arith.mulf %get3A_482, %get3A_485 : vector<16xf32>
        %add3A_487 = arith.addf %add3A_455, %mul3A_486 : vector<16xf32>
        %get3A_488 = arith.index_cast %scan3A_58 : i32 to index
        %get3A_489 = arith.constant 864 : index
        %get3A_490 = tpu.vector_load %arg6[%get3A_488, %get3A_489] {strides = array<i32>} : memref<16x1024xf32, #tpu.memory_space<vmem>>, vector<16xf32>,
        %get3A_491 = arith.index_cast %scan3A_58 : i32 to index
        %get3A_492 = arith.constant 864 : index
        %get3A_493 = tpu.vector_load %arg8[%get3A_491, %get3A_492] {strides = array<i32>} : memref<16x1024xf32, #tpu.memory_space<vmem>>, vector<16xf32>,
        %mul3A_494 = arith.mulf %get3A_490, %get3A_493 : vector<16xf32>
        %add3A_495 = arith.addf %add3A_463, %mul3A_494 : vector<16xf32>
        %get3A_496 = arith.index_cast %scan3A_58 : i32 to index
        %get3A_497 = arith.constant 880 : index
        %get3A_498 = tpu.vector_load %arg6[%get3A_496, %get3A_497] {strides = array<i32>} : memref<16x1024xf32, #tpu.memory_space<vmem>>, vector<16xf32>,
        %get3A_499 = arith.index_cast %scan3A_58 : i32 to index
        %get3A_500 = arith.constant 880 : index
        %get3A_501 = tpu.vector_load %arg8[%get3A_499, %get3A_500] {strides = array<i32>} : memref<16x1024xf32, #tpu.memory_space<vmem>>, vector<16xf32>,
        %mul3A_502 = arith.mulf %get3A_498, %get3A_501 : vector<16xf32>
        %add3A_503 = arith.addf %add3A_471, %mul3A_502 : vector<16xf32>
        %get3A_504 = arith.index_cast %scan3A_58 : i32 to index
        %get3A_505 = arith.constant 896 : index
        %get3A_506 = tpu.vector_load %arg6[%get3A_504, %get3A_505] {strides = array<i32>} : memref<16x1024xf32, #tpu.memory_space<vmem>>, vector<16xf32>,
        %get3A_507 = arith.index_cast %scan3A_58 : i32 to index
        %get3A_508 = arith.constant 896 : index
        %get3A_509 = tpu.vector_load %arg8[%get3A_507, %get3A_508] {strides = array<i32>} : memref<16x1024xf32, #tpu.memory_space<vmem>>, vector<16xf32>,
        %mul3A_510 = arith.mulf %get3A_506, %get3A_509 : vector<16xf32>
        %add3A_511 = arith.addf %add3A_479, %mul3A_510 : vector<16xf32>
        %get3A_512 = arith.index_cast %scan3A_58 : i32 to index
        %get3A_513 = arith.constant 912 : index
        %get3A_514 = tpu.vector_load %arg6[%get3A_512, %get3A_513] {strides = array<i32>} : memref<16x1024xf32, #tpu.memory_space<vmem>>, vector<16xf32>,
        %get3A_515 = arith.index_cast %scan3A_58 : i32 to index
        %get3A_516 = arith.constant 912 : index
        %get3A_517 = tpu.vector_load %arg8[%get3A_515, %get3A_516] {strides = array<i32>} : memref<16x1024xf32, #tpu.memory_space<vmem>>, vector<16xf32>,
        %mul3A_518 = arith.mulf %get3A_514, %get3A_517 : vector<16xf32>
        %add3A_519 = arith.addf %add3A_487, %mul3A_518 : vector<16xf32>
        %get3A_520 = arith.index_cast %scan3A_58 : i32 to index
        %get3A_521 = arith.constant 928 : index
        %get3A_522 = tpu.vector_load %arg6[%get3A_520, %get3A_521] {strides = array<i32>} : memref<16x1024xf32, #tpu.memory_space<vmem>>, vector<16xf32>,
        %get3A_523 = arith.index_cast %scan3A_58 : i32 to index
        %get3A_524 = arith.constant 928 : index
        %get3A_525 = tpu.vector_load %arg8[%get3A_523, %get3A_524] {strides = array<i32>} : memref<16x1024xf32, #tpu.memory_space<vmem>>, vector<16xf32>,
        %mul3A_526 = arith.mulf %get3A_522, %get3A_525 : vector<16xf32>
        %add3A_527 = arith.addf %add3A_495, %mul3A_526 : vector<16xf32>
        %get3A_528 = arith.index_cast %scan3A_58 : i32 to index
        %get3A_529 = arith.constant 944 : index
        %get3A_530 = tpu.vector_load %arg6[%get3A_528, %get3A_529] {strides = array<i32>} : memref<16x1024xf32, #tpu.memory_space<vmem>>, vector<16xf32>,
        %get3A_531 = arith.index_cast %scan3A_58 : i32 to index
        %get3A_532 = arith.constant 944 : index
        %get3A_533 = tpu.vector_load %arg8[%get3A_531, %get3A_532] {strides = array<i32>} : memref<16x1024xf32, #tpu.memory_space<vmem>>, vector<16xf32>,
        %mul3A_534 = arith.mulf %get3A_530, %get3A_533 : vector<16xf32>
        %add3A_535 = arith.addf %add3A_503, %mul3A_534 : vector<16xf32>
        %get3A_536 = arith.index_cast %scan3A_58 : i32 to index
        %get3A_537 = arith.constant 960 : index
        %get3A_538 = tpu.vector_load %arg6[%get3A_536, %get3A_537] {strides = array<i32>} : memref<16x1024xf32, #tpu.memory_space<vmem>>, vector<16xf32>,
        %get3A_539 = arith.index_cast %scan3A_58 : i32 to index
        %get3A_540 = arith.constant 960 : index
        %get3A_541 = tpu.vector_load %arg8[%get3A_539, %get3A_540] {strides = array<i32>} : memref<16x1024xf32, #tpu.memory_space<vmem>>, vector<16xf32>,
        %mul3A_542 = arith.mulf %get3A_538, %get3A_541 : vector<16xf32>
        %add3A_543 = arith.addf %add3A_511, %mul3A_542 : vector<16xf32>
        %get3A_544 = arith.index_cast %scan3A_58 : i32 to index
        %get3A_545 = arith.constant 976 : index
        %get3A_546 = tpu.vector_load %arg6[%get3A_544, %get3A_545] {strides = array<i32>} : memref<16x1024xf32, #tpu.memory_space<vmem>>, vector<16xf32>,
        %get3A_547 = arith.index_cast %scan3A_58 : i32 to index
        %get3A_548 = arith.constant 976 : index
        %get3A_549 = tpu.vector_load %arg8[%get3A_547, %get3A_548] {strides = array<i32>} : memref<16x1024xf32, #tpu.memory_space<vmem>>, vector<16xf32>,
        %mul3A_550 = arith.mulf %get3A_546, %get3A_549 : vector<16xf32>
        %add3A_551 = arith.addf %add3A_519, %mul3A_550 : vector<16xf32>
        %get3A_552 = arith.index_cast %scan3A_58 : i32 to index
        %get3A_553 = arith.constant 992 : index
        %get3A_554 = tpu.vector_load %arg6[%get3A_552, %get3A_553] {strides = array<i32>} : memref<16x1024xf32, #tpu.memory_space<vmem>>, vector<16xf32>,
        %get3A_555 = arith.index_cast %scan3A_58 : i32 to index
        %get3A_556 = arith.constant 992 : index
        %get3A_557 = tpu.vector_load %arg8[%get3A_555, %get3A_556] {strides = array<i32>} : memref<16x1024xf32, #tpu.memory_space<vmem>>, vector<16xf32>,
        %mul3A_558 = arith.mulf %get3A_554, %get3A_557 : vector<16xf32>
        %add3A_559 = arith.addf %add3A_527, %mul3A_558 : vector<16xf32>
        %get3A_560 = arith.index_cast %scan3A_58 : i32 to index
        %get3A_561 = arith.constant 1008 : index
        %get3A_562 = tpu.vector_load %arg6[%get3A_560, %get3A_561] {strides = array<i32>} : memref<16x1024xf32, #tpu.memory_space<vmem>>, vector<16xf32>,
        %get3A_563 = arith.index_cast %scan3A_58 : i32 to index
        %get3A_564 = arith.constant 1008 : index
        %get3A_565 = tpu.vector_load %arg8[%get3A_563, %get3A_564] {strides = array<i32>} : memref<16x1024xf32, #tpu.memory_space<vmem>>, vector<16xf32>,
        %mul3A_566 = arith.mulf %get3A_562, %get3A_565 : vector<16xf32>
        %add3A_567 = arith.addf %add3A_535, %mul3A_566 : vector<16xf32>
        %add3A_568 = arith.addf %add3A_543, %add3A_551 : vector<16xf32>
        %add3A_569 = arith.addf %add3A_559, %add3A_567 : vector<16xf32>
        %add3A_570 = arith.addf %add3A_568, %add3A_569 : vector<16xf32>
        %eq3A = vector.broadcast %scan3A_58 : i32 to vector<16xi32>
        %eq3A_571 = arith.cmpi eq, %iota3A, %eq3A : vector<16xi32>
        %reduce_sum3A = arith.constant true
        %reduce_sum3A_572 = vector.broadcast %reduce_sum3A : i1 to vector<16xi1>
        %reduce_sum3A_573 = tpu.scan <sum>, %add3A_570 masked %reduce_sum3A_572 : vector<16xf32>, vector<16xi1> -> vector<16xf32>
        %reduce_sum3A_574 = vector.extract %reduce_sum3A_573[15] : f32 from vector<16xf32>
        %broadcast_in_dim3A_575 = vector.broadcast %reduce_sum3A_574 : f32 to vector<16xf32>
        %select_n3A = arith.select %eq3A_571, %broadcast_in_dim3A_575, %scan3A_59 : vector<16xi1>, vector<16xf32>
        scf.yield %select_n3A : vector<16xf32>
      }
      %scan3A_28 = arith.constant 16 : i32
      %swap3A_29 = arith.constant 0 : index
      %swap3A_30 = tpu.vector_load %arg11[%swap3A_29] {strides = array<i32>} : memref<16xf32, #tpu.memory_space<vmem>>, vector<16xf32>,
      tpu.vector_store %arg11[%swap3A_29], %scan3A_27 {strides = array<i32>} : memref<16xf32, #tpu.memory_space<vmem>>, vector<16xf32>,
      %dma_wait3A_31 = arith.constant 0 : i32
      %dma_wait3A_32 = arith.constant 0 : i32
      %dma_wait3A_33 = tpu.memref_slice %arg4[%dma_wait3A_31, %dma_wait3A_32] : memref<16383x1024xf32, #tpu.memory_space<hbm>> -> memref<16383x1024xf32, #tpu.memory_space<hbm>>
      tpu.wait_indirect_dma semaphore(%arg13 : memref<!tpu.dma_semaphore, #tpu.memory_space<semaphore_mem>>) src(%dma_wait3A_33 : memref<16383x1024xf32, #tpu.memory_space<hbm>>) dst(%arg9 : memref<16x1024xf32, #tpu.memory_space<vmem>>)
      %scan3A_34 = arith.constant 0 : i32
      %scan3A_35 = arith.constant 0 : i32
      %scan3A_36 = arith.constant 16 : i32
      %scan3A_37 = arith.addi %scan3A_35, %scan3A_36 : i32
      %scan3A_38 = arith.constant 1 : i32
      scf.for %scan3A_58 = %scan3A_35 to %scan3A_37 step %scan3A_38  : i32 {
        %eq3A = vector.broadcast %scan3A_58 : i32 to vector<16xi32>
        %eq3A_59 = arith.cmpi eq, %iota3A, %eq3A : vector<16xi32>
        %get3A_60 = arith.constant 0 : index
        %get3A_61 = tpu.vector_load %arg11[%get3A_60] {strides = array<i32>} : memref<16xf32, #tpu.memory_space<vmem>>, vector<16xf32>,
        %jit3A = arith.constant 0.000000e+00 : f32
        %broadcast_in_dim3A_62 = vector.broadcast %jit3A : f32 to vector<16xf32>
        %select_n3A = arith.select %eq3A_59, %get3A_61, %broadcast_in_dim3A_62 : vector<16xi1>, vector<16xf32>
        %reduce_sum3A = arith.constant true
        %reduce_sum3A_63 = vector.broadcast %reduce_sum3A : i1 to vector<16xi1>
        %reduce_sum3A_64 = tpu.scan <sum>, %select_n3A masked %reduce_sum3A_63 : vector<16xf32>, vector<16xi1> -> vector<16xf32>
        %reduce_sum3A_65 = vector.extract %reduce_sum3A_64[15] : f32 from vector<16xf32>
        %get3A_66 = arith.index_cast %scan3A_58 : i32 to index
        %get3A_67 = arith.constant 0 : index
        %get3A_68 = tpu.vector_load %arg9[%get3A_66, %get3A_67] {strides = array<i32>} : memref<16x1024xf32, #tpu.memory_space<vmem>>, vector<16xf32>,
        %mul3A_69 = vector.broadcast %reduce_sum3A_65 : f32 to vector<16xf32>
        %mul3A_70 = arith.mulf %mul3A_69, %get3A_68 : vector<16xf32>
        %swap3A_71 = arith.index_cast %scan3A_58 : i32 to index
        %swap3A_72 = arith.constant 0 : index
        %swap3A_73 = tpu.vector_load %arg7[%swap3A_71, %swap3A_72] {strides = array<i32>} : memref<16x1024xf32, #tpu.memory_space<vmem>>, vector<16xf32>,
        tpu.vector_store %arg7[%swap3A_71, %swap3A_72], %mul3A_70 {strides = array<i32>} : memref<16x1024xf32, #tpu.memory_space<vmem>>, vector<16xf32>,
        %get3A_74 = arith.index_cast %scan3A_58 : i32 to index
        %get3A_75 = arith.constant 16 : index
        %get3A_76 = tpu.vector_load %arg9[%get3A_74, %get3A_75] {strides = array<i32>} : memref<16x1024xf32, #tpu.memory_space<vmem>>, vector<16xf32>,
        %mul3A_77 = vector.broadcast %reduce_sum3A_65 : f32 to vector<16xf32>
        %mul3A_78 = arith.mulf %mul3A_77, %get3A_76 : vector<16xf32>
        %swap3A_79 = arith.index_cast %scan3A_58 : i32 to index
        %swap3A_80 = arith.constant 16 : index
        %swap3A_81 = tpu.vector_load %arg7[%swap3A_79, %swap3A_80] {strides = array<i32>} : memref<16x1024xf32, #tpu.memory_space<vmem>>, vector<16xf32>,
        tpu.vector_store %arg7[%swap3A_79, %swap3A_80], %mul3A_78 {strides = array<i32>} : memref<16x1024xf32, #tpu.memory_space<vmem>>, vector<16xf32>,
        %get3A_82 = arith.index_cast %scan3A_58 : i32 to index
        %get3A_83 = arith.constant 32 : index
        %get3A_84 = tpu.vector_load %arg9[%get3A_82, %get3A_83] {strides = array<i32>} : memref<16x1024xf32, #tpu.memory_space<vmem>>, vector<16xf32>,
        %mul3A_85 = vector.broadcast %reduce_sum3A_65 : f32 to vector<16xf32>
        %mul3A_86 = arith.mulf %mul3A_85, %get3A_84 : vector<16xf32>
        %swap3A_87 = arith.index_cast %scan3A_58 : i32 to index
        %swap3A_88 = arith.constant 32 : index
        %swap3A_89 = tpu.vector_load %arg7[%swap3A_87, %swap3A_88] {strides = array<i32>} : memref<16x1024xf32, #tpu.memory_space<vmem>>, vector<16xf32>,
        tpu.vector_store %arg7[%swap3A_87, %swap3A_88], %mul3A_86 {strides = array<i32>} : memref<16x1024xf32, #tpu.memory_space<vmem>>, vector<16xf32>,
        %get3A_90 = arith.index_cast %scan3A_58 : i32 to index
        %get3A_91 = arith.constant 48 : index
        %get3A_92 = tpu.vector_load %arg9[%get3A_90, %get3A_91] {strides = array<i32>} : memref<16x1024xf32, #tpu.memory_space<vmem>>, vector<16xf32>,
        %mul3A_93 = vector.broadcast %reduce_sum3A_65 : f32 to vector<16xf32>
        %mul3A_94 = arith.mulf %mul3A_93, %get3A_92 : vector<16xf32>
        %swap3A_95 = arith.index_cast %scan3A_58 : i32 to index
        %swap3A_96 = arith.constant 48 : index
        %swap3A_97 = tpu.vector_load %arg7[%swap3A_95, %swap3A_96] {strides = array<i32>} : memref<16x1024xf32, #tpu.memory_space<vmem>>, vector<16xf32>,
        tpu.vector_store %arg7[%swap3A_95, %swap3A_96], %mul3A_94 {strides = array<i32>} : memref<16x1024xf32, #tpu.memory_space<vmem>>, vector<16xf32>,
        %get3A_98 = arith.index_cast %scan3A_58 : i32 to index
        %get3A_99 = arith.constant 64 : index
        %get3A_100 = tpu.vector_load %arg9[%get3A_98, %get3A_99] {strides = array<i32>} : memref<16x1024xf32, #tpu.memory_space<vmem>>, vector<16xf32>,
        %mul3A_101 = vector.broadcast %reduce_sum3A_65 : f32 to vector<16xf32>
        %mul3A_102 = arith.mulf %mul3A_101, %get3A_100 : vector<16xf32>
        %swap3A_103 = arith.index_cast %scan3A_58 : i32 to index
        %swap3A_104 = arith.constant 64 : index
        %swap3A_105 = tpu.vector_load %arg7[%swap3A_103, %swap3A_104] {strides = array<i32>} : memref<16x1024xf32, #tpu.memory_space<vmem>>, vector<16xf32>,
        tpu.vector_store %arg7[%swap3A_103, %swap3A_104], %mul3A_102 {strides = array<i32>} : memref<16x1024xf32, #tpu.memory_space<vmem>>, vector<16xf32>,
        %get3A_106 = arith.index_cast %scan3A_58 : i32 to index
        %get3A_107 = arith.constant 80 : index
        %get3A_108 = tpu.vector_load %arg9[%get3A_106, %get3A_107] {strides = array<i32>} : memref<16x1024xf32, #tpu.memory_space<vmem>>, vector<16xf32>,
        %mul3A_109 = vector.broadcast %reduce_sum3A_65 : f32 to vector<16xf32>
        %mul3A_110 = arith.mulf %mul3A_109, %get3A_108 : vector<16xf32>
        %swap3A_111 = arith.index_cast %scan3A_58 : i32 to index
        %swap3A_112 = arith.constant 80 : index
        %swap3A_113 = tpu.vector_load %arg7[%swap3A_111, %swap3A_112] {strides = array<i32>} : memref<16x1024xf32, #tpu.memory_space<vmem>>, vector<16xf32>,
        tpu.vector_store %arg7[%swap3A_111, %swap3A_112], %mul3A_110 {strides = array<i32>} : memref<16x1024xf32, #tpu.memory_space<vmem>>, vector<16xf32>,
        %get3A_114 = arith.index_cast %scan3A_58 : i32 to index
        %get3A_115 = arith.constant 96 : index
        %get3A_116 = tpu.vector_load %arg9[%get3A_114, %get3A_115] {strides = array<i32>} : memref<16x1024xf32, #tpu.memory_space<vmem>>, vector<16xf32>,
        %mul3A_117 = vector.broadcast %reduce_sum3A_65 : f32 to vector<16xf32>
        %mul3A_118 = arith.mulf %mul3A_117, %get3A_116 : vector<16xf32>
        %swap3A_119 = arith.index_cast %scan3A_58 : i32 to index
        %swap3A_120 = arith.constant 96 : index
        %swap3A_121 = tpu.vector_load %arg7[%swap3A_119, %swap3A_120] {strides = array<i32>} : memref<16x1024xf32, #tpu.memory_space<vmem>>, vector<16xf32>,
        tpu.vector_store %arg7[%swap3A_119, %swap3A_120], %mul3A_118 {strides = array<i32>} : memref<16x1024xf32, #tpu.memory_space<vmem>>, vector<16xf32>,
        %get3A_122 = arith.index_cast %scan3A_58 : i32 to index
        %get3A_123 = arith.constant 112 : index
        %get3A_124 = tpu.vector_load %arg9[%get3A_122, %get3A_123] {strides = array<i32>} : memref<16x1024xf32, #tpu.memory_space<vmem>>, vector<16xf32>,
        %mul3A_125 = vector.broadcast %reduce_sum3A_65 : f32 to vector<16xf32>
        %mul3A_126 = arith.mulf %mul3A_125, %get3A_124 : vector<16xf32>
        %swap3A_127 = arith.index_cast %scan3A_58 : i32 to index
        %swap3A_128 = arith.constant 112 : index
        %swap3A_129 = tpu.vector_load %arg7[%swap3A_127, %swap3A_128] {strides = array<i32>} : memref<16x1024xf32, #tpu.memory_space<vmem>>, vector<16xf32>,
        tpu.vector_store %arg7[%swap3A_127, %swap3A_128], %mul3A_126 {strides = array<i32>} : memref<16x1024xf32, #tpu.memory_space<vmem>>, vector<16xf32>,
        %get3A_130 = arith.index_cast %scan3A_58 : i32 to index
        %get3A_131 = arith.constant 128 : index
        %get3A_132 = tpu.vector_load %arg9[%get3A_130, %get3A_131] {strides = array<i32>} : memref<16x1024xf32, #tpu.memory_space<vmem>>, vector<16xf32>,
        %mul3A_133 = vector.broadcast %reduce_sum3A_65 : f32 to vector<16xf32>
        %mul3A_134 = arith.mulf %mul3A_133, %get3A_132 : vector<16xf32>
        %swap3A_135 = arith.index_cast %scan3A_58 : i32 to index
        %swap3A_136 = arith.constant 128 : index
        %swap3A_137 = tpu.vector_load %arg7[%swap3A_135, %swap3A_136] {strides = array<i32>} : memref<16x1024xf32, #tpu.memory_space<vmem>>, vector<16xf32>,
        tpu.vector_store %arg7[%swap3A_135, %swap3A_136], %mul3A_134 {strides = array<i32>} : memref<16x1024xf32, #tpu.memory_space<vmem>>, vector<16xf32>,
        %get3A_138 = arith.index_cast %scan3A_58 : i32 to index
        %get3A_139 = arith.constant 144 : index
        %get3A_140 = tpu.vector_load %arg9[%get3A_138, %get3A_139] {strides = array<i32>} : memref<16x1024xf32, #tpu.memory_space<vmem>>, vector<16xf32>,
        %mul3A_141 = vector.broadcast %reduce_sum3A_65 : f32 to vector<16xf32>
        %mul3A_142 = arith.mulf %mul3A_141, %get3A_140 : vector<16xf32>
        %swap3A_143 = arith.index_cast %scan3A_58 : i32 to index
        %swap3A_144 = arith.constant 144 : index
        %swap3A_145 = tpu.vector_load %arg7[%swap3A_143, %swap3A_144] {strides = array<i32>} : memref<16x1024xf32, #tpu.memory_space<vmem>>, vector<16xf32>,
        tpu.vector_store %arg7[%swap3A_143, %swap3A_144], %mul3A_142 {strides = array<i32>} : memref<16x1024xf32, #tpu.memory_space<vmem>>, vector<16xf32>,
        %get3A_146 = arith.index_cast %scan3A_58 : i32 to index
        %get3A_147 = arith.constant 160 : index
        %get3A_148 = tpu.vector_load %arg9[%get3A_146, %get3A_147] {strides = array<i32>} : memref<16x1024xf32, #tpu.memory_space<vmem>>, vector<16xf32>,
        %mul3A_149 = vector.broadcast %reduce_sum3A_65 : f32 to vector<16xf32>
        %mul3A_150 = arith.mulf %mul3A_149, %get3A_148 : vector<16xf32>
        %swap3A_151 = arith.index_cast %scan3A_58 : i32 to index
        %swap3A_152 = arith.constant 160 : index
        %swap3A_153 = tpu.vector_load %arg7[%swap3A_151, %swap3A_152] {strides = array<i32>} : memref<16x1024xf32, #tpu.memory_space<vmem>>, vector<16xf32>,
        tpu.vector_store %arg7[%swap3A_151, %swap3A_152], %mul3A_150 {strides = array<i32>} : memref<16x1024xf32, #tpu.memory_space<vmem>>, vector<16xf32>,
        %get3A_154 = arith.index_cast %scan3A_58 : i32 to index
        %get3A_155 = arith.constant 176 : index
        %get3A_156 = tpu.vector_load %arg9[%get3A_154, %get3A_155] {strides = array<i32>} : memref<16x1024xf32, #tpu.memory_space<vmem>>, vector<16xf32>,
        %mul3A_157 = vector.broadcast %reduce_sum3A_65 : f32 to vector<16xf32>
        %mul3A_158 = arith.mulf %mul3A_157, %get3A_156 : vector<16xf32>
        %swap3A_159 = arith.index_cast %scan3A_58 : i32 to index
        %swap3A_160 = arith.constant 176 : index
        %swap3A_161 = tpu.vector_load %arg7[%swap3A_159, %swap3A_160] {strides = array<i32>} : memref<16x1024xf32, #tpu.memory_space<vmem>>, vector<16xf32>,
        tpu.vector_store %arg7[%swap3A_159, %swap3A_160], %mul3A_158 {strides = array<i32>} : memref<16x1024xf32, #tpu.memory_space<vmem>>, vector<16xf32>,
        %get3A_162 = arith.index_cast %scan3A_58 : i32 to index
        %get3A_163 = arith.constant 192 : index
        %get3A_164 = tpu.vector_load %arg9[%get3A_162, %get3A_163] {strides = array<i32>} : memref<16x1024xf32, #tpu.memory_space<vmem>>, vector<16xf32>,
        %mul3A_165 = vector.broadcast %reduce_sum3A_65 : f32 to vector<16xf32>
        %mul3A_166 = arith.mulf %mul3A_165, %get3A_164 : vector<16xf32>
        %swap3A_167 = arith.index_cast %scan3A_58 : i32 to index
        %swap3A_168 = arith.constant 192 : index
        %swap3A_169 = tpu.vector_load %arg7[%swap3A_167, %swap3A_168] {strides = array<i32>} : memref<16x1024xf32, #tpu.memory_space<vmem>>, vector<16xf32>,
        tpu.vector_store %arg7[%swap3A_167, %swap3A_168], %mul3A_166 {strides = array<i32>} : memref<16x1024xf32, #tpu.memory_space<vmem>>, vector<16xf32>,
        %get3A_170 = arith.index_cast %scan3A_58 : i32 to index
        %get3A_171 = arith.constant 208 : index
        %get3A_172 = tpu.vector_load %arg9[%get3A_170, %get3A_171] {strides = array<i32>} : memref<16x1024xf32, #tpu.memory_space<vmem>>, vector<16xf32>,
        %mul3A_173 = vector.broadcast %reduce_sum3A_65 : f32 to vector<16xf32>
        %mul3A_174 = arith.mulf %mul3A_173, %get3A_172 : vector<16xf32>
        %swap3A_175 = arith.index_cast %scan3A_58 : i32 to index
        %swap3A_176 = arith.constant 208 : index
        %swap3A_177 = tpu.vector_load %arg7[%swap3A_175, %swap3A_176] {strides = array<i32>} : memref<16x1024xf32, #tpu.memory_space<vmem>>, vector<16xf32>,
        tpu.vector_store %arg7[%swap3A_175, %swap3A_176], %mul3A_174 {strides = array<i32>} : memref<16x1024xf32, #tpu.memory_space<vmem>>, vector<16xf32>,
        %get3A_178 = arith.index_cast %scan3A_58 : i32 to index
        %get3A_179 = arith.constant 224 : index
        %get3A_180 = tpu.vector_load %arg9[%get3A_178, %get3A_179] {strides = array<i32>} : memref<16x1024xf32, #tpu.memory_space<vmem>>, vector<16xf32>,
        %mul3A_181 = vector.broadcast %reduce_sum3A_65 : f32 to vector<16xf32>
        %mul3A_182 = arith.mulf %mul3A_181, %get3A_180 : vector<16xf32>
        %swap3A_183 = arith.index_cast %scan3A_58 : i32 to index
        %swap3A_184 = arith.constant 224 : index
        %swap3A_185 = tpu.vector_load %arg7[%swap3A_183, %swap3A_184] {strides = array<i32>} : memref<16x1024xf32, #tpu.memory_space<vmem>>, vector<16xf32>,
        tpu.vector_store %arg7[%swap3A_183, %swap3A_184], %mul3A_182 {strides = array<i32>} : memref<16x1024xf32, #tpu.memory_space<vmem>>, vector<16xf32>,
        %get3A_186 = arith.index_cast %scan3A_58 : i32 to index
        %get3A_187 = arith.constant 240 : index
        %get3A_188 = tpu.vector_load %arg9[%get3A_186, %get3A_187] {strides = array<i32>} : memref<16x1024xf32, #tpu.memory_space<vmem>>, vector<16xf32>,
        %mul3A_189 = vector.broadcast %reduce_sum3A_65 : f32 to vector<16xf32>
        %mul3A_190 = arith.mulf %mul3A_189, %get3A_188 : vector<16xf32>
        %swap3A_191 = arith.index_cast %scan3A_58 : i32 to index
        %swap3A_192 = arith.constant 240 : index
        %swap3A_193 = tpu.vector_load %arg7[%swap3A_191, %swap3A_192] {strides = array<i32>} : memref<16x1024xf32, #tpu.memory_space<vmem>>, vector<16xf32>,
        tpu.vector_store %arg7[%swap3A_191, %swap3A_192], %mul3A_190 {strides = array<i32>} : memref<16x1024xf32, #tpu.memory_space<vmem>>, vector<16xf32>,
        %get3A_194 = arith.index_cast %scan3A_58 : i32 to index
        %get3A_195 = arith.constant 256 : index
        %get3A_196 = tpu.vector_load %arg9[%get3A_194, %get3A_195] {strides = array<i32>} : memref<16x1024xf32, #tpu.memory_space<vmem>>, vector<16xf32>,
        %mul3A_197 = vector.broadcast %reduce_sum3A_65 : f32 to vector<16xf32>
        %mul3A_198 = arith.mulf %mul3A_197, %get3A_196 : vector<16xf32>
        %swap3A_199 = arith.index_cast %scan3A_58 : i32 to index
        %swap3A_200 = arith.constant 256 : index
        %swap3A_201 = tpu.vector_load %arg7[%swap3A_199, %swap3A_200] {strides = array<i32>} : memref<16x1024xf32, #tpu.memory_space<vmem>>, vector<16xf32>,
        tpu.vector_store %arg7[%swap3A_199, %swap3A_200], %mul3A_198 {strides = array<i32>} : memref<16x1024xf32, #tpu.memory_space<vmem>>, vector<16xf32>,
        %get3A_202 = arith.index_cast %scan3A_58 : i32 to index
        %get3A_203 = arith.constant 272 : index
        %get3A_204 = tpu.vector_load %arg9[%get3A_202, %get3A_203] {strides = array<i32>} : memref<16x1024xf32, #tpu.memory_space<vmem>>, vector<16xf32>,
        %mul3A_205 = vector.broadcast %reduce_sum3A_65 : f32 to vector<16xf32>
        %mul3A_206 = arith.mulf %mul3A_205, %get3A_204 : vector<16xf32>
        %swap3A_207 = arith.index_cast %scan3A_58 : i32 to index
        %swap3A_208 = arith.constant 272 : index
        %swap3A_209 = tpu.vector_load %arg7[%swap3A_207, %swap3A_208] {strides = array<i32>} : memref<16x1024xf32, #tpu.memory_space<vmem>>, vector<16xf32>,
        tpu.vector_store %arg7[%swap3A_207, %swap3A_208], %mul3A_206 {strides = array<i32>} : memref<16x1024xf32, #tpu.memory_space<vmem>>, vector<16xf32>,
        %get3A_210 = arith.index_cast %scan3A_58 : i32 to index
        %get3A_211 = arith.constant 288 : index
        %get3A_212 = tpu.vector_load %arg9[%get3A_210, %get3A_211] {strides = array<i32>} : memref<16x1024xf32, #tpu.memory_space<vmem>>, vector<16xf32>,
        %mul3A_213 = vector.broadcast %reduce_sum3A_65 : f32 to vector<16xf32>
        %mul3A_214 = arith.mulf %mul3A_213, %get3A_212 : vector<16xf32>
        %swap3A_215 = arith.index_cast %scan3A_58 : i32 to index
        %swap3A_216 = arith.constant 288 : index
        %swap3A_217 = tpu.vector_load %arg7[%swap3A_215, %swap3A_216] {strides = array<i32>} : memref<16x1024xf32, #tpu.memory_space<vmem>>, vector<16xf32>,
        tpu.vector_store %arg7[%swap3A_215, %swap3A_216], %mul3A_214 {strides = array<i32>} : memref<16x1024xf32, #tpu.memory_space<vmem>>, vector<16xf32>,
        %get3A_218 = arith.index_cast %scan3A_58 : i32 to index
        %get3A_219 = arith.constant 304 : index
        %get3A_220 = tpu.vector_load %arg9[%get3A_218, %get3A_219] {strides = array<i32>} : memref<16x1024xf32, #tpu.memory_space<vmem>>, vector<16xf32>,
        %mul3A_221 = vector.broadcast %reduce_sum3A_65 : f32 to vector<16xf32>
        %mul3A_222 = arith.mulf %mul3A_221, %get3A_220 : vector<16xf32>
        %swap3A_223 = arith.index_cast %scan3A_58 : i32 to index
        %swap3A_224 = arith.constant 304 : index
        %swap3A_225 = tpu.vector_load %arg7[%swap3A_223, %swap3A_224] {strides = array<i32>} : memref<16x1024xf32, #tpu.memory_space<vmem>>, vector<16xf32>,
        tpu.vector_store %arg7[%swap3A_223, %swap3A_224], %mul3A_222 {strides = array<i32>} : memref<16x1024xf32, #tpu.memory_space<vmem>>, vector<16xf32>,
        %get3A_226 = arith.index_cast %scan3A_58 : i32 to index
        %get3A_227 = arith.constant 320 : index
        %get3A_228 = tpu.vector_load %arg9[%get3A_226, %get3A_227] {strides = array<i32>} : memref<16x1024xf32, #tpu.memory_space<vmem>>, vector<16xf32>,
        %mul3A_229 = vector.broadcast %reduce_sum3A_65 : f32 to vector<16xf32>
        %mul3A_230 = arith.mulf %mul3A_229, %get3A_228 : vector<16xf32>
        %swap3A_231 = arith.index_cast %scan3A_58 : i32 to index
        %swap3A_232 = arith.constant 320 : index
        %swap3A_233 = tpu.vector_load %arg7[%swap3A_231, %swap3A_232] {strides = array<i32>} : memref<16x1024xf32, #tpu.memory_space<vmem>>, vector<16xf32>,
        tpu.vector_store %arg7[%swap3A_231, %swap3A_232], %mul3A_230 {strides = array<i32>} : memref<16x1024xf32, #tpu.memory_space<vmem>>, vector<16xf32>,
        %get3A_234 = arith.index_cast %scan3A_58 : i32 to index
        %get3A_235 = arith.constant 336 : index
        %get3A_236 = tpu.vector_load %arg9[%get3A_234, %get3A_235] {strides = array<i32>} : memref<16x1024xf32, #tpu.memory_space<vmem>>, vector<16xf32>,
        %mul3A_237 = vector.broadcast %reduce_sum3A_65 : f32 to vector<16xf32>
        %mul3A_238 = arith.mulf %mul3A_237, %get3A_236 : vector<16xf32>
        %swap3A_239 = arith.index_cast %scan3A_58 : i32 to index
        %swap3A_240 = arith.constant 336 : index
        %swap3A_241 = tpu.vector_load %arg7[%swap3A_239, %swap3A_240] {strides = array<i32>} : memref<16x1024xf32, #tpu.memory_space<vmem>>, vector<16xf32>,
        tpu.vector_store %arg7[%swap3A_239, %swap3A_240], %mul3A_238 {strides = array<i32>} : memref<16x1024xf32, #tpu.memory_space<vmem>>, vector<16xf32>,
        %get3A_242 = arith.index_cast %scan3A_58 : i32 to index
        %get3A_243 = arith.constant 352 : index
        %get3A_244 = tpu.vector_load %arg9[%get3A_242, %get3A_243] {strides = array<i32>} : memref<16x1024xf32, #tpu.memory_space<vmem>>, vector<16xf32>,
        %mul3A_245 = vector.broadcast %reduce_sum3A_65 : f32 to vector<16xf32>
        %mul3A_246 = arith.mulf %mul3A_245, %get3A_244 : vector<16xf32>
        %swap3A_247 = arith.index_cast %scan3A_58 : i32 to index
        %swap3A_248 = arith.constant 352 : index
        %swap3A_249 = tpu.vector_load %arg7[%swap3A_247, %swap3A_248] {strides = array<i32>} : memref<16x1024xf32, #tpu.memory_space<vmem>>, vector<16xf32>,
        tpu.vector_store %arg7[%swap3A_247, %swap3A_248], %mul3A_246 {strides = array<i32>} : memref<16x1024xf32, #tpu.memory_space<vmem>>, vector<16xf32>,
        %get3A_250 = arith.index_cast %scan3A_58 : i32 to index
        %get3A_251 = arith.constant 368 : index
        %get3A_252 = tpu.vector_load %arg9[%get3A_250, %get3A_251] {strides = array<i32>} : memref<16x1024xf32, #tpu.memory_space<vmem>>, vector<16xf32>,
        %mul3A_253 = vector.broadcast %reduce_sum3A_65 : f32 to vector<16xf32>
        %mul3A_254 = arith.mulf %mul3A_253, %get3A_252 : vector<16xf32>
        %swap3A_255 = arith.index_cast %scan3A_58 : i32 to index
        %swap3A_256 = arith.constant 368 : index
        %swap3A_257 = tpu.vector_load %arg7[%swap3A_255, %swap3A_256] {strides = array<i32>} : memref<16x1024xf32, #tpu.memory_space<vmem>>, vector<16xf32>,
        tpu.vector_store %arg7[%swap3A_255, %swap3A_256], %mul3A_254 {strides = array<i32>} : memref<16x1024xf32, #tpu.memory_space<vmem>>, vector<16xf32>,
        %get3A_258 = arith.index_cast %scan3A_58 : i32 to index
        %get3A_259 = arith.constant 384 : index
        %get3A_260 = tpu.vector_load %arg9[%get3A_258, %get3A_259] {strides = array<i32>} : memref<16x1024xf32, #tpu.memory_space<vmem>>, vector<16xf32>,
        %mul3A_261 = vector.broadcast %reduce_sum3A_65 : f32 to vector<16xf32>
        %mul3A_262 = arith.mulf %mul3A_261, %get3A_260 : vector<16xf32>
        %swap3A_263 = arith.index_cast %scan3A_58 : i32 to index
        %swap3A_264 = arith.constant 384 : index
        %swap3A_265 = tpu.vector_load %arg7[%swap3A_263, %swap3A_264] {strides = array<i32>} : memref<16x1024xf32, #tpu.memory_space<vmem>>, vector<16xf32>,
        tpu.vector_store %arg7[%swap3A_263, %swap3A_264], %mul3A_262 {strides = array<i32>} : memref<16x1024xf32, #tpu.memory_space<vmem>>, vector<16xf32>,
        %get3A_266 = arith.index_cast %scan3A_58 : i32 to index
        %get3A_267 = arith.constant 400 : index
        %get3A_268 = tpu.vector_load %arg9[%get3A_266, %get3A_267] {strides = array<i32>} : memref<16x1024xf32, #tpu.memory_space<vmem>>, vector<16xf32>,
        %mul3A_269 = vector.broadcast %reduce_sum3A_65 : f32 to vector<16xf32>
        %mul3A_270 = arith.mulf %mul3A_269, %get3A_268 : vector<16xf32>
        %swap3A_271 = arith.index_cast %scan3A_58 : i32 to index
        %swap3A_272 = arith.constant 400 : index
        %swap3A_273 = tpu.vector_load %arg7[%swap3A_271, %swap3A_272] {strides = array<i32>} : memref<16x1024xf32, #tpu.memory_space<vmem>>, vector<16xf32>,
        tpu.vector_store %arg7[%swap3A_271, %swap3A_272], %mul3A_270 {strides = array<i32>} : memref<16x1024xf32, #tpu.memory_space<vmem>>, vector<16xf32>,
        %get3A_274 = arith.index_cast %scan3A_58 : i32 to index
        %get3A_275 = arith.constant 416 : index
        %get3A_276 = tpu.vector_load %arg9[%get3A_274, %get3A_275] {strides = array<i32>} : memref<16x1024xf32, #tpu.memory_space<vmem>>, vector<16xf32>,
        %mul3A_277 = vector.broadcast %reduce_sum3A_65 : f32 to vector<16xf32>
        %mul3A_278 = arith.mulf %mul3A_277, %get3A_276 : vector<16xf32>
        %swap3A_279 = arith.index_cast %scan3A_58 : i32 to index
        %swap3A_280 = arith.constant 416 : index
        %swap3A_281 = tpu.vector_load %arg7[%swap3A_279, %swap3A_280] {strides = array<i32>} : memref<16x1024xf32, #tpu.memory_space<vmem>>, vector<16xf32>,
        tpu.vector_store %arg7[%swap3A_279, %swap3A_280], %mul3A_278 {strides = array<i32>} : memref<16x1024xf32, #tpu.memory_space<vmem>>, vector<16xf32>,
        %get3A_282 = arith.index_cast %scan3A_58 : i32 to index
        %get3A_283 = arith.constant 432 : index
        %get3A_284 = tpu.vector_load %arg9[%get3A_282, %get3A_283] {strides = array<i32>} : memref<16x1024xf32, #tpu.memory_space<vmem>>, vector<16xf32>,
        %mul3A_285 = vector.broadcast %reduce_sum3A_65 : f32 to vector<16xf32>
        %mul3A_286 = arith.mulf %mul3A_285, %get3A_284 : vector<16xf32>
        %swap3A_287 = arith.index_cast %scan3A_58 : i32 to index
        %swap3A_288 = arith.constant 432 : index
        %swap3A_289 = tpu.vector_load %arg7[%swap3A_287, %swap3A_288] {strides = array<i32>} : memref<16x1024xf32, #tpu.memory_space<vmem>>, vector<16xf32>,
        tpu.vector_store %arg7[%swap3A_287, %swap3A_288], %mul3A_286 {strides = array<i32>} : memref<16x1024xf32, #tpu.memory_space<vmem>>, vector<16xf32>,
        %get3A_290 = arith.index_cast %scan3A_58 : i32 to index
        %get3A_291 = arith.constant 448 : index
        %get3A_292 = tpu.vector_load %arg9[%get3A_290, %get3A_291] {strides = array<i32>} : memref<16x1024xf32, #tpu.memory_space<vmem>>, vector<16xf32>,
        %mul3A_293 = vector.broadcast %reduce_sum3A_65 : f32 to vector<16xf32>
        %mul3A_294 = arith.mulf %mul3A_293, %get3A_292 : vector<16xf32>
        %swap3A_295 = arith.index_cast %scan3A_58 : i32 to index
        %swap3A_296 = arith.constant 448 : index
        %swap3A_297 = tpu.vector_load %arg7[%swap3A_295, %swap3A_296] {strides = array<i32>} : memref<16x1024xf32, #tpu.memory_space<vmem>>, vector<16xf32>,
        tpu.vector_store %arg7[%swap3A_295, %swap3A_296], %mul3A_294 {strides = array<i32>} : memref<16x1024xf32, #tpu.memory_space<vmem>>, vector<16xf32>,
        %get3A_298 = arith.index_cast %scan3A_58 : i32 to index
        %get3A_299 = arith.constant 464 : index
        %get3A_300 = tpu.vector_load %arg9[%get3A_298, %get3A_299] {strides = array<i32>} : memref<16x1024xf32, #tpu.memory_space<vmem>>, vector<16xf32>,
        %mul3A_301 = vector.broadcast %reduce_sum3A_65 : f32 to vector<16xf32>
        %mul3A_302 = arith.mulf %mul3A_301, %get3A_300 : vector<16xf32>
        %swap3A_303 = arith.index_cast %scan3A_58 : i32 to index
        %swap3A_304 = arith.constant 464 : index
        %swap3A_305 = tpu.vector_load %arg7[%swap3A_303, %swap3A_304] {strides = array<i32>} : memref<16x1024xf32, #tpu.memory_space<vmem>>, vector<16xf32>,
        tpu.vector_store %arg7[%swap3A_303, %swap3A_304], %mul3A_302 {strides = array<i32>} : memref<16x1024xf32, #tpu.memory_space<vmem>>, vector<16xf32>,
        %get3A_306 = arith.index_cast %scan3A_58 : i32 to index
        %get3A_307 = arith.constant 480 : index
        %get3A_308 = tpu.vector_load %arg9[%get3A_306, %get3A_307] {strides = array<i32>} : memref<16x1024xf32, #tpu.memory_space<vmem>>, vector<16xf32>,
        %mul3A_309 = vector.broadcast %reduce_sum3A_65 : f32 to vector<16xf32>
        %mul3A_310 = arith.mulf %mul3A_309, %get3A_308 : vector<16xf32>
        %swap3A_311 = arith.index_cast %scan3A_58 : i32 to index
        %swap3A_312 = arith.constant 480 : index
        %swap3A_313 = tpu.vector_load %arg7[%swap3A_311, %swap3A_312] {strides = array<i32>} : memref<16x1024xf32, #tpu.memory_space<vmem>>, vector<16xf32>,
        tpu.vector_store %arg7[%swap3A_311, %swap3A_312], %mul3A_310 {strides = array<i32>} : memref<16x1024xf32, #tpu.memory_space<vmem>>, vector<16xf32>,
        %get3A_314 = arith.index_cast %scan3A_58 : i32 to index
        %get3A_315 = arith.constant 496 : index
        %get3A_316 = tpu.vector_load %arg9[%get3A_314, %get3A_315] {strides = array<i32>} : memref<16x1024xf32, #tpu.memory_space<vmem>>, vector<16xf32>,
        %mul3A_317 = vector.broadcast %reduce_sum3A_65 : f32 to vector<16xf32>
        %mul3A_318 = arith.mulf %mul3A_317, %get3A_316 : vector<16xf32>
        %swap3A_319 = arith.index_cast %scan3A_58 : i32 to index
        %swap3A_320 = arith.constant 496 : index
        %swap3A_321 = tpu.vector_load %arg7[%swap3A_319, %swap3A_320] {strides = array<i32>} : memref<16x1024xf32, #tpu.memory_space<vmem>>, vector<16xf32>,
        tpu.vector_store %arg7[%swap3A_319, %swap3A_320], %mul3A_318 {strides = array<i32>} : memref<16x1024xf32, #tpu.memory_space<vmem>>, vector<16xf32>,
        %get3A_322 = arith.index_cast %scan3A_58 : i32 to index
        %get3A_323 = arith.constant 512 : index
        %get3A_324 = tpu.vector_load %arg9[%get3A_322, %get3A_323] {strides = array<i32>} : memref<16x1024xf32, #tpu.memory_space<vmem>>, vector<16xf32>,
        %mul3A_325 = vector.broadcast %reduce_sum3A_65 : f32 to vector<16xf32>
        %mul3A_326 = arith.mulf %mul3A_325, %get3A_324 : vector<16xf32>
        %swap3A_327 = arith.index_cast %scan3A_58 : i32 to index
        %swap3A_328 = arith.constant 512 : index
        %swap3A_329 = tpu.vector_load %arg7[%swap3A_327, %swap3A_328] {strides = array<i32>} : memref<16x1024xf32, #tpu.memory_space<vmem>>, vector<16xf32>,
        tpu.vector_store %arg7[%swap3A_327, %swap3A_328], %mul3A_326 {strides = array<i32>} : memref<16x1024xf32, #tpu.memory_space<vmem>>, vector<16xf32>,
        %get3A_330 = arith.index_cast %scan3A_58 : i32 to index
        %get3A_331 = arith.constant 528 : index
        %get3A_332 = tpu.vector_load %arg9[%get3A_330, %get3A_331] {strides = array<i32>} : memref<16x1024xf32, #tpu.memory_space<vmem>>, vector<16xf32>,
        %mul3A_333 = vector.broadcast %reduce_sum3A_65 : f32 to vector<16xf32>
        %mul3A_334 = arith.mulf %mul3A_333, %get3A_332 : vector<16xf32>
        %swap3A_335 = arith.index_cast %scan3A_58 : i32 to index
        %swap3A_336 = arith.constant 528 : index
        %swap3A_337 = tpu.vector_load %arg7[%swap3A_335, %swap3A_336] {strides = array<i32>} : memref<16x1024xf32, #tpu.memory_space<vmem>>, vector<16xf32>,
        tpu.vector_store %arg7[%swap3A_335, %swap3A_336], %mul3A_334 {strides = array<i32>} : memref<16x1024xf32, #tpu.memory_space<vmem>>, vector<16xf32>,
        %get3A_338 = arith.index_cast %scan3A_58 : i32 to index
        %get3A_339 = arith.constant 544 : index
        %get3A_340 = tpu.vector_load %arg9[%get3A_338, %get3A_339] {strides = array<i32>} : memref<16x1024xf32, #tpu.memory_space<vmem>>, vector<16xf32>,
        %mul3A_341 = vector.broadcast %reduce_sum3A_65 : f32 to vector<16xf32>
        %mul3A_342 = arith.mulf %mul3A_341, %get3A_340 : vector<16xf32>
        %swap3A_343 = arith.index_cast %scan3A_58 : i32 to index
        %swap3A_344 = arith.constant 544 : index
        %swap3A_345 = tpu.vector_load %arg7[%swap3A_343, %swap3A_344] {strides = array<i32>} : memref<16x1024xf32, #tpu.memory_space<vmem>>, vector<16xf32>,
        tpu.vector_store %arg7[%swap3A_343, %swap3A_344], %mul3A_342 {strides = array<i32>} : memref<16x1024xf32, #tpu.memory_space<vmem>>, vector<16xf32>,
        %get3A_346 = arith.index_cast %scan3A_58 : i32 to index
        %get3A_347 = arith.constant 560 : index
        %get3A_348 = tpu.vector_load %arg9[%get3A_346, %get3A_347] {strides = array<i32>} : memref<16x1024xf32, #tpu.memory_space<vmem>>, vector<16xf32>,
        %mul3A_349 = vector.broadcast %reduce_sum3A_65 : f32 to vector<16xf32>
        %mul3A_350 = arith.mulf %mul3A_349, %get3A_348 : vector<16xf32>
        %swap3A_351 = arith.index_cast %scan3A_58 : i32 to index
        %swap3A_352 = arith.constant 560 : index
        %swap3A_353 = tpu.vector_load %arg7[%swap3A_351, %swap3A_352] {strides = array<i32>} : memref<16x1024xf32, #tpu.memory_space<vmem>>, vector<16xf32>,
        tpu.vector_store %arg7[%swap3A_351, %swap3A_352], %mul3A_350 {strides = array<i32>} : memref<16x1024xf32, #tpu.memory_space<vmem>>, vector<16xf32>,
        %get3A_354 = arith.index_cast %scan3A_58 : i32 to index
        %get3A_355 = arith.constant 576 : index
        %get3A_356 = tpu.vector_load %arg9[%get3A_354, %get3A_355] {strides = array<i32>} : memref<16x1024xf32, #tpu.memory_space<vmem>>, vector<16xf32>,
        %mul3A_357 = vector.broadcast %reduce_sum3A_65 : f32 to vector<16xf32>
        %mul3A_358 = arith.mulf %mul3A_357, %get3A_356 : vector<16xf32>
        %swap3A_359 = arith.index_cast %scan3A_58 : i32 to index
        %swap3A_360 = arith.constant 576 : index
        %swap3A_361 = tpu.vector_load %arg7[%swap3A_359, %swap3A_360] {strides = array<i32>} : memref<16x1024xf32, #tpu.memory_space<vmem>>, vector<16xf32>,
        tpu.vector_store %arg7[%swap3A_359, %swap3A_360], %mul3A_358 {strides = array<i32>} : memref<16x1024xf32, #tpu.memory_space<vmem>>, vector<16xf32>,
        %get3A_362 = arith.index_cast %scan3A_58 : i32 to index
        %get3A_363 = arith.constant 592 : index
        %get3A_364 = tpu.vector_load %arg9[%get3A_362, %get3A_363] {strides = array<i32>} : memref<16x1024xf32, #tpu.memory_space<vmem>>, vector<16xf32>,
        %mul3A_365 = vector.broadcast %reduce_sum3A_65 : f32 to vector<16xf32>
        %mul3A_366 = arith.mulf %mul3A_365, %get3A_364 : vector<16xf32>
        %swap3A_367 = arith.index_cast %scan3A_58 : i32 to index
        %swap3A_368 = arith.constant 592 : index
        %swap3A_369 = tpu.vector_load %arg7[%swap3A_367, %swap3A_368] {strides = array<i32>} : memref<16x1024xf32, #tpu.memory_space<vmem>>, vector<16xf32>,
        tpu.vector_store %arg7[%swap3A_367, %swap3A_368], %mul3A_366 {strides = array<i32>} : memref<16x1024xf32, #tpu.memory_space<vmem>>, vector<16xf32>,
        %get3A_370 = arith.index_cast %scan3A_58 : i32 to index
        %get3A_371 = arith.constant 608 : index
        %get3A_372 = tpu.vector_load %arg9[%get3A_370, %get3A_371] {strides = array<i32>} : memref<16x1024xf32, #tpu.memory_space<vmem>>, vector<16xf32>,
        %mul3A_373 = vector.broadcast %reduce_sum3A_65 : f32 to vector<16xf32>
        %mul3A_374 = arith.mulf %mul3A_373, %get3A_372 : vector<16xf32>
        %swap3A_375 = arith.index_cast %scan3A_58 : i32 to index
        %swap3A_376 = arith.constant 608 : index
        %swap3A_377 = tpu.vector_load %arg7[%swap3A_375, %swap3A_376] {strides = array<i32>} : memref<16x1024xf32, #tpu.memory_space<vmem>>, vector<16xf32>,
        tpu.vector_store %arg7[%swap3A_375, %swap3A_376], %mul3A_374 {strides = array<i32>} : memref<16x1024xf32, #tpu.memory_space<vmem>>, vector<16xf32>,
        %get3A_378 = arith.index_cast %scan3A_58 : i32 to index
        %get3A_379 = arith.constant 624 : index
        %get3A_380 = tpu.vector_load %arg9[%get3A_378, %get3A_379] {strides = array<i32>} : memref<16x1024xf32, #tpu.memory_space<vmem>>, vector<16xf32>,
        %mul3A_381 = vector.broadcast %reduce_sum3A_65 : f32 to vector<16xf32>
        %mul3A_382 = arith.mulf %mul3A_381, %get3A_380 : vector<16xf32>
        %swap3A_383 = arith.index_cast %scan3A_58 : i32 to index
        %swap3A_384 = arith.constant 624 : index
        %swap3A_385 = tpu.vector_load %arg7[%swap3A_383, %swap3A_384] {strides = array<i32>} : memref<16x1024xf32, #tpu.memory_space<vmem>>, vector<16xf32>,
        tpu.vector_store %arg7[%swap3A_383, %swap3A_384], %mul3A_382 {strides = array<i32>} : memref<16x1024xf32, #tpu.memory_space<vmem>>, vector<16xf32>,
        %get3A_386 = arith.index_cast %scan3A_58 : i32 to index
        %get3A_387 = arith.constant 640 : index
        %get3A_388 = tpu.vector_load %arg9[%get3A_386, %get3A_387] {strides = array<i32>} : memref<16x1024xf32, #tpu.memory_space<vmem>>, vector<16xf32>,
        %mul3A_389 = vector.broadcast %reduce_sum3A_65 : f32 to vector<16xf32>
        %mul3A_390 = arith.mulf %mul3A_389, %get3A_388 : vector<16xf32>
        %swap3A_391 = arith.index_cast %scan3A_58 : i32 to index
        %swap3A_392 = arith.constant 640 : index
        %swap3A_393 = tpu.vector_load %arg7[%swap3A_391, %swap3A_392] {strides = array<i32>} : memref<16x1024xf32, #tpu.memory_space<vmem>>, vector<16xf32>,
        tpu.vector_store %arg7[%swap3A_391, %swap3A_392], %mul3A_390 {strides = array<i32>} : memref<16x1024xf32, #tpu.memory_space<vmem>>, vector<16xf32>,
        %get3A_394 = arith.index_cast %scan3A_58 : i32 to index
        %get3A_395 = arith.constant 656 : index
        %get3A_396 = tpu.vector_load %arg9[%get3A_394, %get3A_395] {strides = array<i32>} : memref<16x1024xf32, #tpu.memory_space<vmem>>, vector<16xf32>,
        %mul3A_397 = vector.broadcast %reduce_sum3A_65 : f32 to vector<16xf32>
        %mul3A_398 = arith.mulf %mul3A_397, %get3A_396 : vector<16xf32>
        %swap3A_399 = arith.index_cast %scan3A_58 : i32 to index
        %swap3A_400 = arith.constant 656 : index
        %swap3A_401 = tpu.vector_load %arg7[%swap3A_399, %swap3A_400] {strides = array<i32>} : memref<16x1024xf32, #tpu.memory_space<vmem>>, vector<16xf32>,
        tpu.vector_store %arg7[%swap3A_399, %swap3A_400], %mul3A_398 {strides = array<i32>} : memref<16x1024xf32, #tpu.memory_space<vmem>>, vector<16xf32>,
        %get3A_402 = arith.index_cast %scan3A_58 : i32 to index
        %get3A_403 = arith.constant 672 : index
        %get3A_404 = tpu.vector_load %arg9[%get3A_402, %get3A_403] {strides = array<i32>} : memref<16x1024xf32, #tpu.memory_space<vmem>>, vector<16xf32>,
        %mul3A_405 = vector.broadcast %reduce_sum3A_65 : f32 to vector<16xf32>
        %mul3A_406 = arith.mulf %mul3A_405, %get3A_404 : vector<16xf32>
        %swap3A_407 = arith.index_cast %scan3A_58 : i32 to index
        %swap3A_408 = arith.constant 672 : index
        %swap3A_409 = tpu.vector_load %arg7[%swap3A_407, %swap3A_408] {strides = array<i32>} : memref<16x1024xf32, #tpu.memory_space<vmem>>, vector<16xf32>,
        tpu.vector_store %arg7[%swap3A_407, %swap3A_408], %mul3A_406 {strides = array<i32>} : memref<16x1024xf32, #tpu.memory_space<vmem>>, vector<16xf32>,
        %get3A_410 = arith.index_cast %scan3A_58 : i32 to index
        %get3A_411 = arith.constant 688 : index
        %get3A_412 = tpu.vector_load %arg9[%get3A_410, %get3A_411] {strides = array<i32>} : memref<16x1024xf32, #tpu.memory_space<vmem>>, vector<16xf32>,
        %mul3A_413 = vector.broadcast %reduce_sum3A_65 : f32 to vector<16xf32>
        %mul3A_414 = arith.mulf %mul3A_413, %get3A_412 : vector<16xf32>
        %swap3A_415 = arith.index_cast %scan3A_58 : i32 to index
        %swap3A_416 = arith.constant 688 : index
        %swap3A_417 = tpu.vector_load %arg7[%swap3A_415, %swap3A_416] {strides = array<i32>} : memref<16x1024xf32, #tpu.memory_space<vmem>>, vector<16xf32>,
        tpu.vector_store %arg7[%swap3A_415, %swap3A_416], %mul3A_414 {strides = array<i32>} : memref<16x1024xf32, #tpu.memory_space<vmem>>, vector<16xf32>,
        %get3A_418 = arith.index_cast %scan3A_58 : i32 to index
        %get3A_419 = arith.constant 704 : index
        %get3A_420 = tpu.vector_load %arg9[%get3A_418, %get3A_419] {strides = array<i32>} : memref<16x1024xf32, #tpu.memory_space<vmem>>, vector<16xf32>,
        %mul3A_421 = vector.broadcast %reduce_sum3A_65 : f32 to vector<16xf32>
        %mul3A_422 = arith.mulf %mul3A_421, %get3A_420 : vector<16xf32>
        %swap3A_423 = arith.index_cast %scan3A_58 : i32 to index
        %swap3A_424 = arith.constant 704 : index
        %swap3A_425 = tpu.vector_load %arg7[%swap3A_423, %swap3A_424] {strides = array<i32>} : memref<16x1024xf32, #tpu.memory_space<vmem>>, vector<16xf32>,
        tpu.vector_store %arg7[%swap3A_423, %swap3A_424], %mul3A_422 {strides = array<i32>} : memref<16x1024xf32, #tpu.memory_space<vmem>>, vector<16xf32>,
        %get3A_426 = arith.index_cast %scan3A_58 : i32 to index
        %get3A_427 = arith.constant 720 : index
        %get3A_428 = tpu.vector_load %arg9[%get3A_426, %get3A_427] {strides = array<i32>} : memref<16x1024xf32, #tpu.memory_space<vmem>>, vector<16xf32>,
        %mul3A_429 = vector.broadcast %reduce_sum3A_65 : f32 to vector<16xf32>
        %mul3A_430 = arith.mulf %mul3A_429, %get3A_428 : vector<16xf32>
        %swap3A_431 = arith.index_cast %scan3A_58 : i32 to index
        %swap3A_432 = arith.constant 720 : index
        %swap3A_433 = tpu.vector_load %arg7[%swap3A_431, %swap3A_432] {strides = array<i32>} : memref<16x1024xf32, #tpu.memory_space<vmem>>, vector<16xf32>,
        tpu.vector_store %arg7[%swap3A_431, %swap3A_432], %mul3A_430 {strides = array<i32>} : memref<16x1024xf32, #tpu.memory_space<vmem>>, vector<16xf32>,
        %get3A_434 = arith.index_cast %scan3A_58 : i32 to index
        %get3A_435 = arith.constant 736 : index
        %get3A_436 = tpu.vector_load %arg9[%get3A_434, %get3A_435] {strides = array<i32>} : memref<16x1024xf32, #tpu.memory_space<vmem>>, vector<16xf32>,
        %mul3A_437 = vector.broadcast %reduce_sum3A_65 : f32 to vector<16xf32>
        %mul3A_438 = arith.mulf %mul3A_437, %get3A_436 : vector<16xf32>
        %swap3A_439 = arith.index_cast %scan3A_58 : i32 to index
        %swap3A_440 = arith.constant 736 : index
        %swap3A_441 = tpu.vector_load %arg7[%swap3A_439, %swap3A_440] {strides = array<i32>} : memref<16x1024xf32, #tpu.memory_space<vmem>>, vector<16xf32>,
        tpu.vector_store %arg7[%swap3A_439, %swap3A_440], %mul3A_438 {strides = array<i32>} : memref<16x1024xf32, #tpu.memory_space<vmem>>, vector<16xf32>,
        %get3A_442 = arith.index_cast %scan3A_58 : i32 to index
        %get3A_443 = arith.constant 752 : index
        %get3A_444 = tpu.vector_load %arg9[%get3A_442, %get3A_443] {strides = array<i32>} : memref<16x1024xf32, #tpu.memory_space<vmem>>, vector<16xf32>,
        %mul3A_445 = vector.broadcast %reduce_sum3A_65 : f32 to vector<16xf32>
        %mul3A_446 = arith.mulf %mul3A_445, %get3A_444 : vector<16xf32>
        %swap3A_447 = arith.index_cast %scan3A_58 : i32 to index
        %swap3A_448 = arith.constant 752 : index
        %swap3A_449 = tpu.vector_load %arg7[%swap3A_447, %swap3A_448] {strides = array<i32>} : memref<16x1024xf32, #tpu.memory_space<vmem>>, vector<16xf32>,
        tpu.vector_store %arg7[%swap3A_447, %swap3A_448], %mul3A_446 {strides = array<i32>} : memref<16x1024xf32, #tpu.memory_space<vmem>>, vector<16xf32>,
        %get3A_450 = arith.index_cast %scan3A_58 : i32 to index
        %get3A_451 = arith.constant 768 : index
        %get3A_452 = tpu.vector_load %arg9[%get3A_450, %get3A_451] {strides = array<i32>} : memref<16x1024xf32, #tpu.memory_space<vmem>>, vector<16xf32>,
        %mul3A_453 = vector.broadcast %reduce_sum3A_65 : f32 to vector<16xf32>
        %mul3A_454 = arith.mulf %mul3A_453, %get3A_452 : vector<16xf32>
        %swap3A_455 = arith.index_cast %scan3A_58 : i32 to index
        %swap3A_456 = arith.constant 768 : index
        %swap3A_457 = tpu.vector_load %arg7[%swap3A_455, %swap3A_456] {strides = array<i32>} : memref<16x1024xf32, #tpu.memory_space<vmem>>, vector<16xf32>,
        tpu.vector_store %arg7[%swap3A_455, %swap3A_456], %mul3A_454 {strides = array<i32>} : memref<16x1024xf32, #tpu.memory_space<vmem>>, vector<16xf32>,
        %get3A_458 = arith.index_cast %scan3A_58 : i32 to index
        %get3A_459 = arith.constant 784 : index
        %get3A_460 = tpu.vector_load %arg9[%get3A_458, %get3A_459] {strides = array<i32>} : memref<16x1024xf32, #tpu.memory_space<vmem>>, vector<16xf32>,
        %mul3A_461 = vector.broadcast %reduce_sum3A_65 : f32 to vector<16xf32>
        %mul3A_462 = arith.mulf %mul3A_461, %get3A_460 : vector<16xf32>
        %swap3A_463 = arith.index_cast %scan3A_58 : i32 to index
        %swap3A_464 = arith.constant 784 : index
        %swap3A_465 = tpu.vector_load %arg7[%swap3A_463, %swap3A_464] {strides = array<i32>} : memref<16x1024xf32, #tpu.memory_space<vmem>>, vector<16xf32>,
        tpu.vector_store %arg7[%swap3A_463, %swap3A_464], %mul3A_462 {strides = array<i32>} : memref<16x1024xf32, #tpu.memory_space<vmem>>, vector<16xf32>,
        %get3A_466 = arith.index_cast %scan3A_58 : i32 to index
        %get3A_467 = arith.constant 800 : index
        %get3A_468 = tpu.vector_load %arg9[%get3A_466, %get3A_467] {strides = array<i32>} : memref<16x1024xf32, #tpu.memory_space<vmem>>, vector<16xf32>,
        %mul3A_469 = vector.broadcast %reduce_sum3A_65 : f32 to vector<16xf32>
        %mul3A_470 = arith.mulf %mul3A_469, %get3A_468 : vector<16xf32>
        %swap3A_471 = arith.index_cast %scan3A_58 : i32 to index
        %swap3A_472 = arith.constant 800 : index
        %swap3A_473 = tpu.vector_load %arg7[%swap3A_471, %swap3A_472] {strides = array<i32>} : memref<16x1024xf32, #tpu.memory_space<vmem>>, vector<16xf32>,
        tpu.vector_store %arg7[%swap3A_471, %swap3A_472], %mul3A_470 {strides = array<i32>} : memref<16x1024xf32, #tpu.memory_space<vmem>>, vector<16xf32>,
        %get3A_474 = arith.index_cast %scan3A_58 : i32 to index
        %get3A_475 = arith.constant 816 : index
        %get3A_476 = tpu.vector_load %arg9[%get3A_474, %get3A_475] {strides = array<i32>} : memref<16x1024xf32, #tpu.memory_space<vmem>>, vector<16xf32>,
        %mul3A_477 = vector.broadcast %reduce_sum3A_65 : f32 to vector<16xf32>
        %mul3A_478 = arith.mulf %mul3A_477, %get3A_476 : vector<16xf32>
        %swap3A_479 = arith.index_cast %scan3A_58 : i32 to index
        %swap3A_480 = arith.constant 816 : index
        %swap3A_481 = tpu.vector_load %arg7[%swap3A_479, %swap3A_480] {strides = array<i32>} : memref<16x1024xf32, #tpu.memory_space<vmem>>, vector<16xf32>,
        tpu.vector_store %arg7[%swap3A_479, %swap3A_480], %mul3A_478 {strides = array<i32>} : memref<16x1024xf32, #tpu.memory_space<vmem>>, vector<16xf32>,
        %get3A_482 = arith.index_cast %scan3A_58 : i32 to index
        %get3A_483 = arith.constant 832 : index
        %get3A_484 = tpu.vector_load %arg9[%get3A_482, %get3A_483] {strides = array<i32>} : memref<16x1024xf32, #tpu.memory_space<vmem>>, vector<16xf32>,
        %mul3A_485 = vector.broadcast %reduce_sum3A_65 : f32 to vector<16xf32>
        %mul3A_486 = arith.mulf %mul3A_485, %get3A_484 : vector<16xf32>
        %swap3A_487 = arith.index_cast %scan3A_58 : i32 to index
        %swap3A_488 = arith.constant 832 : index
        %swap3A_489 = tpu.vector_load %arg7[%swap3A_487, %swap3A_488] {strides = array<i32>} : memref<16x1024xf32, #tpu.memory_space<vmem>>, vector<16xf32>,
        tpu.vector_store %arg7[%swap3A_487, %swap3A_488], %mul3A_486 {strides = array<i32>} : memref<16x1024xf32, #tpu.memory_space<vmem>>, vector<16xf32>,
        %get3A_490 = arith.index_cast %scan3A_58 : i32 to index
        %get3A_491 = arith.constant 848 : index
        %get3A_492 = tpu.vector_load %arg9[%get3A_490, %get3A_491] {strides = array<i32>} : memref<16x1024xf32, #tpu.memory_space<vmem>>, vector<16xf32>,
        %mul3A_493 = vector.broadcast %reduce_sum3A_65 : f32 to vector<16xf32>
        %mul3A_494 = arith.mulf %mul3A_493, %get3A_492 : vector<16xf32>
        %swap3A_495 = arith.index_cast %scan3A_58 : i32 to index
        %swap3A_496 = arith.constant 848 : index
        %swap3A_497 = tpu.vector_load %arg7[%swap3A_495, %swap3A_496] {strides = array<i32>} : memref<16x1024xf32, #tpu.memory_space<vmem>>, vector<16xf32>,
        tpu.vector_store %arg7[%swap3A_495, %swap3A_496], %mul3A_494 {strides = array<i32>} : memref<16x1024xf32, #tpu.memory_space<vmem>>, vector<16xf32>,
        %get3A_498 = arith.index_cast %scan3A_58 : i32 to index
        %get3A_499 = arith.constant 864 : index
        %get3A_500 = tpu.vector_load %arg9[%get3A_498, %get3A_499] {strides = array<i32>} : memref<16x1024xf32, #tpu.memory_space<vmem>>, vector<16xf32>,
        %mul3A_501 = vector.broadcast %reduce_sum3A_65 : f32 to vector<16xf32>
        %mul3A_502 = arith.mulf %mul3A_501, %get3A_500 : vector<16xf32>
        %swap3A_503 = arith.index_cast %scan3A_58 : i32 to index
        %swap3A_504 = arith.constant 864 : index
        %swap3A_505 = tpu.vector_load %arg7[%swap3A_503, %swap3A_504] {strides = array<i32>} : memref<16x1024xf32, #tpu.memory_space<vmem>>, vector<16xf32>,
        tpu.vector_store %arg7[%swap3A_503, %swap3A_504], %mul3A_502 {strides = array<i32>} : memref<16x1024xf32, #tpu.memory_space<vmem>>, vector<16xf32>,
        %get3A_506 = arith.index_cast %scan3A_58 : i32 to index
        %get3A_507 = arith.constant 880 : index
        %get3A_508 = tpu.vector_load %arg9[%get3A_506, %get3A_507] {strides = array<i32>} : memref<16x1024xf32, #tpu.memory_space<vmem>>, vector<16xf32>,
        %mul3A_509 = vector.broadcast %reduce_sum3A_65 : f32 to vector<16xf32>
        %mul3A_510 = arith.mulf %mul3A_509, %get3A_508 : vector<16xf32>
        %swap3A_511 = arith.index_cast %scan3A_58 : i32 to index
        %swap3A_512 = arith.constant 880 : index
        %swap3A_513 = tpu.vector_load %arg7[%swap3A_511, %swap3A_512] {strides = array<i32>} : memref<16x1024xf32, #tpu.memory_space<vmem>>, vector<16xf32>,
        tpu.vector_store %arg7[%swap3A_511, %swap3A_512], %mul3A_510 {strides = array<i32>} : memref<16x1024xf32, #tpu.memory_space<vmem>>, vector<16xf32>,
        %get3A_514 = arith.index_cast %scan3A_58 : i32 to index
        %get3A_515 = arith.constant 896 : index
        %get3A_516 = tpu.vector_load %arg9[%get3A_514, %get3A_515] {strides = array<i32>} : memref<16x1024xf32, #tpu.memory_space<vmem>>, vector<16xf32>,
        %mul3A_517 = vector.broadcast %reduce_sum3A_65 : f32 to vector<16xf32>
        %mul3A_518 = arith.mulf %mul3A_517, %get3A_516 : vector<16xf32>
        %swap3A_519 = arith.index_cast %scan3A_58 : i32 to index
        %swap3A_520 = arith.constant 896 : index
        %swap3A_521 = tpu.vector_load %arg7[%swap3A_519, %swap3A_520] {strides = array<i32>} : memref<16x1024xf32, #tpu.memory_space<vmem>>, vector<16xf32>,
        tpu.vector_store %arg7[%swap3A_519, %swap3A_520], %mul3A_518 {strides = array<i32>} : memref<16x1024xf32, #tpu.memory_space<vmem>>, vector<16xf32>,
        %get3A_522 = arith.index_cast %scan3A_58 : i32 to index
        %get3A_523 = arith.constant 912 : index
        %get3A_524 = tpu.vector_load %arg9[%get3A_522, %get3A_523] {strides = array<i32>} : memref<16x1024xf32, #tpu.memory_space<vmem>>, vector<16xf32>,
        %mul3A_525 = vector.broadcast %reduce_sum3A_65 : f32 to vector<16xf32>
        %mul3A_526 = arith.mulf %mul3A_525, %get3A_524 : vector<16xf32>
        %swap3A_527 = arith.index_cast %scan3A_58 : i32 to index
        %swap3A_528 = arith.constant 912 : index
        %swap3A_529 = tpu.vector_load %arg7[%swap3A_527, %swap3A_528] {strides = array<i32>} : memref<16x1024xf32, #tpu.memory_space<vmem>>, vector<16xf32>,
        tpu.vector_store %arg7[%swap3A_527, %swap3A_528], %mul3A_526 {strides = array<i32>} : memref<16x1024xf32, #tpu.memory_space<vmem>>, vector<16xf32>,
        %get3A_530 = arith.index_cast %scan3A_58 : i32 to index
        %get3A_531 = arith.constant 928 : index
        %get3A_532 = tpu.vector_load %arg9[%get3A_530, %get3A_531] {strides = array<i32>} : memref<16x1024xf32, #tpu.memory_space<vmem>>, vector<16xf32>,
        %mul3A_533 = vector.broadcast %reduce_sum3A_65 : f32 to vector<16xf32>
        %mul3A_534 = arith.mulf %mul3A_533, %get3A_532 : vector<16xf32>
        %swap3A_535 = arith.index_cast %scan3A_58 : i32 to index
        %swap3A_536 = arith.constant 928 : index
        %swap3A_537 = tpu.vector_load %arg7[%swap3A_535, %swap3A_536] {strides = array<i32>} : memref<16x1024xf32, #tpu.memory_space<vmem>>, vector<16xf32>,
        tpu.vector_store %arg7[%swap3A_535, %swap3A_536], %mul3A_534 {strides = array<i32>} : memref<16x1024xf32, #tpu.memory_space<vmem>>, vector<16xf32>,
        %get3A_538 = arith.index_cast %scan3A_58 : i32 to index
        %get3A_539 = arith.constant 944 : index
        %get3A_540 = tpu.vector_load %arg9[%get3A_538, %get3A_539] {strides = array<i32>} : memref<16x1024xf32, #tpu.memory_space<vmem>>, vector<16xf32>,
        %mul3A_541 = vector.broadcast %reduce_sum3A_65 : f32 to vector<16xf32>
        %mul3A_542 = arith.mulf %mul3A_541, %get3A_540 : vector<16xf32>
        %swap3A_543 = arith.index_cast %scan3A_58 : i32 to index
        %swap3A_544 = arith.constant 944 : index
        %swap3A_545 = tpu.vector_load %arg7[%swap3A_543, %swap3A_544] {strides = array<i32>} : memref<16x1024xf32, #tpu.memory_space<vmem>>, vector<16xf32>,
        tpu.vector_store %arg7[%swap3A_543, %swap3A_544], %mul3A_542 {strides = array<i32>} : memref<16x1024xf32, #tpu.memory_space<vmem>>, vector<16xf32>,
        %get3A_546 = arith.index_cast %scan3A_58 : i32 to index
        %get3A_547 = arith.constant 960 : index
        %get3A_548 = tpu.vector_load %arg9[%get3A_546, %get3A_547] {strides = array<i32>} : memref<16x1024xf32, #tpu.memory_space<vmem>>, vector<16xf32>,
        %mul3A_549 = vector.broadcast %reduce_sum3A_65 : f32 to vector<16xf32>
        %mul3A_550 = arith.mulf %mul3A_549, %get3A_548 : vector<16xf32>
        %swap3A_551 = arith.index_cast %scan3A_58 : i32 to index
        %swap3A_552 = arith.constant 960 : index
        %swap3A_553 = tpu.vector_load %arg7[%swap3A_551, %swap3A_552] {strides = array<i32>} : memref<16x1024xf32, #tpu.memory_space<vmem>>, vector<16xf32>,
        tpu.vector_store %arg7[%swap3A_551, %swap3A_552], %mul3A_550 {strides = array<i32>} : memref<16x1024xf32, #tpu.memory_space<vmem>>, vector<16xf32>,
        %get3A_554 = arith.index_cast %scan3A_58 : i32 to index
        %get3A_555 = arith.constant 976 : index
        %get3A_556 = tpu.vector_load %arg9[%get3A_554, %get3A_555] {strides = array<i32>} : memref<16x1024xf32, #tpu.memory_space<vmem>>, vector<16xf32>,
        %mul3A_557 = vector.broadcast %reduce_sum3A_65 : f32 to vector<16xf32>
        %mul3A_558 = arith.mulf %mul3A_557, %get3A_556 : vector<16xf32>
        %swap3A_559 = arith.index_cast %scan3A_58 : i32 to index
        %swap3A_560 = arith.constant 976 : index
        %swap3A_561 = tpu.vector_load %arg7[%swap3A_559, %swap3A_560] {strides = array<i32>} : memref<16x1024xf32, #tpu.memory_space<vmem>>, vector<16xf32>,
        tpu.vector_store %arg7[%swap3A_559, %swap3A_560], %mul3A_558 {strides = array<i32>} : memref<16x1024xf32, #tpu.memory_space<vmem>>, vector<16xf32>,
        %get3A_562 = arith.index_cast %scan3A_58 : i32 to index
        %get3A_563 = arith.constant 992 : index
        %get3A_564 = tpu.vector_load %arg9[%get3A_562, %get3A_563] {strides = array<i32>} : memref<16x1024xf32, #tpu.memory_space<vmem>>, vector<16xf32>,
        %mul3A_565 = vector.broadcast %reduce_sum3A_65 : f32 to vector<16xf32>
        %mul3A_566 = arith.mulf %mul3A_565, %get3A_564 : vector<16xf32>
        %swap3A_567 = arith.index_cast %scan3A_58 : i32 to index
        %swap3A_568 = arith.constant 992 : index
        %swap3A_569 = tpu.vector_load %arg7[%swap3A_567, %swap3A_568] {strides = array<i32>} : memref<16x1024xf32, #tpu.memory_space<vmem>>, vector<16xf32>,
        tpu.vector_store %arg7[%swap3A_567, %swap3A_568], %mul3A_566 {strides = array<i32>} : memref<16x1024xf32, #tpu.memory_space<vmem>>, vector<16xf32>,
        %get3A_570 = arith.index_cast %scan3A_58 : i32 to index
        %get3A_571 = arith.constant 1008 : index
        %get3A_572 = tpu.vector_load %arg9[%get3A_570, %get3A_571] {strides = array<i32>} : memref<16x1024xf32, #tpu.memory_space<vmem>>, vector<16xf32>,
        %mul3A_573 = vector.broadcast %reduce_sum3A_65 : f32 to vector<16xf32>
        %mul3A_574 = arith.mulf %mul3A_573, %get3A_572 : vector<16xf32>
        %swap3A_575 = arith.index_cast %scan3A_58 : i32 to index
        %swap3A_576 = arith.constant 1008 : index
        %swap3A_577 = tpu.vector_load %arg7[%swap3A_575, %swap3A_576] {strides = array<i32>} : memref<16x1024xf32, #tpu.memory_space<vmem>>, vector<16xf32>,
        tpu.vector_store %arg7[%swap3A_575, %swap3A_576], %mul3A_574 {strides = array<i32>} : memref<16x1024xf32, #tpu.memory_space<vmem>>, vector<16xf32>,
      }
      %scan3A_39 = arith.constant 16 : i32
      %get3A = arith.constant 0 : index
      %get3A_40 = tpu.vector_load %arg10[%get3A] {strides = array<i32>} : memref<16xi32, #tpu.memory_space<vmem>>, vector<16xi32>,
      %mul3A_41 = arith.constant 2 : i32
      %mul3A_42 = vector.broadcast %mul3A_41 : i32 to vector<16xi32>
      %mul3A_43 = arith.muli %get3A_40, %mul3A_42 : vector<16xi32>
      %add3A_44 = arith.constant 1 : i32
      %add3A_45 = vector.broadcast %add3A_44 : i32 to vector<16xi32>
      %add3A_46 = arith.addi %mul3A_43, %add3A_45 : vector<16xi32>
      %gt3A = arith.constant 0.000000e+00 : f32
      %gt3A_47 = vector.broadcast %gt3A : f32 to vector<16xf32>
      %gt3A_48 = arith.cmpf ogt, %scan3A_27, %gt3A_47 : vector<16xf32>
      %convert_element_type3A = arith.extui %gt3A_48 : vector<16xi1> to vector<16xi32>
      %add3A_49 = arith.addi %add3A_46, %convert_element_type3A : vector<16xi32>
      %swap3A_50 = arith.constant 0 : index
      %swap3A_51 = tpu.vector_load %arg10[%swap3A_50] {strides = array<i32>} : memref<16xi32, #tpu.memory_space<vmem>>, vector<16xi32>,
      tpu.vector_store %arg10[%swap3A_50], %add3A_49 {strides = array<i32>} : memref<16xi32, #tpu.memory_space<vmem>>, vector<16xi32>,
      %scan3A_52 = arith.constant 0 : i32
      %scan3A_53 = arith.constant 1 : i32
      %scan3A_54 = arith.constant 13 : i32
      %scan3A_55 = arith.addi %scan3A_53, %scan3A_54 : i32
      %scan3A_56 = arith.constant 1 : i32
      scf.for %scan3A_58 = %scan3A_53 to %scan3A_55 step %scan3A_56  : i32 {
        %dma_start3A_59 = arith.constant 0 : i32
        %dma_start3A_60 = arith.constant 0 : i32
        %dma_start3A_61 = tpu.memref_slice %arg3[%dma_start3A_59, %dma_start3A_60] : memref<16383x1024xf32, #tpu.memory_space<hbm>> -> memref<16383x1024xf32, #tpu.memory_space<hbm>>
        tpu.enqueue_indirect_dma source(%dma_start3A_61 : memref<16383x1024xf32, #tpu.memory_space<hbm>>) target(%arg8 : memref<16x1024xf32, #tpu.memory_space<vmem>>) offsets(%arg10 : memref<16xi32, #tpu.memory_space<vmem>>) semaphore(%arg12 : memref<!tpu.dma_semaphore, #tpu.memory_space<semaphore_mem>>)
        %dma_start3A_62 = arith.constant 0 : i32
        %dma_start3A_63 = arith.constant 0 : i32
        %dma_start3A_64 = tpu.memref_slice %arg4[%dma_start3A_62, %dma_start3A_63] : memref<16383x1024xf32, #tpu.memory_space<hbm>> -> memref<16383x1024xf32, #tpu.memory_space<hbm>>
        tpu.enqueue_indirect_dma source(%dma_start3A_64 : memref<16383x1024xf32, #tpu.memory_space<hbm>>) target(%arg9 : memref<16x1024xf32, #tpu.memory_space<vmem>>) offsets(%arg10 : memref<16xi32, #tpu.memory_space<vmem>>) semaphore(%arg13 : memref<!tpu.dma_semaphore, #tpu.memory_space<semaphore_mem>>)
        %dma_wait3A_65 = arith.constant 0 : i32
        %dma_wait3A_66 = arith.constant 0 : i32
        %dma_wait3A_67 = tpu.memref_slice %arg3[%dma_wait3A_65, %dma_wait3A_66] : memref<16383x1024xf32, #tpu.memory_space<hbm>> -> memref<16383x1024xf32, #tpu.memory_space<hbm>>
        tpu.wait_indirect_dma semaphore(%arg12 : memref<!tpu.dma_semaphore, #tpu.memory_space<semaphore_mem>>) src(%dma_wait3A_67 : memref<16383x1024xf32, #tpu.memory_space<hbm>>) dst(%arg8 : memref<16x1024xf32, #tpu.memory_space<vmem>>)
        %broadcast_in_dim3A_68 = arith.constant 0.000000e+00 : f32
        %broadcast_in_dim3A_69 = vector.broadcast %broadcast_in_dim3A_68 : f32 to vector<16xf32>
        %scan3A_70 = arith.constant 0 : i32
        %scan3A_71 = arith.constant 16 : i32
        %scan3A_72 = arith.addi %scan3A_70, %scan3A_71 : i32
        %scan3A_73 = arith.constant 1 : i32
        %scan3A_74 = scf.for %scan3A_102 = %scan3A_70 to %scan3A_72 step %scan3A_73 iter_args(%scan3A_103 = %broadcast_in_dim3A_69) -> (vector<16xf32>)  : i32 {
          %get3A_104 = arith.index_cast %scan3A_102 : i32 to index
          %get3A_105 = arith.constant 0 : index
          %get3A_106 = tpu.vector_load %arg6[%get3A_104, %get3A_105] {strides = array<i32>} : memref<16x1024xf32, #tpu.memory_space<vmem>>, vector<16xf32>,
          %get3A_107 = arith.index_cast %scan3A_102 : i32 to index
          %get3A_108 = arith.constant 0 : index
          %get3A_109 = tpu.vector_load %arg8[%get3A_107, %get3A_108] {strides = array<i32>} : memref<16x1024xf32, #tpu.memory_space<vmem>>, vector<16xf32>,
          %mul3A_110 = arith.mulf %get3A_106, %get3A_109 : vector<16xf32>
          %get3A_111 = arith.index_cast %scan3A_102 : i32 to index
          %get3A_112 = arith.constant 16 : index
          %get3A_113 = tpu.vector_load %arg6[%get3A_111, %get3A_112] {strides = array<i32>} : memref<16x1024xf32, #tpu.memory_space<vmem>>, vector<16xf32>,
          %get3A_114 = arith.index_cast %scan3A_102 : i32 to index
          %get3A_115 = arith.constant 16 : index
          %get3A_116 = tpu.vector_load %arg8[%get3A_114, %get3A_115] {strides = array<i32>} : memref<16x1024xf32, #tpu.memory_space<vmem>>, vector<16xf32>,
          %mul3A_117 = arith.mulf %get3A_113, %get3A_116 : vector<16xf32>
          %get3A_118 = arith.index_cast %scan3A_102 : i32 to index
          %get3A_119 = arith.constant 32 : index
          %get3A_120 = tpu.vector_load %arg6[%get3A_118, %get3A_119] {strides = array<i32>} : memref<16x1024xf32, #tpu.memory_space<vmem>>, vector<16xf32>,
          %get3A_121 = arith.index_cast %scan3A_102 : i32 to index
          %get3A_122 = arith.constant 32 : index
          %get3A_123 = tpu.vector_load %arg8[%get3A_121, %get3A_122] {strides = array<i32>} : memref<16x1024xf32, #tpu.memory_space<vmem>>, vector<16xf32>,
          %mul3A_124 = arith.mulf %get3A_120, %get3A_123 : vector<16xf32>
          %get3A_125 = arith.index_cast %scan3A_102 : i32 to index
          %get3A_126 = arith.constant 48 : index
          %get3A_127 = tpu.vector_load %arg6[%get3A_125, %get3A_126] {strides = array<i32>} : memref<16x1024xf32, #tpu.memory_space<vmem>>, vector<16xf32>,
          %get3A_128 = arith.index_cast %scan3A_102 : i32 to index
          %get3A_129 = arith.constant 48 : index
          %get3A_130 = tpu.vector_load %arg8[%get3A_128, %get3A_129] {strides = array<i32>} : memref<16x1024xf32, #tpu.memory_space<vmem>>, vector<16xf32>,
          %mul3A_131 = arith.mulf %get3A_127, %get3A_130 : vector<16xf32>
          %get3A_132 = arith.index_cast %scan3A_102 : i32 to index
          %get3A_133 = arith.constant 64 : index
          %get3A_134 = tpu.vector_load %arg6[%get3A_132, %get3A_133] {strides = array<i32>} : memref<16x1024xf32, #tpu.memory_space<vmem>>, vector<16xf32>,
          %get3A_135 = arith.index_cast %scan3A_102 : i32 to index
          %get3A_136 = arith.constant 64 : index
          %get3A_137 = tpu.vector_load %arg8[%get3A_135, %get3A_136] {strides = array<i32>} : memref<16x1024xf32, #tpu.memory_space<vmem>>, vector<16xf32>,
          %mul3A_138 = arith.mulf %get3A_134, %get3A_137 : vector<16xf32>
          %add3A_139 = arith.addf %mul3A_110, %mul3A_138 : vector<16xf32>
          %get3A_140 = arith.index_cast %scan3A_102 : i32 to index
          %get3A_141 = arith.constant 80 : index
          %get3A_142 = tpu.vector_load %arg6[%get3A_140, %get3A_141] {strides = array<i32>} : memref<16x1024xf32, #tpu.memory_space<vmem>>, vector<16xf32>,
          %get3A_143 = arith.index_cast %scan3A_102 : i32 to index
          %get3A_144 = arith.constant 80 : index
          %get3A_145 = tpu.vector_load %arg8[%get3A_143, %get3A_144] {strides = array<i32>} : memref<16x1024xf32, #tpu.memory_space<vmem>>, vector<16xf32>,
          %mul3A_146 = arith.mulf %get3A_142, %get3A_145 : vector<16xf32>
          %add3A_147 = arith.addf %mul3A_117, %mul3A_146 : vector<16xf32>
          %get3A_148 = arith.index_cast %scan3A_102 : i32 to index
          %get3A_149 = arith.constant 96 : index
          %get3A_150 = tpu.vector_load %arg6[%get3A_148, %get3A_149] {strides = array<i32>} : memref<16x1024xf32, #tpu.memory_space<vmem>>, vector<16xf32>,
          %get3A_151 = arith.index_cast %scan3A_102 : i32 to index
          %get3A_152 = arith.constant 96 : index
          %get3A_153 = tpu.vector_load %arg8[%get3A_151, %get3A_152] {strides = array<i32>} : memref<16x1024xf32, #tpu.memory_space<vmem>>, vector<16xf32>,
          %mul3A_154 = arith.mulf %get3A_150, %get3A_153 : vector<16xf32>
          %add3A_155 = arith.addf %mul3A_124, %mul3A_154 : vector<16xf32>
          %get3A_156 = arith.index_cast %scan3A_102 : i32 to index
          %get3A_157 = arith.constant 112 : index
          %get3A_158 = tpu.vector_load %arg6[%get3A_156, %get3A_157] {strides = array<i32>} : memref<16x1024xf32, #tpu.memory_space<vmem>>, vector<16xf32>,
          %get3A_159 = arith.index_cast %scan3A_102 : i32 to index
          %get3A_160 = arith.constant 112 : index
          %get3A_161 = tpu.vector_load %arg8[%get3A_159, %get3A_160] {strides = array<i32>} : memref<16x1024xf32, #tpu.memory_space<vmem>>, vector<16xf32>,
          %mul3A_162 = arith.mulf %get3A_158, %get3A_161 : vector<16xf32>
          %add3A_163 = arith.addf %mul3A_131, %mul3A_162 : vector<16xf32>
          %get3A_164 = arith.index_cast %scan3A_102 : i32 to index
          %get3A_165 = arith.constant 128 : index
          %get3A_166 = tpu.vector_load %arg6[%get3A_164, %get3A_165] {strides = array<i32>} : memref<16x1024xf32, #tpu.memory_space<vmem>>, vector<16xf32>,
          %get3A_167 = arith.index_cast %scan3A_102 : i32 to index
          %get3A_168 = arith.constant 128 : index
          %get3A_169 = tpu.vector_load %arg8[%get3A_167, %get3A_168] {strides = array<i32>} : memref<16x1024xf32, #tpu.memory_space<vmem>>, vector<16xf32>,
          %mul3A_170 = arith.mulf %get3A_166, %get3A_169 : vector<16xf32>
          %add3A_171 = arith.addf %add3A_139, %mul3A_170 : vector<16xf32>
          %get3A_172 = arith.index_cast %scan3A_102 : i32 to index
          %get3A_173 = arith.constant 144 : index
          %get3A_174 = tpu.vector_load %arg6[%get3A_172, %get3A_173] {strides = array<i32>} : memref<16x1024xf32, #tpu.memory_space<vmem>>, vector<16xf32>,
          %get3A_175 = arith.index_cast %scan3A_102 : i32 to index
          %get3A_176 = arith.constant 144 : index
          %get3A_177 = tpu.vector_load %arg8[%get3A_175, %get3A_176] {strides = array<i32>} : memref<16x1024xf32, #tpu.memory_space<vmem>>, vector<16xf32>,
          %mul3A_178 = arith.mulf %get3A_174, %get3A_177 : vector<16xf32>
          %add3A_179 = arith.addf %add3A_147, %mul3A_178 : vector<16xf32>
          %get3A_180 = arith.index_cast %scan3A_102 : i32 to index
          %get3A_181 = arith.constant 160 : index
          %get3A_182 = tpu.vector_load %arg6[%get3A_180, %get3A_181] {strides = array<i32>} : memref<16x1024xf32, #tpu.memory_space<vmem>>, vector<16xf32>,
          %get3A_183 = arith.index_cast %scan3A_102 : i32 to index
          %get3A_184 = arith.constant 160 : index
          %get3A_185 = tpu.vector_load %arg8[%get3A_183, %get3A_184] {strides = array<i32>} : memref<16x1024xf32, #tpu.memory_space<vmem>>, vector<16xf32>,
          %mul3A_186 = arith.mulf %get3A_182, %get3A_185 : vector<16xf32>
          %add3A_187 = arith.addf %add3A_155, %mul3A_186 : vector<16xf32>
          %get3A_188 = arith.index_cast %scan3A_102 : i32 to index
          %get3A_189 = arith.constant 176 : index
          %get3A_190 = tpu.vector_load %arg6[%get3A_188, %get3A_189] {strides = array<i32>} : memref<16x1024xf32, #tpu.memory_space<vmem>>, vector<16xf32>,
          %get3A_191 = arith.index_cast %scan3A_102 : i32 to index
          %get3A_192 = arith.constant 176 : index
          %get3A_193 = tpu.vector_load %arg8[%get3A_191, %get3A_192] {strides = array<i32>} : memref<16x1024xf32, #tpu.memory_space<vmem>>, vector<16xf32>,
          %mul3A_194 = arith.mulf %get3A_190, %get3A_193 : vector<16xf32>
          %add3A_195 = arith.addf %add3A_163, %mul3A_194 : vector<16xf32>
          %get3A_196 = arith.index_cast %scan3A_102 : i32 to index
          %get3A_197 = arith.constant 192 : index
          %get3A_198 = tpu.vector_load %arg6[%get3A_196, %get3A_197] {strides = array<i32>} : memref<16x1024xf32, #tpu.memory_space<vmem>>, vector<16xf32>,
          %get3A_199 = arith.index_cast %scan3A_102 : i32 to index
          %get3A_200 = arith.constant 192 : index
          %get3A_201 = tpu.vector_load %arg8[%get3A_199, %get3A_200] {strides = array<i32>} : memref<16x1024xf32, #tpu.memory_space<vmem>>, vector<16xf32>,
          %mul3A_202 = arith.mulf %get3A_198, %get3A_201 : vector<16xf32>
          %add3A_203 = arith.addf %add3A_171, %mul3A_202 : vector<16xf32>
          %get3A_204 = arith.index_cast %scan3A_102 : i32 to index
          %get3A_205 = arith.constant 208 : index
          %get3A_206 = tpu.vector_load %arg6[%get3A_204, %get3A_205] {strides = array<i32>} : memref<16x1024xf32, #tpu.memory_space<vmem>>, vector<16xf32>,
          %get3A_207 = arith.index_cast %scan3A_102 : i32 to index
          %get3A_208 = arith.constant 208 : index
          %get3A_209 = tpu.vector_load %arg8[%get3A_207, %get3A_208] {strides = array<i32>} : memref<16x1024xf32, #tpu.memory_space<vmem>>, vector<16xf32>,
          %mul3A_210 = arith.mulf %get3A_206, %get3A_209 : vector<16xf32>
          %add3A_211 = arith.addf %add3A_179, %mul3A_210 : vector<16xf32>
          %get3A_212 = arith.index_cast %scan3A_102 : i32 to index
          %get3A_213 = arith.constant 224 : index
          %get3A_214 = tpu.vector_load %arg6[%get3A_212, %get3A_213] {strides = array<i32>} : memref<16x1024xf32, #tpu.memory_space<vmem>>, vector<16xf32>,
          %get3A_215 = arith.index_cast %scan3A_102 : i32 to index
          %get3A_216 = arith.constant 224 : index
          %get3A_217 = tpu.vector_load %arg8[%get3A_215, %get3A_216] {strides = array<i32>} : memref<16x1024xf32, #tpu.memory_space<vmem>>, vector<16xf32>,
          %mul3A_218 = arith.mulf %get3A_214, %get3A_217 : vector<16xf32>
          %add3A_219 = arith.addf %add3A_187, %mul3A_218 : vector<16xf32>
          %get3A_220 = arith.index_cast %scan3A_102 : i32 to index
          %get3A_221 = arith.constant 240 : index
          %get3A_222 = tpu.vector_load %arg6[%get3A_220, %get3A_221] {strides = array<i32>} : memref<16x1024xf32, #tpu.memory_space<vmem>>, vector<16xf32>,
          %get3A_223 = arith.index_cast %scan3A_102 : i32 to index
          %get3A_224 = arith.constant 240 : index
          %get3A_225 = tpu.vector_load %arg8[%get3A_223, %get3A_224] {strides = array<i32>} : memref<16x1024xf32, #tpu.memory_space<vmem>>, vector<16xf32>,
          %mul3A_226 = arith.mulf %get3A_222, %get3A_225 : vector<16xf32>
          %add3A_227 = arith.addf %add3A_195, %mul3A_226 : vector<16xf32>
          %get3A_228 = arith.index_cast %scan3A_102 : i32 to index
          %get3A_229 = arith.constant 256 : index
          %get3A_230 = tpu.vector_load %arg6[%get3A_228, %get3A_229] {strides = array<i32>} : memref<16x1024xf32, #tpu.memory_space<vmem>>, vector<16xf32>,
          %get3A_231 = arith.index_cast %scan3A_102 : i32 to index
          %get3A_232 = arith.constant 256 : index
          %get3A_233 = tpu.vector_load %arg8[%get3A_231, %get3A_232] {strides = array<i32>} : memref<16x1024xf32, #tpu.memory_space<vmem>>, vector<16xf32>,
          %mul3A_234 = arith.mulf %get3A_230, %get3A_233 : vector<16xf32>
          %add3A_235 = arith.addf %add3A_203, %mul3A_234 : vector<16xf32>
          %get3A_236 = arith.index_cast %scan3A_102 : i32 to index
          %get3A_237 = arith.constant 272 : index
          %get3A_238 = tpu.vector_load %arg6[%get3A_236, %get3A_237] {strides = array<i32>} : memref<16x1024xf32, #tpu.memory_space<vmem>>, vector<16xf32>,
          %get3A_239 = arith.index_cast %scan3A_102 : i32 to index
          %get3A_240 = arith.constant 272 : index
          %get3A_241 = tpu.vector_load %arg8[%get3A_239, %get3A_240] {strides = array<i32>} : memref<16x1024xf32, #tpu.memory_space<vmem>>, vector<16xf32>,
          %mul3A_242 = arith.mulf %get3A_238, %get3A_241 : vector<16xf32>
          %add3A_243 = arith.addf %add3A_211, %mul3A_242 : vector<16xf32>
          %get3A_244 = arith.index_cast %scan3A_102 : i32 to index
          %get3A_245 = arith.constant 288 : index
          %get3A_246 = tpu.vector_load %arg6[%get3A_244, %get3A_245] {strides = array<i32>} : memref<16x1024xf32, #tpu.memory_space<vmem>>, vector<16xf32>,
          %get3A_247 = arith.index_cast %scan3A_102 : i32 to index
          %get3A_248 = arith.constant 288 : index
          %get3A_249 = tpu.vector_load %arg8[%get3A_247, %get3A_248] {strides = array<i32>} : memref<16x1024xf32, #tpu.memory_space<vmem>>, vector<16xf32>,
          %mul3A_250 = arith.mulf %get3A_246, %get3A_249 : vector<16xf32>
          %add3A_251 = arith.addf %add3A_219, %mul3A_250 : vector<16xf32>
          %get3A_252 = arith.index_cast %scan3A_102 : i32 to index
          %get3A_253 = arith.constant 304 : index
          %get3A_254 = tpu.vector_load %arg6[%get3A_252, %get3A_253] {strides = array<i32>} : memref<16x1024xf32, #tpu.memory_space<vmem>>, vector<16xf32>,
          %get3A_255 = arith.index_cast %scan3A_102 : i32 to index
          %get3A_256 = arith.constant 304 : index
          %get3A_257 = tpu.vector_load %arg8[%get3A_255, %get3A_256] {strides = array<i32>} : memref<16x1024xf32, #tpu.memory_space<vmem>>, vector<16xf32>,
          %mul3A_258 = arith.mulf %get3A_254, %get3A_257 : vector<16xf32>
          %add3A_259 = arith.addf %add3A_227, %mul3A_258 : vector<16xf32>
          %get3A_260 = arith.index_cast %scan3A_102 : i32 to index
          %get3A_261 = arith.constant 320 : index
          %get3A_262 = tpu.vector_load %arg6[%get3A_260, %get3A_261] {strides = array<i32>} : memref<16x1024xf32, #tpu.memory_space<vmem>>, vector<16xf32>,
          %get3A_263 = arith.index_cast %scan3A_102 : i32 to index
          %get3A_264 = arith.constant 320 : index
          %get3A_265 = tpu.vector_load %arg8[%get3A_263, %get3A_264] {strides = array<i32>} : memref<16x1024xf32, #tpu.memory_space<vmem>>, vector<16xf32>,
          %mul3A_266 = arith.mulf %get3A_262, %get3A_265 : vector<16xf32>
          %add3A_267 = arith.addf %add3A_235, %mul3A_266 : vector<16xf32>
          %get3A_268 = arith.index_cast %scan3A_102 : i32 to index
          %get3A_269 = arith.constant 336 : index
          %get3A_270 = tpu.vector_load %arg6[%get3A_268, %get3A_269] {strides = array<i32>} : memref<16x1024xf32, #tpu.memory_space<vmem>>, vector<16xf32>,
          %get3A_271 = arith.index_cast %scan3A_102 : i32 to index
          %get3A_272 = arith.constant 336 : index
          %get3A_273 = tpu.vector_load %arg8[%get3A_271, %get3A_272] {strides = array<i32>} : memref<16x1024xf32, #tpu.memory_space<vmem>>, vector<16xf32>,
          %mul3A_274 = arith.mulf %get3A_270, %get3A_273 : vector<16xf32>
          %add3A_275 = arith.addf %add3A_243, %mul3A_274 : vector<16xf32>
          %get3A_276 = arith.index_cast %scan3A_102 : i32 to index
          %get3A_277 = arith.constant 352 : index
          %get3A_278 = tpu.vector_load %arg6[%get3A_276, %get3A_277] {strides = array<i32>} : memref<16x1024xf32, #tpu.memory_space<vmem>>, vector<16xf32>,
          %get3A_279 = arith.index_cast %scan3A_102 : i32 to index
          %get3A_280 = arith.constant 352 : index
          %get3A_281 = tpu.vector_load %arg8[%get3A_279, %get3A_280] {strides = array<i32>} : memref<16x1024xf32, #tpu.memory_space<vmem>>, vector<16xf32>,
          %mul3A_282 = arith.mulf %get3A_278, %get3A_281 : vector<16xf32>
          %add3A_283 = arith.addf %add3A_251, %mul3A_282 : vector<16xf32>
          %get3A_284 = arith.index_cast %scan3A_102 : i32 to index
          %get3A_285 = arith.constant 368 : index
          %get3A_286 = tpu.vector_load %arg6[%get3A_284, %get3A_285] {strides = array<i32>} : memref<16x1024xf32, #tpu.memory_space<vmem>>, vector<16xf32>,
          %get3A_287 = arith.index_cast %scan3A_102 : i32 to index
          %get3A_288 = arith.constant 368 : index
          %get3A_289 = tpu.vector_load %arg8[%get3A_287, %get3A_288] {strides = array<i32>} : memref<16x1024xf32, #tpu.memory_space<vmem>>, vector<16xf32>,
          %mul3A_290 = arith.mulf %get3A_286, %get3A_289 : vector<16xf32>
          %add3A_291 = arith.addf %add3A_259, %mul3A_290 : vector<16xf32>
          %get3A_292 = arith.index_cast %scan3A_102 : i32 to index
          %get3A_293 = arith.constant 384 : index
          %get3A_294 = tpu.vector_load %arg6[%get3A_292, %get3A_293] {strides = array<i32>} : memref<16x1024xf32, #tpu.memory_space<vmem>>, vector<16xf32>,
          %get3A_295 = arith.index_cast %scan3A_102 : i32 to index
          %get3A_296 = arith.constant 384 : index
          %get3A_297 = tpu.vector_load %arg8[%get3A_295, %get3A_296] {strides = array<i32>} : memref<16x1024xf32, #tpu.memory_space<vmem>>, vector<16xf32>,
          %mul3A_298 = arith.mulf %get3A_294, %get3A_297 : vector<16xf32>
          %add3A_299 = arith.addf %add3A_267, %mul3A_298 : vector<16xf32>
          %get3A_300 = arith.index_cast %scan3A_102 : i32 to index
          %get3A_301 = arith.constant 400 : index
          %get3A_302 = tpu.vector_load %arg6[%get3A_300, %get3A_301] {strides = array<i32>} : memref<16x1024xf32, #tpu.memory_space<vmem>>, vector<16xf32>,
          %get3A_303 = arith.index_cast %scan3A_102 : i32 to index
          %get3A_304 = arith.constant 400 : index
          %get3A_305 = tpu.vector_load %arg8[%get3A_303, %get3A_304] {strides = array<i32>} : memref<16x1024xf32, #tpu.memory_space<vmem>>, vector<16xf32>,
          %mul3A_306 = arith.mulf %get3A_302, %get3A_305 : vector<16xf32>
          %add3A_307 = arith.addf %add3A_275, %mul3A_306 : vector<16xf32>
          %get3A_308 = arith.index_cast %scan3A_102 : i32 to index
          %get3A_309 = arith.constant 416 : index
          %get3A_310 = tpu.vector_load %arg6[%get3A_308, %get3A_309] {strides = array<i32>} : memref<16x1024xf32, #tpu.memory_space<vmem>>, vector<16xf32>,
          %get3A_311 = arith.index_cast %scan3A_102 : i32 to index
          %get3A_312 = arith.constant 416 : index
          %get3A_313 = tpu.vector_load %arg8[%get3A_311, %get3A_312] {strides = array<i32>} : memref<16x1024xf32, #tpu.memory_space<vmem>>, vector<16xf32>,
          %mul3A_314 = arith.mulf %get3A_310, %get3A_313 : vector<16xf32>
          %add3A_315 = arith.addf %add3A_283, %mul3A_314 : vector<16xf32>
          %get3A_316 = arith.index_cast %scan3A_102 : i32 to index
          %get3A_317 = arith.constant 432 : index
          %get3A_318 = tpu.vector_load %arg6[%get3A_316, %get3A_317] {strides = array<i32>} : memref<16x1024xf32, #tpu.memory_space<vmem>>, vector<16xf32>,
          %get3A_319 = arith.index_cast %scan3A_102 : i32 to index
          %get3A_320 = arith.constant 432 : index
          %get3A_321 = tpu.vector_load %arg8[%get3A_319, %get3A_320] {strides = array<i32>} : memref<16x1024xf32, #tpu.memory_space<vmem>>, vector<16xf32>,
          %mul3A_322 = arith.mulf %get3A_318, %get3A_321 : vector<16xf32>
          %add3A_323 = arith.addf %add3A_291, %mul3A_322 : vector<16xf32>
          %get3A_324 = arith.index_cast %scan3A_102 : i32 to index
          %get3A_325 = arith.constant 448 : index
          %get3A_326 = tpu.vector_load %arg6[%get3A_324, %get3A_325] {strides = array<i32>} : memref<16x1024xf32, #tpu.memory_space<vmem>>, vector<16xf32>,
          %get3A_327 = arith.index_cast %scan3A_102 : i32 to index
          %get3A_328 = arith.constant 448 : index
          %get3A_329 = tpu.vector_load %arg8[%get3A_327, %get3A_328] {strides = array<i32>} : memref<16x1024xf32, #tpu.memory_space<vmem>>, vector<16xf32>,
          %mul3A_330 = arith.mulf %get3A_326, %get3A_329 : vector<16xf32>
          %add3A_331 = arith.addf %add3A_299, %mul3A_330 : vector<16xf32>
          %get3A_332 = arith.index_cast %scan3A_102 : i32 to index
          %get3A_333 = arith.constant 464 : index
          %get3A_334 = tpu.vector_load %arg6[%get3A_332, %get3A_333] {strides = array<i32>} : memref<16x1024xf32, #tpu.memory_space<vmem>>, vector<16xf32>,
          %get3A_335 = arith.index_cast %scan3A_102 : i32 to index
          %get3A_336 = arith.constant 464 : index
          %get3A_337 = tpu.vector_load %arg8[%get3A_335, %get3A_336] {strides = array<i32>} : memref<16x1024xf32, #tpu.memory_space<vmem>>, vector<16xf32>,
          %mul3A_338 = arith.mulf %get3A_334, %get3A_337 : vector<16xf32>
          %add3A_339 = arith.addf %add3A_307, %mul3A_338 : vector<16xf32>
          %get3A_340 = arith.index_cast %scan3A_102 : i32 to index
          %get3A_341 = arith.constant 480 : index
          %get3A_342 = tpu.vector_load %arg6[%get3A_340, %get3A_341] {strides = array<i32>} : memref<16x1024xf32, #tpu.memory_space<vmem>>, vector<16xf32>,
          %get3A_343 = arith.index_cast %scan3A_102 : i32 to index
          %get3A_344 = arith.constant 480 : index
          %get3A_345 = tpu.vector_load %arg8[%get3A_343, %get3A_344] {strides = array<i32>} : memref<16x1024xf32, #tpu.memory_space<vmem>>, vector<16xf32>,
          %mul3A_346 = arith.mulf %get3A_342, %get3A_345 : vector<16xf32>
          %add3A_347 = arith.addf %add3A_315, %mul3A_346 : vector<16xf32>
          %get3A_348 = arith.index_cast %scan3A_102 : i32 to index
          %get3A_349 = arith.constant 496 : index
          %get3A_350 = tpu.vector_load %arg6[%get3A_348, %get3A_349] {strides = array<i32>} : memref<16x1024xf32, #tpu.memory_space<vmem>>, vector<16xf32>,
          %get3A_351 = arith.index_cast %scan3A_102 : i32 to index
          %get3A_352 = arith.constant 496 : index
          %get3A_353 = tpu.vector_load %arg8[%get3A_351, %get3A_352] {strides = array<i32>} : memref<16x1024xf32, #tpu.memory_space<vmem>>, vector<16xf32>,
          %mul3A_354 = arith.mulf %get3A_350, %get3A_353 : vector<16xf32>
          %add3A_355 = arith.addf %add3A_323, %mul3A_354 : vector<16xf32>
          %get3A_356 = arith.index_cast %scan3A_102 : i32 to index
          %get3A_357 = arith.constant 512 : index
          %get3A_358 = tpu.vector_load %arg6[%get3A_356, %get3A_357] {strides = array<i32>} : memref<16x1024xf32, #tpu.memory_space<vmem>>, vector<16xf32>,
          %get3A_359 = arith.index_cast %scan3A_102 : i32 to index
          %get3A_360 = arith.constant 512 : index
          %get3A_361 = tpu.vector_load %arg8[%get3A_359, %get3A_360] {strides = array<i32>} : memref<16x1024xf32, #tpu.memory_space<vmem>>, vector<16xf32>,
          %mul3A_362 = arith.mulf %get3A_358, %get3A_361 : vector<16xf32>
          %add3A_363 = arith.addf %add3A_331, %mul3A_362 : vector<16xf32>
          %get3A_364 = arith.index_cast %scan3A_102 : i32 to index
          %get3A_365 = arith.constant 528 : index
          %get3A_366 = tpu.vector_load %arg6[%get3A_364, %get3A_365] {strides = array<i32>} : memref<16x1024xf32, #tpu.memory_space<vmem>>, vector<16xf32>,
          %get3A_367 = arith.index_cast %scan3A_102 : i32 to index
          %get3A_368 = arith.constant 528 : index
          %get3A_369 = tpu.vector_load %arg8[%get3A_367, %get3A_368] {strides = array<i32>} : memref<16x1024xf32, #tpu.memory_space<vmem>>, vector<16xf32>,
          %mul3A_370 = arith.mulf %get3A_366, %get3A_369 : vector<16xf32>
          %add3A_371 = arith.addf %add3A_339, %mul3A_370 : vector<16xf32>
          %get3A_372 = arith.index_cast %scan3A_102 : i32 to index
          %get3A_373 = arith.constant 544 : index
          %get3A_374 = tpu.vector_load %arg6[%get3A_372, %get3A_373] {strides = array<i32>} : memref<16x1024xf32, #tpu.memory_space<vmem>>, vector<16xf32>,
          %get3A_375 = arith.index_cast %scan3A_102 : i32 to index
          %get3A_376 = arith.constant 544 : index
          %get3A_377 = tpu.vector_load %arg8[%get3A_375, %get3A_376] {strides = array<i32>} : memref<16x1024xf32, #tpu.memory_space<vmem>>, vector<16xf32>,
          %mul3A_378 = arith.mulf %get3A_374, %get3A_377 : vector<16xf32>
          %add3A_379 = arith.addf %add3A_347, %mul3A_378 : vector<16xf32>
          %get3A_380 = arith.index_cast %scan3A_102 : i32 to index
          %get3A_381 = arith.constant 560 : index
          %get3A_382 = tpu.vector_load %arg6[%get3A_380, %get3A_381] {strides = array<i32>} : memref<16x1024xf32, #tpu.memory_space<vmem>>, vector<16xf32>,
          %get3A_383 = arith.index_cast %scan3A_102 : i32 to index
          %get3A_384 = arith.constant 560 : index
          %get3A_385 = tpu.vector_load %arg8[%get3A_383, %get3A_384] {strides = array<i32>} : memref<16x1024xf32, #tpu.memory_space<vmem>>, vector<16xf32>,
          %mul3A_386 = arith.mulf %get3A_382, %get3A_385 : vector<16xf32>
          %add3A_387 = arith.addf %add3A_355, %mul3A_386 : vector<16xf32>
          %get3A_388 = arith.index_cast %scan3A_102 : i32 to index
          %get3A_389 = arith.constant 576 : index
          %get3A_390 = tpu.vector_load %arg6[%get3A_388, %get3A_389] {strides = array<i32>} : memref<16x1024xf32, #tpu.memory_space<vmem>>, vector<16xf32>,
          %get3A_391 = arith.index_cast %scan3A_102 : i32 to index
          %get3A_392 = arith.constant 576 : index
          %get3A_393 = tpu.vector_load %arg8[%get3A_391, %get3A_392] {strides = array<i32>} : memref<16x1024xf32, #tpu.memory_space<vmem>>, vector<16xf32>,
          %mul3A_394 = arith.mulf %get3A_390, %get3A_393 : vector<16xf32>
          %add3A_395 = arith.addf %add3A_363, %mul3A_394 : vector<16xf32>
          %get3A_396 = arith.index_cast %scan3A_102 : i32 to index
          %get3A_397 = arith.constant 592 : index
          %get3A_398 = tpu.vector_load %arg6[%get3A_396, %get3A_397] {strides = array<i32>} : memref<16x1024xf32, #tpu.memory_space<vmem>>, vector<16xf32>,
          %get3A_399 = arith.index_cast %scan3A_102 : i32 to index
          %get3A_400 = arith.constant 592 : index
          %get3A_401 = tpu.vector_load %arg8[%get3A_399, %get3A_400] {strides = array<i32>} : memref<16x1024xf32, #tpu.memory_space<vmem>>, vector<16xf32>,
          %mul3A_402 = arith.mulf %get3A_398, %get3A_401 : vector<16xf32>
          %add3A_403 = arith.addf %add3A_371, %mul3A_402 : vector<16xf32>
          %get3A_404 = arith.index_cast %scan3A_102 : i32 to index
          %get3A_405 = arith.constant 608 : index
          %get3A_406 = tpu.vector_load %arg6[%get3A_404, %get3A_405] {strides = array<i32>} : memref<16x1024xf32, #tpu.memory_space<vmem>>, vector<16xf32>,
          %get3A_407 = arith.index_cast %scan3A_102 : i32 to index
          %get3A_408 = arith.constant 608 : index
          %get3A_409 = tpu.vector_load %arg8[%get3A_407, %get3A_408] {strides = array<i32>} : memref<16x1024xf32, #tpu.memory_space<vmem>>, vector<16xf32>,
          %mul3A_410 = arith.mulf %get3A_406, %get3A_409 : vector<16xf32>
          %add3A_411 = arith.addf %add3A_379, %mul3A_410 : vector<16xf32>
          %get3A_412 = arith.index_cast %scan3A_102 : i32 to index
          %get3A_413 = arith.constant 624 : index
          %get3A_414 = tpu.vector_load %arg6[%get3A_412, %get3A_413] {strides = array<i32>} : memref<16x1024xf32, #tpu.memory_space<vmem>>, vector<16xf32>,
          %get3A_415 = arith.index_cast %scan3A_102 : i32 to index
          %get3A_416 = arith.constant 624 : index
          %get3A_417 = tpu.vector_load %arg8[%get3A_415, %get3A_416] {strides = array<i32>} : memref<16x1024xf32, #tpu.memory_space<vmem>>, vector<16xf32>,
          %mul3A_418 = arith.mulf %get3A_414, %get3A_417 : vector<16xf32>
          %add3A_419 = arith.addf %add3A_387, %mul3A_418 : vector<16xf32>
          %get3A_420 = arith.index_cast %scan3A_102 : i32 to index
          %get3A_421 = arith.constant 640 : index
          %get3A_422 = tpu.vector_load %arg6[%get3A_420, %get3A_421] {strides = array<i32>} : memref<16x1024xf32, #tpu.memory_space<vmem>>, vector<16xf32>,
          %get3A_423 = arith.index_cast %scan3A_102 : i32 to index
          %get3A_424 = arith.constant 640 : index
          %get3A_425 = tpu.vector_load %arg8[%get3A_423, %get3A_424] {strides = array<i32>} : memref<16x1024xf32, #tpu.memory_space<vmem>>, vector<16xf32>,
          %mul3A_426 = arith.mulf %get3A_422, %get3A_425 : vector<16xf32>
          %add3A_427 = arith.addf %add3A_395, %mul3A_426 : vector<16xf32>
          %get3A_428 = arith.index_cast %scan3A_102 : i32 to index
          %get3A_429 = arith.constant 656 : index
          %get3A_430 = tpu.vector_load %arg6[%get3A_428, %get3A_429] {strides = array<i32>} : memref<16x1024xf32, #tpu.memory_space<vmem>>, vector<16xf32>,
          %get3A_431 = arith.index_cast %scan3A_102 : i32 to index
          %get3A_432 = arith.constant 656 : index
          %get3A_433 = tpu.vector_load %arg8[%get3A_431, %get3A_432] {strides = array<i32>} : memref<16x1024xf32, #tpu.memory_space<vmem>>, vector<16xf32>,
          %mul3A_434 = arith.mulf %get3A_430, %get3A_433 : vector<16xf32>
          %add3A_435 = arith.addf %add3A_403, %mul3A_434 : vector<16xf32>
          %get3A_436 = arith.index_cast %scan3A_102 : i32 to index
          %get3A_437 = arith.constant 672 : index
          %get3A_438 = tpu.vector_load %arg6[%get3A_436, %get3A_437] {strides = array<i32>} : memref<16x1024xf32, #tpu.memory_space<vmem>>, vector<16xf32>,
          %get3A_439 = arith.index_cast %scan3A_102 : i32 to index
          %get3A_440 = arith.constant 672 : index
          %get3A_441 = tpu.vector_load %arg8[%get3A_439, %get3A_440] {strides = array<i32>} : memref<16x1024xf32, #tpu.memory_space<vmem>>, vector<16xf32>,
          %mul3A_442 = arith.mulf %get3A_438, %get3A_441 : vector<16xf32>
          %add3A_443 = arith.addf %add3A_411, %mul3A_442 : vector<16xf32>
          %get3A_444 = arith.index_cast %scan3A_102 : i32 to index
          %get3A_445 = arith.constant 688 : index
          %get3A_446 = tpu.vector_load %arg6[%get3A_444, %get3A_445] {strides = array<i32>} : memref<16x1024xf32, #tpu.memory_space<vmem>>, vector<16xf32>,
          %get3A_447 = arith.index_cast %scan3A_102 : i32 to index
          %get3A_448 = arith.constant 688 : index
          %get3A_449 = tpu.vector_load %arg8[%get3A_447, %get3A_448] {strides = array<i32>} : memref<16x1024xf32, #tpu.memory_space<vmem>>, vector<16xf32>,
          %mul3A_450 = arith.mulf %get3A_446, %get3A_449 : vector<16xf32>
          %add3A_451 = arith.addf %add3A_419, %mul3A_450 : vector<16xf32>
          %get3A_452 = arith.index_cast %scan3A_102 : i32 to index
          %get3A_453 = arith.constant 704 : index
          %get3A_454 = tpu.vector_load %arg6[%get3A_452, %get3A_453] {strides = array<i32>} : memref<16x1024xf32, #tpu.memory_space<vmem>>, vector<16xf32>,
          %get3A_455 = arith.index_cast %scan3A_102 : i32 to index
          %get3A_456 = arith.constant 704 : index
          %get3A_457 = tpu.vector_load %arg8[%get3A_455, %get3A_456] {strides = array<i32>} : memref<16x1024xf32, #tpu.memory_space<vmem>>, vector<16xf32>,
          %mul3A_458 = arith.mulf %get3A_454, %get3A_457 : vector<16xf32>
          %add3A_459 = arith.addf %add3A_427, %mul3A_458 : vector<16xf32>
          %get3A_460 = arith.index_cast %scan3A_102 : i32 to index
          %get3A_461 = arith.constant 720 : index
          %get3A_462 = tpu.vector_load %arg6[%get3A_460, %get3A_461] {strides = array<i32>} : memref<16x1024xf32, #tpu.memory_space<vmem>>, vector<16xf32>,
          %get3A_463 = arith.index_cast %scan3A_102 : i32 to index
          %get3A_464 = arith.constant 720 : index
          %get3A_465 = tpu.vector_load %arg8[%get3A_463, %get3A_464] {strides = array<i32>} : memref<16x1024xf32, #tpu.memory_space<vmem>>, vector<16xf32>,
          %mul3A_466 = arith.mulf %get3A_462, %get3A_465 : vector<16xf32>
          %add3A_467 = arith.addf %add3A_435, %mul3A_466 : vector<16xf32>
          %get3A_468 = arith.index_cast %scan3A_102 : i32 to index
          %get3A_469 = arith.constant 736 : index
          %get3A_470 = tpu.vector_load %arg6[%get3A_468, %get3A_469] {strides = array<i32>} : memref<16x1024xf32, #tpu.memory_space<vmem>>, vector<16xf32>,
          %get3A_471 = arith.index_cast %scan3A_102 : i32 to index
          %get3A_472 = arith.constant 736 : index
          %get3A_473 = tpu.vector_load %arg8[%get3A_471, %get3A_472] {strides = array<i32>} : memref<16x1024xf32, #tpu.memory_space<vmem>>, vector<16xf32>,
          %mul3A_474 = arith.mulf %get3A_470, %get3A_473 : vector<16xf32>
          %add3A_475 = arith.addf %add3A_443, %mul3A_474 : vector<16xf32>
          %get3A_476 = arith.index_cast %scan3A_102 : i32 to index
          %get3A_477 = arith.constant 752 : index
          %get3A_478 = tpu.vector_load %arg6[%get3A_476, %get3A_477] {strides = array<i32>} : memref<16x1024xf32, #tpu.memory_space<vmem>>, vector<16xf32>,
          %get3A_479 = arith.index_cast %scan3A_102 : i32 to index
          %get3A_480 = arith.constant 752 : index
          %get3A_481 = tpu.vector_load %arg8[%get3A_479, %get3A_480] {strides = array<i32>} : memref<16x1024xf32, #tpu.memory_space<vmem>>, vector<16xf32>,
          %mul3A_482 = arith.mulf %get3A_478, %get3A_481 : vector<16xf32>
          %add3A_483 = arith.addf %add3A_451, %mul3A_482 : vector<16xf32>
          %get3A_484 = arith.index_cast %scan3A_102 : i32 to index
          %get3A_485 = arith.constant 768 : index
          %get3A_486 = tpu.vector_load %arg6[%get3A_484, %get3A_485] {strides = array<i32>} : memref<16x1024xf32, #tpu.memory_space<vmem>>, vector<16xf32>,
          %get3A_487 = arith.index_cast %scan3A_102 : i32 to index
          %get3A_488 = arith.constant 768 : index
          %get3A_489 = tpu.vector_load %arg8[%get3A_487, %get3A_488] {strides = array<i32>} : memref<16x1024xf32, #tpu.memory_space<vmem>>, vector<16xf32>,
          %mul3A_490 = arith.mulf %get3A_486, %get3A_489 : vector<16xf32>
          %add3A_491 = arith.addf %add3A_459, %mul3A_490 : vector<16xf32>
          %get3A_492 = arith.index_cast %scan3A_102 : i32 to index
          %get3A_493 = arith.constant 784 : index
          %get3A_494 = tpu.vector_load %arg6[%get3A_492, %get3A_493] {strides = array<i32>} : memref<16x1024xf32, #tpu.memory_space<vmem>>, vector<16xf32>,
          %get3A_495 = arith.index_cast %scan3A_102 : i32 to index
          %get3A_496 = arith.constant 784 : index
          %get3A_497 = tpu.vector_load %arg8[%get3A_495, %get3A_496] {strides = array<i32>} : memref<16x1024xf32, #tpu.memory_space<vmem>>, vector<16xf32>,
          %mul3A_498 = arith.mulf %get3A_494, %get3A_497 : vector<16xf32>
          %add3A_499 = arith.addf %add3A_467, %mul3A_498 : vector<16xf32>
          %get3A_500 = arith.index_cast %scan3A_102 : i32 to index
          %get3A_501 = arith.constant 800 : index
          %get3A_502 = tpu.vector_load %arg6[%get3A_500, %get3A_501] {strides = array<i32>} : memref<16x1024xf32, #tpu.memory_space<vmem>>, vector<16xf32>,
          %get3A_503 = arith.index_cast %scan3A_102 : i32 to index
          %get3A_504 = arith.constant 800 : index
          %get3A_505 = tpu.vector_load %arg8[%get3A_503, %get3A_504] {strides = array<i32>} : memref<16x1024xf32, #tpu.memory_space<vmem>>, vector<16xf32>,
          %mul3A_506 = arith.mulf %get3A_502, %get3A_505 : vector<16xf32>
          %add3A_507 = arith.addf %add3A_475, %mul3A_506 : vector<16xf32>
          %get3A_508 = arith.index_cast %scan3A_102 : i32 to index
          %get3A_509 = arith.constant 816 : index
          %get3A_510 = tpu.vector_load %arg6[%get3A_508, %get3A_509] {strides = array<i32>} : memref<16x1024xf32, #tpu.memory_space<vmem>>, vector<16xf32>,
          %get3A_511 = arith.index_cast %scan3A_102 : i32 to index
          %get3A_512 = arith.constant 816 : index
          %get3A_513 = tpu.vector_load %arg8[%get3A_511, %get3A_512] {strides = array<i32>} : memref<16x1024xf32, #tpu.memory_space<vmem>>, vector<16xf32>,
          %mul3A_514 = arith.mulf %get3A_510, %get3A_513 : vector<16xf32>
          %add3A_515 = arith.addf %add3A_483, %mul3A_514 : vector<16xf32>
          %get3A_516 = arith.index_cast %scan3A_102 : i32 to index
          %get3A_517 = arith.constant 832 : index
          %get3A_518 = tpu.vector_load %arg6[%get3A_516, %get3A_517] {strides = array<i32>} : memref<16x1024xf32, #tpu.memory_space<vmem>>, vector<16xf32>,
          %get3A_519 = arith.index_cast %scan3A_102 : i32 to index
          %get3A_520 = arith.constant 832 : index
          %get3A_521 = tpu.vector_load %arg8[%get3A_519, %get3A_520] {strides = array<i32>} : memref<16x1024xf32, #tpu.memory_space<vmem>>, vector<16xf32>,
          %mul3A_522 = arith.mulf %get3A_518, %get3A_521 : vector<16xf32>
          %add3A_523 = arith.addf %add3A_491, %mul3A_522 : vector<16xf32>
          %get3A_524 = arith.index_cast %scan3A_102 : i32 to index
          %get3A_525 = arith.constant 848 : index
          %get3A_526 = tpu.vector_load %arg6[%get3A_524, %get3A_525] {strides = array<i32>} : memref<16x1024xf32, #tpu.memory_space<vmem>>, vector<16xf32>,
          %get3A_527 = arith.index_cast %scan3A_102 : i32 to index
          %get3A_528 = arith.constant 848 : index
          %get3A_529 = tpu.vector_load %arg8[%get3A_527, %get3A_528] {strides = array<i32>} : memref<16x1024xf32, #tpu.memory_space<vmem>>, vector<16xf32>,
          %mul3A_530 = arith.mulf %get3A_526, %get3A_529 : vector<16xf32>
          %add3A_531 = arith.addf %add3A_499, %mul3A_530 : vector<16xf32>
          %get3A_532 = arith.index_cast %scan3A_102 : i32 to index
          %get3A_533 = arith.constant 864 : index
          %get3A_534 = tpu.vector_load %arg6[%get3A_532, %get3A_533] {strides = array<i32>} : memref<16x1024xf32, #tpu.memory_space<vmem>>, vector<16xf32>,
          %get3A_535 = arith.index_cast %scan3A_102 : i32 to index
          %get3A_536 = arith.constant 864 : index
          %get3A_537 = tpu.vector_load %arg8[%get3A_535, %get3A_536] {strides = array<i32>} : memref<16x1024xf32, #tpu.memory_space<vmem>>, vector<16xf32>,
          %mul3A_538 = arith.mulf %get3A_534, %get3A_537 : vector<16xf32>
          %add3A_539 = arith.addf %add3A_507, %mul3A_538 : vector<16xf32>
          %get3A_540 = arith.index_cast %scan3A_102 : i32 to index
          %get3A_541 = arith.constant 880 : index
          %get3A_542 = tpu.vector_load %arg6[%get3A_540, %get3A_541] {strides = array<i32>} : memref<16x1024xf32, #tpu.memory_space<vmem>>, vector<16xf32>,
          %get3A_543 = arith.index_cast %scan3A_102 : i32 to index
          %get3A_544 = arith.constant 880 : index
          %get3A_545 = tpu.vector_load %arg8[%get3A_543, %get3A_544] {strides = array<i32>} : memref<16x1024xf32, #tpu.memory_space<vmem>>, vector<16xf32>,
          %mul3A_546 = arith.mulf %get3A_542, %get3A_545 : vector<16xf32>
          %add3A_547 = arith.addf %add3A_515, %mul3A_546 : vector<16xf32>
          %get3A_548 = arith.index_cast %scan3A_102 : i32 to index
          %get3A_549 = arith.constant 896 : index
          %get3A_550 = tpu.vector_load %arg6[%get3A_548, %get3A_549] {strides = array<i32>} : memref<16x1024xf32, #tpu.memory_space<vmem>>, vector<16xf32>,
          %get3A_551 = arith.index_cast %scan3A_102 : i32 to index
          %get3A_552 = arith.constant 896 : index
          %get3A_553 = tpu.vector_load %arg8[%get3A_551, %get3A_552] {strides = array<i32>} : memref<16x1024xf32, #tpu.memory_space<vmem>>, vector<16xf32>,
          %mul3A_554 = arith.mulf %get3A_550, %get3A_553 : vector<16xf32>
          %add3A_555 = arith.addf %add3A_523, %mul3A_554 : vector<16xf32>
          %get3A_556 = arith.index_cast %scan3A_102 : i32 to index
          %get3A_557 = arith.constant 912 : index
          %get3A_558 = tpu.vector_load %arg6[%get3A_556, %get3A_557] {strides = array<i32>} : memref<16x1024xf32, #tpu.memory_space<vmem>>, vector<16xf32>,
          %get3A_559 = arith.index_cast %scan3A_102 : i32 to index
          %get3A_560 = arith.constant 912 : index
          %get3A_561 = tpu.vector_load %arg8[%get3A_559, %get3A_560] {strides = array<i32>} : memref<16x1024xf32, #tpu.memory_space<vmem>>, vector<16xf32>,
          %mul3A_562 = arith.mulf %get3A_558, %get3A_561 : vector<16xf32>
          %add3A_563 = arith.addf %add3A_531, %mul3A_562 : vector<16xf32>
          %get3A_564 = arith.index_cast %scan3A_102 : i32 to index
          %get3A_565 = arith.constant 928 : index
          %get3A_566 = tpu.vector_load %arg6[%get3A_564, %get3A_565] {strides = array<i32>} : memref<16x1024xf32, #tpu.memory_space<vmem>>, vector<16xf32>,
          %get3A_567 = arith.index_cast %scan3A_102 : i32 to index
          %get3A_568 = arith.constant 928 : index
          %get3A_569 = tpu.vector_load %arg8[%get3A_567, %get3A_568] {strides = array<i32>} : memref<16x1024xf32, #tpu.memory_space<vmem>>, vector<16xf32>,
          %mul3A_570 = arith.mulf %get3A_566, %get3A_569 : vector<16xf32>
          %add3A_571 = arith.addf %add3A_539, %mul3A_570 : vector<16xf32>
          %get3A_572 = arith.index_cast %scan3A_102 : i32 to index
          %get3A_573 = arith.constant 944 : index
          %get3A_574 = tpu.vector_load %arg6[%get3A_572, %get3A_573] {strides = array<i32>} : memref<16x1024xf32, #tpu.memory_space<vmem>>, vector<16xf32>,
          %get3A_575 = arith.index_cast %scan3A_102 : i32 to index
          %get3A_576 = arith.constant 944 : index
          %get3A_577 = tpu.vector_load %arg8[%get3A_575, %get3A_576] {strides = array<i32>} : memref<16x1024xf32, #tpu.memory_space<vmem>>, vector<16xf32>,
          %mul3A_578 = arith.mulf %get3A_574, %get3A_577 : vector<16xf32>
          %add3A_579 = arith.addf %add3A_547, %mul3A_578 : vector<16xf32>
          %get3A_580 = arith.index_cast %scan3A_102 : i32 to index
          %get3A_581 = arith.constant 960 : index
          %get3A_582 = tpu.vector_load %arg6[%get3A_580, %get3A_581] {strides = array<i32>} : memref<16x1024xf32, #tpu.memory_space<vmem>>, vector<16xf32>,
          %get3A_583 = arith.index_cast %scan3A_102 : i32 to index
          %get3A_584 = arith.constant 960 : index
          %get3A_585 = tpu.vector_load %arg8[%get3A_583, %get3A_584] {strides = array<i32>} : memref<16x1024xf32, #tpu.memory_space<vmem>>, vector<16xf32>,
          %mul3A_586 = arith.mulf %get3A_582, %get3A_585 : vector<16xf32>
          %add3A_587 = arith.addf %add3A_555, %mul3A_586 : vector<16xf32>
          %get3A_588 = arith.index_cast %scan3A_102 : i32 to index
          %get3A_589 = arith.constant 976 : index
          %get3A_590 = tpu.vector_load %arg6[%get3A_588, %get3A_589] {strides = array<i32>} : memref<16x1024xf32, #tpu.memory_space<vmem>>, vector<16xf32>,
          %get3A_591 = arith.index_cast %scan3A_102 : i32 to index
          %get3A_592 = arith.constant 976 : index
          %get3A_593 = tpu.vector_load %arg8[%get3A_591, %get3A_592] {strides = array<i32>} : memref<16x1024xf32, #tpu.memory_space<vmem>>, vector<16xf32>,
          %mul3A_594 = arith.mulf %get3A_590, %get3A_593 : vector<16xf32>
          %add3A_595 = arith.addf %add3A_563, %mul3A_594 : vector<16xf32>
          %get3A_596 = arith.index_cast %scan3A_102 : i32 to index
          %get3A_597 = arith.constant 992 : index
          %get3A_598 = tpu.vector_load %arg6[%get3A_596, %get3A_597] {strides = array<i32>} : memref<16x1024xf32, #tpu.memory_space<vmem>>, vector<16xf32>,
          %get3A_599 = arith.index_cast %scan3A_102 : i32 to index
          %get3A_600 = arith.constant 992 : index
          %get3A_601 = tpu.vector_load %arg8[%get3A_599, %get3A_600] {strides = array<i32>} : memref<16x1024xf32, #tpu.memory_space<vmem>>, vector<16xf32>,
          %mul3A_602 = arith.mulf %get3A_598, %get3A_601 : vector<16xf32>
          %add3A_603 = arith.addf %add3A_571, %mul3A_602 : vector<16xf32>
          %get3A_604 = arith.index_cast %scan3A_102 : i32 to index
          %get3A_605 = arith.constant 1008 : index
          %get3A_606 = tpu.vector_load %arg6[%get3A_604, %get3A_605] {strides = array<i32>} : memref<16x1024xf32, #tpu.memory_space<vmem>>, vector<16xf32>,
          %get3A_607 = arith.index_cast %scan3A_102 : i32 to index
          %get3A_608 = arith.constant 1008 : index
          %get3A_609 = tpu.vector_load %arg8[%get3A_607, %get3A_608] {strides = array<i32>} : memref<16x1024xf32, #tpu.memory_space<vmem>>, vector<16xf32>,
          %mul3A_610 = arith.mulf %get3A_606, %get3A_609 : vector<16xf32>
          %add3A_611 = arith.addf %add3A_579, %mul3A_610 : vector<16xf32>
          %add3A_612 = arith.addf %add3A_587, %add3A_595 : vector<16xf32>
          %add3A_613 = arith.addf %add3A_603, %add3A_611 : vector<16xf32>
          %add3A_614 = arith.addf %add3A_612, %add3A_613 : vector<16xf32>
          %eq3A = vector.broadcast %scan3A_102 : i32 to vector<16xi32>
          %eq3A_615 = arith.cmpi eq, %iota3A, %eq3A : vector<16xi32>
          %reduce_sum3A = arith.constant true
          %reduce_sum3A_616 = vector.broadcast %reduce_sum3A : i1 to vector<16xi1>
          %reduce_sum3A_617 = tpu.scan <sum>, %add3A_614 masked %reduce_sum3A_616 : vector<16xf32>, vector<16xi1> -> vector<16xf32>
          %reduce_sum3A_618 = vector.extract %reduce_sum3A_617[15] : f32 from vector<16xf32>
          %broadcast_in_dim3A_619 = vector.broadcast %reduce_sum3A_618 : f32 to vector<16xf32>
          %select_n3A = arith.select %eq3A_615, %broadcast_in_dim3A_619, %scan3A_103 : vector<16xi1>, vector<16xf32>
          scf.yield %select_n3A : vector<16xf32>
        }
        %scan3A_75 = arith.constant 16 : i32
        %swap3A_76 = arith.constant 0 : index
        %swap3A_77 = tpu.vector_load %arg11[%swap3A_76] {strides = array<i32>} : memref<16xf32, #tpu.memory_space<vmem>>, vector<16xf32>,
        tpu.vector_store %arg11[%swap3A_76], %scan3A_74 {strides = array<i32>} : memref<16xf32, #tpu.memory_space<vmem>>, vector<16xf32>,
        %dma_wait3A_78 = arith.constant 0 : i32
        %dma_wait3A_79 = arith.constant 0 : i32
        %dma_wait3A_80 = tpu.memref_slice %arg4[%dma_wait3A_78, %dma_wait3A_79] : memref<16383x1024xf32, #tpu.memory_space<hbm>> -> memref<16383x1024xf32, #tpu.memory_space<hbm>>
        tpu.wait_indirect_dma semaphore(%arg13 : memref<!tpu.dma_semaphore, #tpu.memory_space<semaphore_mem>>) src(%dma_wait3A_80 : memref<16383x1024xf32, #tpu.memory_space<hbm>>) dst(%arg9 : memref<16x1024xf32, #tpu.memory_space<vmem>>)
        %scan3A_81 = arith.constant 0 : i32
        %scan3A_82 = arith.constant 0 : i32
        %scan3A_83 = arith.constant 16 : i32
        %scan3A_84 = arith.addi %scan3A_82, %scan3A_83 : i32
        %scan3A_85 = arith.constant 1 : i32
        scf.for %scan3A_102 = %scan3A_82 to %scan3A_84 step %scan3A_85  : i32 {
          %eq3A = vector.broadcast %scan3A_102 : i32 to vector<16xi32>
          %eq3A_103 = arith.cmpi eq, %iota3A, %eq3A : vector<16xi32>
          %get3A_104 = arith.constant 0 : index
          %get3A_105 = tpu.vector_load %arg11[%get3A_104] {strides = array<i32>} : memref<16xf32, #tpu.memory_space<vmem>>, vector<16xf32>,
          %jit3A = arith.constant 0.000000e+00 : f32
          %broadcast_in_dim3A_106 = vector.broadcast %jit3A : f32 to vector<16xf32>
          %select_n3A = arith.select %eq3A_103, %get3A_105, %broadcast_in_dim3A_106 : vector<16xi1>, vector<16xf32>
          %reduce_sum3A = arith.constant true
          %reduce_sum3A_107 = vector.broadcast %reduce_sum3A : i1 to vector<16xi1>
          %reduce_sum3A_108 = tpu.scan <sum>, %select_n3A masked %reduce_sum3A_107 : vector<16xf32>, vector<16xi1> -> vector<16xf32>
          %reduce_sum3A_109 = vector.extract %reduce_sum3A_108[15] : f32 from vector<16xf32>
          %get3A_110 = arith.index_cast %scan3A_102 : i32 to index
          %get3A_111 = arith.constant 0 : index
          %get3A_112 = tpu.vector_load %arg7[%get3A_110, %get3A_111] {strides = array<i32>} : memref<16x1024xf32, #tpu.memory_space<vmem>>, vector<16xf32>,
          %get3A_113 = arith.index_cast %scan3A_102 : i32 to index
          %get3A_114 = arith.constant 0 : index
          %get3A_115 = tpu.vector_load %arg9[%get3A_113, %get3A_114] {strides = array<i32>} : memref<16x1024xf32, #tpu.memory_space<vmem>>, vector<16xf32>,
          %mul3A_116 = vector.broadcast %reduce_sum3A_109 : f32 to vector<16xf32>
          %mul3A_117 = arith.mulf %mul3A_116, %get3A_115 : vector<16xf32>
          %add3A_118 = arith.addf %get3A_112, %mul3A_117 : vector<16xf32>
          %swap3A_119 = arith.index_cast %scan3A_102 : i32 to index
          %swap3A_120 = arith.constant 0 : index
          %swap3A_121 = tpu.vector_load %arg7[%swap3A_119, %swap3A_120] {strides = array<i32>} : memref<16x1024xf32, #tpu.memory_space<vmem>>, vector<16xf32>,
          tpu.vector_store %arg7[%swap3A_119, %swap3A_120], %add3A_118 {strides = array<i32>} : memref<16x1024xf32, #tpu.memory_space<vmem>>, vector<16xf32>,
          %get3A_122 = arith.index_cast %scan3A_102 : i32 to index
          %get3A_123 = arith.constant 16 : index
          %get3A_124 = tpu.vector_load %arg7[%get3A_122, %get3A_123] {strides = array<i32>} : memref<16x1024xf32, #tpu.memory_space<vmem>>, vector<16xf32>,
          %get3A_125 = arith.index_cast %scan3A_102 : i32 to index
          %get3A_126 = arith.constant 16 : index
          %get3A_127 = tpu.vector_load %arg9[%get3A_125, %get3A_126] {strides = array<i32>} : memref<16x1024xf32, #tpu.memory_space<vmem>>, vector<16xf32>,
          %mul3A_128 = vector.broadcast %reduce_sum3A_109 : f32 to vector<16xf32>
          %mul3A_129 = arith.mulf %mul3A_128, %get3A_127 : vector<16xf32>
          %add3A_130 = arith.addf %get3A_124, %mul3A_129 : vector<16xf32>
          %swap3A_131 = arith.index_cast %scan3A_102 : i32 to index
          %swap3A_132 = arith.constant 16 : index
          %swap3A_133 = tpu.vector_load %arg7[%swap3A_131, %swap3A_132] {strides = array<i32>} : memref<16x1024xf32, #tpu.memory_space<vmem>>, vector<16xf32>,
          tpu.vector_store %arg7[%swap3A_131, %swap3A_132], %add3A_130 {strides = array<i32>} : memref<16x1024xf32, #tpu.memory_space<vmem>>, vector<16xf32>,
          %get3A_134 = arith.index_cast %scan3A_102 : i32 to index
          %get3A_135 = arith.constant 32 : index
          %get3A_136 = tpu.vector_load %arg7[%get3A_134, %get3A_135] {strides = array<i32>} : memref<16x1024xf32, #tpu.memory_space<vmem>>, vector<16xf32>,
          %get3A_137 = arith.index_cast %scan3A_102 : i32 to index
          %get3A_138 = arith.constant 32 : index
          %get3A_139 = tpu.vector_load %arg9[%get3A_137, %get3A_138] {strides = array<i32>} : memref<16x1024xf32, #tpu.memory_space<vmem>>, vector<16xf32>,
          %mul3A_140 = vector.broadcast %reduce_sum3A_109 : f32 to vector<16xf32>
          %mul3A_141 = arith.mulf %mul3A_140, %get3A_139 : vector<16xf32>
          %add3A_142 = arith.addf %get3A_136, %mul3A_141 : vector<16xf32>
          %swap3A_143 = arith.index_cast %scan3A_102 : i32 to index
          %swap3A_144 = arith.constant 32 : index
          %swap3A_145 = tpu.vector_load %arg7[%swap3A_143, %swap3A_144] {strides = array<i32>} : memref<16x1024xf32, #tpu.memory_space<vmem>>, vector<16xf32>,
          tpu.vector_store %arg7[%swap3A_143, %swap3A_144], %add3A_142 {strides = array<i32>} : memref<16x1024xf32, #tpu.memory_space<vmem>>, vector<16xf32>,
          %get3A_146 = arith.index_cast %scan3A_102 : i32 to index
          %get3A_147 = arith.constant 48 : index
          %get3A_148 = tpu.vector_load %arg7[%get3A_146, %get3A_147] {strides = array<i32>} : memref<16x1024xf32, #tpu.memory_space<vmem>>, vector<16xf32>,
          %get3A_149 = arith.index_cast %scan3A_102 : i32 to index
          %get3A_150 = arith.constant 48 : index
          %get3A_151 = tpu.vector_load %arg9[%get3A_149, %get3A_150] {strides = array<i32>} : memref<16x1024xf32, #tpu.memory_space<vmem>>, vector<16xf32>,
          %mul3A_152 = vector.broadcast %reduce_sum3A_109 : f32 to vector<16xf32>
          %mul3A_153 = arith.mulf %mul3A_152, %get3A_151 : vector<16xf32>
          %add3A_154 = arith.addf %get3A_148, %mul3A_153 : vector<16xf32>
          %swap3A_155 = arith.index_cast %scan3A_102 : i32 to index
          %swap3A_156 = arith.constant 48 : index
          %swap3A_157 = tpu.vector_load %arg7[%swap3A_155, %swap3A_156] {strides = array<i32>} : memref<16x1024xf32, #tpu.memory_space<vmem>>, vector<16xf32>,
          tpu.vector_store %arg7[%swap3A_155, %swap3A_156], %add3A_154 {strides = array<i32>} : memref<16x1024xf32, #tpu.memory_space<vmem>>, vector<16xf32>,
          %get3A_158 = arith.index_cast %scan3A_102 : i32 to index
          %get3A_159 = arith.constant 64 : index
          %get3A_160 = tpu.vector_load %arg7[%get3A_158, %get3A_159] {strides = array<i32>} : memref<16x1024xf32, #tpu.memory_space<vmem>>, vector<16xf32>,
          %get3A_161 = arith.index_cast %scan3A_102 : i32 to index
          %get3A_162 = arith.constant 64 : index
          %get3A_163 = tpu.vector_load %arg9[%get3A_161, %get3A_162] {strides = array<i32>} : memref<16x1024xf32, #tpu.memory_space<vmem>>, vector<16xf32>,
          %mul3A_164 = vector.broadcast %reduce_sum3A_109 : f32 to vector<16xf32>
          %mul3A_165 = arith.mulf %mul3A_164, %get3A_163 : vector<16xf32>
          %add3A_166 = arith.addf %get3A_160, %mul3A_165 : vector<16xf32>
          %swap3A_167 = arith.index_cast %scan3A_102 : i32 to index
          %swap3A_168 = arith.constant 64 : index
          %swap3A_169 = tpu.vector_load %arg7[%swap3A_167, %swap3A_168] {strides = array<i32>} : memref<16x1024xf32, #tpu.memory_space<vmem>>, vector<16xf32>,
          tpu.vector_store %arg7[%swap3A_167, %swap3A_168], %add3A_166 {strides = array<i32>} : memref<16x1024xf32, #tpu.memory_space<vmem>>, vector<16xf32>,
          %get3A_170 = arith.index_cast %scan3A_102 : i32 to index
          %get3A_171 = arith.constant 80 : index
          %get3A_172 = tpu.vector_load %arg7[%get3A_170, %get3A_171] {strides = array<i32>} : memref<16x1024xf32, #tpu.memory_space<vmem>>, vector<16xf32>,
          %get3A_173 = arith.index_cast %scan3A_102 : i32 to index
          %get3A_174 = arith.constant 80 : index
          %get3A_175 = tpu.vector_load %arg9[%get3A_173, %get3A_174] {strides = array<i32>} : memref<16x1024xf32, #tpu.memory_space<vmem>>, vector<16xf32>,
          %mul3A_176 = vector.broadcast %reduce_sum3A_109 : f32 to vector<16xf32>
          %mul3A_177 = arith.mulf %mul3A_176, %get3A_175 : vector<16xf32>
          %add3A_178 = arith.addf %get3A_172, %mul3A_177 : vector<16xf32>
          %swap3A_179 = arith.index_cast %scan3A_102 : i32 to index
          %swap3A_180 = arith.constant 80 : index
          %swap3A_181 = tpu.vector_load %arg7[%swap3A_179, %swap3A_180] {strides = array<i32>} : memref<16x1024xf32, #tpu.memory_space<vmem>>, vector<16xf32>,
          tpu.vector_store %arg7[%swap3A_179, %swap3A_180], %add3A_178 {strides = array<i32>} : memref<16x1024xf32, #tpu.memory_space<vmem>>, vector<16xf32>,
          %get3A_182 = arith.index_cast %scan3A_102 : i32 to index
          %get3A_183 = arith.constant 96 : index
          %get3A_184 = tpu.vector_load %arg7[%get3A_182, %get3A_183] {strides = array<i32>} : memref<16x1024xf32, #tpu.memory_space<vmem>>, vector<16xf32>,
          %get3A_185 = arith.index_cast %scan3A_102 : i32 to index
          %get3A_186 = arith.constant 96 : index
          %get3A_187 = tpu.vector_load %arg9[%get3A_185, %get3A_186] {strides = array<i32>} : memref<16x1024xf32, #tpu.memory_space<vmem>>, vector<16xf32>,
          %mul3A_188 = vector.broadcast %reduce_sum3A_109 : f32 to vector<16xf32>
          %mul3A_189 = arith.mulf %mul3A_188, %get3A_187 : vector<16xf32>
          %add3A_190 = arith.addf %get3A_184, %mul3A_189 : vector<16xf32>
          %swap3A_191 = arith.index_cast %scan3A_102 : i32 to index
          %swap3A_192 = arith.constant 96 : index
          %swap3A_193 = tpu.vector_load %arg7[%swap3A_191, %swap3A_192] {strides = array<i32>} : memref<16x1024xf32, #tpu.memory_space<vmem>>, vector<16xf32>,
          tpu.vector_store %arg7[%swap3A_191, %swap3A_192], %add3A_190 {strides = array<i32>} : memref<16x1024xf32, #tpu.memory_space<vmem>>, vector<16xf32>,
          %get3A_194 = arith.index_cast %scan3A_102 : i32 to index
          %get3A_195 = arith.constant 112 : index
          %get3A_196 = tpu.vector_load %arg7[%get3A_194, %get3A_195] {strides = array<i32>} : memref<16x1024xf32, #tpu.memory_space<vmem>>, vector<16xf32>,
          %get3A_197 = arith.index_cast %scan3A_102 : i32 to index
          %get3A_198 = arith.constant 112 : index
          %get3A_199 = tpu.vector_load %arg9[%get3A_197, %get3A_198] {strides = array<i32>} : memref<16x1024xf32, #tpu.memory_space<vmem>>, vector<16xf32>,
          %mul3A_200 = vector.broadcast %reduce_sum3A_109 : f32 to vector<16xf32>
          %mul3A_201 = arith.mulf %mul3A_200, %get3A_199 : vector<16xf32>
          %add3A_202 = arith.addf %get3A_196, %mul3A_201 : vector<16xf32>
          %swap3A_203 = arith.index_cast %scan3A_102 : i32 to index
          %swap3A_204 = arith.constant 112 : index
          %swap3A_205 = tpu.vector_load %arg7[%swap3A_203, %swap3A_204] {strides = array<i32>} : memref<16x1024xf32, #tpu.memory_space<vmem>>, vector<16xf32>,
          tpu.vector_store %arg7[%swap3A_203, %swap3A_204], %add3A_202 {strides = array<i32>} : memref<16x1024xf32, #tpu.memory_space<vmem>>, vector<16xf32>,
          %get3A_206 = arith.index_cast %scan3A_102 : i32 to index
          %get3A_207 = arith.constant 128 : index
          %get3A_208 = tpu.vector_load %arg7[%get3A_206, %get3A_207] {strides = array<i32>} : memref<16x1024xf32, #tpu.memory_space<vmem>>, vector<16xf32>,
          %get3A_209 = arith.index_cast %scan3A_102 : i32 to index
          %get3A_210 = arith.constant 128 : index
          %get3A_211 = tpu.vector_load %arg9[%get3A_209, %get3A_210] {strides = array<i32>} : memref<16x1024xf32, #tpu.memory_space<vmem>>, vector<16xf32>,
          %mul3A_212 = vector.broadcast %reduce_sum3A_109 : f32 to vector<16xf32>
          %mul3A_213 = arith.mulf %mul3A_212, %get3A_211 : vector<16xf32>
          %add3A_214 = arith.addf %get3A_208, %mul3A_213 : vector<16xf32>
          %swap3A_215 = arith.index_cast %scan3A_102 : i32 to index
          %swap3A_216 = arith.constant 128 : index
          %swap3A_217 = tpu.vector_load %arg7[%swap3A_215, %swap3A_216] {strides = array<i32>} : memref<16x1024xf32, #tpu.memory_space<vmem>>, vector<16xf32>,
          tpu.vector_store %arg7[%swap3A_215, %swap3A_216], %add3A_214 {strides = array<i32>} : memref<16x1024xf32, #tpu.memory_space<vmem>>, vector<16xf32>,
          %get3A_218 = arith.index_cast %scan3A_102 : i32 to index
          %get3A_219 = arith.constant 144 : index
          %get3A_220 = tpu.vector_load %arg7[%get3A_218, %get3A_219] {strides = array<i32>} : memref<16x1024xf32, #tpu.memory_space<vmem>>, vector<16xf32>,
          %get3A_221 = arith.index_cast %scan3A_102 : i32 to index
          %get3A_222 = arith.constant 144 : index
          %get3A_223 = tpu.vector_load %arg9[%get3A_221, %get3A_222] {strides = array<i32>} : memref<16x1024xf32, #tpu.memory_space<vmem>>, vector<16xf32>,
          %mul3A_224 = vector.broadcast %reduce_sum3A_109 : f32 to vector<16xf32>
          %mul3A_225 = arith.mulf %mul3A_224, %get3A_223 : vector<16xf32>
          %add3A_226 = arith.addf %get3A_220, %mul3A_225 : vector<16xf32>
          %swap3A_227 = arith.index_cast %scan3A_102 : i32 to index
          %swap3A_228 = arith.constant 144 : index
          %swap3A_229 = tpu.vector_load %arg7[%swap3A_227, %swap3A_228] {strides = array<i32>} : memref<16x1024xf32, #tpu.memory_space<vmem>>, vector<16xf32>,
          tpu.vector_store %arg7[%swap3A_227, %swap3A_228], %add3A_226 {strides = array<i32>} : memref<16x1024xf32, #tpu.memory_space<vmem>>, vector<16xf32>,
          %get3A_230 = arith.index_cast %scan3A_102 : i32 to index
          %get3A_231 = arith.constant 160 : index
          %get3A_232 = tpu.vector_load %arg7[%get3A_230, %get3A_231] {strides = array<i32>} : memref<16x1024xf32, #tpu.memory_space<vmem>>, vector<16xf32>,
          %get3A_233 = arith.index_cast %scan3A_102 : i32 to index
          %get3A_234 = arith.constant 160 : index
          %get3A_235 = tpu.vector_load %arg9[%get3A_233, %get3A_234] {strides = array<i32>} : memref<16x1024xf32, #tpu.memory_space<vmem>>, vector<16xf32>,
          %mul3A_236 = vector.broadcast %reduce_sum3A_109 : f32 to vector<16xf32>
          %mul3A_237 = arith.mulf %mul3A_236, %get3A_235 : vector<16xf32>
          %add3A_238 = arith.addf %get3A_232, %mul3A_237 : vector<16xf32>
          %swap3A_239 = arith.index_cast %scan3A_102 : i32 to index
          %swap3A_240 = arith.constant 160 : index
          %swap3A_241 = tpu.vector_load %arg7[%swap3A_239, %swap3A_240] {strides = array<i32>} : memref<16x1024xf32, #tpu.memory_space<vmem>>, vector<16xf32>,
          tpu.vector_store %arg7[%swap3A_239, %swap3A_240], %add3A_238 {strides = array<i32>} : memref<16x1024xf32, #tpu.memory_space<vmem>>, vector<16xf32>,
          %get3A_242 = arith.index_cast %scan3A_102 : i32 to index
          %get3A_243 = arith.constant 176 : index
          %get3A_244 = tpu.vector_load %arg7[%get3A_242, %get3A_243] {strides = array<i32>} : memref<16x1024xf32, #tpu.memory_space<vmem>>, vector<16xf32>,
          %get3A_245 = arith.index_cast %scan3A_102 : i32 to index
          %get3A_246 = arith.constant 176 : index
          %get3A_247 = tpu.vector_load %arg9[%get3A_245, %get3A_246] {strides = array<i32>} : memref<16x1024xf32, #tpu.memory_space<vmem>>, vector<16xf32>,
          %mul3A_248 = vector.broadcast %reduce_sum3A_109 : f32 to vector<16xf32>
          %mul3A_249 = arith.mulf %mul3A_248, %get3A_247 : vector<16xf32>
          %add3A_250 = arith.addf %get3A_244, %mul3A_249 : vector<16xf32>
          %swap3A_251 = arith.index_cast %scan3A_102 : i32 to index
          %swap3A_252 = arith.constant 176 : index
          %swap3A_253 = tpu.vector_load %arg7[%swap3A_251, %swap3A_252] {strides = array<i32>} : memref<16x1024xf32, #tpu.memory_space<vmem>>, vector<16xf32>,
          tpu.vector_store %arg7[%swap3A_251, %swap3A_252], %add3A_250 {strides = array<i32>} : memref<16x1024xf32, #tpu.memory_space<vmem>>, vector<16xf32>,
          %get3A_254 = arith.index_cast %scan3A_102 : i32 to index
          %get3A_255 = arith.constant 192 : index
          %get3A_256 = tpu.vector_load %arg7[%get3A_254, %get3A_255] {strides = array<i32>} : memref<16x1024xf32, #tpu.memory_space<vmem>>, vector<16xf32>,
          %get3A_257 = arith.index_cast %scan3A_102 : i32 to index
          %get3A_258 = arith.constant 192 : index
          %get3A_259 = tpu.vector_load %arg9[%get3A_257, %get3A_258] {strides = array<i32>} : memref<16x1024xf32, #tpu.memory_space<vmem>>, vector<16xf32>,
          %mul3A_260 = vector.broadcast %reduce_sum3A_109 : f32 to vector<16xf32>
          %mul3A_261 = arith.mulf %mul3A_260, %get3A_259 : vector<16xf32>
          %add3A_262 = arith.addf %get3A_256, %mul3A_261 : vector<16xf32>
          %swap3A_263 = arith.index_cast %scan3A_102 : i32 to index
          %swap3A_264 = arith.constant 192 : index
          %swap3A_265 = tpu.vector_load %arg7[%swap3A_263, %swap3A_264] {strides = array<i32>} : memref<16x1024xf32, #tpu.memory_space<vmem>>, vector<16xf32>,
          tpu.vector_store %arg7[%swap3A_263, %swap3A_264], %add3A_262 {strides = array<i32>} : memref<16x1024xf32, #tpu.memory_space<vmem>>, vector<16xf32>,
          %get3A_266 = arith.index_cast %scan3A_102 : i32 to index
          %get3A_267 = arith.constant 208 : index
          %get3A_268 = tpu.vector_load %arg7[%get3A_266, %get3A_267] {strides = array<i32>} : memref<16x1024xf32, #tpu.memory_space<vmem>>, vector<16xf32>,
          %get3A_269 = arith.index_cast %scan3A_102 : i32 to index
          %get3A_270 = arith.constant 208 : index
          %get3A_271 = tpu.vector_load %arg9[%get3A_269, %get3A_270] {strides = array<i32>} : memref<16x1024xf32, #tpu.memory_space<vmem>>, vector<16xf32>,
          %mul3A_272 = vector.broadcast %reduce_sum3A_109 : f32 to vector<16xf32>
          %mul3A_273 = arith.mulf %mul3A_272, %get3A_271 : vector<16xf32>
          %add3A_274 = arith.addf %get3A_268, %mul3A_273 : vector<16xf32>
          %swap3A_275 = arith.index_cast %scan3A_102 : i32 to index
          %swap3A_276 = arith.constant 208 : index
          %swap3A_277 = tpu.vector_load %arg7[%swap3A_275, %swap3A_276] {strides = array<i32>} : memref<16x1024xf32, #tpu.memory_space<vmem>>, vector<16xf32>,
          tpu.vector_store %arg7[%swap3A_275, %swap3A_276], %add3A_274 {strides = array<i32>} : memref<16x1024xf32, #tpu.memory_space<vmem>>, vector<16xf32>,
          %get3A_278 = arith.index_cast %scan3A_102 : i32 to index
          %get3A_279 = arith.constant 224 : index
          %get3A_280 = tpu.vector_load %arg7[%get3A_278, %get3A_279] {strides = array<i32>} : memref<16x1024xf32, #tpu.memory_space<vmem>>, vector<16xf32>,
          %get3A_281 = arith.index_cast %scan3A_102 : i32 to index
          %get3A_282 = arith.constant 224 : index
          %get3A_283 = tpu.vector_load %arg9[%get3A_281, %get3A_282] {strides = array<i32>} : memref<16x1024xf32, #tpu.memory_space<vmem>>, vector<16xf32>,
          %mul3A_284 = vector.broadcast %reduce_sum3A_109 : f32 to vector<16xf32>
          %mul3A_285 = arith.mulf %mul3A_284, %get3A_283 : vector<16xf32>
          %add3A_286 = arith.addf %get3A_280, %mul3A_285 : vector<16xf32>
          %swap3A_287 = arith.index_cast %scan3A_102 : i32 to index
          %swap3A_288 = arith.constant 224 : index
          %swap3A_289 = tpu.vector_load %arg7[%swap3A_287, %swap3A_288] {strides = array<i32>} : memref<16x1024xf32, #tpu.memory_space<vmem>>, vector<16xf32>,
          tpu.vector_store %arg7[%swap3A_287, %swap3A_288], %add3A_286 {strides = array<i32>} : memref<16x1024xf32, #tpu.memory_space<vmem>>, vector<16xf32>,
          %get3A_290 = arith.index_cast %scan3A_102 : i32 to index
          %get3A_291 = arith.constant 240 : index
          %get3A_292 = tpu.vector_load %arg7[%get3A_290, %get3A_291] {strides = array<i32>} : memref<16x1024xf32, #tpu.memory_space<vmem>>, vector<16xf32>,
          %get3A_293 = arith.index_cast %scan3A_102 : i32 to index
          %get3A_294 = arith.constant 240 : index
          %get3A_295 = tpu.vector_load %arg9[%get3A_293, %get3A_294] {strides = array<i32>} : memref<16x1024xf32, #tpu.memory_space<vmem>>, vector<16xf32>,
          %mul3A_296 = vector.broadcast %reduce_sum3A_109 : f32 to vector<16xf32>
          %mul3A_297 = arith.mulf %mul3A_296, %get3A_295 : vector<16xf32>
          %add3A_298 = arith.addf %get3A_292, %mul3A_297 : vector<16xf32>
          %swap3A_299 = arith.index_cast %scan3A_102 : i32 to index
          %swap3A_300 = arith.constant 240 : index
          %swap3A_301 = tpu.vector_load %arg7[%swap3A_299, %swap3A_300] {strides = array<i32>} : memref<16x1024xf32, #tpu.memory_space<vmem>>, vector<16xf32>,
          tpu.vector_store %arg7[%swap3A_299, %swap3A_300], %add3A_298 {strides = array<i32>} : memref<16x1024xf32, #tpu.memory_space<vmem>>, vector<16xf32>,
          %get3A_302 = arith.index_cast %scan3A_102 : i32 to index
          %get3A_303 = arith.constant 256 : index
          %get3A_304 = tpu.vector_load %arg7[%get3A_302, %get3A_303] {strides = array<i32>} : memref<16x1024xf32, #tpu.memory_space<vmem>>, vector<16xf32>,
          %get3A_305 = arith.index_cast %scan3A_102 : i32 to index
          %get3A_306 = arith.constant 256 : index
          %get3A_307 = tpu.vector_load %arg9[%get3A_305, %get3A_306] {strides = array<i32>} : memref<16x1024xf32, #tpu.memory_space<vmem>>, vector<16xf32>,
          %mul3A_308 = vector.broadcast %reduce_sum3A_109 : f32 to vector<16xf32>
          %mul3A_309 = arith.mulf %mul3A_308, %get3A_307 : vector<16xf32>
          %add3A_310 = arith.addf %get3A_304, %mul3A_309 : vector<16xf32>
          %swap3A_311 = arith.index_cast %scan3A_102 : i32 to index
          %swap3A_312 = arith.constant 256 : index
          %swap3A_313 = tpu.vector_load %arg7[%swap3A_311, %swap3A_312] {strides = array<i32>} : memref<16x1024xf32, #tpu.memory_space<vmem>>, vector<16xf32>,
          tpu.vector_store %arg7[%swap3A_311, %swap3A_312], %add3A_310 {strides = array<i32>} : memref<16x1024xf32, #tpu.memory_space<vmem>>, vector<16xf32>,
          %get3A_314 = arith.index_cast %scan3A_102 : i32 to index
          %get3A_315 = arith.constant 272 : index
          %get3A_316 = tpu.vector_load %arg7[%get3A_314, %get3A_315] {strides = array<i32>} : memref<16x1024xf32, #tpu.memory_space<vmem>>, vector<16xf32>,
          %get3A_317 = arith.index_cast %scan3A_102 : i32 to index
          %get3A_318 = arith.constant 272 : index
          %get3A_319 = tpu.vector_load %arg9[%get3A_317, %get3A_318] {strides = array<i32>} : memref<16x1024xf32, #tpu.memory_space<vmem>>, vector<16xf32>,
          %mul3A_320 = vector.broadcast %reduce_sum3A_109 : f32 to vector<16xf32>
          %mul3A_321 = arith.mulf %mul3A_320, %get3A_319 : vector<16xf32>
          %add3A_322 = arith.addf %get3A_316, %mul3A_321 : vector<16xf32>
          %swap3A_323 = arith.index_cast %scan3A_102 : i32 to index
          %swap3A_324 = arith.constant 272 : index
          %swap3A_325 = tpu.vector_load %arg7[%swap3A_323, %swap3A_324] {strides = array<i32>} : memref<16x1024xf32, #tpu.memory_space<vmem>>, vector<16xf32>,
          tpu.vector_store %arg7[%swap3A_323, %swap3A_324], %add3A_322 {strides = array<i32>} : memref<16x1024xf32, #tpu.memory_space<vmem>>, vector<16xf32>,
          %get3A_326 = arith.index_cast %scan3A_102 : i32 to index
          %get3A_327 = arith.constant 288 : index
          %get3A_328 = tpu.vector_load %arg7[%get3A_326, %get3A_327] {strides = array<i32>} : memref<16x1024xf32, #tpu.memory_space<vmem>>, vector<16xf32>,
          %get3A_329 = arith.index_cast %scan3A_102 : i32 to index
          %get3A_330 = arith.constant 288 : index
          %get3A_331 = tpu.vector_load %arg9[%get3A_329, %get3A_330] {strides = array<i32>} : memref<16x1024xf32, #tpu.memory_space<vmem>>, vector<16xf32>,
          %mul3A_332 = vector.broadcast %reduce_sum3A_109 : f32 to vector<16xf32>
          %mul3A_333 = arith.mulf %mul3A_332, %get3A_331 : vector<16xf32>
          %add3A_334 = arith.addf %get3A_328, %mul3A_333 : vector<16xf32>
          %swap3A_335 = arith.index_cast %scan3A_102 : i32 to index
          %swap3A_336 = arith.constant 288 : index
          %swap3A_337 = tpu.vector_load %arg7[%swap3A_335, %swap3A_336] {strides = array<i32>} : memref<16x1024xf32, #tpu.memory_space<vmem>>, vector<16xf32>,
          tpu.vector_store %arg7[%swap3A_335, %swap3A_336], %add3A_334 {strides = array<i32>} : memref<16x1024xf32, #tpu.memory_space<vmem>>, vector<16xf32>,
          %get3A_338 = arith.index_cast %scan3A_102 : i32 to index
          %get3A_339 = arith.constant 304 : index
          %get3A_340 = tpu.vector_load %arg7[%get3A_338, %get3A_339] {strides = array<i32>} : memref<16x1024xf32, #tpu.memory_space<vmem>>, vector<16xf32>,
          %get3A_341 = arith.index_cast %scan3A_102 : i32 to index
          %get3A_342 = arith.constant 304 : index
          %get3A_343 = tpu.vector_load %arg9[%get3A_341, %get3A_342] {strides = array<i32>} : memref<16x1024xf32, #tpu.memory_space<vmem>>, vector<16xf32>,
          %mul3A_344 = vector.broadcast %reduce_sum3A_109 : f32 to vector<16xf32>
          %mul3A_345 = arith.mulf %mul3A_344, %get3A_343 : vector<16xf32>
          %add3A_346 = arith.addf %get3A_340, %mul3A_345 : vector<16xf32>
          %swap3A_347 = arith.index_cast %scan3A_102 : i32 to index
          %swap3A_348 = arith.constant 304 : index
          %swap3A_349 = tpu.vector_load %arg7[%swap3A_347, %swap3A_348] {strides = array<i32>} : memref<16x1024xf32, #tpu.memory_space<vmem>>, vector<16xf32>,
          tpu.vector_store %arg7[%swap3A_347, %swap3A_348], %add3A_346 {strides = array<i32>} : memref<16x1024xf32, #tpu.memory_space<vmem>>, vector<16xf32>,
          %get3A_350 = arith.index_cast %scan3A_102 : i32 to index
          %get3A_351 = arith.constant 320 : index
          %get3A_352 = tpu.vector_load %arg7[%get3A_350, %get3A_351] {strides = array<i32>} : memref<16x1024xf32, #tpu.memory_space<vmem>>, vector<16xf32>,
          %get3A_353 = arith.index_cast %scan3A_102 : i32 to index
          %get3A_354 = arith.constant 320 : index
          %get3A_355 = tpu.vector_load %arg9[%get3A_353, %get3A_354] {strides = array<i32>} : memref<16x1024xf32, #tpu.memory_space<vmem>>, vector<16xf32>,
          %mul3A_356 = vector.broadcast %reduce_sum3A_109 : f32 to vector<16xf32>
          %mul3A_357 = arith.mulf %mul3A_356, %get3A_355 : vector<16xf32>
          %add3A_358 = arith.addf %get3A_352, %mul3A_357 : vector<16xf32>
          %swap3A_359 = arith.index_cast %scan3A_102 : i32 to index
          %swap3A_360 = arith.constant 320 : index
          %swap3A_361 = tpu.vector_load %arg7[%swap3A_359, %swap3A_360] {strides = array<i32>} : memref<16x1024xf32, #tpu.memory_space<vmem>>, vector<16xf32>,
          tpu.vector_store %arg7[%swap3A_359, %swap3A_360], %add3A_358 {strides = array<i32>} : memref<16x1024xf32, #tpu.memory_space<vmem>>, vector<16xf32>,
          %get3A_362 = arith.index_cast %scan3A_102 : i32 to index
          %get3A_363 = arith.constant 336 : index
          %get3A_364 = tpu.vector_load %arg7[%get3A_362, %get3A_363] {strides = array<i32>} : memref<16x1024xf32, #tpu.memory_space<vmem>>, vector<16xf32>,
          %get3A_365 = arith.index_cast %scan3A_102 : i32 to index
          %get3A_366 = arith.constant 336 : index
          %get3A_367 = tpu.vector_load %arg9[%get3A_365, %get3A_366] {strides = array<i32>} : memref<16x1024xf32, #tpu.memory_space<vmem>>, vector<16xf32>,
          %mul3A_368 = vector.broadcast %reduce_sum3A_109 : f32 to vector<16xf32>
          %mul3A_369 = arith.mulf %mul3A_368, %get3A_367 : vector<16xf32>
          %add3A_370 = arith.addf %get3A_364, %mul3A_369 : vector<16xf32>
          %swap3A_371 = arith.index_cast %scan3A_102 : i32 to index
          %swap3A_372 = arith.constant 336 : index
          %swap3A_373 = tpu.vector_load %arg7[%swap3A_371, %swap3A_372] {strides = array<i32>} : memref<16x1024xf32, #tpu.memory_space<vmem>>, vector<16xf32>,
          tpu.vector_store %arg7[%swap3A_371, %swap3A_372], %add3A_370 {strides = array<i32>} : memref<16x1024xf32, #tpu.memory_space<vmem>>, vector<16xf32>,
          %get3A_374 = arith.index_cast %scan3A_102 : i32 to index
          %get3A_375 = arith.constant 352 : index
          %get3A_376 = tpu.vector_load %arg7[%get3A_374, %get3A_375] {strides = array<i32>} : memref<16x1024xf32, #tpu.memory_space<vmem>>, vector<16xf32>,
          %get3A_377 = arith.index_cast %scan3A_102 : i32 to index
          %get3A_378 = arith.constant 352 : index
          %get3A_379 = tpu.vector_load %arg9[%get3A_377, %get3A_378] {strides = array<i32>} : memref<16x1024xf32, #tpu.memory_space<vmem>>, vector<16xf32>,
          %mul3A_380 = vector.broadcast %reduce_sum3A_109 : f32 to vector<16xf32>
          %mul3A_381 = arith.mulf %mul3A_380, %get3A_379 : vector<16xf32>
          %add3A_382 = arith.addf %get3A_376, %mul3A_381 : vector<16xf32>
          %swap3A_383 = arith.index_cast %scan3A_102 : i32 to index
          %swap3A_384 = arith.constant 352 : index
          %swap3A_385 = tpu.vector_load %arg7[%swap3A_383, %swap3A_384] {strides = array<i32>} : memref<16x1024xf32, #tpu.memory_space<vmem>>, vector<16xf32>,
          tpu.vector_store %arg7[%swap3A_383, %swap3A_384], %add3A_382 {strides = array<i32>} : memref<16x1024xf32, #tpu.memory_space<vmem>>, vector<16xf32>,
          %get3A_386 = arith.index_cast %scan3A_102 : i32 to index
          %get3A_387 = arith.constant 368 : index
          %get3A_388 = tpu.vector_load %arg7[%get3A_386, %get3A_387] {strides = array<i32>} : memref<16x1024xf32, #tpu.memory_space<vmem>>, vector<16xf32>,
          %get3A_389 = arith.index_cast %scan3A_102 : i32 to index
          %get3A_390 = arith.constant 368 : index
          %get3A_391 = tpu.vector_load %arg9[%get3A_389, %get3A_390] {strides = array<i32>} : memref<16x1024xf32, #tpu.memory_space<vmem>>, vector<16xf32>,
          %mul3A_392 = vector.broadcast %reduce_sum3A_109 : f32 to vector<16xf32>
          %mul3A_393 = arith.mulf %mul3A_392, %get3A_391 : vector<16xf32>
          %add3A_394 = arith.addf %get3A_388, %mul3A_393 : vector<16xf32>
          %swap3A_395 = arith.index_cast %scan3A_102 : i32 to index
          %swap3A_396 = arith.constant 368 : index
          %swap3A_397 = tpu.vector_load %arg7[%swap3A_395, %swap3A_396] {strides = array<i32>} : memref<16x1024xf32, #tpu.memory_space<vmem>>, vector<16xf32>,
          tpu.vector_store %arg7[%swap3A_395, %swap3A_396], %add3A_394 {strides = array<i32>} : memref<16x1024xf32, #tpu.memory_space<vmem>>, vector<16xf32>,
          %get3A_398 = arith.index_cast %scan3A_102 : i32 to index
          %get3A_399 = arith.constant 384 : index
          %get3A_400 = tpu.vector_load %arg7[%get3A_398, %get3A_399] {strides = array<i32>} : memref<16x1024xf32, #tpu.memory_space<vmem>>, vector<16xf32>,
          %get3A_401 = arith.index_cast %scan3A_102 : i32 to index
          %get3A_402 = arith.constant 384 : index
          %get3A_403 = tpu.vector_load %arg9[%get3A_401, %get3A_402] {strides = array<i32>} : memref<16x1024xf32, #tpu.memory_space<vmem>>, vector<16xf32>,
          %mul3A_404 = vector.broadcast %reduce_sum3A_109 : f32 to vector<16xf32>
          %mul3A_405 = arith.mulf %mul3A_404, %get3A_403 : vector<16xf32>
          %add3A_406 = arith.addf %get3A_400, %mul3A_405 : vector<16xf32>
          %swap3A_407 = arith.index_cast %scan3A_102 : i32 to index
          %swap3A_408 = arith.constant 384 : index
          %swap3A_409 = tpu.vector_load %arg7[%swap3A_407, %swap3A_408] {strides = array<i32>} : memref<16x1024xf32, #tpu.memory_space<vmem>>, vector<16xf32>,
          tpu.vector_store %arg7[%swap3A_407, %swap3A_408], %add3A_406 {strides = array<i32>} : memref<16x1024xf32, #tpu.memory_space<vmem>>, vector<16xf32>,
          %get3A_410 = arith.index_cast %scan3A_102 : i32 to index
          %get3A_411 = arith.constant 400 : index
          %get3A_412 = tpu.vector_load %arg7[%get3A_410, %get3A_411] {strides = array<i32>} : memref<16x1024xf32, #tpu.memory_space<vmem>>, vector<16xf32>,
          %get3A_413 = arith.index_cast %scan3A_102 : i32 to index
          %get3A_414 = arith.constant 400 : index
          %get3A_415 = tpu.vector_load %arg9[%get3A_413, %get3A_414] {strides = array<i32>} : memref<16x1024xf32, #tpu.memory_space<vmem>>, vector<16xf32>,
          %mul3A_416 = vector.broadcast %reduce_sum3A_109 : f32 to vector<16xf32>
          %mul3A_417 = arith.mulf %mul3A_416, %get3A_415 : vector<16xf32>
          %add3A_418 = arith.addf %get3A_412, %mul3A_417 : vector<16xf32>
          %swap3A_419 = arith.index_cast %scan3A_102 : i32 to index
          %swap3A_420 = arith.constant 400 : index
          %swap3A_421 = tpu.vector_load %arg7[%swap3A_419, %swap3A_420] {strides = array<i32>} : memref<16x1024xf32, #tpu.memory_space<vmem>>, vector<16xf32>,
          tpu.vector_store %arg7[%swap3A_419, %swap3A_420], %add3A_418 {strides = array<i32>} : memref<16x1024xf32, #tpu.memory_space<vmem>>, vector<16xf32>,
          %get3A_422 = arith.index_cast %scan3A_102 : i32 to index
          %get3A_423 = arith.constant 416 : index
          %get3A_424 = tpu.vector_load %arg7[%get3A_422, %get3A_423] {strides = array<i32>} : memref<16x1024xf32, #tpu.memory_space<vmem>>, vector<16xf32>,
          %get3A_425 = arith.index_cast %scan3A_102 : i32 to index
          %get3A_426 = arith.constant 416 : index
          %get3A_427 = tpu.vector_load %arg9[%get3A_425, %get3A_426] {strides = array<i32>} : memref<16x1024xf32, #tpu.memory_space<vmem>>, vector<16xf32>,
          %mul3A_428 = vector.broadcast %reduce_sum3A_109 : f32 to vector<16xf32>
          %mul3A_429 = arith.mulf %mul3A_428, %get3A_427 : vector<16xf32>
          %add3A_430 = arith.addf %get3A_424, %mul3A_429 : vector<16xf32>
          %swap3A_431 = arith.index_cast %scan3A_102 : i32 to index
          %swap3A_432 = arith.constant 416 : index
          %swap3A_433 = tpu.vector_load %arg7[%swap3A_431, %swap3A_432] {strides = array<i32>} : memref<16x1024xf32, #tpu.memory_space<vmem>>, vector<16xf32>,
          tpu.vector_store %arg7[%swap3A_431, %swap3A_432], %add3A_430 {strides = array<i32>} : memref<16x1024xf32, #tpu.memory_space<vmem>>, vector<16xf32>,
          %get3A_434 = arith.index_cast %scan3A_102 : i32 to index
          %get3A_435 = arith.constant 432 : index
          %get3A_436 = tpu.vector_load %arg7[%get3A_434, %get3A_435] {strides = array<i32>} : memref<16x1024xf32, #tpu.memory_space<vmem>>, vector<16xf32>,
          %get3A_437 = arith.index_cast %scan3A_102 : i32 to index
          %get3A_438 = arith.constant 432 : index
          %get3A_439 = tpu.vector_load %arg9[%get3A_437, %get3A_438] {strides = array<i32>} : memref<16x1024xf32, #tpu.memory_space<vmem>>, vector<16xf32>,
          %mul3A_440 = vector.broadcast %reduce_sum3A_109 : f32 to vector<16xf32>
          %mul3A_441 = arith.mulf %mul3A_440, %get3A_439 : vector<16xf32>
          %add3A_442 = arith.addf %get3A_436, %mul3A_441 : vector<16xf32>
          %swap3A_443 = arith.index_cast %scan3A_102 : i32 to index
          %swap3A_444 = arith.constant 432 : index
          %swap3A_445 = tpu.vector_load %arg7[%swap3A_443, %swap3A_444] {strides = array<i32>} : memref<16x1024xf32, #tpu.memory_space<vmem>>, vector<16xf32>,
          tpu.vector_store %arg7[%swap3A_443, %swap3A_444], %add3A_442 {strides = array<i32>} : memref<16x1024xf32, #tpu.memory_space<vmem>>, vector<16xf32>,
          %get3A_446 = arith.index_cast %scan3A_102 : i32 to index
          %get3A_447 = arith.constant 448 : index
          %get3A_448 = tpu.vector_load %arg7[%get3A_446, %get3A_447] {strides = array<i32>} : memref<16x1024xf32, #tpu.memory_space<vmem>>, vector<16xf32>,
          %get3A_449 = arith.index_cast %scan3A_102 : i32 to index
          %get3A_450 = arith.constant 448 : index
          %get3A_451 = tpu.vector_load %arg9[%get3A_449, %get3A_450] {strides = array<i32>} : memref<16x1024xf32, #tpu.memory_space<vmem>>, vector<16xf32>,
          %mul3A_452 = vector.broadcast %reduce_sum3A_109 : f32 to vector<16xf32>
          %mul3A_453 = arith.mulf %mul3A_452, %get3A_451 : vector<16xf32>
          %add3A_454 = arith.addf %get3A_448, %mul3A_453 : vector<16xf32>
          %swap3A_455 = arith.index_cast %scan3A_102 : i32 to index
          %swap3A_456 = arith.constant 448 : index
          %swap3A_457 = tpu.vector_load %arg7[%swap3A_455, %swap3A_456] {strides = array<i32>} : memref<16x1024xf32, #tpu.memory_space<vmem>>, vector<16xf32>,
          tpu.vector_store %arg7[%swap3A_455, %swap3A_456], %add3A_454 {strides = array<i32>} : memref<16x1024xf32, #tpu.memory_space<vmem>>, vector<16xf32>,
          %get3A_458 = arith.index_cast %scan3A_102 : i32 to index
          %get3A_459 = arith.constant 464 : index
          %get3A_460 = tpu.vector_load %arg7[%get3A_458, %get3A_459] {strides = array<i32>} : memref<16x1024xf32, #tpu.memory_space<vmem>>, vector<16xf32>,
          %get3A_461 = arith.index_cast %scan3A_102 : i32 to index
          %get3A_462 = arith.constant 464 : index
          %get3A_463 = tpu.vector_load %arg9[%get3A_461, %get3A_462] {strides = array<i32>} : memref<16x1024xf32, #tpu.memory_space<vmem>>, vector<16xf32>,
          %mul3A_464 = vector.broadcast %reduce_sum3A_109 : f32 to vector<16xf32>
          %mul3A_465 = arith.mulf %mul3A_464, %get3A_463 : vector<16xf32>
          %add3A_466 = arith.addf %get3A_460, %mul3A_465 : vector<16xf32>
          %swap3A_467 = arith.index_cast %scan3A_102 : i32 to index
          %swap3A_468 = arith.constant 464 : index
          %swap3A_469 = tpu.vector_load %arg7[%swap3A_467, %swap3A_468] {strides = array<i32>} : memref<16x1024xf32, #tpu.memory_space<vmem>>, vector<16xf32>,
          tpu.vector_store %arg7[%swap3A_467, %swap3A_468], %add3A_466 {strides = array<i32>} : memref<16x1024xf32, #tpu.memory_space<vmem>>, vector<16xf32>,
          %get3A_470 = arith.index_cast %scan3A_102 : i32 to index
          %get3A_471 = arith.constant 480 : index
          %get3A_472 = tpu.vector_load %arg7[%get3A_470, %get3A_471] {strides = array<i32>} : memref<16x1024xf32, #tpu.memory_space<vmem>>, vector<16xf32>,
          %get3A_473 = arith.index_cast %scan3A_102 : i32 to index
          %get3A_474 = arith.constant 480 : index
          %get3A_475 = tpu.vector_load %arg9[%get3A_473, %get3A_474] {strides = array<i32>} : memref<16x1024xf32, #tpu.memory_space<vmem>>, vector<16xf32>,
          %mul3A_476 = vector.broadcast %reduce_sum3A_109 : f32 to vector<16xf32>
          %mul3A_477 = arith.mulf %mul3A_476, %get3A_475 : vector<16xf32>
          %add3A_478 = arith.addf %get3A_472, %mul3A_477 : vector<16xf32>
          %swap3A_479 = arith.index_cast %scan3A_102 : i32 to index
          %swap3A_480 = arith.constant 480 : index
          %swap3A_481 = tpu.vector_load %arg7[%swap3A_479, %swap3A_480] {strides = array<i32>} : memref<16x1024xf32, #tpu.memory_space<vmem>>, vector<16xf32>,
          tpu.vector_store %arg7[%swap3A_479, %swap3A_480], %add3A_478 {strides = array<i32>} : memref<16x1024xf32, #tpu.memory_space<vmem>>, vector<16xf32>,
          %get3A_482 = arith.index_cast %scan3A_102 : i32 to index
          %get3A_483 = arith.constant 496 : index
          %get3A_484 = tpu.vector_load %arg7[%get3A_482, %get3A_483] {strides = array<i32>} : memref<16x1024xf32, #tpu.memory_space<vmem>>, vector<16xf32>,
          %get3A_485 = arith.index_cast %scan3A_102 : i32 to index
          %get3A_486 = arith.constant 496 : index
          %get3A_487 = tpu.vector_load %arg9[%get3A_485, %get3A_486] {strides = array<i32>} : memref<16x1024xf32, #tpu.memory_space<vmem>>, vector<16xf32>,
          %mul3A_488 = vector.broadcast %reduce_sum3A_109 : f32 to vector<16xf32>
          %mul3A_489 = arith.mulf %mul3A_488, %get3A_487 : vector<16xf32>
          %add3A_490 = arith.addf %get3A_484, %mul3A_489 : vector<16xf32>
          %swap3A_491 = arith.index_cast %scan3A_102 : i32 to index
          %swap3A_492 = arith.constant 496 : index
          %swap3A_493 = tpu.vector_load %arg7[%swap3A_491, %swap3A_492] {strides = array<i32>} : memref<16x1024xf32, #tpu.memory_space<vmem>>, vector<16xf32>,
          tpu.vector_store %arg7[%swap3A_491, %swap3A_492], %add3A_490 {strides = array<i32>} : memref<16x1024xf32, #tpu.memory_space<vmem>>, vector<16xf32>,
          %get3A_494 = arith.index_cast %scan3A_102 : i32 to index
          %get3A_495 = arith.constant 512 : index
          %get3A_496 = tpu.vector_load %arg7[%get3A_494, %get3A_495] {strides = array<i32>} : memref<16x1024xf32, #tpu.memory_space<vmem>>, vector<16xf32>,
          %get3A_497 = arith.index_cast %scan3A_102 : i32 to index
          %get3A_498 = arith.constant 512 : index
          %get3A_499 = tpu.vector_load %arg9[%get3A_497, %get3A_498] {strides = array<i32>} : memref<16x1024xf32, #tpu.memory_space<vmem>>, vector<16xf32>,
          %mul3A_500 = vector.broadcast %reduce_sum3A_109 : f32 to vector<16xf32>
          %mul3A_501 = arith.mulf %mul3A_500, %get3A_499 : vector<16xf32>
          %add3A_502 = arith.addf %get3A_496, %mul3A_501 : vector<16xf32>
          %swap3A_503 = arith.index_cast %scan3A_102 : i32 to index
          %swap3A_504 = arith.constant 512 : index
          %swap3A_505 = tpu.vector_load %arg7[%swap3A_503, %swap3A_504] {strides = array<i32>} : memref<16x1024xf32, #tpu.memory_space<vmem>>, vector<16xf32>,
          tpu.vector_store %arg7[%swap3A_503, %swap3A_504], %add3A_502 {strides = array<i32>} : memref<16x1024xf32, #tpu.memory_space<vmem>>, vector<16xf32>,
          %get3A_506 = arith.index_cast %scan3A_102 : i32 to index
          %get3A_507 = arith.constant 528 : index
          %get3A_508 = tpu.vector_load %arg7[%get3A_506, %get3A_507] {strides = array<i32>} : memref<16x1024xf32, #tpu.memory_space<vmem>>, vector<16xf32>,
          %get3A_509 = arith.index_cast %scan3A_102 : i32 to index
          %get3A_510 = arith.constant 528 : index
          %get3A_511 = tpu.vector_load %arg9[%get3A_509, %get3A_510] {strides = array<i32>} : memref<16x1024xf32, #tpu.memory_space<vmem>>, vector<16xf32>,
          %mul3A_512 = vector.broadcast %reduce_sum3A_109 : f32 to vector<16xf32>
          %mul3A_513 = arith.mulf %mul3A_512, %get3A_511 : vector<16xf32>
          %add3A_514 = arith.addf %get3A_508, %mul3A_513 : vector<16xf32>
          %swap3A_515 = arith.index_cast %scan3A_102 : i32 to index
          %swap3A_516 = arith.constant 528 : index
          %swap3A_517 = tpu.vector_load %arg7[%swap3A_515, %swap3A_516] {strides = array<i32>} : memref<16x1024xf32, #tpu.memory_space<vmem>>, vector<16xf32>,
          tpu.vector_store %arg7[%swap3A_515, %swap3A_516], %add3A_514 {strides = array<i32>} : memref<16x1024xf32, #tpu.memory_space<vmem>>, vector<16xf32>,
          %get3A_518 = arith.index_cast %scan3A_102 : i32 to index
          %get3A_519 = arith.constant 544 : index
          %get3A_520 = tpu.vector_load %arg7[%get3A_518, %get3A_519] {strides = array<i32>} : memref<16x1024xf32, #tpu.memory_space<vmem>>, vector<16xf32>,
          %get3A_521 = arith.index_cast %scan3A_102 : i32 to index
          %get3A_522 = arith.constant 544 : index
          %get3A_523 = tpu.vector_load %arg9[%get3A_521, %get3A_522] {strides = array<i32>} : memref<16x1024xf32, #tpu.memory_space<vmem>>, vector<16xf32>,
          %mul3A_524 = vector.broadcast %reduce_sum3A_109 : f32 to vector<16xf32>
          %mul3A_525 = arith.mulf %mul3A_524, %get3A_523 : vector<16xf32>
          %add3A_526 = arith.addf %get3A_520, %mul3A_525 : vector<16xf32>
          %swap3A_527 = arith.index_cast %scan3A_102 : i32 to index
          %swap3A_528 = arith.constant 544 : index
          %swap3A_529 = tpu.vector_load %arg7[%swap3A_527, %swap3A_528] {strides = array<i32>} : memref<16x1024xf32, #tpu.memory_space<vmem>>, vector<16xf32>,
          tpu.vector_store %arg7[%swap3A_527, %swap3A_528], %add3A_526 {strides = array<i32>} : memref<16x1024xf32, #tpu.memory_space<vmem>>, vector<16xf32>,
          %get3A_530 = arith.index_cast %scan3A_102 : i32 to index
          %get3A_531 = arith.constant 560 : index
          %get3A_532 = tpu.vector_load %arg7[%get3A_530, %get3A_531] {strides = array<i32>} : memref<16x1024xf32, #tpu.memory_space<vmem>>, vector<16xf32>,
          %get3A_533 = arith.index_cast %scan3A_102 : i32 to index
          %get3A_534 = arith.constant 560 : index
          %get3A_535 = tpu.vector_load %arg9[%get3A_533, %get3A_534] {strides = array<i32>} : memref<16x1024xf32, #tpu.memory_space<vmem>>, vector<16xf32>,
          %mul3A_536 = vector.broadcast %reduce_sum3A_109 : f32 to vector<16xf32>
          %mul3A_537 = arith.mulf %mul3A_536, %get3A_535 : vector<16xf32>
          %add3A_538 = arith.addf %get3A_532, %mul3A_537 : vector<16xf32>
          %swap3A_539 = arith.index_cast %scan3A_102 : i32 to index
          %swap3A_540 = arith.constant 560 : index
          %swap3A_541 = tpu.vector_load %arg7[%swap3A_539, %swap3A_540] {strides = array<i32>} : memref<16x1024xf32, #tpu.memory_space<vmem>>, vector<16xf32>,
          tpu.vector_store %arg7[%swap3A_539, %swap3A_540], %add3A_538 {strides = array<i32>} : memref<16x1024xf32, #tpu.memory_space<vmem>>, vector<16xf32>,
          %get3A_542 = arith.index_cast %scan3A_102 : i32 to index
          %get3A_543 = arith.constant 576 : index
          %get3A_544 = tpu.vector_load %arg7[%get3A_542, %get3A_543] {strides = array<i32>} : memref<16x1024xf32, #tpu.memory_space<vmem>>, vector<16xf32>,
          %get3A_545 = arith.index_cast %scan3A_102 : i32 to index
          %get3A_546 = arith.constant 576 : index
          %get3A_547 = tpu.vector_load %arg9[%get3A_545, %get3A_546] {strides = array<i32>} : memref<16x1024xf32, #tpu.memory_space<vmem>>, vector<16xf32>,
          %mul3A_548 = vector.broadcast %reduce_sum3A_109 : f32 to vector<16xf32>
          %mul3A_549 = arith.mulf %mul3A_548, %get3A_547 : vector<16xf32>
          %add3A_550 = arith.addf %get3A_544, %mul3A_549 : vector<16xf32>
          %swap3A_551 = arith.index_cast %scan3A_102 : i32 to index
          %swap3A_552 = arith.constant 576 : index
          %swap3A_553 = tpu.vector_load %arg7[%swap3A_551, %swap3A_552] {strides = array<i32>} : memref<16x1024xf32, #tpu.memory_space<vmem>>, vector<16xf32>,
          tpu.vector_store %arg7[%swap3A_551, %swap3A_552], %add3A_550 {strides = array<i32>} : memref<16x1024xf32, #tpu.memory_space<vmem>>, vector<16xf32>,
          %get3A_554 = arith.index_cast %scan3A_102 : i32 to index
          %get3A_555 = arith.constant 592 : index
          %get3A_556 = tpu.vector_load %arg7[%get3A_554, %get3A_555] {strides = array<i32>} : memref<16x1024xf32, #tpu.memory_space<vmem>>, vector<16xf32>,
          %get3A_557 = arith.index_cast %scan3A_102 : i32 to index
          %get3A_558 = arith.constant 592 : index
          %get3A_559 = tpu.vector_load %arg9[%get3A_557, %get3A_558] {strides = array<i32>} : memref<16x1024xf32, #tpu.memory_space<vmem>>, vector<16xf32>,
          %mul3A_560 = vector.broadcast %reduce_sum3A_109 : f32 to vector<16xf32>
          %mul3A_561 = arith.mulf %mul3A_560, %get3A_559 : vector<16xf32>
          %add3A_562 = arith.addf %get3A_556, %mul3A_561 : vector<16xf32>
          %swap3A_563 = arith.index_cast %scan3A_102 : i32 to index
          %swap3A_564 = arith.constant 592 : index
          %swap3A_565 = tpu.vector_load %arg7[%swap3A_563, %swap3A_564] {strides = array<i32>} : memref<16x1024xf32, #tpu.memory_space<vmem>>, vector<16xf32>,
          tpu.vector_store %arg7[%swap3A_563, %swap3A_564], %add3A_562 {strides = array<i32>} : memref<16x1024xf32, #tpu.memory_space<vmem>>, vector<16xf32>,
          %get3A_566 = arith.index_cast %scan3A_102 : i32 to index
          %get3A_567 = arith.constant 608 : index
          %get3A_568 = tpu.vector_load %arg7[%get3A_566, %get3A_567] {strides = array<i32>} : memref<16x1024xf32, #tpu.memory_space<vmem>>, vector<16xf32>,
          %get3A_569 = arith.index_cast %scan3A_102 : i32 to index
          %get3A_570 = arith.constant 608 : index
          %get3A_571 = tpu.vector_load %arg9[%get3A_569, %get3A_570] {strides = array<i32>} : memref<16x1024xf32, #tpu.memory_space<vmem>>, vector<16xf32>,
          %mul3A_572 = vector.broadcast %reduce_sum3A_109 : f32 to vector<16xf32>
          %mul3A_573 = arith.mulf %mul3A_572, %get3A_571 : vector<16xf32>
          %add3A_574 = arith.addf %get3A_568, %mul3A_573 : vector<16xf32>
          %swap3A_575 = arith.index_cast %scan3A_102 : i32 to index
          %swap3A_576 = arith.constant 608 : index
          %swap3A_577 = tpu.vector_load %arg7[%swap3A_575, %swap3A_576] {strides = array<i32>} : memref<16x1024xf32, #tpu.memory_space<vmem>>, vector<16xf32>,
          tpu.vector_store %arg7[%swap3A_575, %swap3A_576], %add3A_574 {strides = array<i32>} : memref<16x1024xf32, #tpu.memory_space<vmem>>, vector<16xf32>,
          %get3A_578 = arith.index_cast %scan3A_102 : i32 to index
          %get3A_579 = arith.constant 624 : index
          %get3A_580 = tpu.vector_load %arg7[%get3A_578, %get3A_579] {strides = array<i32>} : memref<16x1024xf32, #tpu.memory_space<vmem>>, vector<16xf32>,
          %get3A_581 = arith.index_cast %scan3A_102 : i32 to index
          %get3A_582 = arith.constant 624 : index
          %get3A_583 = tpu.vector_load %arg9[%get3A_581, %get3A_582] {strides = array<i32>} : memref<16x1024xf32, #tpu.memory_space<vmem>>, vector<16xf32>,
          %mul3A_584 = vector.broadcast %reduce_sum3A_109 : f32 to vector<16xf32>
          %mul3A_585 = arith.mulf %mul3A_584, %get3A_583 : vector<16xf32>
          %add3A_586 = arith.addf %get3A_580, %mul3A_585 : vector<16xf32>
          %swap3A_587 = arith.index_cast %scan3A_102 : i32 to index
          %swap3A_588 = arith.constant 624 : index
          %swap3A_589 = tpu.vector_load %arg7[%swap3A_587, %swap3A_588] {strides = array<i32>} : memref<16x1024xf32, #tpu.memory_space<vmem>>, vector<16xf32>,
          tpu.vector_store %arg7[%swap3A_587, %swap3A_588], %add3A_586 {strides = array<i32>} : memref<16x1024xf32, #tpu.memory_space<vmem>>, vector<16xf32>,
          %get3A_590 = arith.index_cast %scan3A_102 : i32 to index
          %get3A_591 = arith.constant 640 : index
          %get3A_592 = tpu.vector_load %arg7[%get3A_590, %get3A_591] {strides = array<i32>} : memref<16x1024xf32, #tpu.memory_space<vmem>>, vector<16xf32>,
          %get3A_593 = arith.index_cast %scan3A_102 : i32 to index
          %get3A_594 = arith.constant 640 : index
          %get3A_595 = tpu.vector_load %arg9[%get3A_593, %get3A_594] {strides = array<i32>} : memref<16x1024xf32, #tpu.memory_space<vmem>>, vector<16xf32>,
          %mul3A_596 = vector.broadcast %reduce_sum3A_109 : f32 to vector<16xf32>
          %mul3A_597 = arith.mulf %mul3A_596, %get3A_595 : vector<16xf32>
          %add3A_598 = arith.addf %get3A_592, %mul3A_597 : vector<16xf32>
          %swap3A_599 = arith.index_cast %scan3A_102 : i32 to index
          %swap3A_600 = arith.constant 640 : index
          %swap3A_601 = tpu.vector_load %arg7[%swap3A_599, %swap3A_600] {strides = array<i32>} : memref<16x1024xf32, #tpu.memory_space<vmem>>, vector<16xf32>,
          tpu.vector_store %arg7[%swap3A_599, %swap3A_600], %add3A_598 {strides = array<i32>} : memref<16x1024xf32, #tpu.memory_space<vmem>>, vector<16xf32>,
          %get3A_602 = arith.index_cast %scan3A_102 : i32 to index
          %get3A_603 = arith.constant 656 : index
          %get3A_604 = tpu.vector_load %arg7[%get3A_602, %get3A_603] {strides = array<i32>} : memref<16x1024xf32, #tpu.memory_space<vmem>>, vector<16xf32>,
          %get3A_605 = arith.index_cast %scan3A_102 : i32 to index
          %get3A_606 = arith.constant 656 : index
          %get3A_607 = tpu.vector_load %arg9[%get3A_605, %get3A_606] {strides = array<i32>} : memref<16x1024xf32, #tpu.memory_space<vmem>>, vector<16xf32>,
          %mul3A_608 = vector.broadcast %reduce_sum3A_109 : f32 to vector<16xf32>
          %mul3A_609 = arith.mulf %mul3A_608, %get3A_607 : vector<16xf32>
          %add3A_610 = arith.addf %get3A_604, %mul3A_609 : vector<16xf32>
          %swap3A_611 = arith.index_cast %scan3A_102 : i32 to index
          %swap3A_612 = arith.constant 656 : index
          %swap3A_613 = tpu.vector_load %arg7[%swap3A_611, %swap3A_612] {strides = array<i32>} : memref<16x1024xf32, #tpu.memory_space<vmem>>, vector<16xf32>,
          tpu.vector_store %arg7[%swap3A_611, %swap3A_612], %add3A_610 {strides = array<i32>} : memref<16x1024xf32, #tpu.memory_space<vmem>>, vector<16xf32>,
          %get3A_614 = arith.index_cast %scan3A_102 : i32 to index
          %get3A_615 = arith.constant 672 : index
          %get3A_616 = tpu.vector_load %arg7[%get3A_614, %get3A_615] {strides = array<i32>} : memref<16x1024xf32, #tpu.memory_space<vmem>>, vector<16xf32>,
          %get3A_617 = arith.index_cast %scan3A_102 : i32 to index
          %get3A_618 = arith.constant 672 : index
          %get3A_619 = tpu.vector_load %arg9[%get3A_617, %get3A_618] {strides = array<i32>} : memref<16x1024xf32, #tpu.memory_space<vmem>>, vector<16xf32>,
          %mul3A_620 = vector.broadcast %reduce_sum3A_109 : f32 to vector<16xf32>
          %mul3A_621 = arith.mulf %mul3A_620, %get3A_619 : vector<16xf32>
          %add3A_622 = arith.addf %get3A_616, %mul3A_621 : vector<16xf32>
          %swap3A_623 = arith.index_cast %scan3A_102 : i32 to index
          %swap3A_624 = arith.constant 672 : index
          %swap3A_625 = tpu.vector_load %arg7[%swap3A_623, %swap3A_624] {strides = array<i32>} : memref<16x1024xf32, #tpu.memory_space<vmem>>, vector<16xf32>,
          tpu.vector_store %arg7[%swap3A_623, %swap3A_624], %add3A_622 {strides = array<i32>} : memref<16x1024xf32, #tpu.memory_space<vmem>>, vector<16xf32>,
          %get3A_626 = arith.index_cast %scan3A_102 : i32 to index
          %get3A_627 = arith.constant 688 : index
          %get3A_628 = tpu.vector_load %arg7[%get3A_626, %get3A_627] {strides = array<i32>} : memref<16x1024xf32, #tpu.memory_space<vmem>>, vector<16xf32>,
          %get3A_629 = arith.index_cast %scan3A_102 : i32 to index
          %get3A_630 = arith.constant 688 : index
          %get3A_631 = tpu.vector_load %arg9[%get3A_629, %get3A_630] {strides = array<i32>} : memref<16x1024xf32, #tpu.memory_space<vmem>>, vector<16xf32>,
          %mul3A_632 = vector.broadcast %reduce_sum3A_109 : f32 to vector<16xf32>
          %mul3A_633 = arith.mulf %mul3A_632, %get3A_631 : vector<16xf32>
          %add3A_634 = arith.addf %get3A_628, %mul3A_633 : vector<16xf32>
          %swap3A_635 = arith.index_cast %scan3A_102 : i32 to index
          %swap3A_636 = arith.constant 688 : index
          %swap3A_637 = tpu.vector_load %arg7[%swap3A_635, %swap3A_636] {strides = array<i32>} : memref<16x1024xf32, #tpu.memory_space<vmem>>, vector<16xf32>,
          tpu.vector_store %arg7[%swap3A_635, %swap3A_636], %add3A_634 {strides = array<i32>} : memref<16x1024xf32, #tpu.memory_space<vmem>>, vector<16xf32>,
          %get3A_638 = arith.index_cast %scan3A_102 : i32 to index
          %get3A_639 = arith.constant 704 : index
          %get3A_640 = tpu.vector_load %arg7[%get3A_638, %get3A_639] {strides = array<i32>} : memref<16x1024xf32, #tpu.memory_space<vmem>>, vector<16xf32>,
          %get3A_641 = arith.index_cast %scan3A_102 : i32 to index
          %get3A_642 = arith.constant 704 : index
          %get3A_643 = tpu.vector_load %arg9[%get3A_641, %get3A_642] {strides = array<i32>} : memref<16x1024xf32, #tpu.memory_space<vmem>>, vector<16xf32>,
          %mul3A_644 = vector.broadcast %reduce_sum3A_109 : f32 to vector<16xf32>
          %mul3A_645 = arith.mulf %mul3A_644, %get3A_643 : vector<16xf32>
          %add3A_646 = arith.addf %get3A_640, %mul3A_645 : vector<16xf32>
          %swap3A_647 = arith.index_cast %scan3A_102 : i32 to index
          %swap3A_648 = arith.constant 704 : index
          %swap3A_649 = tpu.vector_load %arg7[%swap3A_647, %swap3A_648] {strides = array<i32>} : memref<16x1024xf32, #tpu.memory_space<vmem>>, vector<16xf32>,
          tpu.vector_store %arg7[%swap3A_647, %swap3A_648], %add3A_646 {strides = array<i32>} : memref<16x1024xf32, #tpu.memory_space<vmem>>, vector<16xf32>,
          %get3A_650 = arith.index_cast %scan3A_102 : i32 to index
          %get3A_651 = arith.constant 720 : index
          %get3A_652 = tpu.vector_load %arg7[%get3A_650, %get3A_651] {strides = array<i32>} : memref<16x1024xf32, #tpu.memory_space<vmem>>, vector<16xf32>,
          %get3A_653 = arith.index_cast %scan3A_102 : i32 to index
          %get3A_654 = arith.constant 720 : index
          %get3A_655 = tpu.vector_load %arg9[%get3A_653, %get3A_654] {strides = array<i32>} : memref<16x1024xf32, #tpu.memory_space<vmem>>, vector<16xf32>,
          %mul3A_656 = vector.broadcast %reduce_sum3A_109 : f32 to vector<16xf32>
          %mul3A_657 = arith.mulf %mul3A_656, %get3A_655 : vector<16xf32>
          %add3A_658 = arith.addf %get3A_652, %mul3A_657 : vector<16xf32>
          %swap3A_659 = arith.index_cast %scan3A_102 : i32 to index
          %swap3A_660 = arith.constant 720 : index
          %swap3A_661 = tpu.vector_load %arg7[%swap3A_659, %swap3A_660] {strides = array<i32>} : memref<16x1024xf32, #tpu.memory_space<vmem>>, vector<16xf32>,
          tpu.vector_store %arg7[%swap3A_659, %swap3A_660], %add3A_658 {strides = array<i32>} : memref<16x1024xf32, #tpu.memory_space<vmem>>, vector<16xf32>,
          %get3A_662 = arith.index_cast %scan3A_102 : i32 to index
          %get3A_663 = arith.constant 736 : index
          %get3A_664 = tpu.vector_load %arg7[%get3A_662, %get3A_663] {strides = array<i32>} : memref<16x1024xf32, #tpu.memory_space<vmem>>, vector<16xf32>,
          %get3A_665 = arith.index_cast %scan3A_102 : i32 to index
          %get3A_666 = arith.constant 736 : index
          %get3A_667 = tpu.vector_load %arg9[%get3A_665, %get3A_666] {strides = array<i32>} : memref<16x1024xf32, #tpu.memory_space<vmem>>, vector<16xf32>,
          %mul3A_668 = vector.broadcast %reduce_sum3A_109 : f32 to vector<16xf32>
          %mul3A_669 = arith.mulf %mul3A_668, %get3A_667 : vector<16xf32>
          %add3A_670 = arith.addf %get3A_664, %mul3A_669 : vector<16xf32>
          %swap3A_671 = arith.index_cast %scan3A_102 : i32 to index
          %swap3A_672 = arith.constant 736 : index
          %swap3A_673 = tpu.vector_load %arg7[%swap3A_671, %swap3A_672] {strides = array<i32>} : memref<16x1024xf32, #tpu.memory_space<vmem>>, vector<16xf32>,
          tpu.vector_store %arg7[%swap3A_671, %swap3A_672], %add3A_670 {strides = array<i32>} : memref<16x1024xf32, #tpu.memory_space<vmem>>, vector<16xf32>,
          %get3A_674 = arith.index_cast %scan3A_102 : i32 to index
          %get3A_675 = arith.constant 752 : index
          %get3A_676 = tpu.vector_load %arg7[%get3A_674, %get3A_675] {strides = array<i32>} : memref<16x1024xf32, #tpu.memory_space<vmem>>, vector<16xf32>,
          %get3A_677 = arith.index_cast %scan3A_102 : i32 to index
          %get3A_678 = arith.constant 752 : index
          %get3A_679 = tpu.vector_load %arg9[%get3A_677, %get3A_678] {strides = array<i32>} : memref<16x1024xf32, #tpu.memory_space<vmem>>, vector<16xf32>,
          %mul3A_680 = vector.broadcast %reduce_sum3A_109 : f32 to vector<16xf32>
          %mul3A_681 = arith.mulf %mul3A_680, %get3A_679 : vector<16xf32>
          %add3A_682 = arith.addf %get3A_676, %mul3A_681 : vector<16xf32>
          %swap3A_683 = arith.index_cast %scan3A_102 : i32 to index
          %swap3A_684 = arith.constant 752 : index
          %swap3A_685 = tpu.vector_load %arg7[%swap3A_683, %swap3A_684] {strides = array<i32>} : memref<16x1024xf32, #tpu.memory_space<vmem>>, vector<16xf32>,
          tpu.vector_store %arg7[%swap3A_683, %swap3A_684], %add3A_682 {strides = array<i32>} : memref<16x1024xf32, #tpu.memory_space<vmem>>, vector<16xf32>,
          %get3A_686 = arith.index_cast %scan3A_102 : i32 to index
          %get3A_687 = arith.constant 768 : index
          %get3A_688 = tpu.vector_load %arg7[%get3A_686, %get3A_687] {strides = array<i32>} : memref<16x1024xf32, #tpu.memory_space<vmem>>, vector<16xf32>,
          %get3A_689 = arith.index_cast %scan3A_102 : i32 to index
          %get3A_690 = arith.constant 768 : index
          %get3A_691 = tpu.vector_load %arg9[%get3A_689, %get3A_690] {strides = array<i32>} : memref<16x1024xf32, #tpu.memory_space<vmem>>, vector<16xf32>,
          %mul3A_692 = vector.broadcast %reduce_sum3A_109 : f32 to vector<16xf32>
          %mul3A_693 = arith.mulf %mul3A_692, %get3A_691 : vector<16xf32>
          %add3A_694 = arith.addf %get3A_688, %mul3A_693 : vector<16xf32>
          %swap3A_695 = arith.index_cast %scan3A_102 : i32 to index
          %swap3A_696 = arith.constant 768 : index
          %swap3A_697 = tpu.vector_load %arg7[%swap3A_695, %swap3A_696] {strides = array<i32>} : memref<16x1024xf32, #tpu.memory_space<vmem>>, vector<16xf32>,
          tpu.vector_store %arg7[%swap3A_695, %swap3A_696], %add3A_694 {strides = array<i32>} : memref<16x1024xf32, #tpu.memory_space<vmem>>, vector<16xf32>,
          %get3A_698 = arith.index_cast %scan3A_102 : i32 to index
          %get3A_699 = arith.constant 784 : index
          %get3A_700 = tpu.vector_load %arg7[%get3A_698, %get3A_699] {strides = array<i32>} : memref<16x1024xf32, #tpu.memory_space<vmem>>, vector<16xf32>,
          %get3A_701 = arith.index_cast %scan3A_102 : i32 to index
          %get3A_702 = arith.constant 784 : index
          %get3A_703 = tpu.vector_load %arg9[%get3A_701, %get3A_702] {strides = array<i32>} : memref<16x1024xf32, #tpu.memory_space<vmem>>, vector<16xf32>,
          %mul3A_704 = vector.broadcast %reduce_sum3A_109 : f32 to vector<16xf32>
          %mul3A_705 = arith.mulf %mul3A_704, %get3A_703 : vector<16xf32>
          %add3A_706 = arith.addf %get3A_700, %mul3A_705 : vector<16xf32>
          %swap3A_707 = arith.index_cast %scan3A_102 : i32 to index
          %swap3A_708 = arith.constant 784 : index
          %swap3A_709 = tpu.vector_load %arg7[%swap3A_707, %swap3A_708] {strides = array<i32>} : memref<16x1024xf32, #tpu.memory_space<vmem>>, vector<16xf32>,
          tpu.vector_store %arg7[%swap3A_707, %swap3A_708], %add3A_706 {strides = array<i32>} : memref<16x1024xf32, #tpu.memory_space<vmem>>, vector<16xf32>,
          %get3A_710 = arith.index_cast %scan3A_102 : i32 to index
          %get3A_711 = arith.constant 800 : index
          %get3A_712 = tpu.vector_load %arg7[%get3A_710, %get3A_711] {strides = array<i32>} : memref<16x1024xf32, #tpu.memory_space<vmem>>, vector<16xf32>,
          %get3A_713 = arith.index_cast %scan3A_102 : i32 to index
          %get3A_714 = arith.constant 800 : index
          %get3A_715 = tpu.vector_load %arg9[%get3A_713, %get3A_714] {strides = array<i32>} : memref<16x1024xf32, #tpu.memory_space<vmem>>, vector<16xf32>,
          %mul3A_716 = vector.broadcast %reduce_sum3A_109 : f32 to vector<16xf32>
          %mul3A_717 = arith.mulf %mul3A_716, %get3A_715 : vector<16xf32>
          %add3A_718 = arith.addf %get3A_712, %mul3A_717 : vector<16xf32>
          %swap3A_719 = arith.index_cast %scan3A_102 : i32 to index
          %swap3A_720 = arith.constant 800 : index
          %swap3A_721 = tpu.vector_load %arg7[%swap3A_719, %swap3A_720] {strides = array<i32>} : memref<16x1024xf32, #tpu.memory_space<vmem>>, vector<16xf32>,
          tpu.vector_store %arg7[%swap3A_719, %swap3A_720], %add3A_718 {strides = array<i32>} : memref<16x1024xf32, #tpu.memory_space<vmem>>, vector<16xf32>,
          %get3A_722 = arith.index_cast %scan3A_102 : i32 to index
          %get3A_723 = arith.constant 816 : index
          %get3A_724 = tpu.vector_load %arg7[%get3A_722, %get3A_723] {strides = array<i32>} : memref<16x1024xf32, #tpu.memory_space<vmem>>, vector<16xf32>,
          %get3A_725 = arith.index_cast %scan3A_102 : i32 to index
          %get3A_726 = arith.constant 816 : index
          %get3A_727 = tpu.vector_load %arg9[%get3A_725, %get3A_726] {strides = array<i32>} : memref<16x1024xf32, #tpu.memory_space<vmem>>, vector<16xf32>,
          %mul3A_728 = vector.broadcast %reduce_sum3A_109 : f32 to vector<16xf32>
          %mul3A_729 = arith.mulf %mul3A_728, %get3A_727 : vector<16xf32>
          %add3A_730 = arith.addf %get3A_724, %mul3A_729 : vector<16xf32>
          %swap3A_731 = arith.index_cast %scan3A_102 : i32 to index
          %swap3A_732 = arith.constant 816 : index
          %swap3A_733 = tpu.vector_load %arg7[%swap3A_731, %swap3A_732] {strides = array<i32>} : memref<16x1024xf32, #tpu.memory_space<vmem>>, vector<16xf32>,
          tpu.vector_store %arg7[%swap3A_731, %swap3A_732], %add3A_730 {strides = array<i32>} : memref<16x1024xf32, #tpu.memory_space<vmem>>, vector<16xf32>,
          %get3A_734 = arith.index_cast %scan3A_102 : i32 to index
          %get3A_735 = arith.constant 832 : index
          %get3A_736 = tpu.vector_load %arg7[%get3A_734, %get3A_735] {strides = array<i32>} : memref<16x1024xf32, #tpu.memory_space<vmem>>, vector<16xf32>,
          %get3A_737 = arith.index_cast %scan3A_102 : i32 to index
          %get3A_738 = arith.constant 832 : index
          %get3A_739 = tpu.vector_load %arg9[%get3A_737, %get3A_738] {strides = array<i32>} : memref<16x1024xf32, #tpu.memory_space<vmem>>, vector<16xf32>,
          %mul3A_740 = vector.broadcast %reduce_sum3A_109 : f32 to vector<16xf32>
          %mul3A_741 = arith.mulf %mul3A_740, %get3A_739 : vector<16xf32>
          %add3A_742 = arith.addf %get3A_736, %mul3A_741 : vector<16xf32>
          %swap3A_743 = arith.index_cast %scan3A_102 : i32 to index
          %swap3A_744 = arith.constant 832 : index
          %swap3A_745 = tpu.vector_load %arg7[%swap3A_743, %swap3A_744] {strides = array<i32>} : memref<16x1024xf32, #tpu.memory_space<vmem>>, vector<16xf32>,
          tpu.vector_store %arg7[%swap3A_743, %swap3A_744], %add3A_742 {strides = array<i32>} : memref<16x1024xf32, #tpu.memory_space<vmem>>, vector<16xf32>,
          %get3A_746 = arith.index_cast %scan3A_102 : i32 to index
          %get3A_747 = arith.constant 848 : index
          %get3A_748 = tpu.vector_load %arg7[%get3A_746, %get3A_747] {strides = array<i32>} : memref<16x1024xf32, #tpu.memory_space<vmem>>, vector<16xf32>,
          %get3A_749 = arith.index_cast %scan3A_102 : i32 to index
          %get3A_750 = arith.constant 848 : index
          %get3A_751 = tpu.vector_load %arg9[%get3A_749, %get3A_750] {strides = array<i32>} : memref<16x1024xf32, #tpu.memory_space<vmem>>, vector<16xf32>,
          %mul3A_752 = vector.broadcast %reduce_sum3A_109 : f32 to vector<16xf32>
          %mul3A_753 = arith.mulf %mul3A_752, %get3A_751 : vector<16xf32>
          %add3A_754 = arith.addf %get3A_748, %mul3A_753 : vector<16xf32>
          %swap3A_755 = arith.index_cast %scan3A_102 : i32 to index
          %swap3A_756 = arith.constant 848 : index
          %swap3A_757 = tpu.vector_load %arg7[%swap3A_755, %swap3A_756] {strides = array<i32>} : memref<16x1024xf32, #tpu.memory_space<vmem>>, vector<16xf32>,
          tpu.vector_store %arg7[%swap3A_755, %swap3A_756], %add3A_754 {strides = array<i32>} : memref<16x1024xf32, #tpu.memory_space<vmem>>, vector<16xf32>,
          %get3A_758 = arith.index_cast %scan3A_102 : i32 to index
          %get3A_759 = arith.constant 864 : index
          %get3A_760 = tpu.vector_load %arg7[%get3A_758, %get3A_759] {strides = array<i32>} : memref<16x1024xf32, #tpu.memory_space<vmem>>, vector<16xf32>,
          %get3A_761 = arith.index_cast %scan3A_102 : i32 to index
          %get3A_762 = arith.constant 864 : index
          %get3A_763 = tpu.vector_load %arg9[%get3A_761, %get3A_762] {strides = array<i32>} : memref<16x1024xf32, #tpu.memory_space<vmem>>, vector<16xf32>,
          %mul3A_764 = vector.broadcast %reduce_sum3A_109 : f32 to vector<16xf32>
          %mul3A_765 = arith.mulf %mul3A_764, %get3A_763 : vector<16xf32>
          %add3A_766 = arith.addf %get3A_760, %mul3A_765 : vector<16xf32>
          %swap3A_767 = arith.index_cast %scan3A_102 : i32 to index
          %swap3A_768 = arith.constant 864 : index
          %swap3A_769 = tpu.vector_load %arg7[%swap3A_767, %swap3A_768] {strides = array<i32>} : memref<16x1024xf32, #tpu.memory_space<vmem>>, vector<16xf32>,
          tpu.vector_store %arg7[%swap3A_767, %swap3A_768], %add3A_766 {strides = array<i32>} : memref<16x1024xf32, #tpu.memory_space<vmem>>, vector<16xf32>,
          %get3A_770 = arith.index_cast %scan3A_102 : i32 to index
          %get3A_771 = arith.constant 880 : index
          %get3A_772 = tpu.vector_load %arg7[%get3A_770, %get3A_771] {strides = array<i32>} : memref<16x1024xf32, #tpu.memory_space<vmem>>, vector<16xf32>,
          %get3A_773 = arith.index_cast %scan3A_102 : i32 to index
          %get3A_774 = arith.constant 880 : index
          %get3A_775 = tpu.vector_load %arg9[%get3A_773, %get3A_774] {strides = array<i32>} : memref<16x1024xf32, #tpu.memory_space<vmem>>, vector<16xf32>,
          %mul3A_776 = vector.broadcast %reduce_sum3A_109 : f32 to vector<16xf32>
          %mul3A_777 = arith.mulf %mul3A_776, %get3A_775 : vector<16xf32>
          %add3A_778 = arith.addf %get3A_772, %mul3A_777 : vector<16xf32>
          %swap3A_779 = arith.index_cast %scan3A_102 : i32 to index
          %swap3A_780 = arith.constant 880 : index
          %swap3A_781 = tpu.vector_load %arg7[%swap3A_779, %swap3A_780] {strides = array<i32>} : memref<16x1024xf32, #tpu.memory_space<vmem>>, vector<16xf32>,
          tpu.vector_store %arg7[%swap3A_779, %swap3A_780], %add3A_778 {strides = array<i32>} : memref<16x1024xf32, #tpu.memory_space<vmem>>, vector<16xf32>,
          %get3A_782 = arith.index_cast %scan3A_102 : i32 to index
          %get3A_783 = arith.constant 896 : index
          %get3A_784 = tpu.vector_load %arg7[%get3A_782, %get3A_783] {strides = array<i32>} : memref<16x1024xf32, #tpu.memory_space<vmem>>, vector<16xf32>,
          %get3A_785 = arith.index_cast %scan3A_102 : i32 to index
          %get3A_786 = arith.constant 896 : index
          %get3A_787 = tpu.vector_load %arg9[%get3A_785, %get3A_786] {strides = array<i32>} : memref<16x1024xf32, #tpu.memory_space<vmem>>, vector<16xf32>,
          %mul3A_788 = vector.broadcast %reduce_sum3A_109 : f32 to vector<16xf32>
          %mul3A_789 = arith.mulf %mul3A_788, %get3A_787 : vector<16xf32>
          %add3A_790 = arith.addf %get3A_784, %mul3A_789 : vector<16xf32>
          %swap3A_791 = arith.index_cast %scan3A_102 : i32 to index
          %swap3A_792 = arith.constant 896 : index
          %swap3A_793 = tpu.vector_load %arg7[%swap3A_791, %swap3A_792] {strides = array<i32>} : memref<16x1024xf32, #tpu.memory_space<vmem>>, vector<16xf32>,
          tpu.vector_store %arg7[%swap3A_791, %swap3A_792], %add3A_790 {strides = array<i32>} : memref<16x1024xf32, #tpu.memory_space<vmem>>, vector<16xf32>,
          %get3A_794 = arith.index_cast %scan3A_102 : i32 to index
          %get3A_795 = arith.constant 912 : index
          %get3A_796 = tpu.vector_load %arg7[%get3A_794, %get3A_795] {strides = array<i32>} : memref<16x1024xf32, #tpu.memory_space<vmem>>, vector<16xf32>,
          %get3A_797 = arith.index_cast %scan3A_102 : i32 to index
          %get3A_798 = arith.constant 912 : index
          %get3A_799 = tpu.vector_load %arg9[%get3A_797, %get3A_798] {strides = array<i32>} : memref<16x1024xf32, #tpu.memory_space<vmem>>, vector<16xf32>,
          %mul3A_800 = vector.broadcast %reduce_sum3A_109 : f32 to vector<16xf32>
          %mul3A_801 = arith.mulf %mul3A_800, %get3A_799 : vector<16xf32>
          %add3A_802 = arith.addf %get3A_796, %mul3A_801 : vector<16xf32>
          %swap3A_803 = arith.index_cast %scan3A_102 : i32 to index
          %swap3A_804 = arith.constant 912 : index
          %swap3A_805 = tpu.vector_load %arg7[%swap3A_803, %swap3A_804] {strides = array<i32>} : memref<16x1024xf32, #tpu.memory_space<vmem>>, vector<16xf32>,
          tpu.vector_store %arg7[%swap3A_803, %swap3A_804], %add3A_802 {strides = array<i32>} : memref<16x1024xf32, #tpu.memory_space<vmem>>, vector<16xf32>,
          %get3A_806 = arith.index_cast %scan3A_102 : i32 to index
          %get3A_807 = arith.constant 928 : index
          %get3A_808 = tpu.vector_load %arg7[%get3A_806, %get3A_807] {strides = array<i32>} : memref<16x1024xf32, #tpu.memory_space<vmem>>, vector<16xf32>,
          %get3A_809 = arith.index_cast %scan3A_102 : i32 to index
          %get3A_810 = arith.constant 928 : index
          %get3A_811 = tpu.vector_load %arg9[%get3A_809, %get3A_810] {strides = array<i32>} : memref<16x1024xf32, #tpu.memory_space<vmem>>, vector<16xf32>,
          %mul3A_812 = vector.broadcast %reduce_sum3A_109 : f32 to vector<16xf32>
          %mul3A_813 = arith.mulf %mul3A_812, %get3A_811 : vector<16xf32>
          %add3A_814 = arith.addf %get3A_808, %mul3A_813 : vector<16xf32>
          %swap3A_815 = arith.index_cast %scan3A_102 : i32 to index
          %swap3A_816 = arith.constant 928 : index
          %swap3A_817 = tpu.vector_load %arg7[%swap3A_815, %swap3A_816] {strides = array<i32>} : memref<16x1024xf32, #tpu.memory_space<vmem>>, vector<16xf32>,
          tpu.vector_store %arg7[%swap3A_815, %swap3A_816], %add3A_814 {strides = array<i32>} : memref<16x1024xf32, #tpu.memory_space<vmem>>, vector<16xf32>,
          %get3A_818 = arith.index_cast %scan3A_102 : i32 to index
          %get3A_819 = arith.constant 944 : index
          %get3A_820 = tpu.vector_load %arg7[%get3A_818, %get3A_819] {strides = array<i32>} : memref<16x1024xf32, #tpu.memory_space<vmem>>, vector<16xf32>,
          %get3A_821 = arith.index_cast %scan3A_102 : i32 to index
          %get3A_822 = arith.constant 944 : index
          %get3A_823 = tpu.vector_load %arg9[%get3A_821, %get3A_822] {strides = array<i32>} : memref<16x1024xf32, #tpu.memory_space<vmem>>, vector<16xf32>,
          %mul3A_824 = vector.broadcast %reduce_sum3A_109 : f32 to vector<16xf32>
          %mul3A_825 = arith.mulf %mul3A_824, %get3A_823 : vector<16xf32>
          %add3A_826 = arith.addf %get3A_820, %mul3A_825 : vector<16xf32>
          %swap3A_827 = arith.index_cast %scan3A_102 : i32 to index
          %swap3A_828 = arith.constant 944 : index
          %swap3A_829 = tpu.vector_load %arg7[%swap3A_827, %swap3A_828] {strides = array<i32>} : memref<16x1024xf32, #tpu.memory_space<vmem>>, vector<16xf32>,
          tpu.vector_store %arg7[%swap3A_827, %swap3A_828], %add3A_826 {strides = array<i32>} : memref<16x1024xf32, #tpu.memory_space<vmem>>, vector<16xf32>,
          %get3A_830 = arith.index_cast %scan3A_102 : i32 to index
          %get3A_831 = arith.constant 960 : index
          %get3A_832 = tpu.vector_load %arg7[%get3A_830, %get3A_831] {strides = array<i32>} : memref<16x1024xf32, #tpu.memory_space<vmem>>, vector<16xf32>,
          %get3A_833 = arith.index_cast %scan3A_102 : i32 to index
          %get3A_834 = arith.constant 960 : index
          %get3A_835 = tpu.vector_load %arg9[%get3A_833, %get3A_834] {strides = array<i32>} : memref<16x1024xf32, #tpu.memory_space<vmem>>, vector<16xf32>,
          %mul3A_836 = vector.broadcast %reduce_sum3A_109 : f32 to vector<16xf32>
          %mul3A_837 = arith.mulf %mul3A_836, %get3A_835 : vector<16xf32>
          %add3A_838 = arith.addf %get3A_832, %mul3A_837 : vector<16xf32>
          %swap3A_839 = arith.index_cast %scan3A_102 : i32 to index
          %swap3A_840 = arith.constant 960 : index
          %swap3A_841 = tpu.vector_load %arg7[%swap3A_839, %swap3A_840] {strides = array<i32>} : memref<16x1024xf32, #tpu.memory_space<vmem>>, vector<16xf32>,
          tpu.vector_store %arg7[%swap3A_839, %swap3A_840], %add3A_838 {strides = array<i32>} : memref<16x1024xf32, #tpu.memory_space<vmem>>, vector<16xf32>,
          %get3A_842 = arith.index_cast %scan3A_102 : i32 to index
          %get3A_843 = arith.constant 976 : index
          %get3A_844 = tpu.vector_load %arg7[%get3A_842, %get3A_843] {strides = array<i32>} : memref<16x1024xf32, #tpu.memory_space<vmem>>, vector<16xf32>,
          %get3A_845 = arith.index_cast %scan3A_102 : i32 to index
          %get3A_846 = arith.constant 976 : index
          %get3A_847 = tpu.vector_load %arg9[%get3A_845, %get3A_846] {strides = array<i32>} : memref<16x1024xf32, #tpu.memory_space<vmem>>, vector<16xf32>,
          %mul3A_848 = vector.broadcast %reduce_sum3A_109 : f32 to vector<16xf32>
          %mul3A_849 = arith.mulf %mul3A_848, %get3A_847 : vector<16xf32>
          %add3A_850 = arith.addf %get3A_844, %mul3A_849 : vector<16xf32>
          %swap3A_851 = arith.index_cast %scan3A_102 : i32 to index
          %swap3A_852 = arith.constant 976 : index
          %swap3A_853 = tpu.vector_load %arg7[%swap3A_851, %swap3A_852] {strides = array<i32>} : memref<16x1024xf32, #tpu.memory_space<vmem>>, vector<16xf32>,
          tpu.vector_store %arg7[%swap3A_851, %swap3A_852], %add3A_850 {strides = array<i32>} : memref<16x1024xf32, #tpu.memory_space<vmem>>, vector<16xf32>,
          %get3A_854 = arith.index_cast %scan3A_102 : i32 to index
          %get3A_855 = arith.constant 992 : index
          %get3A_856 = tpu.vector_load %arg7[%get3A_854, %get3A_855] {strides = array<i32>} : memref<16x1024xf32, #tpu.memory_space<vmem>>, vector<16xf32>,
          %get3A_857 = arith.index_cast %scan3A_102 : i32 to index
          %get3A_858 = arith.constant 992 : index
          %get3A_859 = tpu.vector_load %arg9[%get3A_857, %get3A_858] {strides = array<i32>} : memref<16x1024xf32, #tpu.memory_space<vmem>>, vector<16xf32>,
          %mul3A_860 = vector.broadcast %reduce_sum3A_109 : f32 to vector<16xf32>
          %mul3A_861 = arith.mulf %mul3A_860, %get3A_859 : vector<16xf32>
          %add3A_862 = arith.addf %get3A_856, %mul3A_861 : vector<16xf32>
          %swap3A_863 = arith.index_cast %scan3A_102 : i32 to index
          %swap3A_864 = arith.constant 992 : index
          %swap3A_865 = tpu.vector_load %arg7[%swap3A_863, %swap3A_864] {strides = array<i32>} : memref<16x1024xf32, #tpu.memory_space<vmem>>, vector<16xf32>,
          tpu.vector_store %arg7[%swap3A_863, %swap3A_864], %add3A_862 {strides = array<i32>} : memref<16x1024xf32, #tpu.memory_space<vmem>>, vector<16xf32>,
          %get3A_866 = arith.index_cast %scan3A_102 : i32 to index
          %get3A_867 = arith.constant 1008 : index
          %get3A_868 = tpu.vector_load %arg7[%get3A_866, %get3A_867] {strides = array<i32>} : memref<16x1024xf32, #tpu.memory_space<vmem>>, vector<16xf32>,
          %get3A_869 = arith.index_cast %scan3A_102 : i32 to index
          %get3A_870 = arith.constant 1008 : index
          %get3A_871 = tpu.vector_load %arg9[%get3A_869, %get3A_870] {strides = array<i32>} : memref<16x1024xf32, #tpu.memory_space<vmem>>, vector<16xf32>,
          %mul3A_872 = vector.broadcast %reduce_sum3A_109 : f32 to vector<16xf32>
          %mul3A_873 = arith.mulf %mul3A_872, %get3A_871 : vector<16xf32>
          %add3A_874 = arith.addf %get3A_868, %mul3A_873 : vector<16xf32>
          %swap3A_875 = arith.index_cast %scan3A_102 : i32 to index
          %swap3A_876 = arith.constant 1008 : index
          %swap3A_877 = tpu.vector_load %arg7[%swap3A_875, %swap3A_876] {strides = array<i32>} : memref<16x1024xf32, #tpu.memory_space<vmem>>, vector<16xf32>,
          tpu.vector_store %arg7[%swap3A_875, %swap3A_876], %add3A_874 {strides = array<i32>} : memref<16x1024xf32, #tpu.memory_space<vmem>>, vector<16xf32>,
        }
        %scan3A_86 = arith.constant 16 : i32
        %get3A_87 = arith.constant 0 : index
        %get3A_88 = tpu.vector_load %arg10[%get3A_87] {strides = array<i32>} : memref<16xi32, #tpu.memory_space<vmem>>, vector<16xi32>,
        %mul3A_89 = arith.constant 2 : i32
        %mul3A_90 = vector.broadcast %mul3A_89 : i32 to vector<16xi32>
        %mul3A_91 = arith.muli %get3A_88, %mul3A_90 : vector<16xi32>
        %add3A_92 = arith.constant 1 : i32
        %add3A_93 = vector.broadcast %add3A_92 : i32 to vector<16xi32>
        %add3A_94 = arith.addi %mul3A_91, %add3A_93 : vector<16xi32>
        %gt3A_95 = arith.constant 0.000000e+00 : f32
        %gt3A_96 = vector.broadcast %gt3A_95 : f32 to vector<16xf32>
        %gt3A_97 = arith.cmpf ogt, %scan3A_74, %gt3A_96 : vector<16xf32>
        %convert_element_type3A_98 = arith.extui %gt3A_97 : vector<16xi1> to vector<16xi32>
        %add3A_99 = arith.addi %add3A_94, %convert_element_type3A_98 : vector<16xi32>
        %swap3A_100 = arith.constant 0 : index
        %swap3A_101 = tpu.vector_load %arg10[%swap3A_100] {strides = array<i32>} : memref<16xi32, #tpu.memory_space<vmem>>, vector<16xi32>,
        tpu.vector_store %arg10[%swap3A_100], %add3A_99 {strides = array<i32>} : memref<16xi32, #tpu.memory_space<vmem>>, vector<16xi32>,
      }
      %scan3A_57 = arith.constant 13 : i32
      "tpu.region"() ({
        %run_scoped3A = tpu.sem_alloc : memref<!tpu.dma_semaphore, #tpu.memory_space<semaphore_mem>>
        %dma_start3A_58 = arith.constant 0 : i32
        %dma_start3A_59 = tpu.memref_slice %arg5[%add3A_11, %dma_start3A_58] : memref<8192x1024xf32, #tpu.memory_space<hbm>> -> memref<16x1024xf32, #tpu.memory_space<hbm>>
        %dma_start3A_60 = arith.constant 0 : i32
        %dma_start3A_61 = tpu.memref_slice %arg5[%add3A_11, %dma_start3A_60] : memref<8192x1024xf32, #tpu.memory_space<hbm>> -> memref<16x1024xf32, #tpu.memory_space<hbm>>
        tpu.enqueue_dma source(%arg7 : memref<16x1024xf32, #tpu.memory_space<vmem>>) target(%dma_start3A_61 : memref<16x1024xf32, #tpu.memory_space<hbm>>) target_semaphore(%run_scoped3A : memref<!tpu.dma_semaphore, #tpu.memory_space<semaphore_mem>>)
        %dma_wait3A_62 = arith.constant 0 : i32
        %dma_wait3A_63 = tpu.memref_slice %arg5[%add3A_11, %dma_wait3A_62] : memref<8192x1024xf32, #tpu.memory_space<hbm>> -> memref<16x1024xf32, #tpu.memory_space<hbm>>
        %dma_wait3A_64 = arith.constant 0 : i32
        %dma_wait3A_65 = tpu.memref_slice %arg5[%add3A_11, %dma_wait3A_64] : memref<8192x1024xf32, #tpu.memory_space<hbm>> -> memref<16x1024xf32, #tpu.memory_space<hbm>>
        tpu.wait_dma2 semaphore(%run_scoped3A : memref<!tpu.dma_semaphore, #tpu.memory_space<semaphore_mem>>) src(%arg7 : memref<16x1024xf32, #tpu.memory_space<vmem>>) dst(%dma_wait3A_65 : memref<16x1024xf32, #tpu.memory_space<hbm>>)
        tpu.yield
      }) : () -> ()
    }
    %scan3A_7 = arith.constant 16 : i32
    return
  }
}

</mosaic_0001>

<sc_bundles>
// kernel: kernel.3.cloned.1.call-start
scs
__scs_entry_jumppad:
0x0: {  	(pc) =	sbr.rel $0x88, $3  }
0x1: {  	(tag) =	ssettag $0x0;
	lr =	simm.s32 $0x1  }
0x2: {  	[smem:$0x3F9E] =	sst lr;
	_ =	strace $0xD0000000  }
0x3: {  	_ = 	snop  }
0x4: {  	_ = 	snop  }
0x5: {  	_ = 	snop  }
0x6: {  	_ = 	snop  }
0x7: {  	_ = 	snop  }
__scs_overlays_trampoline_lowered:
0x8: {  	[smem:$0x3FAD] =	sst s0  }
0x9: {  	[smem:$0x3FAE] =	sst s1  }
0xa: {  	[smem:$0x3FAF] =	sst s2  }
0xb: {  	[smem:$0x3FB0] =	sst s3  }
0xc: {  	[smem:$0x3FB1] =	sst s4  }
0xd: {  	[smem:$0x3FB2] =	sst s5  }
0xe: {  	[smem:$0x3FB3] =	sst s6  }
0xf: {  	[smem:$0x3FB4] =	sst s7  }
0x10: {  	[smem:$0x3FB5] =	sst s8  }
0x11: {  	[smem:$0x3FB6] =	sst s9;
	s0 =	simm.s32 @!p0 $0x0  }
0x12: {  	s1 =	sld [smem:$0x3F9C];
	s0 =	simm.s32 @p0 $0x1  }
0x13: {  	[smem:$0x3FB7] =	sst s0;
	s0 =	simm.s32 @!p1 $0x0  }
0x14: {  	s2 =	sld [smem:$0x3F9B];
	s0 =	simm.s32 @p1 $0x1  }
0x15: {  	[smem:$0x3FB8] =	sst s0;
	s0 =	simm.s32 @!p2 $0x0  }
0x16: {  	s3 =	sld [smem:$0x3FDB];
	s0 =	simm.s32 @p2 $0x1  }
0x17: {  	s4 =	simm.s32 $0x1BF5;
	[smem:$0x3FBA] =	sst s0  }
0x18: {  	s0 =	sld [smem:$0x3F9D];
	_ =	swait.ge [sflag:s4], $0x0  }
0x19: {  	s7 =	sld [smem:$0x3F9E]  }
0x1a: {  	s8 =	sadd.s32 $0xFFFFE003, lr  }
0x1b: {  	s9 =	sadd.s32 $0xFFFFFEF7, lr;
	s5 =	simm.s32 $0xFFFFFFFF;
	p2 =	slt.u32 s8, $0xFFFFF086  }
0x1c: {  	p1 =	slt.u32 s9, $0xF7A;
	s5 =	simm.s32 @!p2 $0x0  }
0x1d: {  	s5 =	simm.s32 @p1 $0x1;
	p0 =	seq.s32 s7, s2  }
0x1e: {  	s7 =	smul.u32 @!p0 $0xF7A, s2;
	p2 =	seq.s32 @!p0 s5, $0x0  }
0x1f: {  	s9 =	smul.u32 $0xF7A, s1;
	s8 =	simm.s32 @!p0 $0x1BF5;
	p2 =	por !p2, p0  }
0x20: {  	[sflag:s8] =	ssyncset.s32 @!p0 $0xFFFFF086;
	s6 =	sadd.s32 @!p0 s3, s7;
	s7 =	simm.s32 @!p0 $0x108  }
0x21: {  	s3 =	sadd.s32 s3, s9;
	s6 =	sadd.s32 @!p0 $0x88, s6;
	s7 =	simm.s32 @p2 $0x1082  }
0x22: {  	[simem:s7], [sflag:s8] =	dma.local @!p0 [hbm:s6], $0xF7A  }
0x23: {  	s9 =	sor.u32 $0xD0000000, s2;
	s6 =	simm.s32 $0x108;
	_ =	swait.ge @!p0 [sflag:s8], $0x0  }
0x24: {  	s3 =	sadd.s32 $0x88, s3;
	s6 =	simm.s32 @!p1 $0x1082;
	[sflag:s4] =	ssyncset.s32 $0xFFFFF086  }
0x25: {  	[simem:s6], [sflag:s4] =	dma.local [hbm:s3], $0xF7A  }
0x26: {  	[smem:$0x3F9E] =	sst s1;
	(tag) =	ssettag s2;
	_ =	strace s9  }
0x27: {  	s1 =	sld [smem:$0x3FAE]  }
0x28: {  	s2 =	sld [smem:$0x3FAF]  }
0x29: {  	s4 =	sld [smem:$0x3FB1]  }
0x2a: {  	p0 =	seq.s32 s5, $0x0;
	s5 =	sld [smem:$0x3FB2]  }
0x2b: {  	s6 =	sld [smem:$0x3FB3]  }
0x2c: {  	s7 =	sld [smem:$0x3FB4]  }
0x2d: {  	s3 =	simm.s32 $0x108;
	s8 =	sld [smem:$0x3FB5]  }
0x2e: {  	s3 =	simm.s32 @!p0 $0x1082;
	s9 =	sld [smem:$0x3FB6]  }
0x2f: {  	lr =	sadd.s32 s0, s3;
	s0 =	sld [smem:$0x3FAD]  }
0x30: {  	s3 =	sld [smem:$0x3FB0]  }
0x31: {  	[smem:$0x3FB9] =	sst s10  }
0x32: {  	s10 =	sld [smem:$0x3FB7];
	_ =	sdelay $0x3  }
0x33: {  	p0 =	seq.s32 s10, $0x1;
	s10 =	sld [smem:$0x3FB9];
	_ =	sdelay $0x3  }
0x34: {  	[smem:$0x3FB9] =	sst s10  }
0x35: {  	s10 =	sld [smem:$0x3FB8];
	_ =	sdelay $0x3  }
0x36: {  	p1 =	seq.s32 s10, $0x1;
	s10 =	sld [smem:$0x3FB9];
	_ =	sdelay $0x3  }
0x37: {  	[smem:$0x3FB9] =	sst s10  }
0x38: {  	s10 =	sld [smem:$0x3FBA]  }
0x39: {  	_ = 	snop;
	(pc) =	sbr.ind lr, $3  }
0x3a: {  	_ = 	snop  }
0x3b: {  	_ = 	snop  }
0x3c: {  	p2 =	seq.s32 s10, $0x1;
	s10 =	sld [smem:$0x3FB9]  }
0x3d: {  	_ =	shalt  }
0x3e: {  	_ =	shalt  }
0x3f: {  	_ =	shalt  }
0x40: {  	_ =	shalt  }
0x41: {  	_ =	shalt  }
0x42: {  	_ =	shalt  }
0x43: {  	_ =	shalt  }
0x44: {  	_ =	shalt  }
0x45: {  	_ =	shalt  }
0x46: {  	_ =	shalt  }
0x47: {  	_ =	shalt  }
0x48: {  	_ =	shalt  }
0x49: {  	_ =	shalt  }
0x4a: {  	_ =	shalt  }
0x4b: {  	_ =	shalt  }
0x4c: {  	_ =	shalt  }
0x4d: {  	_ =	shalt  }
0x4e: {  	_ =	shalt  }
0x4f: {  	_ =	shalt  }
0x50: {  	_ =	shalt  }
0x51: {  	_ =	shalt  }
0x52: {  	_ =	shalt  }
0x53: {  	_ =	shalt  }
0x54: {  	_ =	shalt  }
0x55: {  	_ =	shalt  }
0x56: {  	_ =	shalt  }
0x57: {  	_ =	shalt  }
0x58: {  	_ =	shalt  }
0x59: {  	_ =	shalt  }
0x5a: {  	_ =	shalt  }
0x5b: {  	_ =	shalt  }
0x5c: {  	_ =	shalt  }
0x5d: {  	_ =	shalt  }
0x5e: {  	_ =	shalt  }
0x5f: {  	_ =	shalt  }
0x60: {  	_ =	shalt  }
0x61: {  	_ =	shalt  }
0x62: {  	_ =	shalt  }
0x63: {  	_ =	shalt  }
0x64: {  	_ =	shalt  }
0x65: {  	_ =	shalt  }
0x66: {  	_ =	shalt  }
0x67: {  	_ =	shalt  }
0x68: {  	_ =	shalt  }
0x69: {  	_ =	shalt  }
0x6a: {  	_ =	shalt  }
0x6b: {  	_ =	shalt  }
0x6c: {  	_ =	shalt  }
0x6d: {  	_ =	shalt  }
0x6e: {  	_ =	shalt  }
0x6f: {  	_ =	shalt  }
0x70: {  	_ =	shalt  }
0x71: {  	_ =	shalt  }
0x72: {  	_ =	shalt  }
0x73: {  	_ =	shalt  }
0x74: {  	_ =	shalt  }
0x75: {  	_ =	shalt  }
0x76: {  	_ =	shalt  }
0x77: {  	_ =	shalt  }
0x78: {  	_ =	shalt  }
0x79: {  	_ =	shalt  }
0x7a: {  	_ =	shalt  }
0x7b: {  	_ =	shalt  }
0x7c: {  	_ =	shalt  }
0x7d: {  	_ =	shalt  }
0x7e: {  	_ =	shalt  }
0x7f: {  	_ =	shalt  }
0x80: {  	_ =	shalt  }
0x81: {  	_ =	shalt  }
0x82: {  	_ =	shalt  }
0x83: {  	_ =	shalt  }
0x84: {  	_ =	shalt  }
0x85: {  	_ =	shalt  }
0x86: {  	_ =	shalt  }
0x87: {  	_ =	shalt  }
.Lfunc_end0:
.L_simem_size_0:
called_computation_lowered:
.L_overlay_start_0:
0x88: {  	s2 =	sld [smem:$0x3FD9]  }
0x89: {  	s3 =	sld [smem:$0x3FFE];
	_ =	sdelay $0x1  }
0x8a: {  	s1 =	srdreg.scid  }
0x8b: {  	s0 =	sand.u32 $0x1, s1  }
0x8c: {  	s18 =	sshll.u32 s0, $0xA;
	s2 =	sadd.s32 s3, s2  }
0x8d: {  	s2 =	sadd.s32 s2, s18  }
0x8e: {  	[smem:$0x3FC5] =	sst s2  }
0x8f: {  	_ = 	snop  }
0x90: {  	s2 =	sld [smem:$0x3FC9]  }
0x91: {  	s19 =	sld [smem:$0x3FC8]  }
0x92: {  	s4 =	sld [smem:$0x3FC7]  }
0x93: {  	s5 =	sld [smem:$0x3FD0];
	(tm) =	ssettm $0x1  }
0x94: {  	s6 =	sld [smem:$0x3FFB];
	_ =	sdelay $0x3  }
0x95: {  	_ =	strace s6  }
0x96: {  	s6 =	sld [smem:$0x3FFC];
	_ =	sdelay $0x3  }
0x97: {  	_ =	strace s6  }
0x98: {  	s6 =	sld [smem:$0x3FFD];
	_ =	sdelay $0x3  }
0x99: {  	_ =	strace s6  }
0x9a: {  	_ =	strace $0x8FFFFFFF  }
0x9b: {  	s20 =	sld [smem:$0x3FDB];
	_ =	sdelay $0x1  }
0x9c: {  	s7 =	simm.s32 $_scs_section_size  }
0x9d: {  	s8 =	simm.s32 $_size__tile_overlayer_lowered;
	s9 =	simm.s32 $_tile_overlayer_lowered  }
0x9e: {  	s23 =	simm.s32 $0x1BFF;
	s22 =	sshll.u32 s9, $0x1;
	s6 =	sadd.s32 s7, s20  }
0x9f: {  	s10 =	simm.s32 $0x0;
	s21 =	sshll.u32 s8, $0x1;
	s8 =	sadd.s32 s22, s6  }
0xa0: {  	[timem:s10], [sflag:s23] =	dma.local [hbm:s8], s21  }
0xa1: {  	_ =	swait.ge [sflag:s23], s21  }
0xa2: {  	s7 =	ssub.s32 $0x0, s21;
	[sflag:s23] =	ssyncset.done $0x0  }
0xa3: {  	[sflag:s23] =	ssyncadd.s32 s7;
	_ =	sdelay $0x1  }
0xa4: {  	s24 =	simm.s32 $0x1B8B  }
0xa5: {  	_ =	swait.ge [sflag:s24], $0x1  }
0xa6: {  	[sflag:s24] =	ssyncset.done $0x0  }
0xa7: {  	s25 =	simm.s32 $0x1B8E;
	[sflag:s24] =	ssyncadd.s32 $0xFFFFFFFF  }
0xa8: {  	s26 =	simm.s32 $execute0_lowered;
	[smem:$0x3FD2] =	sst s25  }
0xa9: {  	s7 =	sshll.u32 s26, $0x1;
	_ =	strace $0x80000046;
	[dreg:$0x1] =	wrdreg $0xFFFFFFFF  }
0xaa: {  	s28 =	simm.s32 $_size_execute0_lowered;
	s6 =	sadd.s32 s6, s7;
	[dreg:$0x0] =	wrdreg $0x0  }
0xab: {  	s7 =	sshll.u32 s28, $0x1;
	[dreg:$0x2] =	wrdreg s6  }
0xac: {  	[dreg:$0x3] =	wrdreg s7  }
0xad: {  	[dreg:$0x4] =	wrdreg $0xC0  }
0xae: {  	_ =	task [dreg:s10], $0x5FFFF  }
0xaf: {  	[dreg:$0x1] =	wrdreg $0xFFFFFFFF  }
0xb0: {  	[dreg:$0x0] =	wrdreg $0x60  }
0xb1: {  	[dreg:$0x2] =	wrdreg s2  }
0xb2: {  	[dreg:$0x3] =	wrdreg s19  }
0xb3: {  	[dreg:$0x4] =	wrdreg s4  }
0xb4: {  	[dreg:$0x5] =	wrdreg s5  }
0xb5: {  	[dreg:$0x6] =	wrdreg $0x9  }
0xb6: {  	_ =	task.clear_ibuf [dreg:s10], $0x7FFFF;
	_ =	strace $0x90000046  }
0xb7: {  	s29 =	simm.s32 $0x9;
	_ =	strace $0x80000048  }
0xb8: {  	_ =	swait.ge [sflag:s29], $0x1  }
0xb9: {  	[sflag:s29] =	ssyncadd.s32 $0xFFFFFFFF  }
0xba: {  	_ =	strace $0x90000048  }
0xbb: {  	_ =	sfence  }
0xbc: {  	s30 =	sld [smem:$0x0];
	_ =	sdelay $0x2  }
0xbd: {  	s31 =	sshll.u32 s1, $0xD;
	s1 =	sshrl.u32 s1, $0x2  }
0xbe: {  	s3 =	sand.u32 $0x4000, s31;
	s1 =	sadd.s32 s1, s30  }
0xbf: {  	s0 =	sor.u32 s3, s0;
	s1 =	sshll.u32 s1, $0x11  }
0xc0: {  	s0 =	sor.u32 s1, s0  }
0xc1: {  	s0 =	sadd.s32 $0x8F2B, s0  }
0xc2: {  	[sflag:s0] =	ssyncadd.remote.s32 $0x1  }
0xc3: {  	_ =	sfence.sel $0xFFFF  }
0xc4: {  	[dreg:$0x0] =	wrdreg $0xFFFFFFFF;
	(pc) =	sbr.abs _section_cstart, $3  }
0xc5: {  	[dreg:$0x1] =	wrdreg $0xFFFFFFFF  }
0xc6: {  	_ =	task.clear_ibuf [dreg:s10], $0x2FFFF;
	_ =	strace $0x9FFFFFFF  }
0xc7: {  	(tm) =	ssettm $0x7FFFFFFF  }
tec
execute0_lowered:
.L_overlay_start_1:
0x0: {  	(tag) =	ssettag $0x1  }
0x1: {  	s2 =	rddreg [dreg:$0x1]  }
0x2: {  	s3 =	rddreg [dreg:$0x2];
	s1 =	simm.s32 $0x0  }
0x3: {  	s0 =	srdreg.scid;
	s5 =	stileid.u32;
	s20 =	simm.s32 $0xA000  }
0x4: {  	s21 =	simm.s32 $0xA800;
	s22 =	simm.s32 $0xB000;
	s23 =	simm.s32 $0xB800  }
0x5: {  	s24 =	simm.s32 $0xC000;
	s28 =	simm.s32 $0xD800;
	s29 =	simm.s32 $0xE000  }
0x6: {  	s30 =	simm.s32 $0xE800;
	s31 =	simm.s32 $0xF000;
	s6 =	simm.s32 $0x1  }
0x7: {  	s14 =	simm.s32 $0x2;
	[smem:$0x7FF] =	sst s1;
	s0 =	sand.u32 $0x1, s0  }
0x8: {  	v2 =	vlaneseq.u32;
	s5 =	sshll.u32 s5, $0x10;
	s8 =	sadd.s32 $0x100, s2;
	s9 =	sadd.s32 $0x200, s2  }
0x9: {  	v3 =	vimm.s32 $0x0;
	s10 =	sadd.s32 $0x300, s2;
	s11 =	sadd.s32 $0x100, s3;
	s12 =	sadd.s32 $0x200, s3;
	v1 =	vand.u32 $0x7, v2;
	v0 =	vshrl.u32 v2, $0x3  }
0xa: {  	v63 =	vor.u32 $0x8, v2;
	_ =	strace $0x80000047;
	s25 =	ssub.s32 $0x2, s0;
	s0 =	sshll.u32 s0, $0xF;
	[tilespmem:$0x1FFB0] =	vst v1;
	v1 =	vperm.xlane v3, v1;
	v4 =	vmul.u32 $0x8, v0  }
0xb: {  	s13 =	sadd.s32 $0x300, s3;
	[tilespmem:$0x1FFC0] =	vst v63;
	v0 =	vperm.xlane v3, v63;
	s4 =	sshrl.u32 s25, $0x1;
	s0 =	sor.u32 s0, s5  }
0xc: {  	s5 =	simm.s32 $0x3;
	s1 =	ssub.s32 s25, s4;
	[dreg:$0x5] =	wrdreg s0;
	v1 =	vadd.s32 v4, v1;
	[tilespmem:$0x1FFE0] =	vst v4  }
0xd: {  	s25 =	simm.s32 $0xC800;
	s0 =	simm.s32 $0xF800;
	v0 =	vadd.s32 v4, v0;
	s26 =	smax.u32 s1, $0x1;
	[tilespmem:$0x1FFD0] =	vst v1  }
0xe: {  	vm0 =	vmmov $0xffff;
	s4 =	simm.s32 $0x0;
	[tilespmem:$0x1FFF0] =	vst v0;
	[dreg:$0x6] =	wrdreg s26;
	s26 =	simm.s32 $0xD000  }
.LBB2_1:
0xf: {  	[dreg:$0x7] =	wrdreg s4;
	s1 =	simm.s32 $0x0  }
.LBB2_2:
0x10: {  	[dreg:$0x8] =	wrdreg s1  }
0x11: {  	s7 =	sshll.u32 s1, $0xB;
	s4 =	rddreg [dreg:$0x5]  }
0x12: {  	s15 =	rddreg [dreg:$0x0];
	s4 =	sadd.s32 s4, s7  }
0x13: {  	s1 =	simm.s32 $0x0;
	[dreg:$0x9] =	wrdreg s4;
	s4 =	sadd.s32 s15, s4  }
0x14: {  	[tilespmem:s1], [sflag:$0x3] =	stream.linear.gather [hbm4b:s4+s1], $0x4000, $0x38;
	[tilespmem:$0x10100] =	vst v63  }
0x15: {  	_ =	swait.ge [sflag:s5], $0x4000  }
0x16: {  	[sflag:s5] =	ssyncset.done $0x0  }
0x17: {  	v0 =	vimm.s32 $0x0;
	[sflag:s5] =	ssyncadd.s32 $0xFFFFC000  }
0x18: {  	[tilespmem:$0x10000] =	vst v0;
	v0 =	vld [tilespmem:$0x1FFD0];
	_ =	sdelay $0x6  }
0x19: {  	s16 =	simm.s32 $0x8000  }
0x1a: {  	[tilespmem:s16], [sflag:$0x1] =	stream.indirect_vreg.gather [hbm4b:s2+s1], $0x80, v0, vm0, $0xb8;
	[tilespmem:$0x10100] =	vst v63  }
0x1b: {  	s17 =	simm.s32 $0x8800  }
0x1c: {  	[tilespmem:s17], [sflag:$0x1] =	stream.indirect_vreg.gather [hbm4b:s8+s1], $0x80, v0, vm0, $0xb8;
	[tilespmem:$0x10100] =	vst v63  }
0x1d: {  	s18 =	simm.s32 $0x9000  }
0x1e: {  	[tilespmem:s18], [sflag:$0x1] =	stream.indirect_vreg.gather [hbm4b:s9+s1], $0x80, v0, vm0, $0xb8;
	[tilespmem:$0x10100] =	vst v63  }
0x1f: {  	s19 =	simm.s32 $0x9800  }
0x20: {  	[tilespmem:s19], [sflag:$0x1] =	stream.indirect_vreg.gather [hbm4b:s10+s1], $0x80, v0, vm0, $0xb8;
	v0 =	vld [tilespmem:$0x1FFF0]  }
0x21: {  	_ =	sdelay $0x6  }
0x22: {  	[tilespmem:s20], [sflag:$0x1] =	stream.indirect_vreg.gather [hbm4b:s2+s1], $0x80, v0, vm0, $0xb8;
	[tilespmem:$0x10100] =	vst v63  }
0x23: {  	_ = 	snop  }
0x24: {  	[tilespmem:s21], [sflag:$0x1] =	stream.indirect_vreg.gather [hbm4b:s8+s1], $0x80, v0, vm0, $0xb8;
	[tilespmem:$0x10100] =	vst v63  }
0x25: {  	_ = 	snop  }
0x26: {  	[tilespmem:s22], [sflag:$0x1] =	stream.indirect_vreg.gather [hbm4b:s9+s1], $0x80, v0, vm0, $0xb8;
	[tilespmem:$0x10100] =	vst v63  }
0x27: {  	_ = 	snop  }
0x28: {  	[tilespmem:s23], [sflag:$0x1] =	stream.indirect_vreg.gather [hbm4b:s10+s1], $0x80, v0, vm0, $0xb8;
	[tilespmem:$0x10100] =	vst v63  }
0x29: {  	v0 =	vld [tilespmem:$0x10000];
	_ =	sdelay $0x4  }
0x2a: {  	v1 =	vshll.u32 v0, $0x3  }
0x2b: {  	v0 =	vand.u32 $0x7, v0;
	v1 =	vand.u32 $0xFFFFFFC0, v1  }
0x2c: {  	v0 =	vor.u32 v0, v1;
	v1 =	vld [tilespmem:$0x1FFB0];
	_ =	sdelay $0x1  }
0x2d: {  	v2 =	vld [tilespmem:$0x1FFE0];
	_ =	sdelay $0x2  }
0x2e: {  	v1 =	vperm.xlane v0, v1;
	_ =	sdelay $0x1  }
0x2f: {  	v1 =	vadd.s32 v2, v1  }
0x30: {  	v3 =	vld [tilespmem:$0x1FFC0];
	_ =	sdelay $0x3  }
0x31: {  	[tilespmem:s24], [sflag:$0x2] =	stream.indirect_vreg.gather [hbm4b:s3+s1], $0x80, v1, vm0, $0xb8;
	[tilespmem:$0x10100] =	vst v63  }
0x32: {  	v0 =	vperm.xlane v0, v3  }
0x33: {  	[tilespmem:s25], [sflag:$0x2] =	stream.indirect_vreg.gather [hbm4b:s11+s1], $0x80, v1, vm0, $0xb8;
	[tilespmem:$0x10100] =	vst v63  }
0x34: {  	v0 =	vadd.s32 v2, v0  }
0x35: {  	[tilespmem:s26], [sflag:$0x2] =	stream.indirect_vreg.gather [hbm4b:s12+s1], $0x80, v1, vm0, $0xb8;
	[tilespmem:$0x10100] =	vst v63  }
0x36: {  	_ = 	snop  }
0x37: {  	[tilespmem:s28], [sflag:$0x2] =	stream.indirect_vreg.gather [hbm4b:s13+s1], $0x80, v1, vm0, $0xb8;
	[tilespmem:$0x10100] =	vst v63  }
0x38: {  	_ = 	snop  }
0x39: {  	[tilespmem:s29], [sflag:$0x2] =	stream.indirect_vreg.gather [hbm4b:s3+s1], $0x80, v0, vm0, $0xb8;
	[tilespmem:$0x10100] =	vst v63  }
0x3a: {  	_ = 	snop  }
0x3b: {  	[tilespmem:s30], [sflag:$0x2] =	stream.indirect_vreg.gather [hbm4b:s11+s1], $0x80, v0, vm0, $0xb8;
	[tilespmem:$0x10100] =	vst v63  }
0x3c: {  	_ = 	snop  }
0x3d: {  	[tilespmem:s31], [sflag:$0x2] =	stream.indirect_vreg.gather [hbm4b:s12+s1], $0x80, v0, vm0, $0xb8;
	[tilespmem:$0x10100] =	vst v63  }
0x3e: {  	_ = 	snop  }
0x3f: {  	[tilespmem:s0], [sflag:$0x2] =	stream.indirect_vreg.gather [hbm4b:s13+s1], $0x80, v0, vm0, $0xb8;
	[tilespmem:$0x10100] =	vst v63  }
0x40: {  	_ =	swait.ge [sflag:s6], $0x4000  }
0x41: {  	s7 =	sand.u32 $0x380, s1;
	s5 =	sand.u32 $0x2000, s1;
	[sflag:s6] =	ssyncset.done $0x0  }
0x42: {  	s4 =	sor.u32 s7, s5;
	[sflag:s6] =	ssyncadd.s32 $0xFFFFC000  }
0x43: {  	v4 =	vld [tilespmem:s4+$0x1820];
	_ =	sdelay $0x4  }
0x44: {  	[tilespmem:$0x1F8C0] =	vst v4;
	v4 =	vld [tilespmem:s4+$0x9820];
	_ =	sdelay $0x4  }
0x45: {  	[tilespmem:$0x1F8D0] =	vst v4;
	v4 =	vld [tilespmem:s4+$0x1830];
	_ =	sdelay $0x4  }
0x46: {  	[tilespmem:$0x1F8E0] =	vst v4;
	v4 =	vld [tilespmem:s4+$0x1440];
	_ =	sdelay $0x4  }
0x47: {  	[tilespmem:$0x1F8F0] =	vst v4;
	v4 =	vld [tilespmem:s4+$0x9440];
	_ =	sdelay $0x4  }
0x48: {  	[tilespmem:$0x1F900] =	vst v4;
	v4 =	vld [tilespmem:s4+$0x1450];
	_ =	sdelay $0x4  }
0x49: {  	[tilespmem:$0x1F910] =	vst v4;
	v4 =	vld [tilespmem:s4+$0x9450];
	_ =	sdelay $0x4  }
0x4a: {  	[tilespmem:$0x1F920] =	vst v4;
	v4 =	vld [tilespmem:s4+$0x1460];
	_ =	sdelay $0x4  }
0x4b: {  	[tilespmem:$0x1FC30] =	vst v4;
	v4 =	vld [tilespmem:s4+$0x9460];
	_ =	sdelay $0x4  }
0x4c: {  	[tilespmem:$0x1FC40] =	vst v4;
	v4 =	vld [tilespmem:s4+$0x1470];
	_ =	sdelay $0x4  }
0x4d: {  	[tilespmem:$0x1FC50] =	vst v4;
	v4 =	vld [tilespmem:s4+$0x9470];
	_ =	sdelay $0x4  }
0x4e: {  	[tilespmem:$0x1FC60] =	vst v4;
	v4 =	vld [tilespmem:s4+$0x1400];
	_ =	sdelay $0x4  }
0x4f: {  	[tilespmem:$0x1F930] =	vst v4;
	v4 =	vld [tilespmem:s4+$0x9400];
	_ =	sdelay $0x4  }
0x50: {  	[tilespmem:$0x1F940] =	vst v4;
	v4 =	vld [tilespmem:s4+$0x1410];
	_ =	sdelay $0x4  }
0x51: {  	[tilespmem:$0x1F950] =	vst v4;
	v4 =	vld [tilespmem:s4+$0x9410];
	_ =	sdelay $0x4  }
0x52: {  	[tilespmem:$0x1F960] =	vst v4;
	v4 =	vld [tilespmem:s4+$0x1420];
	_ =	sdelay $0x4  }
0x53: {  	[tilespmem:$0x1FBF0] =	vst v4;
	v4 =	vld [tilespmem:s4+$0x9420];
	_ =	sdelay $0x4  }
0x54: {  	[tilespmem:$0x1FC00] =	vst v4;
	v4 =	vld [tilespmem:s4+$0x1430];
	_ =	sdelay $0x4  }
0x55: {  	[tilespmem:$0x1FC10] =	vst v4;
	v4 =	vld [tilespmem:s4+$0x9430];
	_ =	sdelay $0x4  }
0x56: {  	[tilespmem:$0x1FC20] =	vst v4;
	v4 =	vld [tilespmem:s4+$0x1040];
	_ =	sdelay $0x4  }
0x57: {  	[tilespmem:$0x1F980] =	vst v4;
	v4 =	vld [tilespmem:s4+$0x9040];
	_ =	sdelay $0x4  }
0x58: {  	[tilespmem:$0x1F990] =	vst v4;
	v4 =	vld [tilespmem:s4+$0x1050];
	_ =	sdelay $0x4  }
0x59: {  	[tilespmem:$0x1F9A0] =	vst v4;
	v4 =	vld [tilespmem:s4+$0x9050];
	_ =	sdelay $0x4  }
0x5a: {  	[tilespmem:$0x1F9B0] =	vst v4;
	v4 =	vld [tilespmem:s4+$0x1060];
	_ =	sdelay $0x4  }
0x5b: {  	[tilespmem:$0x1FBB0] =	vst v4;
	v4 =	vld [tilespmem:s4+$0x9060];
	_ =	sdelay $0x4  }
0x5c: {  	[tilespmem:$0x1FBC0] =	vst v4;
	v4 =	vld [tilespmem:s4+$0x1070];
	_ =	sdelay $0x4  }
0x5d: {  	[tilespmem:$0x1FBD0] =	vst v4;
	v4 =	vld [tilespmem:s4+$0x9070];
	_ =	sdelay $0x4  }
0x5e: {  	[tilespmem:$0x1FBE0] =	vst v4;
	v4 =	vld [tilespmem:s4+$0x1000];
	_ =	sdelay $0x4  }
0x5f: {  	[tilespmem:$0x1F9D0] =	vst v4;
	v4 =	vld [tilespmem:s4+$0x9000];
	_ =	sdelay $0x4  }
0x60: {  	[tilespmem:$0x1F9E0] =	vst v4;
	v4 =	vld [tilespmem:s4+$0x1010];
	_ =	sdelay $0x4  }
0x61: {  	[tilespmem:$0x1F9F0] =	vst v4;
	v4 =	vld [tilespmem:s4+$0x9010];
	_ =	sdelay $0x4  }
0x62: {  	[tilespmem:$0x1FA00] =	vst v4;
	v4 =	vld [tilespmem:s4+$0x1020];
	_ =	sdelay $0x4  }
0x63: {  	[tilespmem:$0x1FB70] =	vst v4;
	v4 =	vld [tilespmem:s4+$0x9020];
	_ =	sdelay $0x4  }
0x64: {  	[tilespmem:$0x1FB80] =	vst v4;
	v4 =	vld [tilespmem:s4+$0x1030];
	_ =	sdelay $0x4  }
0x65: {  	[tilespmem:$0x1FB90] =	vst v4;
	v4 =	vld [tilespmem:s4+$0x9030];
	_ =	sdelay $0x4  }
0x66: {  	[tilespmem:$0x1FBA0] =	vst v4;
	v4 =	vld [tilespmem:s4+$0xC60];
	_ =	sdelay $0x4  }
0x67: {  	[tilespmem:$0x1FB30] =	vst v4;
	v4 =	vld [tilespmem:s4+$0x8C60];
	_ =	sdelay $0x4  }
0x68: {  	[tilespmem:$0x1FB40] =	vst v4;
	v4 =	vld [tilespmem:s4+$0xC20];
	_ =	sdelay $0x4  }
0x69: {  	[tilespmem:$0x1FAF0] =	vst v4;
	v4 =	vld [tilespmem:s4+$0x8C20];
	_ =	sdelay $0x4  }
0x6a: {  	[tilespmem:$0x1FB00] =	vst v4;
	v4 =	vld [tilespmem:s4+$0x860];
	_ =	sdelay $0x4  }
0x6b: {  	[tilespmem:$0x1FAB0] =	vst v4;
	v4 =	vld [tilespmem:s4+$0x8860];
	_ =	sdelay $0x4  }
0x6c: {  	[tilespmem:$0x1FAC0] =	vst v4;
	v4 =	vld [tilespmem:s4+$0x820];
	_ =	sdelay $0x4  }
0x6d: {  	[tilespmem:$0x1FA90] =	vst v4;
	v4 =	vld [tilespmem:s4+$0x8820];
	_ =	sdelay $0x4  }
0x6e: {  	[tilespmem:$0x1FAA0] =	vst v4;
	v4 =	vld [tilespmem:s4+$0x460];
	_ =	sdelay $0x4  }
0x6f: {  	[tilespmem:$0x1FA70] =	vst v4;
	v4 =	vld [tilespmem:s4+$0x8460];
	_ =	sdelay $0x4  }
0x70: {  	[tilespmem:$0x1FA80] =	vst v4;
	v4 =	vld [tilespmem:s4+$0x870];
	_ =	sdelay $0x4  }
0x71: {  	[tilespmem:$0x1FAD0] =	vst v4;
	v4 =	vld [tilespmem:s4+$0x8870];
	_ =	sdelay $0x4  }
0x72: {  	[tilespmem:$0x1FAE0] =	vst v4;
	v4 =	vld [tilespmem:s4+$0xC30];
	_ =	sdelay $0x4  }
0x73: {  	[tilespmem:$0x1FB10] =	vst v4;
	v4 =	vld [tilespmem:s4+$0x8C30];
	_ =	sdelay $0x4  }
0x74: {  	[tilespmem:$0x1FB20] =	vst v4;
	v4 =	vld [tilespmem:s4+$0xC70];
	_ =	sdelay $0x4  }
0x75: {  	[tilespmem:$0x1FB50] =	vst v4;
	v4 =	vld [tilespmem:s4+$0x8C70]  }
0x76: {  	s15 =	sand.u32 $0x7, s1  }
0x77: {  	s5 =	sshll.u32 s15, $0x7  }
0x78: {  	s5 =	sadd.s32 $0x0, s5  }
0x79: {  	s7 =	sor.u32 $0x1C40, s5  }
0x7a: {  	[tilespmem:$0x1FB60] =	vst v4;
	v4 =	vld [tilespmem:s7+$0x0];
	_ =	sdelay $0x4  }
0x7b: {  	[tilespmem:$0x1FC70] =	vst v4;
	v4 =	vld [tilespmem:s7+$0x8000];
	_ =	sdelay $0x3  }
0x7c: {  	s16 =	sor.u32 $0x1C50, s5  }
0x7d: {  	[tilespmem:$0x1FC80] =	vst v4;
	v4 =	vld [tilespmem:s16+$0x0];
	_ =	sdelay $0x4  }
0x7e: {  	[tilespmem:$0x1FC90] =	vst v4;
	v4 =	vld [tilespmem:s16+$0x8000];
	_ =	sdelay $0x3  }
0x7f: {  	s17 =	sor.u32 $0x1C60, s5  }
0x80: {  	[tilespmem:$0x1FCA0] =	vst v4;
	v4 =	vld [tilespmem:s17+$0x0];
	_ =	sdelay $0x4  }
0x81: {  	[tilespmem:$0x1FD50] =	vst v4;
	v4 =	vld [tilespmem:s17+$0x8000];
	_ =	sdelay $0x3  }
0x82: {  	s18 =	sor.u32 $0x1C00, s5  }
0x83: {  	[tilespmem:$0x1FD60] =	vst v4;
	v4 =	vld [tilespmem:s18+$0x0];
	_ =	sdelay $0x4  }
0x84: {  	[tilespmem:$0x1FCB0] =	vst v4;
	v4 =	vld [tilespmem:s18+$0x8000];
	_ =	sdelay $0x3  }
0x85: {  	s19 =	sor.u32 $0x1C10, s5  }
0x86: {  	[tilespmem:$0x1FCC0] =	vst v4;
	v4 =	vld [tilespmem:s19+$0x0];
	_ =	sdelay $0x4  }
0x87: {  	[tilespmem:$0x1FCE0] =	vst v4;
	v4 =	vld [tilespmem:s19+$0x8000];
	_ =	sdelay $0x3  }
0x88: {  	s15 =	sor.u32 $0x1C20, s5  }
0x89: {  	[tilespmem:$0x1FCF0] =	vst v4;
	v4 =	vld [tilespmem:s15+$0x0];
	_ =	sdelay $0x4  }
0x8a: {  	[tilespmem:$0x1FD00] =	vst v4;
	v4 =	vld [tilespmem:s15+$0x8000];
	_ =	sdelay $0x3  }
0x8b: {  	s16 =	sor.u32 $0x1C30, s5  }
0x8c: {  	[tilespmem:$0x1FD10] =	vst v4;
	v4 =	vld [tilespmem:s16+$0x0];
	_ =	sdelay $0x4  }
0x8d: {  	[tilespmem:$0x1FD30] =	vst v4;
	v4 =	vld [tilespmem:s16+$0x8000];
	_ =	sdelay $0x3  }
0x8e: {  	s17 =	sor.u32 $0x1C70, s5  }
0x8f: {  	[tilespmem:$0x1FD40] =	vst v4;
	v4 =	vld [tilespmem:s17+$0x0];
	_ =	sdelay $0x4  }
0x90: {  	[tilespmem:$0x1FD70] =	vst v4;
	v4 =	vld [tilespmem:s17+$0x8000];
	_ =	sdelay $0x1  }
0x91: {  	s7 =	simm.s32 $0x400;
	s15 =	simm.s32 $0x80  }
0x92: {  	s18 =	sand.u32 $0x2000, s7;
	s19 =	sand.u32 $0x380, s15  }
0x93: {  	s5 =	sor.u32 s19, s18  }
0x94: {  	[tilespmem:$0x1FD80] =	vst v4;
	v4 =	vld [tilespmem:s5+$0x1840];
	_ =	sdelay $0x4  }
0x95: {  	[tilespmem:$0x1FD90] =	vst v4;
	v4 =	vld [tilespmem:s5+$0x9840];
	_ =	sdelay $0x4  }
0x96: {  	[tilespmem:$0x1FDA0] =	vst v4;
	v4 =	vld [tilespmem:s5+$0x1850];
	_ =	sdelay $0x4  }
0x97: {  	[tilespmem:$0x1FDB0] =	vst v4;
	v4 =	vld [tilespmem:s5+$0x9850];
	_ =	sdelay $0x4  }
0x98: {  	[tilespmem:$0x1FDC0] =	vst v4;
	v4 =	vld [tilespmem:s5+$0x1860];
	_ =	sdelay $0x4  }
0x99: {  	[tilespmem:$0x1FDD0] =	vst v4;
	v4 =	vld [tilespmem:s5+$0x9860];
	_ =	sdelay $0x4  }
0x9a: {  	[tilespmem:$0x1FDE0] =	vst v4;
	v4 =	vld [tilespmem:s5+$0x1870];
	_ =	sdelay $0x4  }
0x9b: {  	[tilespmem:$0x1FDF0] =	vst v4;
	v4 =	vld [tilespmem:s5+$0x9870];
	_ =	sdelay $0x4  }
0x9c: {  	[tilespmem:$0x1FE00] =	vst v4;
	v4 =	vld [tilespmem:s5+$0x1800];
	_ =	sdelay $0x4  }
0x9d: {  	[tilespmem:$0x1FE10] =	vst v4;
	v4 =	vld [tilespmem:s5+$0x9800];
	_ =	sdelay $0x4  }
0x9e: {  	[tilespmem:$0x1FE20] =	vst v4;
	v4 =	vld [tilespmem:s5+$0x1810];
	_ =	sdelay $0x4  }
0x9f: {  	[tilespmem:$0x1FE30] =	vst v4;
	v4 =	vld [tilespmem:s5+$0x9810];
	_ =	sdelay $0x4  }
0xa0: {  	[tilespmem:$0x1FE40] =	vst v4;
	v4 =	vld [tilespmem:s5+$0x1820];
	_ =	sdelay $0x4  }
0xa1: {  	[tilespmem:$0x1FE50] =	vst v4;
	v4 =	vld [tilespmem:s5+$0x9820];
	_ =	sdelay $0x4  }
0xa2: {  	[tilespmem:$0x1FE60] =	vst v4;
	v4 =	vld [tilespmem:s5+$0x1830];
	_ =	sdelay $0x4  }
0xa3: {  	[tilespmem:$0x1FE70] =	vst v4;
	v4 =	vld [tilespmem:s5+$0x9830];
	_ =	sdelay $0x4  }
0xa4: {  	[tilespmem:$0x1FE80] =	vst v4;
	v4 =	vld [tilespmem:s5+$0x1440];
	_ =	sdelay $0x4  }
0xa5: {  	[tilespmem:$0x1FE90] =	vst v4;
	v4 =	vld [tilespmem:s5+$0x9440];
	_ =	sdelay $0x4  }
0xa6: {  	[tilespmem:$0x1FEA0] =	vst v4;
	v4 =	vld [tilespmem:s5+$0x1450];
	_ =	sdelay $0x3  }
0xa7: {  	v6 =	vld [tilespmem:s4+$0x1840]  }
0xa8: {  	[tilespmem:$0x1FEB0] =	vst v4;
	v4 =	vld [tilespmem:s5+$0x9450]  }
0xa9: {  	v0 =	vld [tilespmem:s4+$0x9840];
	_ =	sdelay $0x1  }
0xaa: {  	v30 =	vld [tilespmem:s4+$0x1860]  }
0xab: {  	v3 =	vld [tilespmem:s4+$0x9860]  }
0xac: {  	[tilespmem:$0x1FEC0] =	vst v4;
	v4 =	vld [tilespmem:s5+$0x1460]  }
0xad: {  	v56 =	vmul.f32 v0, v6;
	v0 =	vld [tilespmem:s5+$0x9430];
	_ =	sdelay $0x3  }
0xae: {  	[tilespmem:$0x1F840] =	vst v4;
	v4 =	vld [tilespmem:s5+$0x9460]  }
0xaf: {  	[tilespmem:$0x1F8B0] =	vst v0;
	v0 =	vmul.f32 v3, v30;
	_ =	sdelay $0x1  }
0xb0: {  	[tilespmem:$0x1FD20] =	vst v0;
	v0 =	vld [tilespmem:s5+$0x1040];
	_ =	sdelay $0x1  }
0xb1: {  	[tilespmem:$0x1F850] =	vst v4;
	v4 =	vld [tilespmem:s5+$0x1470]  }
0xb2: {  	v34 =	vld [tilespmem:s4+$0x1870]  }
0xb3: {  	v1 =	vld [tilespmem:s4+$0x9870]  }
0xb4: {  	[tilespmem:$0x1FF10] =	vst v0;
	v0 =	vld [tilespmem:s5+$0x9040];
	_ =	sdelay $0x1  }
0xb5: {  	[tilespmem:$0x1F860] =	vst v4;
	v4 =	vld [tilespmem:s5+$0x9470];
	_ =	sdelay $0x1  }
0xb6: {  	v62 =	vmul.f32 v1, v34;
	v1 =	vld [tilespmem:$0x1F8D0]  }
0xb7: {  	[tilespmem:$0x1FF20] =	vst v0;
	v0 =	vld [tilespmem:$0x1F8C0];
	_ =	sdelay $0x1  }
0xb8: {  	[tilespmem:$0x1F870] =	vst v4;
	v4 =	vld [tilespmem:s5+$0x1400];
	_ =	sdelay $0x1  }
0xb9: {  	v59 =	vld [tilespmem:s4+$0x9830]  }
0xba: {  	v34 =	vmul.f32 v1, v0;
	v0 =	vld [tilespmem:$0x1F8E0];
	_ =	sdelay $0x1  }
0xbb: {  	[tilespmem:$0x1FED0] =	vst v4;
	v4 =	vld [tilespmem:s5+$0x9400]  }
0xbc: {  	v52 =	vld [tilespmem:s4+$0x1800]  }
0xbd: {  	v58 =	vld [tilespmem:s4+$0x9800]  }
0xbe: {  	v59 =	vmul.f32 v59, v0;
	v0 =	vld [tilespmem:s5+$0x1050]  }
0xbf: {  	v61 =	vld [tilespmem:s4+$0x1810]  }
0xc0: {  	[tilespmem:$0x1FEE0] =	vst v4;
	v4 =	vld [tilespmem:s5+$0x1410]  }
0xc1: {  	v5 =	vld [tilespmem:s4+$0x9810]  }
0xc2: {  	v1 =	vld [tilespmem:$0x1F900]  }
0xc3: {  	[tilespmem:$0x1FF40] =	vst v0;
	v0 =	vld [tilespmem:$0x1F8F0];
	_ =	sdelay $0x1  }
0xc4: {  	[tilespmem:$0x1FEF0] =	vst v4;
	v4 =	vld [tilespmem:s5+$0x9410];
	_ =	sdelay $0x1  }
0xc5: {  	v30 =	vmul.f32 v58, v52  }
0xc6: {  	v52 =	vmul.f32 v5, v61;
	v61 =	vmul.f32 v1, v0;
	v0 =	vld [tilespmem:$0x1F910]  }
0xc7: {  	v1 =	vld [tilespmem:$0x1F920]  }
0xc8: {  	[tilespmem:$0x1FF00] =	vst v4;
	v4 =	vld [tilespmem:s5+$0x1420];
	_ =	sdelay $0x3  }
0xc9: {  	v58 =	vmul.f32 v1, v0;
	v0 =	vld [tilespmem:s5+$0x9050]  }
0xca: {  	[tilespmem:$0x1F880] =	vst v4;
	v4 =	vld [tilespmem:s5+$0x9420];
	_ =	sdelay $0x2  }
0xcb: {  	v1 =	vld [tilespmem:$0x1F940]  }
0xcc: {  	[tilespmem:$0x1FF50] =	vst v0;
	v0 =	vld [tilespmem:$0x1F930]  }
0xcd: {  	[tilespmem:$0x1F890] =	vst v4;
	v4 =	vld [tilespmem:s5+$0x1430];
	_ =	sdelay $0x4  }
0xce: {  	[tilespmem:$0x1F8A0] =	vst v4;
	v4 =	vmul.f32 v1, v0;
	v0 =	vld [tilespmem:$0x1F950]  }
0xcf: {  	v1 =	vld [tilespmem:$0x1F960];
	_ =	sdelay $0x4  }
0xd0: {  	v5 =	vmul.f32 v1, v0;
	v0 =	vld [tilespmem:s5+$0x1060];
	_ =	sdelay $0x1  }
0xd1: {  	v2 =	vld [tilespmem:s4+$0x1850]  }
0xd2: {  	v57 =	vld [tilespmem:s4+$0x9850]  }
0xd3: {  	v1 =	vld [tilespmem:$0x1F990]  }
0xd4: {  	[tilespmem:$0x1F970] =	vst v0;
	v0 =	vld [tilespmem:$0x1F980];
	_ =	sdelay $0x4  }
0xd5: {  	v57 =	vmul.f32 v57, v2;
	v2 =	vmul.f32 v1, v0;
	v0 =	vld [tilespmem:$0x1F9A0]  }
0xd6: {  	v1 =	vld [tilespmem:$0x1F9B0];
	_ =	sdelay $0x4  }
0xd7: {  	v3 =	vmul.f32 v1, v0;
	v0 =	vld [tilespmem:s5+$0x9060];
	_ =	sdelay $0x3  }
0xd8: {  	v1 =	vld [tilespmem:$0x1F9E0]  }
0xd9: {  	[tilespmem:$0x1F9C0] =	vst v0;
	v0 =	vld [tilespmem:$0x1F9D0];
	_ =	sdelay $0x3  }
0xda: {  	v6 =	vld [tilespmem:$0x1FA00]  }
0xdb: {  	v0 =	vmul.f32 v1, v0;
	v1 =	vld [tilespmem:$0x1F9F0];
	_ =	sdelay $0x4  }
0xdc: {  	v1 =	vmul.f32 v6, v1;
	v6 =	vld [tilespmem:s5+$0x1070];
	_ =	sdelay $0x4  }
0xdd: {  	[tilespmem:$0x1FA10] =	vst v6;
	v6 =	vld [tilespmem:s5+$0x9070];
	_ =	sdelay $0x4  }
0xde: {  	[tilespmem:$0x1FA20] =	vst v6;
	v6 =	vld [tilespmem:s5+$0x9000];
	_ =	sdelay $0x4  }
0xdf: {  	[tilespmem:$0x1FF70] =	vst v6;
	v6 =	vld [tilespmem:s5+$0x1010];
	_ =	sdelay $0x4  }
0xe0: {  	[tilespmem:$0x1FF80] =	vst v6;
	v6 =	vld [tilespmem:s5+$0x9010];
	_ =	sdelay $0x1  }
0xe1: {  	v7 =	vld [tilespmem:s4+$0xC50]  }
0xe2: {  	v53 =	vld [tilespmem:s4+$0x8C50]  }
0xe3: {  	v63 =	vld [tilespmem:s4+$0x450]  }
0xe4: {  	[tilespmem:$0x1FF90] =	vst v6;
	v6 =	vld [tilespmem:s5+$0x1020]  }
0xe5: {  	v31 =	vld [tilespmem:s4+$0x8450]  }
0xe6: {  	v28 =	vld [tilespmem:s4+$0x410]  }
0xe7: {  	v24 =	vld [tilespmem:s4+$0x8410]  }
0xe8: {  	v23 =	vld [tilespmem:s4+$0x0]  }
0xe9: {  	[tilespmem:$0x1FA30] =	vst v6;
	v6 =	vld [tilespmem:s5+$0x9020]  }
0xea: {  	v20 =	vld [tilespmem:s4+$0x8000]  }
0xeb: {  	v21 =	vld [tilespmem:s4+$0x10]  }
0xec: {  	v19 =	vld [tilespmem:s4+$0x8010]  }
0xed: {  	v22 =	vld [tilespmem:s4+$0x20]  }
0xee: {  	[tilespmem:$0x1FA40] =	vst v6;
	v6 =	vld [tilespmem:s5+$0x1030]  }
0xef: {  	v16 =	vld [tilespmem:s4+$0x8020]  }
0xf0: {  	v18 =	vld [tilespmem:s4+$0x40]  }
0xf1: {  	v12 =	vld [tilespmem:s4+$0x8040]  }
0xf2: {  	v10 =	vld [tilespmem:s4+$0x50]  }
0xf3: {  	[tilespmem:$0x1FA50] =	vst v6;
	v6 =	vld [tilespmem:s5+$0x9030]  }
0xf4: {  	v14 =	vld [tilespmem:s4+$0x8050]  }
0xf5: {  	v11 =	vld [tilespmem:s4+$0x60]  }
0xf6: {  	v8 =	vld [tilespmem:s4+$0x8060]  }
0xf7: {  	v53 =	vmul.f32 v53, v7;
	v7 =	vld [tilespmem:$0x1FA80]  }
0xf8: {  	[tilespmem:$0x1FA60] =	vst v6;
	v6 =	vld [tilespmem:$0x1FA70]  }
0xf9: {  	v33 =	vld [tilespmem:s4+$0x420]  }
0xfa: {  	v51 =	vld [tilespmem:s4+$0x8420];
	v20 =	vmul.f32 v20, v23  }
0xfb: {  	v9 =	vld [tilespmem:s4+$0x70];
	v16 =	vmul.f32 v16, v22;
	v8 =	vmul.f32 v8, v11  }
0xfc: {  	v15 =	vld [tilespmem:s4+$0x8070];
	v19 =	vmul.f32 v19, v21;
	v12 =	vmul.f32 v12, v18  }
0xfd: {  	v10 =	vmul.f32 v14, v10;
	v8 =	vadd.f32 v8, v16;
	v16 =	vmul.f32 v7, v6;
	v6 =	vld [tilespmem:$0x1FA90]  }
0xfe: {  	v7 =	vld [tilespmem:$0x1FAA0]  }
0xff: {  	v24 =	vmul.f32 v24, v28;
	v11 =	vadd.f32 v12, v20;
	v12 =	vadd.f32 v10, v19  }
0x100: {  	v31 =	vmul.f32 v31, v63  }
0x101: {  	v9 =	vmul.f32 v15, v9;
	v14 =	vmul.f32 v51, v33;
	v15 =	vadd.f32 v24, v12  }
0x102: {  	v17 =	vld [tilespmem:s4+$0x30]  }
0x103: {  	v8 =	vadd.f32 v14, v8;
	v14 =	vadd.f32 v31, v15;
	v15 =	vmul.f32 v7, v6;
	v6 =	vld [tilespmem:s5+$0xC00]  }
0x104: {  	v13 =	vld [tilespmem:s4+$0x8030]  }
0x105: {  	v26 =	vld [tilespmem:s4+$0x430]  }
0x106: {  	v25 =	vld [tilespmem:s4+$0x8430]  }
0x107: {  	v7 =	vld [tilespmem:$0x1FAC0]  }
0x108: {  	[tilespmem:$0x1FFA0] =	vst v6;
	v6 =	vld [tilespmem:$0x1FAB0]  }
0x109: {  	v38 =	vld [tilespmem:s4+$0x470]  }
0x10a: {  	v37 =	vld [tilespmem:s4+$0x8470]  }
0x10b: {  	v49 =	vld [tilespmem:s4+$0x830];
	v13 =	vmul.f32 v13, v17  }
0x10c: {  	v47 =	vld [tilespmem:s4+$0x8830]  }
0x10d: {  	v9 =	vadd.f32 v9, v13;
	v13 =	vmul.f32 v25, v26;
	v18 =	vmul.f32 v7, v6;
	v6 =	vld [tilespmem:$0x1FAD0]  }
0x10e: {  	v7 =	vld [tilespmem:$0x1FAE0]  }
0x10f: {  	v9 =	vadd.f32 v13, v9;
	v13 =	vmul.f32 v37, v38;
	_ =	sdelay $0x1  }
0x110: {  	v60 =	vld [tilespmem:s4+$0xC40];
	v17 =	vmul.f32 v47, v49;
	v8 =	vadd.f32 v16, v8;
	v16 =	vadd.f32 v13, v9  }
0x111: {  	v55 =	vld [tilespmem:s4+$0x8C40]  }
0x112: {  	v8 =	vadd.f32 v15, v8;
	v15 =	vadd.f32 v17, v16;
	v17 =	vmul.f32 v7, v6;
	v6 =	vld [tilespmem:$0x1FAF0]  }
0x113: {  	v7 =	vld [tilespmem:$0x1FB00]  }
0x114: {  	v54 =	vld [tilespmem:s4+$0xC00]  }
0x115: {  	v50 =	vld [tilespmem:s4+$0x8C00]  }
0x116: {  	v48 =	vld [tilespmem:s4+$0xC10]  }
0x117: {  	v46 =	vld [tilespmem:s4+$0x8C10]  }
0x118: {  	v19 =	vmul.f32 v7, v6;
	v6 =	vld [tilespmem:$0x1FB10]  }
0x119: {  	v7 =	vld [tilespmem:$0x1FB20]  }
0x11a: {  	v45 =	vld [tilespmem:s4+$0x840]  }
0x11b: {  	v44 =	vld [tilespmem:s4+$0x8840]  }
0x11c: {  	v41 =	vld [tilespmem:s4+$0x800]  }
0x11d: {  	v29 =	vld [tilespmem:s4+$0x400]  }
0x11e: {  	v15 =	vadd.f32 v17, v15;
	v17 =	vmul.f32 v7, v6;
	v6 =	vld [tilespmem:$0x1FB30]  }
0x11f: {  	v7 =	vld [tilespmem:$0x1FB40]  }
0x120: {  	v27 =	vld [tilespmem:s4+$0x8400]  }
0x121: {  	v35 =	vld [tilespmem:s4+$0x440]  }
0x122: {  	v32 =	vld [tilespmem:s4+$0x8440]  }
0x123: {  	v39 =	vld [tilespmem:s4+$0x8800]  }
0x124: {  	v8 =	vadd.f32 v18, v8;
	v18 =	vmul.f32 v7, v6;
	v6 =	vld [tilespmem:$0x1FB50]  }
0x125: {  	v27 =	vmul.f32 v27, v29;
	v7 =	vld [tilespmem:$0x1FB60]  }
0x126: {  	v40 =	vld [tilespmem:s4+$0x810]  }
0x127: {  	v36 =	vld [tilespmem:s4+$0x8810];
	v32 =	vmul.f32 v32, v35;
	v11 =	vadd.f32 v27, v11  }
0x128: {  	v43 =	vld [tilespmem:s4+$0x850]  }
0x129: {  	v42 =	vld [tilespmem:s4+$0x8850];
	v39 =	vmul.f32 v39, v41;
	v11 =	vadd.f32 v32, v11  }
0x12a: {  	v15 =	vadd.f32 v17, v15;
	v17 =	vmul.f32 v7, v6;
	v6 =	vld [tilespmem:$0x1FB70]  }
0x12b: {  	v44 =	vmul.f32 v44, v45;
	v11 =	vadd.f32 v39, v11;
	v7 =	vld [tilespmem:$0x1FB80]  }
0x12c: {  	v36 =	vmul.f32 v36, v40  }
0x12d: {  	v50 =	vmul.f32 v50, v54;
	v11 =	vadd.f32 v44, v11  }
0x12e: {  	v42 =	vmul.f32 v42, v43;
	v14 =	vadd.f32 v36, v14  }
0x12f: {  	v55 =	vmul.f32 v55, v60;
	v46 =	vmul.f32 v46, v48;
	v11 =	vadd.f32 v50, v11;
	v12 =	vld [tilespmem:$0x1FBA0]  }
0x130: {  	v14 =	vadd.f32 v42, v14;
	v8 =	vadd.f32 v19, v8;
	v19 =	vmul.f32 v7, v6;
	v7 =	vld [tilespmem:$0x1FB90]  }
0x131: {  	v11 =	vadd.f32 v55, v11  }
0x132: {  	v14 =	vadd.f32 v46, v14  }
0x133: {  	v0 =	vadd.f32 v0, v11  }
0x134: {  	v14 =	vadd.f32 v53, v14;
	v11 =	vld [tilespmem:$0x1FBC0]  }
0x135: {  	v0 =	vadd.f32 v2, v0;
	v2 =	vld [tilespmem:$0x1FBF0];
	v15 =	vadd.f32 v17, v15;
	v17 =	vmul.f32 v12, v7  }
0x136: {  	v7 =	vld [tilespmem:$0x1FBB0]  }
0x137: {  	v1 =	vadd.f32 v1, v14;
	v14 =	vadd.f32 v17, v15;
	v15 =	vld [tilespmem:$0x1FBD0]  }
0x138: {  	v17 =	vld [tilespmem:$0x1FBE0]  }
0x139: {  	v1 =	vadd.f32 v3, v1;
	v3 =	vld [tilespmem:$0x1FC00]  }
0x13a: {  	v8 =	vadd.f32 v18, v8;
	_ =	sdelay $0x1  }
0x13b: {  	v8 =	vadd.f32 v19, v8;
	v11 =	vmul.f32 v11, v7  }
0x13c: {  	v0 =	vadd.f32 v4, v0;
	v4 =	vld [tilespmem:$0x1FC30];
	v15 =	vmul.f32 v17, v15  }
0x13d: {  	v2 =	vmul.f32 v3, v2;
	v3 =	vadd.f32 v11, v8;
	v11 =	vld [tilespmem:$0x1FC10]  }
0x13e: {  	v8 =	vadd.f32 v15, v14;
	v14 =	vld [tilespmem:$0x1FC20]  }
0x13f: {  	v1 =	vadd.f32 v5, v1;
	v5 =	vld [tilespmem:$0x1FC40];
	_ =	sdelay $0x3  }
0x140: {  	v11 =	vmul.f32 v14, v11  }
0x141: {  	v4 =	vmul.f32 v5, v4;
	v5 =	vld [tilespmem:$0x1FC50]  }
0x142: {  	v2 =	vadd.f32 v2, v3;
	v3 =	vadd.f32 v11, v8;
	v8 =	vld [tilespmem:$0x1FC60];
	_ =	sdelay $0x3  }
0x143: {  	v2 =	vadd.f32 v4, v2;
	v4 =	vld [tilespmem:$0x1FC90]  }
0x144: {  	v11 =	vld [tilespmem:$0x1FC80];
	v5 =	vmul.f32 v8, v5  }
0x145: {  	v8 =	vld [tilespmem:$0x1FC70]  }
0x146: {  	v3 =	vadd.f32 v5, v3;
	v5 =	vld [tilespmem:$0x1FCA0];
	_ =	sdelay $0x3  }
0x147: {  	v8 =	vmul.f32 v11, v8;
	v11 =	vld [tilespmem:$0x1FCC0]  }
0x148: {  	v4 =	vmul.f32 v5, v4;
	v5 =	vld [tilespmem:$0x1FCB0];
	_ =	sdelay $0x4  }
0x149: {  	v5 =	vmul.f32 v11, v5;
	v11 =	vld [tilespmem:s5+$0x8820];
	_ =	sdelay $0x3  }
0x14a: {  	v14 =	vld [tilespmem:$0x1FCF0]  }
0x14b: {  	[tilespmem:$0x1FCD0] =	vst v11;
	v11 =	vld [tilespmem:$0x1FCE0];
	_ =	sdelay $0x3  }
0x14c: {  	v15 =	vld [tilespmem:$0x1FD10]  }
0x14d: {  	v0 =	vadd.f32 v61, v0;
	v11 =	vmul.f32 v14, v11;
	v14 =	vld [tilespmem:$0x1FD00]  }
0x14e: {  	v1 =	vadd.f32 v58, v1  }
0x14f: {  	v0 =	vadd.f32 v30, v0  }
0x150: {  	v1 =	vadd.f32 v52, v1  }
0x151: {  	v0 =	vadd.f32 v56, v0  }
0x152: {  	v1 =	vadd.f32 v57, v1;
	v14 =	vmul.f32 v15, v14;
	v15 =	vld [tilespmem:$0x1FD20]  }
0x153: {  	v0 =	vadd.f32 v5, v0;
	v5 =	vld [tilespmem:$0x1FD50]  }
0x154: {  	v1 =	vadd.f32 v11, v1;
	v11 =	vld [tilespmem:$0x1FD60]  }
0x155: {  	v2 =	vadd.f32 v34, v2;
	_ =	sdelay $0x1  }
0x156: {  	v17 =	vld [tilespmem:$0x1FD40];
	v2 =	vadd.f32 v15, v2  }
0x157: {  	v15 =	vld [tilespmem:$0x1FD30]  }
0x158: {  	v5 =	vmul.f32 v11, v5;
	v11 =	vadd.f32 v14, v2;
	v2 =	vld [tilespmem:$0x1FD70]  }
0x159: {  	v14 =	vld [tilespmem:$0x1FD80]  }
0x15a: {  	v3 =	vadd.f32 v59, v3;
	_ =	sdelay $0x1  }
0x15b: {  	v3 =	vadd.f32 v62, v3;
	v15 =	vmul.f32 v17, v15;
	_ =	sdelay $0x1  }
0x15c: {  	v3 =	vadd.f32 v15, v3;
	v14 =	vmul.f32 v14, v2  }
0x15d: {  	v0 =	vadd.f32 v8, v0;
	v1 =	vadd.f32 v4, v1  }
0x15e: {  	v4 =	vadd.f32 v5, v11;
	v3 =	vadd.f32 v14, v3;
	_ =	sdelay $0x1  }
0x15f: {  	v0 =	vadd.f32 v1, v0;
	v1 =	vadd.f32 v3, v4;
	_ =	sdelay $0x1  }
0x160: {  	v0 =	vadd.f32 v1, v0  }
0x161: {  	v1 =	vld [tilespmem:$0x1FDA0]  }
0x162: {  	(xrf2) =	vadd.scan.msk.f32 $0xffff, v0;
	v0 =	vld [tilespmem:$0x1FD90];
	_ =	sdelay $0x4  }
0x163: {  	v32 =	vmul.f32 v1, v0;
	v0 =	vld [tilespmem:$0x1FDB0]  }
0x164: {  	v1 =	vld [tilespmem:$0x1FDC0];
	_ =	sdelay $0x4  }
0x165: {  	v35 =	vmul.f32 v1, v0;
	v0 =	vld [tilespmem:$0x1FDD0]  }
0x166: {  	v1 =	vld [tilespmem:$0x1FDE0];
	_ =	sdelay $0x4  }
0x167: {  	v30 =	vmul.f32 v1, v0;
	v0 =	vld [tilespmem:$0x1FDF0]  }
0x168: {  	v1 =	vld [tilespmem:$0x1FE00];
	_ =	sdelay $0x4  }
0x169: {  	v34 =	vmul.f32 v1, v0;
	v0 =	vld [tilespmem:$0x1FE10]  }
0x16a: {  	v1 =	vld [tilespmem:$0x1FE20];
	_ =	sdelay $0x4  }
0x16b: {  	v40 =	vmul.f32 v1, v0;
	v0 =	vld [tilespmem:$0x1FE30]  }
0x16c: {  	v1 =	vld [tilespmem:$0x1FE40]  }
0x16d: {  	v48 =	vld [tilespmem:s5+$0x1000]  }
0x16e: {  	v28 =	vld [tilespmem:s5+$0xC40]  }
0x16f: {  	v10 =	vld [tilespmem:s5+$0x8C40]  }
0x170: {  	v25 =	vld [tilespmem:s5+$0xC50]  }
0x171: {  	v41 =	vmul.f32 v1, v0;
	v0 =	vld [tilespmem:$0x1FE50]  }
0x172: {  	v1 =	vld [tilespmem:$0x1FE60]  }
0x173: {  	v29 =	vld [tilespmem:s5+$0x8C50]  }
0x174: {  	v33 =	vld [tilespmem:s5+$0xC60]  }
0x175: {  	v31 =	vld [tilespmem:s5+$0x8C60]  }
0x176: {  	v27 =	vld [tilespmem:s5+$0x8C00]  }
0x177: {  	v38 =	vmul.f32 v1, v0;
	v0 =	vld [tilespmem:$0x1FE70]  }
0x178: {  	v1 =	vld [tilespmem:$0x1FE80]  }
0x179: {  	v36 =	vld [tilespmem:s5+$0xC20]  }
0x17a: {  	v37 =	vld [tilespmem:s5+$0x8C20]  }
0x17b: {  	v43 =	vld [tilespmem:s5+$0x860]  }
0x17c: {  	v26 =	vld [tilespmem:s5+$0x8860]  }
0x17d: {  	v39 =	vmul.f32 v1, v0;
	v0 =	vld [tilespmem:$0x1FE90]  }
0x17e: {  	v1 =	vld [tilespmem:$0x1FEA0]  }
0x17f: {  	v50 =	vld [tilespmem:s5+$0x800]  }
0x180: {  	v53 =	vld [tilespmem:s5+$0x8800]  }
0x181: {  	v54 =	vld [tilespmem:s5+$0x810]  }
0x182: {  	v55 =	vld [tilespmem:s5+$0x8810]  }
0x183: {  	v60 =	vmul.f32 v1, v0;
	v0 =	vld [tilespmem:$0x1FEB0]  }
0x184: {  	v1 =	vld [tilespmem:$0x1FEC0]  }
0x185: {  	v63 =	vld [tilespmem:s5+$0x820]  }
0x186: {  	v20 =	vld [tilespmem:s5+$0x8010]  }
0x187: {  	v21 =	vld [tilespmem:s5+$0x20]  }
0x188: {  	v22 =	vld [tilespmem:s5+$0x8020]  }
0x189: {  	v46 =	vmul.f32 v1, v0;
	v0 =	vld [tilespmem:$0x1FED0]  }
0x18a: {  	v1 =	vld [tilespmem:$0x1FEE0]  }
0x18b: {  	v23 =	vld [tilespmem:s5+$0x30]  }
0x18c: {  	v24 =	vld [tilespmem:s5+$0x8030]  }
0x18d: {  	v49 =	vld [tilespmem:s5+$0x40]  }
0x18e: {  	v51 =	vld [tilespmem:s5+$0x8040]  }
0x18f: {  	v44 =	vmul.f32 v1, v0;
	v0 =	vld [tilespmem:$0x1FEF0]  }
0x190: {  	v1 =	vld [tilespmem:$0x1FF00]  }
0x191: {  	v61 =	vld [tilespmem:s5+$0x440]  }
0x192: {  	v56 =	vld [tilespmem:s5+$0x8440]  }
0x193: {  	v58 =	vld [tilespmem:s5+$0x8420]  }
0x194: {  	v52 =	vld [tilespmem:s5+$0x420]  }
0x195: {  	v45 =	vmul.f32 v1, v0;
	v0 =	vld [tilespmem:$0x1FF10]  }
0x196: {  	v1 =	vld [tilespmem:$0x1FF20]  }
0x197: {  	v57 =	vld [tilespmem:s5+$0x8460]  }
0x198: {  	v9 =	vld [tilespmem:s5+$0x8C10]  }
0x199: {  	v13 =	vld [tilespmem:s5+$0x840]  }
0x19a: {  	v12 =	vld [tilespmem:s5+$0x850]  }
0x19b: {  	v7 =	vld [tilespmem:s5+$0x8850];
	v0 =	vmul.f32 v1, v0  }
0x19c: {  	v1 =	vld [tilespmem:$0x1FF50]  }
0x19d: {  	[tilespmem:$0x1FF30] =	vst v0;
	v0 =	vld [tilespmem:$0x1FF40]  }
0x19e: {  	v16 =	vld [tilespmem:s5+$0xC10]  }
0x19f: {  	v18 =	vld [tilespmem:s5+$0x8000]  }
0x1a0: {  	v6 =	vld [tilespmem:s5+$0x8840]  }
0x1a1: {  	v19 =	vld [tilespmem:s5+$0x10]  }
0x1a2: {  	v7 =	vmul.f32 v7, v12;
	v12 =	vld [tilespmem:s5+$0x8060];
	v0 =	vmul.f32 v1, v0  }
0x1a3: {  	v59 =	vld [tilespmem:s5+$0x450]  }
0x1a4: {  	[tilespmem:$0x1FF60] =	vst v0;
	v0 =	vld [tilespmem:$0x1FF70]  }
0x1a5: {  	v62 =	vld [tilespmem:s5+$0x8450]  }
0x1a6: {  	v8 =	vld [tilespmem:s5+$0x400]  }
0x1a7: {  	v11 =	vld [tilespmem:s5+$0x8400]  }
0x1a8: {  	v1 =	vld [tilespmem:$0x1FF90]  }
0x1a9: {  	v47 =	vmul.f32 v0, v48;
	v0 =	vld [tilespmem:$0x1FF80]  }
0x1aa: {  	v5 =	vmul.f32 v9, v16;
	v9 =	vld [tilespmem:s5+$0x60]  }
0x1ab: {  	v17 =	vld [tilespmem:s5+$0x0];
	v3 =	vmov s1;
	v4 =	vlaneseq.u32  }
0x1ac: {  	vm1 =	veq.s32 v3, v4;
	v4 =	vld [tilespmem:$0x1FFA0]  }
0x1ad: {  	v2 =	vld [tilespmem:s5+$0x460]  }
0x1ae: {  	v15 =	vld [tilespmem:s5+$0x8410];
	v48 =	vmul.f32 v1, v0;
	v0, _, _ =	vpop (xrf2)  }
0x1af: {  	v14 =	vld [tilespmem:s5+$0x410];
	v3 =	vmul.f32 v29, v25;
	v25 =	vbroadcast v0, $0xF  }
0x1b0: {  	v16 =	vimm.f32 $0.0e+00;
	v1 =	vmul.f32 v10, v28;
	v10 =	vld [tilespmem:s5+$0x50]  }
0x1b1: {  	s4 =	simm.s32 $0x1;
	s16 =	simm.s32 $0x2;
	v6 =	vmul.f32 v6, v13;
	v4 =	vmul.f32 v27, v4;
	v0 =	vld [tilespmem:s5+$0x8050];
	v29 =	vsel vm1, v25, v16  }
.LBB2_3:
0x1b2: {  	_ = 	snop  }
0x1b3: {  	v50 =	vmul.f32 v53, v50  }
0x1b4: {  	v53 =	vmul.f32 v55, v54;
	v8 =	vmul.f32 v11, v8  }
0x1b5: {  	v13 =	vld [tilespmem:s5+$0x70];
	v11 =	vmul.f32 v15, v14;
	v15 =	vmul.f32 v18, v17  }
0x1b6: {  	v54 =	vld [tilespmem:s5+$0x8070];
	v17 =	vmul.f32 v20, v19;
	v0 =	vmul.f32 v0, v10  }
0x1b7: {  	v14 =	vld [tilespmem:s5+$0x430];
	v19 =	vmul.f32 v22, v21;
	v22 =	vmul.f32 v51, v49  }
0x1b8: {  	v18 =	vld [tilespmem:s5+$0x8430];
	v0 =	vadd.f32 v0, v17  }
0x1b9: {  	v21 =	vld [tilespmem:s5+$0x470];
	v15 =	vadd.f32 v22, v15  }
0x1ba: {  	v42 =	vmul.f32 v62, v59;
	v10 =	vld [tilespmem:s5+$0x8470];
	v0 =	vadd.f32 v11, v0  }
0x1bb: {  	v61 =	vmul.f32 v56, v61;
	v9 =	vmul.f32 v12, v9;
	v22 =	vld [tilespmem:s5+$0x8830];
	v8 =	vadd.f32 v8, v15  }
0x1bc: {  	v20 =	vmul.f32 v24, v23;
	v15 =	vld [tilespmem:$0x1FCD0];
	v12 =	vmul.f32 v54, v13;
	v0 =	vadd.f32 v42, v0  }
0x1bd: {  	v17 =	vmul.f32 v58, v52;
	v9 =	vadd.f32 v9, v19;
	v13 =	vld [tilespmem:s5+$0x830];
	v8 =	vadd.f32 v61, v8  }
0x1be: {  	v11 =	vld [tilespmem:s5+$0x8870];
	v14 =	vmul.f32 v18, v14;
	v12 =	vadd.f32 v12, v20;
	v0 =	vadd.f32 v53, v0  }
0x1bf: {  	v2 =	vmul.f32 v57, v2;
	v9 =	vadd.f32 v17, v9;
	v18 =	vld [tilespmem:s5+$0x870];
	v8 =	vadd.f32 v50, v8  }
0x1c0: {  	v17 =	vld [tilespmem:s5+$0x8C30];
	v10 =	vmul.f32 v10, v21;
	v12 =	vadd.f32 v14, v12;
	v0 =	vadd.f32 v7, v0  }
0x1c1: {  	v2 =	vadd.f32 v2, v9;
	v14 =	vld [tilespmem:s5+$0xC30];
	v15 =	vmul.f32 v15, v63;
	v6 =	vadd.f32 v6, v8  }
0x1c2: {  	v19 =	vld [tilespmem:s5+$0x8C70];
	v9 =	vadd.f32 v10, v12;
	v10 =	vmul.f32 v22, v13;
	v0 =	vadd.f32 v5, v0  }
0x1c3: {  	v12 =	vld [tilespmem:s5+$0xC70];
	v13 =	vmul.f32 v26, v43;
	v2 =	vadd.f32 v15, v2;
	v4 =	vadd.f32 v4, v6  }
0x1c4: {  	v9 =	vadd.f32 v10, v9;
	v10 =	vmul.f32 v11, v18;
	v0 =	vadd.f32 v3, v0;
	v3 =	vld [tilespmem:$0x1FA30]  }
0x1c5: {  	v7 =	vmul.f32 v37, v36;
	v2 =	vadd.f32 v13, v2;
	v1 =	vadd.f32 v1, v4;
	v4 =	vld [tilespmem:$0x1FA40]  }
0x1c6: {  	s1 =	sadd.s32 $0x1, s1;
	v9 =	vadd.f32 v10, v9;
	v10 =	vmul.f32 v17, v14  }
0x1c7: {  	v16 =	vld [tilespmem:$0x1F890];
	s17 =	sand.u32 $0x7, s1;
	v5 =	vmul.f32 v31, v33;
	v2 =	vadd.f32 v7, v2  }
0x1c8: {  	s17 =	sshll.u32 s17, $0x7;
	v15 =	vld [tilespmem:$0x1FF30];
	v7 =	vadd.f32 v10, v9;
	v9 =	vmul.f32 v19, v12  }
0x1c9: {  	s17 =	sadd.s32 s17, s7;
	v2 =	vadd.f32 v5, v2;
	v5 =	vld [tilespmem:$0x1FA50]  }
0x1ca: {  	s19 =	sor.u32 $0x1C40, s17;
	v3 =	vmul.f32 v4, v3;
	v4 =	vadd.f32 v9, v7;
	v7 =	vld [tilespmem:$0x1FA60]  }
0x1cb: {  	s18 =	sor.u32 $0x1C50, s17;
	v8 =	vld [tilespmem:s19+$0x8000]  }
0x1cc: {  	v6 =	vld [tilespmem:s18+$0x8000]  }
0x1cd: {  	v11 =	vld [tilespmem:s19+$0x0];
	v1 =	vadd.f32 v47, v1  }
0x1ce: {  	v14 =	vld [tilespmem:$0x1F9C0]  }
0x1cf: {  	v1 =	vadd.f32 v15, v1;
	v15 =	vld [tilespmem:$0x1FF60];
	v5 =	vmul.f32 v7, v5  }
0x1d0: {  	v9 =	vld [tilespmem:$0x1F970]  }
0x1d1: {  	v2 =	vadd.f32 v3, v2;
	v3 =	vadd.f32 v5, v4;
	v4 =	vld [tilespmem:$0x1FA10]  }
0x1d2: {  	v5 =	vld [tilespmem:$0x1FA20]  }
0x1d3: {  	v13 =	vld [tilespmem:s18+$0x0]  }
0x1d4: {  	s19 =	sor.u32 $0x1C60, s17;
	v18 =	vld [tilespmem:$0x1F850]  }
0x1d5: {  	v0 =	vadd.f32 v48, v0;
	v10 =	vld [tilespmem:s19+$0x0]  }
0x1d6: {  	v12 =	vld [tilespmem:s19+$0x8000];
	v9 =	vmul.f32 v14, v9  }
0x1d7: {  	v0 =	vadd.f32 v15, v0;
	v15 =	vld [tilespmem:$0x1F880];
	v4 =	vmul.f32 v5, v4  }
0x1d8: {  	v2 =	vadd.f32 v9, v2;
	v9 =	vld [tilespmem:$0x1F8B0]  }
0x1d9: {  	s19 =	sor.u32 $0x1C10, s17;
	v3 =	vadd.f32 v4, v3;
	v4 =	vld [tilespmem:$0x1F8A0]  }
0x1da: {  	s18 =	sor.u32 $0x1C00, s17;
	v17 =	vld [tilespmem:s19+$0x8000]  }
0x1db: {  	v7 =	vld [tilespmem:s18+$0x0]  }
0x1dc: {  	v14 =	vld [tilespmem:s18+$0x8000];
	s18 =	sor.u32 $0x1C20, s17  }
0x1dd: {  	v19 =	vld [tilespmem:s18+$0x8000];
	v15 =	vmul.f32 v16, v15  }
0x1de: {  	v16 =	vld [tilespmem:$0x1F840];
	v4 =	vmul.f32 v9, v4  }
0x1df: {  	v2 =	vadd.f32 v15, v2;
	v15 =	vld [tilespmem:$0x1F870]  }
0x1e0: {  	v3 =	vadd.f32 v4, v3;
	v4 =	vld [tilespmem:$0x1F860]  }
0x1e1: {  	v5 =	vld [tilespmem:s19+$0x0];
	s19 =	sor.u32 $0x1C30, s17  }
0x1e2: {  	v0 =	vadd.f32 v45, v0;
	s17 =	sor.u32 $0x1C70, s17;
	v20 =	vld [tilespmem:s19+$0x8000]  }
0x1e3: {  	v8 =	vmul.f32 v8, v11;
	v11 =	vmul.f32 v6, v13;
	v1 =	vadd.f32 v44, v1;
	v13 =	vld [tilespmem:s17+$0x0]  }
0x1e4: {  	s15 =	sadd.s32 $0x80, s15;
	s7 =	sadd.s32 $0x400, s7;
	v0 =	vadd.f32 v46, v0;
	v18 =	vmul.f32 v18, v16;
	v9 =	vld [tilespmem:s18+$0x0]  }
0x1e5: {  	v1 =	vadd.f32 v60, v1;
	s18 =	sand.u32 $0x2000, s7;
	v4 =	vmul.f32 v15, v4;
	v15 =	vld [tilespmem:s19+$0x0];
	s19 =	sand.u32 $0x380, s15  }
0x1e6: {  	v0 =	vadd.f32 v41, v0;
	v6 =	vmul.f32 v14, v7;
	v7 =	vld [tilespmem:s17+$0x8000];
	v2 =	vadd.f32 v18, v2;
	s5 =	sor.u32 s19, s18  }
0x1e7: {  	v3 =	vadd.f32 v4, v3;
	v4 =	vadd.f32 v40, v1;
	v40 =	vld [tilespmem:s5+$0x1840]  }
0x1e8: {  	v2 =	vadd.f32 v38, v2;
	v38 =	vld [tilespmem:s5+$0x9840]  }
0x1e9: {  	v0 =	vadd.f32 v35, v0;
	v35 =	vld [tilespmem:s5+$0x1850]  }
0x1ea: {  	v21 =	vld [tilespmem:s5+$0x9850]  }
0x1eb: {  	v2 =	vadd.f32 v30, v2;
	v30 =	vld [tilespmem:s5+$0x1860]  }
0x1ec: {  	v41 =	vld [tilespmem:s5+$0x1870]  }
0x1ed: {  	v22 =	vld [tilespmem:s5+$0x9870]  }
0x1ee: {  	v44 =	vld [tilespmem:s5+$0x1800]  }
0x1ef: {  	v45 =	vld [tilespmem:s5+$0x9800]  }
0x1f0: {  	v46 =	vld [tilespmem:s5+$0x1810]  }
0x1f1: {  	v23 =	vld [tilespmem:s5+$0x9810]  }
0x1f2: {  	v48 =	vld [tilespmem:s5+$0x1820]  }
0x1f3: {  	v60 =	vld [tilespmem:s5+$0x9820]  }
0x1f4: {  	v24 =	vld [tilespmem:s5+$0x1830]  }
0x1f5: {  	v49 =	vld [tilespmem:s5+$0x9450]  }
0x1f6: {  	v1 =	vld [tilespmem:s5+$0x9470]  }
0x1f7: {  	v51 =	vld [tilespmem:s5+$0x9410]  }
0x1f8: {  	v47 =	vld [tilespmem:s5+$0x1000]  }
0x1f9: {  	v17 =	vmul.f32 v17, v5;
	v5 =	vld [tilespmem:s5+$0x8C40]  }
0x1fa: {  	v28 =	vld [tilespmem:s5+$0x8C50]  }
0x1fb: {  	v25 =	vld [tilespmem:s5+$0x8C60]  }
0x1fc: {  	v27 =	vld [tilespmem:s5+$0xC00]  }
0x1fd: {  	v31 =	vld [tilespmem:s5+$0xC10]  }
0x1fe: {  	v33 =	vld [tilespmem:s5+$0x8C10]  }
0x1ff: {  	v36 =	vld [tilespmem:s5+$0xC20]  }
0x200: {  	v10 =	vmul.f32 v12, v10;
	v12 =	vmul.f32 v7, v13;
	v13 =	vld [tilespmem:s5+$0x8C20]  }
0x201: {  	v16 =	vld [tilespmem:s5+$0x840]  }
0x202: {  	v42 =	vld [tilespmem:s5+$0x8840]  }
0x203: {  	v7 =	vld [tilespmem:s5+$0x850]  }
0x204: {  	v37 =	vld [tilespmem:s5+$0x8850];
	v14 =	vadd.f32 v39, v3  }
0x205: {  	v9 =	vmul.f32 v19, v9;
	v43 =	vld [tilespmem:s5+$0x860]  }
0x206: {  	v26 =	vld [tilespmem:s5+$0x8860];
	v18 =	vadd.f32 v32, v4;
	v15 =	vmul.f32 v20, v15;
	v14 =	vadd.f32 v34, v14  }
0x207: {  	v0 =	vadd.f32 v17, v0;
	v2 =	vadd.f32 v9, v2;
	v50 =	vld [tilespmem:s5+$0x800]  }
0x208: {  	v53 =	vld [tilespmem:s5+$0x8800];
	v18 =	vadd.f32 v6, v18;
	v9 =	vadd.f32 v15, v14  }
0x209: {  	v0 =	vadd.f32 v11, v0;
	v2 =	vadd.f32 v10, v2;
	v54 =	vld [tilespmem:s5+$0x810]  }
0x20a: {  	v55 =	vld [tilespmem:s5+$0x8810];
	v8 =	vadd.f32 v8, v18;
	v9 =	vadd.f32 v12, v9  }
0x20b: {  	v63 =	vld [tilespmem:s5+$0x820]  }
0x20c: {  	v61 =	vld [tilespmem:s5+$0x440];
	v0 =	vadd.f32 v0, v8;
	v2 =	vadd.f32 v9, v2  }
0x20d: {  	v56 =	vld [tilespmem:s5+$0x8440]  }
0x20e: {  	v59 =	vld [tilespmem:s5+$0x450];
	v0 =	vadd.f32 v2, v0  }
0x20f: {  	v62 =	vld [tilespmem:s5+$0x8450]  }
0x210: {  	(xrf2) =	vadd.scan.msk.f32 $0xffff, v0;
	v0 =	vld [tilespmem:s5+$0x1440]  }
0x211: {  	v57 =	vld [tilespmem:s5+$0x8460]  }
0x212: {  	v11 =	vld [tilespmem:s5+$0x8400]  }
0x213: {  	v52 =	vld [tilespmem:s5+$0x420]  }
0x214: {  	v58 =	vld [tilespmem:s5+$0x8420]  }
0x215: {  	[tilespmem:$0x1F7A0] =	vst v0;
	v0 =	vld [tilespmem:s5+$0x9440]  }
0x216: {  	v17 =	vld [tilespmem:s5+$0x0]  }
0x217: {  	v19 =	vld [tilespmem:s5+$0x10]  }
0x218: {  	[tilespmem:$0x1F870] =	vst v1;
	v1 =	vld [tilespmem:s5+$0x1400]  }
0x219: {  	v39 =	vld [tilespmem:s5+$0x9830]  }
0x21a: {  	[tilespmem:$0x1F7B0] =	vst v0;
	v0 =	vld [tilespmem:s5+$0x1450]  }
0x21b: {  	v3 =	vld [tilespmem:s5+$0xC50]  }
0x21c: {  	v4 =	vld [tilespmem:s5+$0x8C00]  }
0x21d: {  	v20 =	vld [tilespmem:s5+$0x8010];
	[tilespmem:$0x1F7D0] =	vst v1;
	v1 =	vlaneseq.u32;
	v2 =	vmov s4  }
0x21e: {  	vm1 =	veq.s32 v2, v1;
	v1 =	vld [tilespmem:s5+$0x9400]  }
0x21f: {  	[tilespmem:$0x1F7C0] =	vst v0;
	v0 =	vld [tilespmem:s5+$0x1460]  }
0x220: {  	v34 =	vld [tilespmem:s5+$0x9860]  }
0x221: {  	v6 =	vld [tilespmem:s5+$0xC60]  }
0x222: {  	v35 =	vmul.f32 v21, v35;
	v21 =	vld [tilespmem:s5+$0x20]  }
0x223: {  	[tilespmem:$0x1F7E0] =	vst v1;
	v1 =	vld [tilespmem:s5+$0x1420]  }
0x224: {  	[tilespmem:$0x1F840] =	vst v0;
	v0 =	vld [tilespmem:s5+$0x9460]  }
0x225: {  	v14 =	vld [tilespmem:s5+$0x410]  }
0x226: {  	v15 =	vld [tilespmem:s5+$0x8410]  }
0x227: {  	v18 =	vld [tilespmem:s5+$0x8000]  }
0x228: {  	[tilespmem:$0x1F880] =	vst v1;
	v1 =	vld [tilespmem:s5+$0x9420]  }
0x229: {  	[tilespmem:$0x1F850] =	vst v0;
	v0 =	vld [tilespmem:s5+$0x1470]  }
0x22a: {  	v39 =	vmul.f32 v39, v24;
	v24 =	vld [tilespmem:s5+$0x8030]  }
0x22b: {  	v12 =	vld [tilespmem:s5+$0x9000]  }
0x22c: {  	v8 =	vld [tilespmem:s5+$0x400]  }
0x22d: {  	v32 =	vmul.f32 v38, v40;
	v38 =	vmul.f32 v60, v48;
	v48 =	vld [tilespmem:$0x1F7A0];
	[tilespmem:$0x1F890] =	vst v1  }
0x22e: {  	v1 =	vld [tilespmem:s5+$0x1430];
	[tilespmem:$0x1F860] =	vst v0;
	v0, _, _ =	vpop (xrf2)  }
0x22f: {  	v60 =	vld [tilespmem:$0x1F7B0];
	v0 =	vbroadcast v0, $0xF  }
0x230: {  	v30 =	vmul.f32 v34, v30;
	v34 =	vmul.f32 v22, v41;
	v22 =	vld [tilespmem:s5+$0x8020]  }
0x231: {  	v29 =	vsel vm1, v0, v29;
	v0 =	vld [tilespmem:s5+$0x1410]  }
0x232: {  	v2 =	vld [tilespmem:s5+$0x1020]  }
0x233: {  	[tilespmem:$0x1F8A0] =	vst v1;
	v1 =	vld [tilespmem:s5+$0x9430]  }
0x234: {  	v60 =	vmul.f32 v60, v48;
	v48 =	vld [tilespmem:$0x1F7C0]  }
0x235: {  	v40 =	vmul.f32 v45, v44;
	v44 =	vld [tilespmem:$0x1F7D0]  }
0x236: {  	[tilespmem:$0x1F7F0] =	vst v0;
	v0 =	vld [tilespmem:s5+$0x1040]  }
0x237: {  	[tilespmem:$0x1FA30] =	vst v2;
	v2 =	vld [tilespmem:s5+$0x9020]  }
0x238: {  	[tilespmem:$0x1F8B0] =	vst v1;
	v1 =	vld [tilespmem:s5+$0x1060]  }
0x239: {  	v41 =	vmul.f32 v23, v46;
	v46 =	vmul.f32 v49, v48;
	v48 =	vld [tilespmem:$0x1F7E0]  }
0x23a: {  	v23 =	vld [tilespmem:s5+$0x30]  }
0x23b: {  	[tilespmem:$0x1F800] =	vst v0;
	v0 =	vld [tilespmem:s5+$0x9040]  }
0x23c: {  	[tilespmem:$0x1FA40] =	vst v2;
	v2 =	vld [tilespmem:s5+$0x1030]  }
0x23d: {  	[tilespmem:$0x1F970] =	vst v1;
	v1 =	vld [tilespmem:s5+$0x9060]  }
0x23e: {  	v44 =	vmul.f32 v48, v44;
	v48 =	vld [tilespmem:$0x1F7F0]  }
0x23f: {  	v9 =	vld [tilespmem:s5+$0x1010]  }
0x240: {  	[tilespmem:$0x1F810] =	vst v0;
	v0 =	vld [tilespmem:s5+$0x1050]  }
0x241: {  	[tilespmem:$0x1FA50] =	vst v2;
	v2 =	vld [tilespmem:s5+$0x9030]  }
0x242: {  	[tilespmem:$0x1F9C0] =	vst v1;
	v1 =	vld [tilespmem:s5+$0x1070]  }
0x243: {  	v45 =	vmul.f32 v51, v48;
	v48 =	vld [tilespmem:$0x1F800]  }
0x244: {  	v10 =	vld [tilespmem:$0x1F810]  }
0x245: {  	[tilespmem:$0x1F820] =	vst v0;
	v0 =	vld [tilespmem:s5+$0x9050]  }
0x246: {  	v47 =	vmul.f32 v12, v47;
	v12 =	vld [tilespmem:s5+$0x8060]  }
0x247: {  	[tilespmem:$0x1FA10] =	vst v1;
	v1 =	vld [tilespmem:s5+$0x9070]  }
0x248: {  	[tilespmem:$0x1FA60] =	vst v2;
	v2 =	vld [tilespmem:s5+$0x8820]  }
0x249: {  	v48 =	vmul.f32 v10, v48;
	v10 =	vld [tilespmem:$0x1F820]  }
0x24a: {  	[tilespmem:$0x1F830] =	vst v0;
	v0 =	vld [tilespmem:s5+$0x9010]  }
0x24b: {  	[tilespmem:$0x1FF30] =	vst v48;
	v48 =	vld [tilespmem:$0x1F830]  }
0x24c: {  	[tilespmem:$0x1FA20] =	vst v1;
	v1 =	vld [tilespmem:s5+$0xC40]  }
0x24d: {  	p0 =	sne.s32 s16, $0xF;
	v49 =	vld [tilespmem:s5+$0x40]  }
.Ltmp0:
0x24e: {  	[tilespmem:$0x1FCD0] =	vst v2;
	v2 =	vld [tilespmem:s5+$0x460];
	(pc) =	sbr.rel @p0 .LBB2_3-.Ltmp0, $4  }
0x24f: {  	v7 =	vmul.f32 v37, v7;
	v3 =	vmul.f32 v28, v3;
	v51 =	vld [tilespmem:s5+$0x8040]  }
0x250: {  	v10 =	vmul.f32 v48, v10;
	v48 =	vmul.f32 v0, v9;
	v0 =	vld [tilespmem:s5+$0x8050]  }
0x251: {  	v37 =	vmov v13;
	v4 =	vmul.f32 v4, v27;
	v1 =	vmul.f32 v5, v1;
	v9 =	vld [tilespmem:s5+$0x60]  }
0x252: {  	s4 =	smov.u32 s16;
	s16 =	sadd.s32 $0x1, s16;
	v5 =	vmul.f32 v33, v31;
	v31 =	vmovc v25;
	v33 =	vmov v6;
	v6 =	vmul.f32 v42, v16;
	[tilespmem:$0x1FF60] =	vst v10;
	v10 =	vld [tilespmem:s5+$0x50]  }
0x253: {  	v42 =	vld [tilespmem:s5+$0x70]  }
0x254: {  	v28 =	vld [tilespmem:s5+$0x8070]  }
0x255: {  	v8 =	vmul.f32 v11, v8;
	v11 =	vmul.f32 v15, v14;
	v14 =	vld [tilespmem:s5+$0x430]  }
0x256: {  	v25 =	vmul.f32 v56, v61;
	v61 =	vld [tilespmem:s5+$0x8430]  }
0x257: {  	v13 =	vmul.f32 v53, v50;
	v50 =	vld [tilespmem:s5+$0x470]  }
0x258: {  	v16 =	vmul.f32 v55, v54;
	v27 =	vmul.f32 v62, v59;
	v54 =	vld [tilespmem:s5+$0x830]  }
0x259: {  	v56 =	vmul.f32 v18, v17;
	v55 =	vmul.f32 v58, v52;
	v58 =	vld [tilespmem:s5+$0x870]  }
0x25a: {  	v59 =	vmul.f32 v20, v19;
	v62 =	vmul.f32 v22, v21;
	v21 =	vld [tilespmem:s5+$0x8C70]  }
0x25b: {  	v24 =	vmul.f32 v24, v23;
	v23 =	vmul.f32 v31, v33;
	v31 =	vld [tilespmem:$0x1F9C0]  }
0x25c: {  	v20 =	vmul.f32 v26, v43;
	v43 =	vld [tilespmem:$0x1FF60];
	v51 =	vmul.f32 v51, v49  }
0x25d: {  	v2 =	vmul.f32 v57, v2;
	v57 =	vld [tilespmem:$0x1F870]  }
0x25e: {  	s1 =	sadd.s32 $0x1, s1;
	v15 =	vadd.f32 v51, v56;
	v56 =	vld [tilespmem:s5+$0x8830]  }
0x25f: {  	s1 =	sand.u32 $0x7, s1;
	v51 =	vld [tilespmem:$0x1F8B0]  }
0x260: {  	s1 =	sshll.u32 s1, $0x7;
	v9 =	vmul.f32 v12, v9;
	v0 =	vmul.f32 v0, v10;
	v10 =	vld [tilespmem:s5+$0x8470]  }
0x261: {  	s1 =	sadd.s32 s1, s7;
	v53 =	vmul.f32 v28, v42;
	v14 =	vmul.f32 v61, v14;
	v61 =	vld [tilespmem:$0x1FCD0]  }
0x262: {  	s15 =	sor.u32 $0x1C50, s1;
	v9 =	vadd.f32 v9, v62;
	v62 =	vld [tilespmem:s5+$0x8C30];
	v0 =	vadd.f32 v0, v59  }
0x263: {  	v22 =	vld [tilespmem:s15+$0x0];
	v12 =	vadd.f32 v53, v24  }
0x264: {  	s16 =	sor.u32 $0x1C60, s1;
	v9 =	vadd.f32 v55, v9;
	v0 =	vadd.f32 v11, v0;
	v11 =	vld [tilespmem:s5+$0x8870]  }
0x265: {  	v8 =	vadd.f32 v8, v15;
	v26 =	vld [tilespmem:s16+$0x8000];
	v12 =	vadd.f32 v14, v12;
	v10 =	vmul.f32 v10, v50  }
0x266: {  	v59 =	vld [tilespmem:s5+$0xC30];
	v2 =	vadd.f32 v2, v9;
	v0 =	vadd.f32 v27, v0  }
0x267: {  	v28 =	vld [tilespmem:$0x1F970];
	v15 =	vmul.f32 v61, v63;
	v9 =	vadd.f32 v10, v12;
	v10 =	vmul.f32 v56, v54  }
0x268: {  	v63 =	vld [tilespmem:s5+$0xC70];
	v0 =	vadd.f32 v16, v0  }
0x269: {  	s17 =	sor.u32 $0x1C10, s1;
	v42 =	vld [tilespmem:$0x1FF30];
	v2 =	vadd.f32 v15, v2;
	v9 =	vadd.f32 v10, v9;
	v10 =	vmul.f32 v11, v58  }
0x26a: {  	s18 =	sor.u32 $0x1C20, s1;
	v49 =	vld [tilespmem:s17+$0x8000];
	v0 =	vadd.f32 v7, v0;
	v7 =	vmul.f32 v37, v36  }
0x26b: {  	v52 =	vld [tilespmem:s18+$0x0];
	v2 =	vadd.f32 v20, v2;
	v9 =	vadd.f32 v10, v9;
	v10 =	vmul.f32 v62, v59  }
0x26c: {  	v8 =	vadd.f32 v25, v8;
	v24 =	vld [tilespmem:$0x1FA30]  }
0x26d: {  	v25 =	vld [tilespmem:$0x1FA40];
	v2 =	vadd.f32 v7, v2;
	v7 =	vadd.f32 v10, v9;
	v9 =	vmul.f32 v21, v63  }
0x26e: {  	v53 =	vld [tilespmem:$0x1F840];
	v8 =	vadd.f32 v13, v8  }
0x26f: {  	v27 =	vadd.f32 v9, v7;
	v7 =	vld [tilespmem:$0x1FA50]  }
0x270: {  	v6 =	vadd.f32 v6, v8;
	v9 =	vld [tilespmem:$0x1FA60]  }
0x271: {  	v55 =	vld [tilespmem:s18+$0x8000]  }
0x272: {  	s7 =	sor.u32 $0x1C40, s1;
	v50 =	vld [tilespmem:$0x1F8A0];
	v4 =	vadd.f32 v4, v6  }
0x273: {  	v8 =	vld [tilespmem:s7+$0x8000]  }
0x274: {  	v54 =	vld [tilespmem:$0x1F850];
	v1 =	vadd.f32 v1, v4;
	v0 =	vadd.f32 v5, v0  }
0x275: {  	v37 =	vld [tilespmem:$0x1FA10];
	v7 =	vmul.f32 v9, v7  }
0x276: {  	v1 =	vadd.f32 v47, v1;
	v47 =	vld [tilespmem:$0x1F880];
	v0 =	vadd.f32 v3, v0  }
0x277: {  	v36 =	vadd.f32 v7, v27;
	v7 =	vld [tilespmem:$0x1FA20]  }
0x278: {  	v0 =	vadd.f32 v48, v0;
	v48 =	vld [tilespmem:$0x1F890]  }
0x279: {  	v56 =	vld [tilespmem:$0x1F860];
	v3 =	vmul.f32 v25, v24;
	v2 =	vadd.f32 v23, v2  }
0x27a: {  	v11 =	vld [tilespmem:s7+$0x0]  }
0x27b: {  	s19 =	sor.u32 $0x1C30, s1;
	v12 =	vmul.f32 v31, v28;
	v6 =	vld [tilespmem:s15+$0x8000];
	v2 =	vadd.f32 v3, v2  }
0x27c: {  	s7 =	sor.u32 $0x1C00, s1;
	v58 =	vld [tilespmem:s19+$0x0];
	v17 =	vmul.f32 v54, v53;
	v5 =	vmul.f32 v7, v37  }
0x27d: {  	v33 =	vld [tilespmem:s7+$0x8000];
	v1 =	vadd.f32 v42, v1;
	v2 =	vadd.f32 v12, v2;
	v15 =	vmul.f32 v48, v47  }
0x27e: {  	v10 =	vld [tilespmem:s16+$0x0];
	v0 =	vadd.f32 v43, v0;
	v3 =	vadd.f32 v5, v36;
	v5 =	vmul.f32 v51, v50  }
0x27f: {  	v8 =	vmul.f32 v8, v11;
	v11 =	vld [tilespmem:s19+$0x8000];
	v1 =	vadd.f32 v44, v1;
	v2 =	vadd.f32 v15, v2  }
0x280: {  	v9 =	vld [tilespmem:s7+$0x0];
	v0 =	vadd.f32 v45, v0;
	v3 =	vadd.f32 v5, v3;
	v5 =	vmul.f32 v57, v56  }
0x281: {  	s1 =	sor.u32 $0x1C70, s1;
	v1 =	vadd.f32 v60, v1;
	v2 =	vadd.f32 v17, v2;
	v7 =	vld [tilespmem:s17+$0x0]  }
0x282: {  	v59 =	vmul.f32 v6, v22;
	v6 =	vld [tilespmem:s1+$0x0];
	v0 =	vadd.f32 v46, v0;
	v3 =	vadd.f32 v5, v3  }
0x283: {  	v12 =	vmul.f32 v55, v52;
	v60 =	vld [tilespmem:s1+$0x8000];
	v1 =	vadd.f32 v40, v1;
	v2 =	vadd.f32 v38, v2  }
0x284: {  	v11 =	vmul.f32 v11, v58;
	v0 =	vadd.f32 v41, v0;
	v3 =	vadd.f32 v39, v3  }
0x285: {  	v1 =	vadd.f32 v32, v1;
	v9 =	vmul.f32 v33, v9;
	v2 =	vadd.f32 v30, v2  }
0x286: {  	v0 =	vadd.f32 v35, v0;
	v7 =	vmul.f32 v49, v7;
	v3 =	vadd.f32 v34, v3  }
0x287: {  	v4 =	vmul.f32 v26, v10;
	v1 =	vadd.f32 v9, v1;
	v2 =	vadd.f32 v12, v2  }
0x288: {  	v6 =	vmul.f32 v60, v6;
	v0 =	vadd.f32 v7, v0;
	v3 =	vadd.f32 v11, v3  }
0x289: {  	v1 =	vadd.f32 v8, v1;
	v2 =	vadd.f32 v4, v2  }
0x28a: {  	v0 =	vadd.f32 v59, v0;
	v3 =	vadd.f32 v6, v3;
	_ =	sdelay $0x1  }
0x28b: {  	v0 =	vadd.f32 v0, v1;
	v61 =	vadd.f32 v3, v2;
	_ =	sdelay $0x1  }
0x28c: {  	v0 =	vadd.f32 v61, v0;
	_ =	sdelay $0x1  }
0x28d: {  	(xrf2) =	vadd.scan.msk.f32 $0xffff, v0;
	_ =	sdelay $0x9  }
0x28e: {  	v0, _, _ =	vpop (xrf2)  }
0x28f: {  	v62 =	vmov s4;
	v63 =	vlaneseq.u32;
	v0 =	vbroadcast v0, $0xF  }
0x290: {  	vm1 =	veq.s32 v62, v63  }
0x291: {  	v8 =	vsel vm1, v0, v29  }
0x292: {  	[tilespmem:$0x10080] =	vst v8  }
0x293: {  	_ =	swait.ge [sflag:s14], $0x4000  }
0x294: {  	s5 =	simm.s32 $0x0;
	s4 =	simm.s32 $0x0;
	[sflag:s14] =	ssyncset.done $0x0  }
0x295: {  	s1 =	simm.s32 $0x0;
	s7 =	simm.s32 $0x0;
	v9 =	vlaneseq.u32;
	[sflag:s14] =	ssyncadd.s32 $0xFFFFC000  }
.LBB2_5:
0x296: {  	v0 =	vld [tilespmem:$0x10080];
	_ =	sdelay $0x2  }
0x297: {  	v1 =	vmov s7  }
0x298: {  	s15 =	sand.u32 $0x2000, s4;
	s16 =	sand.u32 $0x380, s5;
	vm1 =	veq.s32 v1, v9  }
0x299: {  	s15 =	sor.u32 s16, s15;
	v0 =	vnsel vm1, $0x0, v0  }
0x29a: {  	v30 =	vld [tilespmem:s15+$0xC000];
	(xrf2) =	vadd.scan.msk.f32 $0xffff, v0  }
0x29b: {  	v2 =	vld [tilespmem:s15+$0xC010]  }
0x29c: {  	v3 =	vld [tilespmem:s15+$0xC020]  }
0x29d: {  	v4 =	vld [tilespmem:s15+$0xC030]  }
0x29e: {  	v5 =	vld [tilespmem:s15+$0xC040]  }
0x29f: {  	v6 =	vld [tilespmem:s15+$0xC050]  }
0x2a0: {  	v7 =	vld [tilespmem:s15+$0xC060]  }
0x2a1: {  	v33 =	vld [tilespmem:s15+$0xC070]  }
0x2a2: {  	v35 =	vld [tilespmem:s15+$0xC400]  }
0x2a3: {  	v37 =	vld [tilespmem:s15+$0xC410]  }
0x2a4: {  	v41 =	vld [tilespmem:s15+$0xC440];
	v31, _, _ =	vpop (xrf2)  }
0x2a5: {  	v43 =	vld [tilespmem:s15+$0xC450];
	v1 =	vbroadcast v31, $0xF  }
0x2a6: {  	v45 =	vld [tilespmem:s15+$0xC460]  }
0x2a7: {  	v49 =	vld [tilespmem:s15+$0xC810];
	v0 =	vmul.f32 v1, v30  }
0x2a8: {  	v51 =	vld [tilespmem:s15+$0xC820];
	v2 =	vmul.f32 v1, v2  }
0x2a9: {  	v53 =	vld [tilespmem:s15+$0xC830];
	v32 =	vmul.f32 v3, v1;
	[tilespmem:s15+$0x4000] =	vst v0  }
0x2aa: {  	v57 =	vld [tilespmem:s15+$0xC860];
	v34 =	vmul.f32 v4, v1;
	[tilespmem:s15+$0x4010] =	vst v2  }
0x2ab: {  	v59 =	vld [tilespmem:s15+$0xC870];
	v36 =	vmul.f32 v5, v1;
	[tilespmem:s15+$0x4020] =	vst v32  }
0x2ac: {  	v38 =	vmul.f32 v6, v1;
	v6 =	vld [tilespmem:s15+$0xC420];
	[tilespmem:s15+$0x4030] =	vst v34  }
0x2ad: {  	v61 =	vld [tilespmem:s15+$0xCC00];
	v39 =	vmul.f32 v7, v1;
	[tilespmem:s15+$0x4040] =	vst v36  }
0x2ae: {  	v13 =	vld [tilespmem:s15+$0xCC30];
	v40 =	vmul.f32 v33, v1;
	[tilespmem:s15+$0x4050] =	vst v38  }
0x2af: {  	v15 =	vld [tilespmem:s15+$0xCC40];
	v42 =	vmul.f32 v35, v1;
	[tilespmem:s15+$0x4060] =	vst v39  }
0x2b0: {  	v7 =	vld [tilespmem:s15+$0xC430];
	v44 =	vmul.f32 v37, v1;
	[tilespmem:s15+$0x4070] =	vst v40  }
0x2b1: {  	v48 =	vmul.f32 v41, v1;
	[tilespmem:s15+$0x4400] =	vst v42;
	v46 =	vmul.f32 v6, v1;
	v6 =	vld [tilespmem:s15+$0xC470]  }
0x2b2: {  	v17 =	vld [tilespmem:s15+$0xCC50];
	v50 =	vmul.f32 v43, v1;
	[tilespmem:s15+$0x4410] =	vst v44  }
0x2b3: {  	v21 =	vld [tilespmem:s15+$0xD000];
	v52 =	vmul.f32 v45, v1;
	[tilespmem:s15+$0x4440] =	vst v48  }
0x2b4: {  	v23 =	vld [tilespmem:s15+$0xD010];
	v56 =	vmul.f32 v49, v1;
	[tilespmem:s15+$0x4450] =	vst v50  }
0x2b5: {  	v58 =	vmul.f32 v51, v1;
	[tilespmem:s15+$0x4460] =	vst v52;
	v47 =	vmul.f32 v7, v1;
	v7 =	vld [tilespmem:s15+$0xC800]  }
0x2b6: {  	v60 =	vmul.f32 v53, v1;
	[tilespmem:s15+$0x4810] =	vst v56;
	v54 =	vmul.f32 v6, v1;
	v6 =	vld [tilespmem:s15+$0xC840]  }
0x2b7: {  	v25 =	vld [tilespmem:s15+$0xD020];
	v12 =	vmul.f32 v57, v1;
	[tilespmem:s15+$0x4820] =	vst v58  }
0x2b8: {  	v29 =	vld [tilespmem:s15+$0xD050];
	v14 =	vmul.f32 v59, v1;
	[tilespmem:s15+$0x4830] =	vst v60  }
0x2b9: {  	v31 =	vld [tilespmem:s15+$0xD060];
	v16 =	vmul.f32 v61, v1;
	[tilespmem:s15+$0x4860] =	vst v12  }
0x2ba: {  	v20 =	vmul.f32 v13, v1;
	[tilespmem:s15+$0x4870] =	vst v14;
	v55 =	vmul.f32 v7, v1;
	v7 =	vld [tilespmem:s15+$0xC850]  }
0x2bb: {  	v22 =	vmul.f32 v15, v1;
	[tilespmem:s15+$0x4C00] =	vst v16;
	v62 =	vmul.f32 v6, v1;
	v6 =	vld [tilespmem:s15+$0xCC10]  }
0x2bc: {  	v24 =	vmul.f32 v17, v1;
	v33 =	vld [tilespmem:s15+$0xD070];
	[tilespmem:s15+$0x4C30] =	vst v20  }
0x2bd: {  	v28 =	vmul.f32 v21, v1;
	v37 =	vld [tilespmem:s15+$0xD420];
	[tilespmem:s15+$0x4C40] =	vst v22  }
0x2be: {  	v30 =	vmul.f32 v23, v1;
	v41 =	vld [tilespmem:s15+$0xD440];
	[tilespmem:s15+$0x4C50] =	vst v24  }
0x2bf: {  	[tilespmem:s15+$0x5000] =	vst v28;
	v32 =	vmul.f32 v25, v1;
	v63 =	vmul.f32 v7, v1;
	v7 =	vld [tilespmem:s15+$0xCC20]  }
0x2c0: {  	[tilespmem:s15+$0x5010] =	vst v30;
	v36 =	vmul.f32 v29, v1;
	v18 =	vmul.f32 v6, v1;
	v6 =	vld [tilespmem:s15+$0xCC60]  }
0x2c1: {  	v45 =	vld [tilespmem:s15+$0xD470];
	v38 =	vmul.f32 v31, v1;
	[tilespmem:s15+$0x5020] =	vst v32  }
0x2c2: {  	v49 =	vld [tilespmem:s15+$0xD810];
	[tilespmem:s15+$0x5050] =	vst v36  }
0x2c3: {  	v53 =	vld [tilespmem:s15+$0xD840];
	[tilespmem:s15+$0x5060] =	vst v38  }
0x2c4: {  	v40 =	vmul.f32 v33, v1;
	[tilespmem:s15+$0x4420] =	vst v46;
	v19 =	vmul.f32 v7, v1;
	v7 =	vld [tilespmem:s15+$0xCC70]  }
0x2c5: {  	v44 =	vmul.f32 v37, v1;
	[tilespmem:s15+$0x4430] =	vst v47;
	v26 =	vmul.f32 v6, v1;
	v6 =	vld [tilespmem:s15+$0xD030]  }
0x2c6: {  	v48 =	vmul.f32 v41, v1;
	[tilespmem:s15+$0x5070] =	vst v40  }
0x2c7: {  	v39 =	vld [tilespmem:s15+$0xD430];
	v52 =	vmul.f32 v45, v1;
	[tilespmem:s15+$0x5420] =	vst v44  }
0x2c8: {  	v56 =	vmul.f32 v49, v1;
	v47 =	vld [tilespmem:s15+$0xD800];
	[tilespmem:s15+$0x5440] =	vst v48  }
0x2c9: {  	[tilespmem:s15+$0x5470] =	vst v52;
	v27 =	vmul.f32 v7, v1;
	v7 =	vld [tilespmem:s15+$0xD040]  }
0x2ca: {  	v60 =	vmul.f32 v53, v1;
	[tilespmem:s15+$0x5810] =	vst v56;
	v34 =	vmul.f32 v6, v1;
	v6 =	vld [tilespmem:s15+$0xD400]  }
0x2cb: {  	[tilespmem:s15+$0x4800] =	vst v55;
	v55 =	vld [tilespmem:s15+$0xD850]  }
0x2cc: {  	v57 =	vld [tilespmem:s15+$0xD860];
	v46 =	vmul.f32 v39, v1;
	[tilespmem:s15+$0x5840] =	vst v60  }
0x2cd: {  	[tilespmem:s15+$0x4470] =	vst v54;
	v54 =	vmul.f32 v47, v1  }
0x2ce: {  	[tilespmem:s15+$0x5430] =	vst v46;
	v35 =	vmul.f32 v7, v1;
	v7 =	vld [tilespmem:s15+$0xD410]  }
0x2cf: {  	[tilespmem:s15+$0x5800] =	vst v54;
	v42 =	vmul.f32 v6, v1;
	v6 =	vld [tilespmem:s15+$0xD450]  }
0x2d0: {  	[tilespmem:s15+$0x4840] =	vst v62;
	v61 =	vmul.f32 v55, v1  }
0x2d1: {  	[tilespmem:s15+$0x4850] =	vst v63;
	v62 =	vmul.f32 v57, v1  }
0x2d2: {  	[tilespmem:s15+$0x5850] =	vst v61  }
0x2d3: {  	[tilespmem:s15+$0x5860] =	vst v62;
	v43 =	vmul.f32 v7, v1;
	v7 =	vld [tilespmem:s15+$0xD460]  }
0x2d4: {  	[tilespmem:s15+$0x4C10] =	vst v18;
	v50 =	vmul.f32 v6, v1;
	v6 =	vld [tilespmem:s15+$0xD820]  }
0x2d5: {  	[tilespmem:s15+$0x4C20] =	vst v19  }
0x2d6: {  	[tilespmem:s15+$0x4C60] =	vst v26  }
0x2d7: {  	[tilespmem:s15+$0x4C70] =	vst v27  }
0x2d8: {  	[tilespmem:s15+$0x5030] =	vst v34;
	v51 =	vmul.f32 v7, v1;
	v7 =	vld [tilespmem:s15+$0xD830]  }
0x2d9: {  	[tilespmem:s15+$0x5040] =	vst v35;
	v58 =	vmul.f32 v6, v1;
	v6 =	vld [tilespmem:s15+$0xD870]  }
0x2da: {  	[tilespmem:s15+$0x5400] =	vst v42  }
0x2db: {  	[tilespmem:s15+$0x5410] =	vst v43  }
0x2dc: {  	[tilespmem:s15+$0x5450] =	vst v50  }
0x2dd: {  	s17 =	sand.u32 $0x7, s1;
	[tilespmem:s15+$0x5460] =	vst v51;
	v59 =	vmul.f32 v7, v1  }
0x2de: {  	s16 =	sshll.u32 s17, $0x7;
	[tilespmem:s15+$0x5820] =	vst v58;
	v63 =	vmul.f32 v6, v1  }
0x2df: {  	s16 =	sadd.s32 s16, s4;
	[tilespmem:s15+$0x5830] =	vst v59  }
0x2e0: {  	s18 =	sor.u32 $0x1C00, s16;
	[tilespmem:s15+$0x5870] =	vst v63  }
0x2e1: {  	v0 =	vld [tilespmem:s18+$0xC000];
	_ =	sdelay $0x4  }
0x2e2: {  	v0 =	vmul.f32 v0, v1;
	_ =	sdelay $0x1  }
0x2e3: {  	s19 =	sor.u32 $0x1C10, s16;
	[tilespmem:s18+$0x4000] =	vst v0  }
0x2e4: {  	v0 =	vld [tilespmem:s19+$0xC000];
	_ =	sdelay $0x4  }
0x2e5: {  	v0 =	vmul.f32 v0, v1;
	_ =	sdelay $0x1  }
0x2e6: {  	s17 =	sor.u32 $0x1C20, s16;
	[tilespmem:s19+$0x4000] =	vst v0  }
0x2e7: {  	v0 =	vld [tilespmem:s17+$0xC000];
	_ =	sdelay $0x4  }
0x2e8: {  	v0 =	vmul.f32 v0, v1;
	_ =	sdelay $0x1  }
0x2e9: {  	s18 =	sor.u32 $0x1C30, s16;
	[tilespmem:s17+$0x4000] =	vst v0  }
0x2ea: {  	v0 =	vld [tilespmem:s18+$0xC000];
	_ =	sdelay $0x4  }
0x2eb: {  	v0 =	vmul.f32 v0, v1;
	_ =	sdelay $0x1  }
0x2ec: {  	s19 =	sor.u32 $0x1C40, s16;
	[tilespmem:s18+$0x4000] =	vst v0  }
0x2ed: {  	v0 =	vld [tilespmem:s19+$0xC000];
	_ =	sdelay $0x4  }
0x2ee: {  	v0 =	vmul.f32 v0, v1;
	_ =	sdelay $0x1  }
0x2ef: {  	s17 =	sor.u32 $0x1C50, s16;
	[tilespmem:s19+$0x4000] =	vst v0  }
0x2f0: {  	v0 =	vld [tilespmem:s17+$0xC000];
	_ =	sdelay $0x4  }
0x2f1: {  	v0 =	vmul.f32 v0, v1;
	_ =	sdelay $0x1  }
0x2f2: {  	s18 =	sor.u32 $0x1C60, s16;
	[tilespmem:s17+$0x4000] =	vst v0  }
0x2f3: {  	v0 =	vld [tilespmem:s18+$0xC000];
	_ =	sdelay $0x4  }
0x2f4: {  	v0 =	vmul.f32 v0, v1;
	_ =	sdelay $0x1  }
0x2f5: {  	s19 =	sor.u32 $0x1C70, s16;
	[tilespmem:s18+$0x4000] =	vst v0  }
0x2f6: {  	v0 =	vld [tilespmem:s19+$0xC000];
	_ =	sdelay $0x1  }
0x2f7: {  	p0 =	sne.s32 s7, $0xF  }
.Ltmp1:
0x2f8: {  	_ = 	snop;
	(pc) =	sbr.rel @p0 .LBB2_5-.Ltmp1, $4  }
0x2f9: {  	_ = 	snop  }
0x2fa: {  	v0 =	vmul.f32 v0, v1  }
0x2fb: {  	s5 =	sadd.s32 $0x80, s5  }
0x2fc: {  	s1 =	sadd.s32 $0x1, s1;
	s7 =	sadd.s32 $0x1, s7;
	s4 =	sadd.s32 $0x400, s4;
	[tilespmem:s19+$0x4000] =	vst v0  }
0x2fd: {  	v0 =	vld [tilespmem:$0x10000];
	_ =	sdelay $0x3  }
0x2fe: {  	vm1 =	vgt.f32 v8, $0.0e+00;
	v1 =	vimm.s32 $0x1  }
0x2ff: {  	v1 =	vsel vm1, $0x2, v1;
	v0 =	vshll.u32 v0, $0x1  }
0x300: {  	v0 =	vadd.s32 v0, v1  }
0x301: {  	s1 =	simm.s32 $0x1;
	[tilespmem:$0x10000] =	vst v0  }
.LBB2_7:
0x302: {  	v2 =	vld [tilespmem:$0x1FFB0];
	_ =	sdelay $0x1  }
0x303: {  	v1 =	vshll.u32 v0, $0x3;
	v3 =	vld [tilespmem:$0x1FFE0]  }
0x304: {  	v0 =	vand.u32 $0x7, v0;
	v1 =	vand.u32 $0xFFFFFFC0, v1  }
0x305: {  	v0 =	vor.u32 v0, v1  }
0x306: {  	v1 =	vperm.xlane v0, v2;
	_ =	sdelay $0x1  }
0x307: {  	v1 =	vadd.s32 v3, v1  }
0x308: {  	v4 =	vld [tilespmem:$0x1FFC0];
	_ =	sdelay $0x2  }
0x309: {  	s7 =	simm.s32 $0x0;
	s4 =	simm.s32 $0x8000  }
0x30a: {  	[tilespmem:s4], [sflag:$0x1] =	stream.indirect_vreg.gather [hbm4b:s2+s7], $0x80, v1, vm0, $0xb8;
	[tilespmem:$0x10100] =	vst v63  }
0x30b: {  	s18 =	simm.s32 $0x8800;
	v0 =	vperm.xlane v0, v4  }
0x30c: {  	[tilespmem:s18], [sflag:$0x1] =	stream.indirect_vreg.gather [hbm4b:s8+s7], $0x80, v1, vm0, $0xb8;
	[tilespmem:$0x10100] =	vst v63  }
0x30d: {  	s19 =	simm.s32 $0x9000;
	v0 =	vadd.s32 v3, v0  }
0x30e: {  	[tilespmem:s19], [sflag:$0x1] =	stream.indirect_vreg.gather [hbm4b:s9+s7], $0x80, v1, vm0, $0xb8;
	[tilespmem:$0x10100] =	vst v63  }
0x30f: {  	s5 =	simm.s32 $0x9800  }
0x310: {  	[tilespmem:s5], [sflag:$0x1] =	stream.indirect_vreg.gather [hbm4b:s10+s7], $0x80, v1, vm0, $0xb8;
	[tilespmem:$0x10100] =	vst v63  }
0x311: {  	_ = 	snop  }
0x312: {  	[tilespmem:s20], [sflag:$0x1] =	stream.indirect_vreg.gather [hbm4b:s2+s7], $0x80, v0, vm0, $0xb8;
	[tilespmem:$0x10100] =	vst v63  }
0x313: {  	_ = 	snop  }
0x314: {  	[tilespmem:s21], [sflag:$0x1] =	stream.indirect_vreg.gather [hbm4b:s8+s7], $0x80, v0, vm0, $0xb8;
	[tilespmem:$0x10100] =	vst v63  }
0x315: {  	_ = 	snop  }
0x316: {  	[tilespmem:s22], [sflag:$0x1] =	stream.indirect_vreg.gather [hbm4b:s9+s7], $0x80, v0, vm0, $0xb8;
	[tilespmem:$0x10100] =	vst v63  }
0x317: {  	_ = 	snop  }
0x318: {  	[tilespmem:s23], [sflag:$0x1] =	stream.indirect_vreg.gather [hbm4b:s10+s7], $0x80, v0, vm0, $0xb8;
	[tilespmem:$0x10100] =	vst v63  }
0x319: {  	v0 =	vld [tilespmem:$0x10000];
	_ =	sdelay $0x4  }
0x31a: {  	v1 =	vshll.u32 v0, $0x3  }
0x31b: {  	v0 =	vand.u32 $0x7, v0;
	v1 =	vand.u32 $0xFFFFFFC0, v1  }
0x31c: {  	v0 =	vor.u32 v0, v1  }
0x31d: {  	v1 =	vperm.xlane v0, v2;
	_ =	sdelay $0x1  }
0x31e: {  	v1 =	vadd.s32 v3, v1;
	_ =	sdelay $0x4  }
0x31f: {  	[tilespmem:s24], [sflag:$0x2] =	stream.indirect_vreg.gather [hbm4b:s3+s7], $0x80, v1, vm0, $0xb8;
	[tilespmem:$0x10100] =	vst v63  }
0x320: {  	v0 =	vperm.xlane v0, v4  }
0x321: {  	[tilespmem:s25], [sflag:$0x2] =	stream.indirect_vreg.gather [hbm4b:s11+s7], $0x80, v1, vm0, $0xb8;
	[tilespmem:$0x10100] =	vst v63  }
0x322: {  	v0 =	vadd.s32 v3, v0  }
0x323: {  	[tilespmem:s26], [sflag:$0x2] =	stream.indirect_vreg.gather [hbm4b:s12+s7], $0x80, v1, vm0, $0xb8;
	[tilespmem:$0x10100] =	vst v63  }
0x324: {  	_ = 	snop  }
0x325: {  	[tilespmem:s28], [sflag:$0x2] =	stream.indirect_vreg.gather [hbm4b:s13+s7], $0x80, v1, vm0, $0xb8;
	[tilespmem:$0x10100] =	vst v63  }
0x326: {  	_ = 	snop  }
0x327: {  	[tilespmem:s29], [sflag:$0x2] =	stream.indirect_vreg.gather [hbm4b:s3+s7], $0x80, v0, vm0, $0xb8;
	[tilespmem:$0x10100] =	vst v63  }
0x328: {  	_ = 	snop  }
0x329: {  	[tilespmem:s30], [sflag:$0x2] =	stream.indirect_vreg.gather [hbm4b:s11+s7], $0x80, v0, vm0, $0xb8;
	[tilespmem:$0x10100] =	vst v63  }
0x32a: {  	_ = 	snop  }
0x32b: {  	[tilespmem:s31], [sflag:$0x2] =	stream.indirect_vreg.gather [hbm4b:s12+s7], $0x80, v0, vm0, $0xb8;
	[tilespmem:$0x10100] =	vst v63  }
0x32c: {  	_ = 	snop  }
0x32d: {  	[tilespmem:s0], [sflag:$0x2] =	stream.indirect_vreg.gather [hbm4b:s13+s7], $0x80, v0, vm0, $0xb8;
	[tilespmem:$0x10100] =	vst v63  }
0x32e: {  	_ =	swait.ge [sflag:s6], $0x4000  }
0x32f: {  	s15 =	sand.u32 $0x2000, s7;
	s5 =	sand.u32 $0x380, s7;
	[sflag:s6] =	ssyncset.done $0x0  }
0x330: {  	s4 =	sor.u32 s5, s15;
	[sflag:s6] =	ssyncadd.s32 $0xFFFFC000  }
0x331: {  	v4 =	vld [tilespmem:s4+$0x9810];
	_ =	sdelay $0x4  }
0x332: {  	[tilespmem:$0x1F0B0] =	vst v4;
	v4 =	vld [tilespmem:s4+$0x1820];
	_ =	sdelay $0x4  }
0x333: {  	[tilespmem:$0x1F0C0] =	vst v4;
	v4 =	vld [tilespmem:s4+$0x1830];
	_ =	sdelay $0x4  }
0x334: {  	[tilespmem:$0x1F0D0] =	vst v4;
	v4 =	vld [tilespmem:s4+$0x1440];
	_ =	sdelay $0x4  }
0x335: {  	[tilespmem:$0x1F0E0] =	vst v4;
	v4 =	vld [tilespmem:s4+$0x9440];
	_ =	sdelay $0x4  }
0x336: {  	[tilespmem:$0x1F0F0] =	vst v4;
	v4 =	vld [tilespmem:s4+$0x1450];
	_ =	sdelay $0x4  }
0x337: {  	[tilespmem:$0x1F100] =	vst v4;
	v4 =	vld [tilespmem:s4+$0x9450];
	_ =	sdelay $0x4  }
0x338: {  	[tilespmem:$0x1F110] =	vst v4;
	v4 =	vld [tilespmem:s4+$0x1460];
	_ =	sdelay $0x4  }
0x339: {  	[tilespmem:$0x1F400] =	vst v4;
	v4 =	vld [tilespmem:s4+$0x9460];
	_ =	sdelay $0x4  }
0x33a: {  	[tilespmem:$0x1F410] =	vst v4;
	v4 =	vld [tilespmem:s4+$0x1470];
	_ =	sdelay $0x4  }
0x33b: {  	[tilespmem:$0x1F420] =	vst v4;
	v4 =	vld [tilespmem:s4+$0x9470];
	_ =	sdelay $0x4  }
0x33c: {  	[tilespmem:$0x1F430] =	vst v4;
	v4 =	vld [tilespmem:s4+$0x1400];
	_ =	sdelay $0x4  }
0x33d: {  	[tilespmem:$0x1F120] =	vst v4;
	v4 =	vld [tilespmem:s4+$0x9400];
	_ =	sdelay $0x4  }
0x33e: {  	[tilespmem:$0x1F130] =	vst v4;
	v4 =	vld [tilespmem:s4+$0x1410];
	_ =	sdelay $0x4  }
0x33f: {  	[tilespmem:$0x1F140] =	vst v4;
	v4 =	vld [tilespmem:s4+$0x9410];
	_ =	sdelay $0x4  }
0x340: {  	[tilespmem:$0x1F150] =	vst v4;
	v4 =	vld [tilespmem:s4+$0x1420];
	_ =	sdelay $0x4  }
0x341: {  	[tilespmem:$0x1F3B0] =	vst v4;
	v4 =	vld [tilespmem:s4+$0x9420];
	_ =	sdelay $0x4  }
0x342: {  	[tilespmem:$0x1F3C0] =	vst v4;
	v4 =	vld [tilespmem:s4+$0x1430];
	_ =	sdelay $0x4  }
0x343: {  	[tilespmem:$0x1F3E0] =	vst v4;
	v4 =	vld [tilespmem:s4+$0x9430];
	_ =	sdelay $0x4  }
0x344: {  	[tilespmem:$0x1F3F0] =	vst v4;
	v4 =	vld [tilespmem:s4+$0x1040];
	_ =	sdelay $0x4  }
0x345: {  	[tilespmem:$0x1F170] =	vst v4;
	v4 =	vld [tilespmem:s4+$0x9040];
	_ =	sdelay $0x4  }
0x346: {  	[tilespmem:$0x1F180] =	vst v4;
	v4 =	vld [tilespmem:s4+$0x1050];
	_ =	sdelay $0x4  }
0x347: {  	[tilespmem:$0x1F190] =	vst v4;
	v4 =	vld [tilespmem:s4+$0x9050];
	_ =	sdelay $0x4  }
0x348: {  	[tilespmem:$0x1F1A0] =	vst v4;
	v4 =	vld [tilespmem:s4+$0x1060];
	_ =	sdelay $0x4  }
0x349: {  	[tilespmem:$0x1F360] =	vst v4;
	v4 =	vld [tilespmem:s4+$0x9060];
	_ =	sdelay $0x4  }
0x34a: {  	[tilespmem:$0x1F370] =	vst v4;
	v4 =	vld [tilespmem:s4+$0x1070];
	_ =	sdelay $0x4  }
0x34b: {  	[tilespmem:$0x1F380] =	vst v4;
	v4 =	vld [tilespmem:s4+$0x9070];
	_ =	sdelay $0x4  }
0x34c: {  	[tilespmem:$0x1F390] =	vst v4;
	v4 =	vld [tilespmem:s4+$0x1000];
	_ =	sdelay $0x4  }
0x34d: {  	[tilespmem:$0x1F1C0] =	vst v4;
	v4 =	vld [tilespmem:s4+$0x9000];
	_ =	sdelay $0x4  }
0x34e: {  	[tilespmem:$0x1F1D0] =	vst v4;
	v4 =	vld [tilespmem:s4+$0x1010];
	_ =	sdelay $0x4  }
0x34f: {  	[tilespmem:$0x1F1E0] =	vst v4;
	v4 =	vld [tilespmem:s4+$0x9010];
	_ =	sdelay $0x4  }
0x350: {  	[tilespmem:$0x1F1F0] =	vst v4;
	v4 =	vld [tilespmem:s4+$0x1020];
	_ =	sdelay $0x4  }
0x351: {  	[tilespmem:$0x1F320] =	vst v4;
	v4 =	vld [tilespmem:s4+$0x9020];
	_ =	sdelay $0x4  }
0x352: {  	[tilespmem:$0x1F330] =	vst v4;
	v4 =	vld [tilespmem:s4+$0x1030];
	_ =	sdelay $0x4  }
0x353: {  	[tilespmem:$0x1F340] =	vst v4;
	v4 =	vld [tilespmem:s4+$0x9030];
	_ =	sdelay $0x4  }
0x354: {  	[tilespmem:$0x1F350] =	vst v4;
	v4 =	vld [tilespmem:s4+$0xC60];
	_ =	sdelay $0x4  }
0x355: {  	[tilespmem:$0x1F2E0] =	vst v4;
	v4 =	vld [tilespmem:s4+$0x8C60];
	_ =	sdelay $0x4  }
0x356: {  	[tilespmem:$0x1F2F0] =	vst v4;
	v4 =	vld [tilespmem:s4+$0xC20];
	_ =	sdelay $0x4  }
0x357: {  	[tilespmem:$0x1F2A0] =	vst v4;
	v4 =	vld [tilespmem:s4+$0x8C20];
	_ =	sdelay $0x4  }
0x358: {  	[tilespmem:$0x1F2B0] =	vst v4;
	v4 =	vld [tilespmem:s4+$0x860];
	_ =	sdelay $0x4  }
0x359: {  	[tilespmem:$0x1F270] =	vst v4;
	v4 =	vld [tilespmem:s4+$0x8860];
	_ =	sdelay $0x4  }
0x35a: {  	[tilespmem:$0x1F280] =	vst v4;
	v4 =	vld [tilespmem:s4+$0x820];
	_ =	sdelay $0x4  }
0x35b: {  	[tilespmem:$0x1F250] =	vst v4;
	v4 =	vld [tilespmem:s4+$0x8820];
	_ =	sdelay $0x4  }
0x35c: {  	[tilespmem:$0x1F260] =	vst v4;
	v4 =	vld [tilespmem:s4+$0x460];
	_ =	sdelay $0x4  }
0x35d: {  	[tilespmem:$0x1F230] =	vst v4;
	v4 =	vld [tilespmem:s4+$0x8460];
	_ =	sdelay $0x4  }
0x35e: {  	[tilespmem:$0x1F240] =	vst v4;
	v4 =	vld [tilespmem:s4+$0x870];
	_ =	sdelay $0x4  }
0x35f: {  	[tilespmem:$0x1F290] =	vst v4;
	v4 =	vld [tilespmem:s4+$0xC30];
	_ =	sdelay $0x4  }
0x360: {  	[tilespmem:$0x1F2C0] =	vst v4;
	v4 =	vld [tilespmem:s4+$0x8C30];
	_ =	sdelay $0x4  }
0x361: {  	[tilespmem:$0x1F2D0] =	vst v4;
	v4 =	vld [tilespmem:s4+$0xC70];
	_ =	sdelay $0x4  }
0x362: {  	[tilespmem:$0x1F300] =	vst v4;
	v4 =	vld [tilespmem:s4+$0x8C70]  }
0x363: {  	s16 =	sand.u32 $0x7, s7  }
0x364: {  	s5 =	sshll.u32 s16, $0x7  }
0x365: {  	s5 =	sadd.s32 $0x0, s5  }
0x366: {  	s15 =	sor.u32 $0x1C40, s5  }
0x367: {  	[tilespmem:$0x1F310] =	vst v4;
	v4 =	vld [tilespmem:s15+$0x0];
	_ =	sdelay $0x2  }
0x368: {  	v5 =	vld [tilespmem:s4+$0x1840]  }
0x369: {  	v0 =	vld [tilespmem:s4+$0x9840]  }
0x36a: {  	[tilespmem:$0x1F440] =	vst v4;
	v4 =	vld [tilespmem:s15+$0x8000]  }
0x36b: {  	v60 =	vld [tilespmem:s4+$0x1850]  }
0x36c: {  	v1 =	vld [tilespmem:s4+$0x9850]  }
0x36d: {  	v7 =	vld [tilespmem:s4+$0x1860]  }
0x36e: {  	s17 =	sor.u32 $0x1C50, s5;
	v3 =	vld [tilespmem:s4+$0x9860]  }
0x36f: {  	[tilespmem:$0x1F450] =	vst v4;
	v4 =	vld [tilespmem:s17+$0x0]  }
0x370: {  	v30 =	vld [tilespmem:s4+$0x1870]  }
0x371: {  	v2 =	vld [tilespmem:s4+$0x9870]  }
0x372: {  	v61 =	vld [tilespmem:s4+$0x1800]  }
0x373: {  	v62 =	vld [tilespmem:s4+$0x9800]  }
0x374: {  	[tilespmem:$0x1F460] =	vst v4;
	v4 =	vld [tilespmem:s17+$0x8000]  }
0x375: {  	v63 =	vld [tilespmem:s4+$0x1810]  }
0x376: {  	v58 =	vld [tilespmem:s4+$0x9820]  }
0x377: {  	v59 =	vld [tilespmem:s4+$0x9830]  }
0x378: {  	s18 =	sor.u32 $0x1C60, s5;
	v33 =	vld [tilespmem:s4+$0xC40]  }
0x379: {  	[tilespmem:$0x1F470] =	vst v4;
	v4 =	vld [tilespmem:s18+$0x0]  }
0x37a: {  	v56 =	vld [tilespmem:s4+$0x8C40]  }
0x37b: {  	v54 =	vld [tilespmem:s4+$0xC50]  }
0x37c: {  	v52 =	vld [tilespmem:s4+$0x8C50]  }
0x37d: {  	v50 =	vld [tilespmem:s4+$0xC00]  }
0x37e: {  	[tilespmem:$0x1F520] =	vst v4;
	v4 =	vld [tilespmem:s18+$0x8000]  }
0x37f: {  	v47 =	vld [tilespmem:s4+$0x8C00]  }
0x380: {  	v48 =	vld [tilespmem:s4+$0xC10]  }
0x381: {  	v55 =	vld [tilespmem:s4+$0x8C10]  }
0x382: {  	s19 =	sor.u32 $0x1C00, s5;
	v45 =	vld [tilespmem:s4+$0x840]  }
0x383: {  	[tilespmem:$0x1F530] =	vst v4;
	v4 =	vld [tilespmem:s19+$0x0]  }
0x384: {  	v43 =	vld [tilespmem:s4+$0x8840]  }
0x385: {  	v44 =	vld [tilespmem:s4+$0x850]  }
0x386: {  	v42 =	vld [tilespmem:s4+$0x8850]  }
0x387: {  	v41 =	vld [tilespmem:s4+$0x800]  }
0x388: {  	[tilespmem:$0x1F480] =	vst v4;
	v4 =	vld [tilespmem:s19+$0x8000]  }
0x389: {  	v40 =	vld [tilespmem:s4+$0x8800]  }
0x38a: {  	v39 =	vld [tilespmem:s4+$0x810]  }
0x38b: {  	v36 =	vld [tilespmem:s4+$0x8810]  }
0x38c: {  	s16 =	sor.u32 $0x1C10, s5;
	v35 =	vld [tilespmem:s4+$0x440]  }
0x38d: {  	[tilespmem:$0x1F490] =	vst v4;
	v4 =	vld [tilespmem:s16+$0x0]  }
0x38e: {  	v34 =	vld [tilespmem:s4+$0x8440]  }
0x38f: {  	v32 =	vld [tilespmem:s4+$0x450]  }
0x390: {  	v31 =	vld [tilespmem:s4+$0x8450]  }
0x391: {  	v29 =	vld [tilespmem:s4+$0x400]  }
0x392: {  	[tilespmem:$0x1F4A0] =	vst v4;
	v4 =	vld [tilespmem:s16+$0x8000]  }
0x393: {  	v26 =	vld [tilespmem:s4+$0x8400]  }
0x394: {  	v27 =	vld [tilespmem:s4+$0x410]  }
0x395: {  	v25 =	vld [tilespmem:s4+$0x8410]  }
0x396: {  	v53 =	vld [tilespmem:s4+$0x420];
	s17 =	sor.u32 $0x1C20, s5  }
0x397: {  	[tilespmem:$0x1F4B0] =	vst v4;
	v4 =	vld [tilespmem:s17+$0x0]  }
0x398: {  	v51 =	vld [tilespmem:s4+$0x8420]  }
0x399: {  	v23 =	vld [tilespmem:s4+$0x0]  }
0x39a: {  	v20 =	vld [tilespmem:s4+$0x8000]  }
0x39b: {  	v21 =	vld [tilespmem:s4+$0x10]  }
0x39c: {  	[tilespmem:$0x1F4C0] =	vst v4;
	v4 =	vld [tilespmem:s17+$0x8000]  }
0x39d: {  	v18 =	vld [tilespmem:s4+$0x8010]  }
0x39e: {  	v22 =	vld [tilespmem:s4+$0x20]  }
0x39f: {  	v19 =	vld [tilespmem:s4+$0x8020]  }
0x3a0: {  	v16 =	vld [tilespmem:s4+$0x30];
	s16 =	sor.u32 $0x1C30, s5  }
0x3a1: {  	[tilespmem:$0x1F4D0] =	vst v4;
	v4 =	vld [tilespmem:s16+$0x0]  }
0x3a2: {  	v14 =	vld [tilespmem:s4+$0x8030]  }
0x3a3: {  	v17 =	vld [tilespmem:s4+$0x40]  }
0x3a4: {  	v12 =	vld [tilespmem:s4+$0x8040]  }
0x3a5: {  	v13 =	vld [tilespmem:s4+$0x50]  }
0x3a6: {  	[tilespmem:$0x1F500] =	vst v4;
	v4 =	vld [tilespmem:s16+$0x8000]  }
0x3a7: {  	v15 =	vld [tilespmem:s4+$0x8050]  }
0x3a8: {  	v11 =	vld [tilespmem:s4+$0x60]  }
0x3a9: {  	v10 =	vld [tilespmem:s4+$0x8060]  }
0x3aa: {  	v9 =	vld [tilespmem:s4+$0x70];
	s17 =	sor.u32 $0x1C70, s5  }
0x3ab: {  	[tilespmem:$0x1F510] =	vst v4;
	v4 =	vld [tilespmem:s17+$0x0]  }
0x3ac: {  	v8 =	vld [tilespmem:s4+$0x8070]  }
0x3ad: {  	v28 =	vld [tilespmem:s4+$0x430]  }
0x3ae: {  	v24 =	vld [tilespmem:s4+$0x8430]  }
0x3af: {  	v38 =	vld [tilespmem:s4+$0x470]  }
0x3b0: {  	[tilespmem:$0x1F540] =	vst v4;
	v4 =	vld [tilespmem:s17+$0x8000]  }
0x3b1: {  	v37 =	vld [tilespmem:s4+$0x8470]  }
0x3b2: {  	v49 =	vld [tilespmem:s4+$0x830];
	s15 =	simm.s32 $0x400;
	s5 =	simm.s32 $0x80  }
0x3b3: {  	v46 =	vld [tilespmem:s4+$0x8830];
	s18 =	sand.u32 $0x2000, s15;
	s19 =	sand.u32 $0x380, s5  }
0x3b4: {  	v6 =	vld [tilespmem:s4+$0x8870];
	s4 =	sor.u32 s19, s18  }
0x3b5: {  	[tilespmem:$0x1F550] =	vst v4;
	v4 =	vld [tilespmem:s4+$0x1840];
	_ =	sdelay $0x4  }
0x3b6: {  	[tilespmem:$0x1F560] =	vst v4;
	v4 =	vld [tilespmem:s4+$0x9840];
	_ =	sdelay $0x4  }
0x3b7: {  	[tilespmem:$0x1F570] =	vst v4;
	v4 =	vld [tilespmem:s4+$0x1850];
	_ =	sdelay $0x4  }
0x3b8: {  	[tilespmem:$0x1F580] =	vst v4;
	v4 =	vld [tilespmem:s4+$0x9850];
	_ =	sdelay $0x4  }
0x3b9: {  	[tilespmem:$0x1F590] =	vst v4;
	v4 =	vld [tilespmem:s4+$0x1860];
	_ =	sdelay $0x4  }
0x3ba: {  	[tilespmem:$0x1F5A0] =	vst v4;
	v4 =	vld [tilespmem:s4+$0x9860];
	_ =	sdelay $0x4  }
0x3bb: {  	[tilespmem:$0x1F5B0] =	vst v4;
	v4 =	vld [tilespmem:s4+$0x1870];
	_ =	sdelay $0x4  }
0x3bc: {  	[tilespmem:$0x1F5C0] =	vst v4;
	v4 =	vld [tilespmem:s4+$0x9870];
	_ =	sdelay $0x4  }
0x3bd: {  	[tilespmem:$0x1F5D0] =	vst v4;
	v4 =	vld [tilespmem:s4+$0x1800];
	_ =	sdelay $0x4  }
0x3be: {  	[tilespmem:$0x1F5E0] =	vst v4;
	v4 =	vld [tilespmem:s4+$0x9800];
	_ =	sdelay $0x4  }
0x3bf: {  	[tilespmem:$0x1F5F0] =	vst v4;
	v4 =	vld [tilespmem:s4+$0x1810];
	_ =	sdelay $0x4  }
0x3c0: {  	[tilespmem:$0x1F600] =	vst v4;
	v4 =	vld [tilespmem:s4+$0x9810];
	_ =	sdelay $0x4  }
0x3c1: {  	[tilespmem:$0x1F610] =	vst v4;
	v4 =	vld [tilespmem:s4+$0x1820];
	_ =	sdelay $0x4  }
0x3c2: {  	[tilespmem:$0x1F630] =	vst v4;
	v4 =	vld [tilespmem:s4+$0x9820];
	_ =	sdelay $0x4  }
0x3c3: {  	[tilespmem:$0x1F640] =	vst v4;
	v4 =	vld [tilespmem:s4+$0x1830];
	_ =	sdelay $0x4  }
0x3c4: {  	[tilespmem:$0x1F650] =	vst v4;
	v4 =	vld [tilespmem:s4+$0x9830];
	_ =	sdelay $0x4  }
0x3c5: {  	[tilespmem:$0x1F660] =	vst v4;
	v4 =	vld [tilespmem:s4+$0x1440];
	_ =	sdelay $0x4  }
0x3c6: {  	[tilespmem:$0x1F670] =	vst v4;
	v4 =	vld [tilespmem:s4+$0x9440];
	_ =	sdelay $0x4  }
0x3c7: {  	[tilespmem:$0x1F680] =	vst v4;
	v4 =	vld [tilespmem:s4+$0x1450];
	_ =	sdelay $0x3  }
0x3c8: {  	v57 =	vmul.f32 v0, v5;
	v0 =	vld [tilespmem:s4+$0x9430]  }
0x3c9: {  	[tilespmem:$0x1F6A0] =	vst v4;
	v4 =	vld [tilespmem:s4+$0x9450];
	_ =	sdelay $0x3  }
0x3ca: {  	[tilespmem:$0x1F0A0] =	vst v0;
	v0 =	vmul.f32 v3, v7  }
0x3cb: {  	[tilespmem:$0x1F6B0] =	vst v4;
	v4 =	vld [tilespmem:s4+$0x1460]  }
0x3cc: {  	[tilespmem:$0x1F4E0] =	vst v0;
	v0 =	vmul.f32 v2, v30;
	_ =	sdelay $0x1  }
0x3cd: {  	[tilespmem:$0x1F4F0] =	vst v0;
	v0 =	vld [tilespmem:s4+$0x1040];
	_ =	sdelay $0x1  }
0x3ce: {  	[tilespmem:$0x1F030] =	vst v4;
	v4 =	vld [tilespmem:s4+$0x9460];
	_ =	sdelay $0x2  }
0x3cf: {  	[tilespmem:$0x1F730] =	vst v0;
	v0 =	vld [tilespmem:$0x1F0B0];
	_ =	sdelay $0x1  }
0x3d0: {  	[tilespmem:$0x1F040] =	vst v4;
	v4 =	vld [tilespmem:s4+$0x1470];
	_ =	sdelay $0x2  }
0x3d1: {  	v30 =	vmul.f32 v0, v63;
	v0 =	vld [tilespmem:s4+$0x9040];
	_ =	sdelay $0x1  }
0x3d2: {  	[tilespmem:$0x1F050] =	vst v4;
	v4 =	vld [tilespmem:s4+$0x9470];
	_ =	sdelay $0x2  }
0x3d3: {  	[tilespmem:$0x1F740] =	vst v0;
	v0 =	vld [tilespmem:$0x1F0C0];
	_ =	sdelay $0x1  }
0x3d4: {  	[tilespmem:$0x1F060] =	vst v4;
	v4 =	vld [tilespmem:s4+$0x1400];
	_ =	sdelay $0x2  }
0x3d5: {  	v58 =	vmul.f32 v58, v0;
	v0 =	vld [tilespmem:$0x1F0D0];
	_ =	sdelay $0x1  }
0x3d6: {  	[tilespmem:$0x1F6D0] =	vst v4;
	v4 =	vld [tilespmem:s4+$0x9400];
	_ =	sdelay $0x2  }
0x3d7: {  	v59 =	vmul.f32 v59, v0;
	v0 =	vld [tilespmem:s4+$0x1050];
	_ =	sdelay $0x1  }
0x3d8: {  	[tilespmem:$0x1F6E0] =	vst v4;
	v4 =	vld [tilespmem:s4+$0x1410];
	_ =	sdelay $0x1  }
0x3d9: {  	v60 =	vmul.f32 v1, v60;
	v1 =	vld [tilespmem:$0x1F0F0]  }
0x3da: {  	[tilespmem:$0x1F750] =	vst v0;
	v0 =	vld [tilespmem:$0x1F0E0];
	_ =	sdelay $0x1  }
0x3db: {  	[tilespmem:$0x1F700] =	vst v4;
	v4 =	vld [tilespmem:s4+$0x9410];
	_ =	sdelay $0x1  }
0x3dc: {  	v13 =	vmul.f32 v15, v13;
	v15 =	vld [tilespmem:s4+$0x9030]  }
0x3dd: {  	v63 =	vmul.f32 v1, v0;
	v0 =	vld [tilespmem:$0x1F100]  }
0x3de: {  	v1 =	vld [tilespmem:$0x1F110]  }
0x3df: {  	[tilespmem:$0x1F710] =	vst v4;
	v4 =	vld [tilespmem:s4+$0x1420]  }
0x3e0: {  	v14 =	vmul.f32 v14, v16;
	v16 =	vld [tilespmem:$0x1F240]  }
0x3e1: {  	v8 =	vmul.f32 v8, v9;
	[tilespmem:$0x1F220] =	vst v15;
	v15 =	vld [tilespmem:$0x1F230];
	_ =	sdelay $0x1  }
0x3e2: {  	v8 =	vadd.f32 v8, v14;
	v14 =	vmul.f32 v24, v28;
	v7 =	vmul.f32 v1, v0;
	v0 =	vld [tilespmem:s4+$0x9050]  }
0x3e3: {  	[tilespmem:$0x1F070] =	vst v4;
	v4 =	vld [tilespmem:s4+$0x9420]  }
0x3e4: {  	v8 =	vadd.f32 v14, v8;
	v14 =	vld [tilespmem:$0x1F250]  }
0x3e5: {  	v20 =	vmul.f32 v20, v23;
	v15 =	vmul.f32 v16, v15;
	v16 =	vld [tilespmem:$0x1F260]  }
0x3e6: {  	v18 =	vmul.f32 v18, v21;
	v12 =	vmul.f32 v12, v17;
	v1 =	vld [tilespmem:$0x1F130]  }
0x3e7: {  	v19 =	vmul.f32 v19, v22;
	v10 =	vmul.f32 v10, v11;
	[tilespmem:$0x1F760] =	vst v0;
	v0 =	vld [tilespmem:$0x1F120]  }
0x3e8: {  	v9 =	vadd.f32 v12, v20;
	[tilespmem:$0x1F080] =	vst v4;
	v4 =	vld [tilespmem:s4+$0x1430]  }
0x3e9: {  	v12 =	vadd.f32 v13, v18;
	v13 =	vmul.f32 v51, v53;
	v10 =	vadd.f32 v10, v19;
	_ =	sdelay $0x1  }
0x3ea: {  	v10 =	vadd.f32 v13, v10;
	_ =	sdelay $0x1  }
0x3eb: {  	v10 =	vadd.f32 v15, v10;
	v17 =	vmul.f32 v16, v14;
	[tilespmem:$0x1F090] =	vst v4;
	v4 =	vmul.f32 v1, v0;
	v0 =	vld [tilespmem:$0x1F140]  }
0x3ec: {  	v1 =	vld [tilespmem:$0x1F150]  }
0x3ed: {  	v13 =	vmul.f32 v37, v38;
	v17 =	vadd.f32 v17, v10;
	v10 =	vld [tilespmem:$0x1F290];
	_ =	sdelay $0x1  }
0x3ee: {  	v8 =	vadd.f32 v13, v8;
	v13 =	vld [tilespmem:$0x1F270]  }
0x3ef: {  	v15 =	vmul.f32 v46, v49;
	v14 =	vld [tilespmem:$0x1F280]  }
0x3f0: {  	v5 =	vmul.f32 v1, v0;
	v0 =	vld [tilespmem:s4+$0x1060]  }
0x3f1: {  	v8 =	vadd.f32 v15, v8;
	v15 =	vmul.f32 v6, v10;
	v6 =	vld [tilespmem:$0x1F2A0]  }
0x3f2: {  	v10 =	vld [tilespmem:$0x1F2B0];
	_ =	sdelay $0x1  }
0x3f3: {  	v1 =	vld [tilespmem:$0x1F180]  }
0x3f4: {  	[tilespmem:$0x1F160] =	vst v0;
	v0 =	vld [tilespmem:$0x1F170]  }
0x3f5: {  	v18 =	vmul.f32 v14, v13;
	v13 =	vld [tilespmem:$0x1F2D0]  }
0x3f6: {  	v19 =	vmul.f32 v10, v6;
	v6 =	vld [tilespmem:$0x1F2C0];
	_ =	sdelay $0x2  }
0x3f7: {  	v2 =	vmul.f32 v1, v0;
	v0 =	vld [tilespmem:$0x1F190]  }
0x3f8: {  	v1 =	vld [tilespmem:$0x1F1A0]  }
0x3f9: {  	v8 =	vadd.f32 v15, v8;
	v15 =	vmul.f32 v13, v6;
	v6 =	vld [tilespmem:$0x1F2E0]  }
0x3fa: {  	v13 =	vld [tilespmem:$0x1F2F0];
	_ =	sdelay $0x2  }
0x3fb: {  	v3 =	vmul.f32 v1, v0;
	v0 =	vld [tilespmem:s4+$0x9060]  }
0x3fc: {  	v26 =	vmul.f32 v26, v29  }
0x3fd: {  	v25 =	vmul.f32 v25, v27;
	v17 =	vadd.f32 v18, v17;
	v18 =	vmul.f32 v13, v6;
	v6 =	vld [tilespmem:$0x1F300]  }
0x3fe: {  	v34 =	vmul.f32 v34, v35;
	v9 =	vadd.f32 v26, v9;
	v13 =	vld [tilespmem:$0x1F310]  }
0x3ff: {  	v31 =	vmul.f32 v31, v32;
	v12 =	vadd.f32 v25, v12;
	v1 =	vld [tilespmem:$0x1F1D0]  }
0x400: {  	v40 =	vmul.f32 v40, v41;
	v9 =	vadd.f32 v34, v9;
	[tilespmem:$0x1F1B0] =	vst v0;
	v0 =	vld [tilespmem:$0x1F1C0]  }
0x401: {  	v62 =	vmul.f32 v62, v61;
	v36 =	vmul.f32 v36, v39;
	v12 =	vadd.f32 v31, v12  }
0x402: {  	v43 =	vmul.f32 v43, v45;
	v42 =	vmul.f32 v42, v44;
	v9 =	vadd.f32 v40, v9;
	v61 =	vld [tilespmem:$0x1F1F0]  }
0x403: {  	v12 =	vadd.f32 v36, v12;
	v8 =	vadd.f32 v15, v8;
	v15 =	vmul.f32 v13, v6;
	v6 =	vld [tilespmem:$0x1F320]  }
0x404: {  	v47 =	vmul.f32 v47, v50;
	v50 =	vmul.f32 v55, v48;
	v13 =	vld [tilespmem:$0x1F330]  }
0x405: {  	v9 =	vadd.f32 v43, v9;
	v12 =	vadd.f32 v42, v12;
	v0 =	vmul.f32 v1, v0;
	v1 =	vld [tilespmem:$0x1F1E0]  }
0x406: {  	v56 =	vmul.f32 v56, v33  }
0x407: {  	v52 =	vmul.f32 v52, v54;
	v9 =	vadd.f32 v47, v9;
	v12 =	vadd.f32 v50, v12;
	_ =	sdelay $0x1  }
0x408: {  	v9 =	vadd.f32 v56, v9;
	v12 =	vadd.f32 v52, v12  }
0x409: {  	v17 =	vadd.f32 v19, v17;
	v19 =	vmul.f32 v13, v6;
	v6 =	vld [tilespmem:$0x1F340];
	v1 =	vmul.f32 v61, v1  }
0x40a: {  	v13 =	vld [tilespmem:$0x1F350];
	v0 =	vadd.f32 v0, v9  }
0x40b: {  	v1 =	vadd.f32 v1, v12  }
0x40c: {  	v0 =	vadd.f32 v2, v0;
	v2 =	vld [tilespmem:$0x1F3B0]  }
0x40d: {  	v1 =	vadd.f32 v3, v1;
	v3 =	vld [tilespmem:$0x1F3C0];
	_ =	sdelay $0x1  }
0x40e: {  	v8 =	vadd.f32 v15, v8;
	v15 =	vmul.f32 v13, v6;
	v6 =	vld [tilespmem:$0x1F360]  }
0x40f: {  	v9 =	vld [tilespmem:$0x1F370];
	_ =	sdelay $0x1  }
0x410: {  	v2 =	vmul.f32 v3, v2;
	v3 =	vld [tilespmem:s4+$0x8860]  }
0x411: {  	v17 =	vadd.f32 v18, v17  }
0x412: {  	v8 =	vadd.f32 v15, v8;
	v15 =	vld [tilespmem:$0x1F380]  }
0x413: {  	v0 =	vadd.f32 v4, v0;
	v4 =	vld [tilespmem:$0x1F400];
	v9 =	vmul.f32 v9, v6;
	v12 =	vadd.f32 v19, v17  }
0x414: {  	v17 =	vld [tilespmem:$0x1F390]  }
0x415: {  	[tilespmem:$0x1F3D0] =	vst v3;
	v3 =	vadd.f32 v9, v12;
	v9 =	vld [tilespmem:$0x1F3E0]  }
0x416: {  	v12 =	vld [tilespmem:$0x1F3F0]  }
0x417: {  	v1 =	vadd.f32 v5, v1;
	v5 =	vld [tilespmem:$0x1F410];
	_ =	sdelay $0x1  }
0x418: {  	v15 =	vmul.f32 v17, v15;
	_ =	sdelay $0x1  }
0x419: {  	v8 =	vadd.f32 v15, v8;
	v9 =	vmul.f32 v12, v9  }
0x41a: {  	v4 =	vmul.f32 v5, v4;
	v5 =	vld [tilespmem:$0x1F420]  }
0x41b: {  	v2 =	vadd.f32 v2, v3;
	v3 =	vadd.f32 v9, v8;
	v8 =	vld [tilespmem:$0x1F430];
	_ =	sdelay $0x3  }
0x41c: {  	v1 =	vadd.f32 v7, v1;
	v7 =	vld [tilespmem:$0x1F440]  }
0x41d: {  	v2 =	vadd.f32 v4, v2;
	v4 =	vld [tilespmem:$0x1F460];
	v5 =	vmul.f32 v8, v5  }
0x41e: {  	v8 =	vld [tilespmem:$0x1F450]  }
0x41f: {  	v3 =	vadd.f32 v5, v3;
	v5 =	vld [tilespmem:$0x1F470];
	_ =	sdelay $0x3  }
0x420: {  	v7 =	vmul.f32 v8, v7;
	v8 =	vld [tilespmem:$0x1F490]  }
0x421: {  	v4 =	vmul.f32 v5, v4;
	v5 =	vld [tilespmem:$0x1F480];
	_ =	sdelay $0x3  }
0x422: {  	v9 =	vld [tilespmem:$0x1F4B0]  }
0x423: {  	v5 =	vmul.f32 v8, v5;
	v8 =	vld [tilespmem:$0x1F4A0];
	_ =	sdelay $0x3  }
0x424: {  	v12 =	vld [tilespmem:$0x1F4D0]  }
0x425: {  	v8 =	vmul.f32 v9, v8;
	v9 =	vld [tilespmem:$0x1F4C0];
	_ =	sdelay $0x2  }
0x426: {  	v0 =	vadd.f32 v63, v0;
	_ =	sdelay $0x1  }
0x427: {  	v0 =	vadd.f32 v62, v0;
	v9 =	vmul.f32 v12, v9;
	v12 =	vld [tilespmem:$0x1F4E0];
	_ =	sdelay $0x1  }
0x428: {  	v0 =	vadd.f32 v57, v0;
	v1 =	vadd.f32 v30, v1  }
0x429: {  	v2 =	vadd.f32 v58, v2  }
0x42a: {  	v1 =	vadd.f32 v60, v1;
	v0 =	vadd.f32 v5, v0;
	v5 =	vld [tilespmem:$0x1F520]  }
0x42b: {  	v2 =	vadd.f32 v12, v2;
	v12 =	vld [tilespmem:$0x1F4F0]  }
0x42c: {  	v1 =	vadd.f32 v8, v1;
	v8 =	vld [tilespmem:$0x1F530];
	_ =	sdelay $0x1  }
0x42d: {  	v3 =	vadd.f32 v59, v3  }
0x42e: {  	v15 =	vld [tilespmem:$0x1F510]  }
0x42f: {  	v3 =	vadd.f32 v12, v3;
	v12 =	vld [tilespmem:$0x1F500]  }
0x430: {  	v5 =	vmul.f32 v8, v5;
	v8 =	vld [tilespmem:$0x1F540]  }
0x431: {  	v2 =	vadd.f32 v9, v2;
	v9 =	vld [tilespmem:$0x1F550];
	_ =	sdelay $0x2  }
0x432: {  	v12 =	vmul.f32 v15, v12;
	_ =	sdelay $0x1  }
0x433: {  	v8 =	vmul.f32 v9, v8;
	v3 =	vadd.f32 v12, v3  }
0x434: {  	v0 =	vadd.f32 v7, v0;
	v1 =	vadd.f32 v4, v1  }
0x435: {  	v2 =	vadd.f32 v5, v2;
	v3 =	vadd.f32 v8, v3;
	_ =	sdelay $0x1  }
0x436: {  	v0 =	vadd.f32 v1, v0;
	v1 =	vadd.f32 v3, v2;
	_ =	sdelay $0x1  }
0x437: {  	v0 =	vadd.f32 v1, v0  }
0x438: {  	v1 =	vld [tilespmem:$0x1F570]  }
0x439: {  	(xrf2) =	vadd.scan.msk.f32 $0xffff, v0;
	v0 =	vld [tilespmem:$0x1F560];
	_ =	sdelay $0x4  }
0x43a: {  	v34 =	vmul.f32 v1, v0;
	v0 =	vld [tilespmem:$0x1F580]  }
0x43b: {  	v1 =	vld [tilespmem:$0x1F590];
	_ =	sdelay $0x4  }
0x43c: {  	v38 =	vmul.f32 v1, v0;
	v0 =	vld [tilespmem:$0x1F5A0]  }
0x43d: {  	v1 =	vld [tilespmem:$0x1F5B0];
	_ =	sdelay $0x4  }
0x43e: {  	v30 =	vmul.f32 v1, v0;
	v0 =	vld [tilespmem:$0x1F5C0]  }
0x43f: {  	v1 =	vld [tilespmem:$0x1F5D0];
	_ =	sdelay $0x3  }
0x440: {  	v33 =	vld [tilespmem:s4+$0x9070]  }
0x441: {  	v36 =	vmul.f32 v1, v0;
	v0 =	vld [tilespmem:$0x1F5E0]  }
0x442: {  	v1 =	vld [tilespmem:$0x1F5F0]  }
0x443: {  	v54 =	vld [tilespmem:s4+$0x1000]  }
0x444: {  	v55 =	vld [tilespmem:s4+$0x9000]  }
0x445: {  	v48 =	vld [tilespmem:s4+$0x9010]  }
0x446: {  	v21 =	vld [tilespmem:s4+$0x9020]  }
0x447: {  	v40 =	vmul.f32 v1, v0;
	v0 =	vld [tilespmem:$0x1F600]  }
0x448: {  	v1 =	vld [tilespmem:$0x1F610]  }
0x449: {  	v32 =	vld [tilespmem:s4+$0x1030]  }
0x44a: {  	v27 =	vld [tilespmem:s4+$0xC40]  }
0x44b: {  	v11 =	vld [tilespmem:s4+$0x8C40]  }
0x44c: {  	v28 =	vld [tilespmem:s4+$0xC50]  }
0x44d: {  	v29 =	vld [tilespmem:s4+$0x8C50];
	v0 =	vmul.f32 v1, v0  }
0x44e: {  	v1 =	vld [tilespmem:$0x1F640]  }
0x44f: {  	[tilespmem:$0x1F620] =	vst v0;
	v0 =	vld [tilespmem:$0x1F630]  }
0x450: {  	v37 =	vld [tilespmem:s4+$0xC60]  }
0x451: {  	v31 =	vld [tilespmem:s4+$0x8C60]  }
0x452: {  	v35 =	vld [tilespmem:s4+$0xC00]  }
0x453: {  	v26 =	vld [tilespmem:s4+$0x8C00]  }
0x454: {  	v42 =	vmul.f32 v1, v0;
	v0 =	vld [tilespmem:$0x1F650]  }
0x455: {  	v1 =	vld [tilespmem:$0x1F660]  }
0x456: {  	v39 =	vld [tilespmem:s4+$0xC20]  }
0x457: {  	v41 =	vld [tilespmem:s4+$0x8C20]  }
0x458: {  	v52 =	vld [tilespmem:s4+$0x8840]  }
0x459: {  	v51 =	vld [tilespmem:s4+$0x800]  }
0x45a: {  	v43 =	vmul.f32 v1, v0;
	v0 =	vld [tilespmem:$0x1F670]  }
0x45b: {  	v1 =	vld [tilespmem:$0x1F680]  }
0x45c: {  	v56 =	vld [tilespmem:s4+$0x8810]  }
0x45d: {  	v25 =	vld [tilespmem:s4+$0x820]  }
0x45e: {  	v53 =	vld [tilespmem:s4+$0x420]  }
0x45f: {  	v20 =	vld [tilespmem:s4+$0x10]  }
0x460: {  	v22 =	vld [tilespmem:s4+$0x20];
	v0 =	vmul.f32 v1, v0  }
0x461: {  	v1 =	vld [tilespmem:$0x1F6B0]  }
0x462: {  	[tilespmem:$0x1F690] =	vst v0;
	v0 =	vld [tilespmem:$0x1F6A0]  }
0x463: {  	v23 =	vld [tilespmem:s4+$0x30]  }
0x464: {  	v24 =	vld [tilespmem:s4+$0x8030]  }
0x465: {  	v50 =	vld [tilespmem:s4+$0x40]  }
0x466: {  	[tilespmem:$0x1F770] =	vst v54;
	v54 =	vld [tilespmem:s4+$0x8800]  }
0x467: {  	[tilespmem:$0x1F780] =	vst v55;
	v55 =	vld [tilespmem:s4+$0x810];
	v0 =	vmul.f32 v1, v0  }
0x468: {  	v1 =	vld [tilespmem:$0x1F6E0]  }
0x469: {  	[tilespmem:$0x1F6C0] =	vst v0;
	v0 =	vld [tilespmem:$0x1F6D0]  }
0x46a: {  	[tilespmem:$0x1F210] =	vst v21;
	v21 =	vld [tilespmem:s4+$0x8010]  }
0x46b: {  	v46 =	vld [tilespmem:s4+$0x8820]  }
0x46c: {  	v49 =	vld [tilespmem:s4+$0x8460]  }
0x46d: {  	v16 =	vld [tilespmem:s4+$0xC10]  }
0x46e: {  	v14 =	vld [tilespmem:s4+$0x840];
	v0 =	vmul.f32 v1, v0  }
0x46f: {  	v1 =	vld [tilespmem:$0x1F710]  }
0x470: {  	[tilespmem:$0x1F6F0] =	vst v0;
	v0 =	vld [tilespmem:$0x1F700]  }
0x471: {  	v10 =	vld [tilespmem:s4+$0x8C10]  }
0x472: {  	v18 =	vld [tilespmem:s4+$0x0]  }
0x473: {  	v13 =	vld [tilespmem:s4+$0x850]  }
0x474: {  	v61 =	vld [tilespmem:s4+$0x1070]  }
0x475: {  	v6 =	vld [tilespmem:s4+$0x8850];
	v0 =	vmul.f32 v1, v0  }
0x476: {  	v1 =	vld [tilespmem:$0x1F740]  }
0x477: {  	[tilespmem:$0x1F720] =	vst v0;
	v0 =	vld [tilespmem:$0x1F730]  }
0x478: {  	v19 =	vld [tilespmem:s4+$0x8000]  }
0x479: {  	v63 =	vld [tilespmem:s4+$0x440]  }
0x47a: {  	[tilespmem:$0x1F200] =	vst v61;
	v61 =	vld [tilespmem:s4+$0x1010]  }
0x47b: {  	v62 =	vld [tilespmem:s4+$0x8440]  }
0x47c: {  	v44 =	vmul.f32 v1, v0;
	v0 =	vld [tilespmem:$0x1F750]  }
0x47d: {  	v1 =	vld [tilespmem:$0x1F760]  }
0x47e: {  	v17 =	vld [tilespmem:s4+$0x860]  }
0x47f: {  	v57 =	vld [tilespmem:s4+$0x460]  }
0x480: {  	v6 =	vmul.f32 v6, v13;
	v13 =	vld [tilespmem:s4+$0x8060]  }
0x481: {  	[tilespmem:$0x1F790] =	vst v61;
	v61 =	vld [tilespmem:s4+$0x1020]  }
0x482: {  	v45 =	vmul.f32 v1, v0;
	v0 =	vld [tilespmem:$0x1F770]  }
0x483: {  	v1 =	vld [tilespmem:$0x1F780]  }
0x484: {  	v60 =	vld [tilespmem:s4+$0x8450]  }
0x485: {  	[tilespmem:$0x1F3A0] =	vst v17;
	v17 =	vld [tilespmem:s4+$0x8410]  }
0x486: {  	v58 =	vld [tilespmem:s4+$0x8420]  }
0x487: {  	v59 =	vld [tilespmem:s4+$0x450]  }
0x488: {  	v47 =	vmul.f32 v1, v0;
	v0 =	vld [tilespmem:$0x1F790]  }
0x489: {  	v7 =	vld [tilespmem:s4+$0x8020]  }
0x48a: {  	v4 =	vmul.f32 v10, v16;
	v10 =	vld [tilespmem:s4+$0x60]  }
0x48b: {  	v9 =	vld [tilespmem:s4+$0x400]  }
0x48c: {  	v15 =	vld [tilespmem:s4+$0x410]  }
0x48d: {  	v16 =	vimm.f32 $0.0e+00;
	v12 =	vld [tilespmem:s4+$0x8400];
	v48 =	vmul.f32 v48, v0;
	v0, _, _ =	vpop (xrf2)  }
0x48e: {  	v8 =	vld [tilespmem:s4+$0x8040];
	v2 =	vmov s7;
	v3 =	vlaneseq.u32;
	v5 =	vbroadcast v0, $0xF  }
0x48f: {  	vm1 =	veq.s32 v2, v3;
	v2 =	vmul.f32 v29, v28;
	v1 =	vmul.f32 v11, v27;
	v11 =	vld [tilespmem:s4+$0x50]  }
0x490: {  	s16 =	simm.s32 $0x1;
	s17 =	simm.s32 $0x2;
	v3 =	vmul.f32 v26, v35;
	v0 =	vld [tilespmem:s4+$0x8050];
	v29 =	vsel vm1, v5, v16;
	v5 =	vmul.f32 v52, v14  }
.LBB2_8:
0x491: {  	v14 =	vld [tilespmem:s4+$0x70]  }
0x492: {  	v51 =	vmul.f32 v54, v51;
	v54 =	vld [tilespmem:s4+$0x8070]  }
0x493: {  	v9 =	vmul.f32 v12, v9;
	v12 =	vmul.f32 v17, v15;
	v15 =	vld [tilespmem:s4+$0x430]  }
0x494: {  	v17 =	vmul.f32 v19, v18;
	v18 =	vmul.f32 v21, v20;
	v19 =	vld [tilespmem:s4+$0x8430]  }
0x495: {  	v7 =	vmul.f32 v7, v22;
	v21 =	vld [tilespmem:s4+$0x470];
	v0 =	vmul.f32 v0, v11  }
0x496: {  	v20 =	vmul.f32 v24, v23;
	v8 =	vmul.f32 v8, v50;
	v11 =	vld [tilespmem:s4+$0x8470]  }
0x497: {  	v10 =	vmul.f32 v13, v10;
	v0 =	vadd.f32 v0, v18;
	v18 =	vld [tilespmem:s4+$0x8830];
	v13 =	vmul.f32 v54, v14  }
0x498: {  	v8 =	vadd.f32 v8, v17;
	v17 =	vmul.f32 v58, v53;
	v14 =	vld [tilespmem:s4+$0x830]  }
0x499: {  	v7 =	vadd.f32 v10, v7;
	v10 =	vadd.f32 v13, v20;
	v13 =	vmul.f32 v19, v15  }
0x49a: {  	v63 =	vmul.f32 v62, v63;
	v8 =	vadd.f32 v9, v8;
	v9 =	vmul.f32 v49, v57  }
0x49b: {  	v16 =	vld [tilespmem:$0x1F3D0];
	v7 =	vadd.f32 v17, v7;
	v11 =	vmul.f32 v11, v21;
	v10 =	vadd.f32 v13, v10  }
0x49c: {  	s7 =	sadd.s32 $0x1, s7;
	v35 =	vmul.f32 v60, v59;
	v0 =	vadd.f32 v12, v0;
	v12 =	vld [tilespmem:s4+$0x8870];
	v8 =	vadd.f32 v63, v8  }
0x49d: {  	s18 =	sand.u32 $0x7, s7;
	v7 =	vadd.f32 v9, v7;
	v9 =	vadd.f32 v11, v10;
	v10 =	vmul.f32 v18, v14;
	v14 =	vld [tilespmem:$0x1F3A0]  }
0x49e: {  	s18 =	sshll.u32 s18, $0x7;
	v15 =	vld [tilespmem:s4+$0x870]  }
0x49f: {  	s18 =	sadd.s32 s18, s15;
	v52 =	vmul.f32 v56, v55;
	v0 =	vadd.f32 v35, v0;
	v19 =	vld [tilespmem:s4+$0x8C30];
	v8 =	vadd.f32 v51, v8  }
0x4a0: {  	s19 =	sor.u32 $0x1C40, s18;
	v17 =	vmul.f32 v46, v25;
	v13 =	vld [tilespmem:s4+$0xC30]  }
0x4a1: {  	v0 =	vadd.f32 v52, v0;
	v5 =	vadd.f32 v5, v8;
	v8 =	vld [tilespmem:s19+$0x8000]  }
0x4a2: {  	v7 =	vadd.f32 v17, v7;
	v11 =	vld [tilespmem:s4+$0xC70];
	v14 =	vmul.f32 v16, v14  }
0x4a3: {  	v0 =	vadd.f32 v6, v0;
	v6 =	vmul.f32 v41, v39;
	v18 =	vld [tilespmem:s4+$0x8C70]  }
0x4a4: {  	v9 =	vadd.f32 v10, v9;
	v10 =	vmul.f32 v12, v15;
	v12 =	vld [tilespmem:s19+$0x0];
	v7 =	vadd.f32 v14, v7  }
0x4a5: {  	v0 =	vadd.f32 v4, v0;
	v15 =	vld [tilespmem:$0x1F070]  }
0x4a6: {  	v3 =	vadd.f32 v3, v5;
	v4 =	vmul.f32 v31, v37;
	v16 =	vld [tilespmem:$0x1F080];
	v6 =	vadd.f32 v6, v7  }
0x4a7: {  	v0 =	vadd.f32 v2, v0;
	v2 =	vld [tilespmem:$0x1F210]  }
0x4a8: {  	s19 =	sor.u32 $0x1C50, s18;
	v1 =	vadd.f32 v1, v3;
	v3 =	vadd.f32 v4, v6;
	v6 =	vld [tilespmem:$0x1F220]  }
0x4a9: {  	v5 =	vld [tilespmem:s19+$0x8000];
	v9 =	vadd.f32 v10, v9;
	v10 =	vmul.f32 v19, v13  }
0x4aa: {  	v13 =	vld [tilespmem:s19+$0x0]  }
0x4ab: {  	v7 =	vadd.f32 v10, v9;
	v9 =	vmul.f32 v18, v11;
	v15 =	vmul.f32 v16, v15;
	v16 =	vld [tilespmem:$0x1F6F0]  }
0x4ac: {  	v1 =	vadd.f32 v47, v1;
	v14 =	vld [tilespmem:$0x1F1B0]  }
0x4ad: {  	s4 =	sor.u32 $0x1C60, s18;
	v2 =	vmul.f32 v2, v61;
	v4 =	vadd.f32 v9, v7;
	v9 =	vld [tilespmem:$0x1F160];
	v6 =	vmul.f32 v6, v32  }
0x4ae: {  	v1 =	vadd.f32 v44, v1;
	v10 =	vld [tilespmem:s4+$0x0]  }
0x4af: {  	v2 =	vadd.f32 v2, v3;
	v3 =	vadd.f32 v6, v4;
	v4 =	vld [tilespmem:$0x1F200]  }
0x4b0: {  	v1 =	vadd.f32 v16, v1;
	v16 =	vld [tilespmem:$0x1F720]  }
0x4b1: {  	v0 =	vadd.f32 v48, v0;
	v11 =	vld [tilespmem:s4+$0x8000]  }
0x4b2: {  	s19 =	sor.u32 $0x1C00, s18;
	v18 =	vld [tilespmem:$0x1F040];
	v9 =	vmul.f32 v14, v9  }
0x4b3: {  	v0 =	vadd.f32 v45, v0;
	v7 =	vld [tilespmem:s19+$0x0]  }
0x4b4: {  	v2 =	vadd.f32 v9, v2;
	v9 =	vld [tilespmem:$0x1F0A0];
	v4 =	vmul.f32 v33, v4  }
0x4b5: {  	v0 =	vadd.f32 v16, v0;
	v16 =	vld [tilespmem:$0x1F030]  }
0x4b6: {  	v3 =	vadd.f32 v4, v3;
	v4 =	vld [tilespmem:$0x1F090]  }
0x4b7: {  	v14 =	vld [tilespmem:s19+$0x8000];
	s19 =	sor.u32 $0x1C10, s18  }
0x4b8: {  	v17 =	vld [tilespmem:s19+$0x8000]  }
0x4b9: {  	v6 =	vld [tilespmem:s19+$0x0]  }
0x4ba: {  	s19 =	sor.u32 $0x1C20, s18;
	v18 =	vmul.f32 v18, v16;
	v16 =	vld [tilespmem:$0x1F690]  }
0x4bb: {  	v19 =	vld [tilespmem:s19+$0x8000];
	v4 =	vmul.f32 v9, v4  }
0x4bc: {  	v2 =	vadd.f32 v15, v2;
	v15 =	vld [tilespmem:$0x1F060]  }
0x4bd: {  	v3 =	vadd.f32 v4, v3;
	v4 =	vld [tilespmem:$0x1F050]  }
0x4be: {  	v9 =	vld [tilespmem:s19+$0x0]  }
0x4bf: {  	s19 =	sor.u32 $0x1C30, s18;
	v1 =	vadd.f32 v16, v1;
	v16 =	vld [tilespmem:$0x1F6C0]  }
0x4c0: {  	s18 =	sor.u32 $0x1C70, s18;
	v20 =	vld [tilespmem:s19+$0x8000]  }
0x4c1: {  	v8 =	vmul.f32 v8, v12;
	v12 =	vmul.f32 v5, v13;
	v13 =	vld [tilespmem:s18+$0x0]  }
0x4c2: {  	s5 =	sadd.s32 $0x80, s5;
	s15 =	sadd.s32 $0x400, s15;
	v5 =	vmul.f32 v14, v7;
	v7 =	vld [tilespmem:s18+$0x8000];
	v4 =	vmul.f32 v15, v4  }
0x4c3: {  	s4 =	sand.u32 $0x2000, s15;
	v2 =	vadd.f32 v18, v2;
	v15 =	vld [tilespmem:s19+$0x0];
	s19 =	sand.u32 $0x380, s5  }
0x4c4: {  	s4 =	sor.u32 s19, s4;
	v3 =	vadd.f32 v4, v3;
	v4 =	vadd.f32 v40, v1;
	v1 =	vld [tilespmem:$0x1F620]  }
0x4c5: {  	v40 =	vld [tilespmem:s4+$0x1840]  }
0x4c6: {  	v14 =	vadd.f32 v42, v2;
	v42 =	vld [tilespmem:s4+$0x9840]  }
0x4c7: {  	v22 =	vld [tilespmem:s4+$0x9850]  }
0x4c8: {  	v14 =	vadd.f32 v30, v14;
	v30 =	vld [tilespmem:s4+$0x1860]  }
0x4c9: {  	v13 =	vmul.f32 v7, v13;
	v7 =	vld [tilespmem:s4+$0x9870]  }
0x4ca: {  	v50 =	vld [tilespmem:s4+$0x1800]  }
0x4cb: {  	v23 =	vld [tilespmem:s4+$0x9810]  }
0x4cc: {  	v24 =	vld [tilespmem:s4+$0x9830]  }
0x4cd: {  	v47 =	vld [tilespmem:s4+$0x9400]  }
0x4ce: {  	v45 =	vld [tilespmem:s4+$0x1410]  }
0x4cf: {  	v44 =	vld [tilespmem:s4+$0x1040]  }
0x4d0: {  	v26 =	vld [tilespmem:s4+$0x1010]  }
0x4d1: {  	v2 =	vld [tilespmem:s4+$0x9010]  }
0x4d2: {  	v9 =	vmul.f32 v19, v9;
	v52 =	vld [tilespmem:s4+$0x1030]  }
0x4d3: {  	v27 =	vld [tilespmem:s4+$0x8C50]  }
0x4d4: {  	v9 =	vadd.f32 v9, v14;
	v14 =	vld [tilespmem:s4+$0xC60]  }
0x4d5: {  	v61 =	vld [tilespmem:s4+$0x8C60]  }
0x4d6: {  	v28 =	vld [tilespmem:s4+$0xC00]  }
0x4d7: {  	v31 =	vld [tilespmem:s4+$0x8C00]  }
0x4d8: {  	v35 =	vld [tilespmem:s4+$0xC10]  }
0x4d9: {  	v33 =	vld [tilespmem:s4+$0x8C10]  }
0x4da: {  	v39 =	vld [tilespmem:s4+$0xC20]  }
0x4db: {  	v41 =	vld [tilespmem:s4+$0x8C20]  }
0x4dc: {  	v0 =	vadd.f32 v16, v0;
	v16 =	vld [tilespmem:s4+$0x840]  }
0x4dd: {  	v32 =	vld [tilespmem:s4+$0x8840]  }
0x4de: {  	v37 =	vld [tilespmem:s4+$0x8850]  }
0x4df: {  	v51 =	vld [tilespmem:s4+$0x800]  }
0x4e0: {  	v54 =	vld [tilespmem:s4+$0x8800]  }
0x4e1: {  	v55 =	vld [tilespmem:s4+$0x810]  }
0x4e2: {  	v56 =	vld [tilespmem:s4+$0x8810]  }
0x4e3: {  	v25 =	vld [tilespmem:s4+$0x820]  }
0x4e4: {  	v46 =	vld [tilespmem:s4+$0x8820]  }
0x4e5: {  	v63 =	vld [tilespmem:s4+$0x440]  }
0x4e6: {  	v62 =	vld [tilespmem:s4+$0x8440]  }
0x4e7: {  	v59 =	vld [tilespmem:s4+$0x450]  }
0x4e8: {  	v60 =	vld [tilespmem:s4+$0x8450]  }
0x4e9: {  	v57 =	vld [tilespmem:s4+$0x460]  }
0x4ea: {  	v49 =	vld [tilespmem:s4+$0x8460];
	v18 =	vadd.f32 v43, v3;
	v0 =	vadd.f32 v1, v0  }
0x4eb: {  	v6 =	vmul.f32 v17, v6;
	v53 =	vld [tilespmem:s4+$0x420];
	v17 =	vadd.f32 v34, v4  }
0x4ec: {  	v58 =	vld [tilespmem:s4+$0x8420];
	v15 =	vmul.f32 v20, v15;
	v18 =	vadd.f32 v36, v18;
	v0 =	vadd.f32 v38, v0  }
0x4ed: {  	v10 =	vmul.f32 v11, v10;
	v17 =	vadd.f32 v5, v17;
	v1 =	vld [tilespmem:s4+$0x9800]  }
0x4ee: {  	v19 =	vld [tilespmem:s4+$0x8000];
	v11 =	vadd.f32 v15, v18;
	v0 =	vadd.f32 v6, v0  }
0x4ef: {  	v9 =	vadd.f32 v10, v9;
	v21 =	vld [tilespmem:s4+$0x8010];
	v8 =	vadd.f32 v8, v17  }
0x4f0: {  	v43 =	vld [tilespmem:s4+$0x1870];
	v10 =	vadd.f32 v13, v11;
	v0 =	vadd.f32 v12, v0  }
0x4f1: {  	v3 =	vld [tilespmem:s4+$0x1020]  }
0x4f2: {  	[tilespmem:$0x1EF70] =	vst v1;
	v1 =	vld [tilespmem:s4+$0x1810];
	v0 =	vadd.f32 v0, v8;
	v8 =	vadd.f32 v10, v9  }
0x4f3: {  	v4 =	vld [tilespmem:s4+$0x8C40]  }
0x4f4: {  	v20 =	vld [tilespmem:s4+$0x10];
	v0 =	vadd.f32 v8, v0  }
0x4f5: {  	v36 =	vld [tilespmem:s4+$0x9860]  }
0x4f6: {  	(xrf2) =	vadd.scan.msk.f32 $0xffff, v0;
	v0 =	vld [tilespmem:s4+$0x9820]  }
0x4f7: {  	[tilespmem:$0x1EF80] =	vst v1;
	v1 =	vld [tilespmem:s4+$0x1820]  }
0x4f8: {  	v5 =	vld [tilespmem:s4+$0xC50]  }
0x4f9: {  	v15 =	vld [tilespmem:s4+$0x410]  }
0x4fa: {  	v17 =	vld [tilespmem:s4+$0x8410]  }
0x4fb: {  	[tilespmem:$0x1EFA0] =	vst v0;
	v0 =	vld [tilespmem:s4+$0x1830]  }
0x4fc: {  	[tilespmem:$0x1EF90] =	vst v1;
	v1 =	vld [tilespmem:s4+$0x9470]  }
0x4fd: {  	v18 =	vld [tilespmem:s4+$0x0]  }
0x4fe: {  	v38 =	vld [tilespmem:s4+$0x1850]  }
0x4ff: {  	[tilespmem:$0x1F020] =	vst v3;
	v3 =	vld [tilespmem:s4+$0x9020]  }
0x500: {  	[tilespmem:$0x1EFB0] =	vst v0;
	v0 =	vld [tilespmem:s4+$0x1440]  }
0x501: {  	[tilespmem:$0x1F060] =	vst v1;
	v1 =	vld [tilespmem:s4+$0x1400]  }
0x502: {  	v11 =	vld [tilespmem:s4+$0x9040]  }
0x503: {  	v13 =	vld [tilespmem:s4+$0x1050]  }
0x504: {  	v6 =	vld [tilespmem:s4+$0x850]  }
0x505: {  	v30 =	vmul.f32 v36, v30;
	[tilespmem:$0x1EFC0] =	vst v0;
	v0 =	vld [tilespmem:s4+$0x9440]  }
0x506: {  	v36 =	vmul.f32 v7, v43;
	v7 =	vld [tilespmem:s4+$0x8020];
	v8 =	vmov s16;
	[tilespmem:$0x1F000] =	vst v1;
	v1 =	vlaneseq.u32  }
0x507: {  	vm1 =	veq.s32 v8, v1;
	v1 =	vld [tilespmem:s4+$0x1420]  }
0x508: {  	v48 =	vld [tilespmem:$0x1EF70]  }
0x509: {  	v12 =	vld [tilespmem:s4+$0x8400]  }
0x50a: {  	[tilespmem:$0x1EFD0] =	vst v0;
	v0 =	vld [tilespmem:s4+$0x1450]  }
0x50b: {  	[tilespmem:$0x1F210] =	vst v3;
	v3 =	vld [tilespmem:s4+$0x9030]  }
0x50c: {  	[tilespmem:$0x1F070] =	vst v1;
	v1 =	vld [tilespmem:s4+$0x9420]  }
0x50d: {  	v34 =	vmul.f32 v42, v40;
	v40 =	vmul.f32 v48, v50;
	v48 =	vld [tilespmem:$0x1EF80]  }
0x50e: {  	v38 =	vmul.f32 v22, v38;
	v22 =	vld [tilespmem:s4+$0x20]  }
0x50f: {  	[tilespmem:$0x1EFE0] =	vst v0;
	v0 =	vld [tilespmem:s4+$0x9450]  }
0x510: {  	v50 =	vld [tilespmem:$0x1EF90]  }
0x511: {  	[tilespmem:$0x1F080] =	vst v1;
	v1 =	vld [tilespmem:s4+$0x1430]  }
0x512: {  	v23 =	vmul.f32 v23, v48;
	v48 =	vld [tilespmem:$0x1EFA0]  }
0x513: {  	v10 =	vld [tilespmem:s4+$0x9050]  }
0x514: {  	[tilespmem:$0x1EFF0] =	vst v0;
	v0 =	vld [tilespmem:s4+$0x1460]  }
0x515: {  	v9 =	vld [tilespmem:s4+$0x860]  }
0x516: {  	[tilespmem:$0x1F090] =	vst v1;
	v1 =	vld [tilespmem:s4+$0x9430]  }
0x517: {  	v42 =	vmul.f32 v48, v50;
	v50 =	vld [tilespmem:$0x1EFB0]  }
0x518: {  	v44 =	vmul.f32 v11, v44;
	v11 =	vld [tilespmem:s4+$0x50]  }
0x519: {  	[tilespmem:$0x1F030] =	vst v0;
	v0 =	vld [tilespmem:s4+$0x9460]  }
0x51a: {  	[tilespmem:$0x1F3A0] =	vst v9;
	v9 =	vld [tilespmem:s4+$0x8860]  }
0x51b: {  	[tilespmem:$0x1F0A0] =	vst v1;
	v1 =	vld [tilespmem:s4+$0x1060]  }
0x51c: {  	v43 =	vmul.f32 v24, v50;
	v50 =	vld [tilespmem:$0x1EFC0]  }
0x51d: {  	v48 =	vld [tilespmem:$0x1EFD0]  }
0x51e: {  	[tilespmem:$0x1F040] =	vst v0;
	v0 =	vld [tilespmem:s4+$0x1470]  }
0x51f: {  	[tilespmem:$0x1F220] =	vst v3;
	v3 =	vld [tilespmem:s4+$0xC40]  }
0x520: {  	[tilespmem:$0x1F160] =	vst v1;
	v1 =	vld [tilespmem:s4+$0x9060]  }
0x521: {  	[tilespmem:$0x1F3D0] =	vst v9;
	v9 =	vld [tilespmem:s4+$0x400]  }
0x522: {  	[tilespmem:$0x1F620] =	vst v23;
	v23 =	vld [tilespmem:s4+$0x30];
	v50 =	vmul.f32 v48, v50  }
0x523: {  	v48 =	vld [tilespmem:$0x1EFE0];
	[tilespmem:$0x1F050] =	vst v0;
	v0, _, _ =	vpop (xrf2)  }
0x524: {  	[tilespmem:$0x1F690] =	vst v50;
	v50 =	vld [tilespmem:$0x1EFF0];
	v0 =	vbroadcast v0, $0xF  }
0x525: {  	[tilespmem:$0x1F1B0] =	vst v1;
	v1 =	vld [tilespmem:s4+$0x1070]  }
0x526: {  	v29 =	vsel vm1, v0, v29;
	v0 =	vld [tilespmem:s4+$0x9070]  }
0x527: {  	v8 =	vld [tilespmem:s4+$0x9410]  }
0x528: {  	v24 =	vld [tilespmem:s4+$0x8030]  }
0x529: {  	v50 =	vmul.f32 v50, v48;
	v48 =	vld [tilespmem:$0x1F000]  }
0x52a: {  	[tilespmem:$0x1F200] =	vst v1;
	v1 =	vld [tilespmem:s4+$0x1000]  }
0x52b: {  	[tilespmem:$0x1F010] =	vst v0;
	v0 =	vld [tilespmem:s4+$0x9000]  }
0x52c: {  	v8 =	vmul.f32 v8, v45;
	v45 =	vmul.f32 v10, v13;
	v10 =	vld [tilespmem:s4+$0x60]  }
0x52d: {  	p0 =	sne.s32 s17, $0xF;
	v13 =	vld [tilespmem:s4+$0x8060]  }
.Ltmp2:
0x52e: {  	[tilespmem:$0x1F720] =	vst v8;
	v8 =	vld [tilespmem:s4+$0x8040];
	v47 =	vmul.f32 v47, v48;
	(pc) =	sbr.rel @p0 .LBB2_8-.Ltmp2, $4  }
0x52f: {  	v6 =	vmul.f32 v37, v6;
	[tilespmem:$0x1F6C0] =	vst v50;
	v50 =	vld [tilespmem:s4+$0x40];
	v48 =	vmul.f32 v2, v26  }
0x530: {  	v2 =	vmul.f32 v27, v5;
	[tilespmem:$0x1F6F0] =	vst v47;
	v47 =	vmul.f32 v0, v1;
	v0 =	vld [tilespmem:s4+$0x8050]  }
0x531: {  	v1 =	vmul.f32 v4, v3;
	v4 =	vmul.f32 v33, v35;
	v33 =	vld [tilespmem:$0x1F010]  }
0x532: {  	v37 =	vmovc v14;
	s16 =	smov.u32 s17;
	s17 =	sadd.s32 $0x1, s17;
	v5 =	vmul.f32 v32, v16;
	v32 =	vmovc v52;
	v3 =	vmul.f32 v31, v28;
	v31 =	vmov v61;
	v61 =	vld [tilespmem:$0x1F020]  }
0x533: {  	v35 =	vld [tilespmem:s4+$0x70]  }
0x534: {  	v28 =	vld [tilespmem:s4+$0x8070]  }
0x535: {  	v14 =	vmul.f32 v54, v51;
	v27 =	vmul.f32 v60, v59;
	v59 =	vld [tilespmem:s4+$0x430]  }
0x536: {  	v16 =	vmul.f32 v56, v55;
	v26 =	vmul.f32 v62, v63;
	v63 =	vld [tilespmem:s4+$0x8430]  }
0x537: {  	v9 =	vmul.f32 v12, v9;
	v12 =	vmul.f32 v17, v15;
	v51 =	vld [tilespmem:s4+$0x470]  }
0x538: {  	v60 =	vmul.f32 v19, v18;
	v62 =	vmul.f32 v21, v20;
	v54 =	vld [tilespmem:s4+$0x830]  }
0x539: {  	v7 =	vmul.f32 v7, v22;
	v56 =	vld [tilespmem:s4+$0x8830];
	v8 =	vmul.f32 v8, v50  }
0x53a: {  	v10 =	vmul.f32 v13, v10;
	v0 =	vmul.f32 v0, v11;
	v11 =	vld [tilespmem:s4+$0x8470]  }
0x53b: {  	v24 =	vmul.f32 v24, v23;
	v22 =	vld [tilespmem:$0x1F3A0];
	v8 =	vadd.f32 v8, v60;
	v52 =	vmul.f32 v28, v35  }
0x53c: {  	v55 =	vmul.f32 v58, v53;
	v23 =	vld [tilespmem:$0x1F3D0];
	v7 =	vadd.f32 v10, v7;
	v0 =	vadd.f32 v0, v62  }
0x53d: {  	v60 =	vld [tilespmem:s4+$0x8870];
	v58 =	vmul.f32 v63, v59;
	v8 =	vadd.f32 v9, v8;
	v10 =	vadd.f32 v52, v24  }
0x53e: {  	v7 =	vadd.f32 v55, v7;
	v59 =	vld [tilespmem:s4+$0x870];
	v9 =	vmul.f32 v49, v57;
	v0 =	vadd.f32 v12, v0  }
0x53f: {  	v21 =	vld [tilespmem:s4+$0x8C30];
	v11 =	vmul.f32 v11, v51;
	v8 =	vadd.f32 v26, v8;
	v10 =	vadd.f32 v58, v10  }
0x540: {  	v62 =	vld [tilespmem:s4+$0xC30];
	v63 =	vmul.f32 v46, v25;
	v7 =	vadd.f32 v9, v7;
	v0 =	vadd.f32 v27, v0  }
0x541: {  	v24 =	vld [tilespmem:s4+$0x8C70];
	v8 =	vadd.f32 v14, v8;
	v9 =	vadd.f32 v11, v10;
	v10 =	vmul.f32 v56, v54  }
0x542: {  	v14 =	vmul.f32 v23, v22;
	v7 =	vadd.f32 v63, v7;
	v0 =	vadd.f32 v16, v0;
	v11 =	vld [tilespmem:s4+$0xC70]  }
0x543: {  	s5 =	sadd.s32 $0x1, s7;
	v9 =	vadd.f32 v10, v9;
	v10 =	vmul.f32 v60, v59  }
0x544: {  	s5 =	sand.u32 $0x7, s5;
	v7 =	vadd.f32 v14, v7;
	v0 =	vadd.f32 v6, v0  }
0x545: {  	v53 =	vld [tilespmem:$0x1F060];
	s5 =	sshll.u32 s5, $0x7;
	v6 =	vmul.f32 v41, v39;
	v9 =	vadd.f32 v10, v9;
	v10 =	vmul.f32 v21, v62  }
0x546: {  	v50 =	vld [tilespmem:$0x1F030];
	s5 =	sadd.s32 s5, s15;
	v27 =	vmul.f32 v31, v37  }
0x547: {  	s15 =	sor.u32 $0x1C40, s5;
	v55 =	vld [tilespmem:$0x1F690];
	v6 =	vadd.f32 v6, v7;
	v7 =	vadd.f32 v10, v9;
	v9 =	vmul.f32 v24, v11  }
0x548: {  	v25 =	vld [tilespmem:s15+$0x0];
	v0 =	vadd.f32 v4, v0  }
0x549: {  	s17 =	sor.u32 $0x1C50, s5;
	v4 =	vadd.f32 v27, v6;
	v6 =	vadd.f32 v9, v7;
	v7 =	vld [tilespmem:$0x1F220]  }
0x54a: {  	s18 =	sor.u32 $0x1C60, s5;
	v28 =	vld [tilespmem:s17+$0x8000]  }
0x54b: {  	v35 =	vld [tilespmem:s18+$0x8000]  }
0x54c: {  	v46 =	vld [tilespmem:$0x1F080]  }
0x54d: {  	v31 =	vld [tilespmem:$0x1F210]  }
0x54e: {  	v37 =	vld [tilespmem:$0x1F1B0];
	v7 =	vmul.f32 v7, v32  }
0x54f: {  	v11 =	vld [tilespmem:$0x1F160]  }
0x550: {  	v41 =	vadd.f32 v7, v6;
	v6 =	vld [tilespmem:$0x1F200]  }
0x551: {  	v49 =	vld [tilespmem:$0x1F720]  }
0x552: {  	v26 =	vld [tilespmem:s17+$0x0];
	v0 =	vadd.f32 v2, v0;
	v2 =	vmul.f32 v31, v61  }
0x553: {  	s17 =	sor.u32 $0x1C20, s5;
	v51 =	vld [tilespmem:$0x1F040]  }
0x554: {  	v52 =	vld [tilespmem:s17+$0x8000];
	v2 =	vadd.f32 v2, v4;
	v11 =	vmul.f32 v37, v11  }
0x555: {  	v58 =	vld [tilespmem:$0x1F620];
	v6 =	vmul.f32 v33, v6  }
0x556: {  	v2 =	vadd.f32 v11, v2;
	v11 =	vld [tilespmem:$0x1F0A0]  }
0x557: {  	v4 =	vadd.f32 v6, v41;
	v6 =	vld [tilespmem:$0x1F090]  }
0x558: {  	v5 =	vadd.f32 v5, v8;
	v8 =	vld [tilespmem:s15+$0x8000]  }
0x559: {  	s19 =	sor.u32 $0x1C00, s5;
	v56 =	vld [tilespmem:$0x1F6C0]  }
0x55a: {  	v39 =	vld [tilespmem:s19+$0x8000];
	v3 =	vadd.f32 v3, v5;
	v0 =	vadd.f32 v48, v0  }
0x55b: {  	v10 =	vld [tilespmem:s18+$0x0]  }
0x55c: {  	v1 =	vadd.f32 v1, v3;
	v0 =	vadd.f32 v45, v0;
	v45 =	vld [tilespmem:$0x1F070];
	v6 =	vmul.f32 v11, v6  }
0x55d: {  	v48 =	vld [tilespmem:$0x1F6F0]  }
0x55e: {  	s15 =	sor.u32 $0x1C10, s5;
	v1 =	vadd.f32 v47, v1;
	v4 =	vadd.f32 v6, v4;
	v6 =	vld [tilespmem:$0x1F050]  }
0x55f: {  	v47 =	vld [tilespmem:s15+$0x8000];
	s18 =	sor.u32 $0x1C30, s5  }
0x560: {  	v54 =	vld [tilespmem:s18+$0x0];
	v1 =	vadd.f32 v44, v1  }
0x561: {  	v57 =	vld [tilespmem:s18+$0x8000];
	v15 =	vmul.f32 v46, v45  }
0x562: {  	v9 =	vld [tilespmem:s19+$0x0];
	v0 =	vadd.f32 v49, v0;
	v1 =	vadd.f32 v48, v1  }
0x563: {  	v17 =	vmul.f32 v51, v50;
	v7 =	vld [tilespmem:s15+$0x0];
	v2 =	vadd.f32 v15, v2;
	v6 =	vmul.f32 v53, v6  }
0x564: {  	v5 =	vmul.f32 v28, v26;
	s19 =	sor.u32 $0x1C70, s5;
	v0 =	vadd.f32 v56, v0;
	v1 =	vadd.f32 v55, v1;
	v11 =	vld [tilespmem:s17+$0x0]  }
0x565: {  	v8 =	vmul.f32 v8, v25;
	v59 =	vld [tilespmem:s19+$0x8000];
	v2 =	vadd.f32 v17, v2;
	v4 =	vadd.f32 v6, v4  }
0x566: {  	v12 =	vmul.f32 v57, v54;
	v0 =	vadd.f32 v58, v0;
	v1 =	vadd.f32 v40, v1;
	v6 =	vld [tilespmem:s19+$0x0]  }
0x567: {  	v9 =	vmul.f32 v39, v9;
	v2 =	vadd.f32 v42, v2;
	v4 =	vadd.f32 v43, v4  }
0x568: {  	v0 =	vadd.f32 v38, v0;
	v1 =	vadd.f32 v34, v1;
	v7 =	vmul.f32 v47, v7  }
0x569: {  	v2 =	vadd.f32 v30, v2;
	v11 =	vmul.f32 v52, v11;
	v4 =	vadd.f32 v36, v4  }
0x56a: {  	v3 =	vmul.f32 v35, v10;
	v1 =	vadd.f32 v9, v1;
	v0 =	vadd.f32 v7, v0  }
0x56b: {  	v2 =	vadd.f32 v11, v2;
	v6 =	vmul.f32 v59, v6;
	v4 =	vadd.f32 v12, v4  }
0x56c: {  	v1 =	vadd.f32 v8, v1;
	v0 =	vadd.f32 v5, v0  }
0x56d: {  	v2 =	vadd.f32 v3, v2;
	v60 =	vadd.f32 v6, v4;
	_ =	sdelay $0x1  }
0x56e: {  	v0 =	vadd.f32 v0, v1;
	v61 =	vadd.f32 v60, v2;
	_ =	sdelay $0x1  }
0x56f: {  	v0 =	vadd.f32 v61, v0;
	_ =	sdelay $0x1  }
0x570: {  	(xrf2) =	vadd.scan.msk.f32 $0xffff, v0;
	_ =	sdelay $0x9  }
0x571: {  	v0, _, _ =	vpop (xrf2)  }
0x572: {  	v63 =	vlaneseq.u32;
	v62 =	vmov s16;
	v0 =	vbroadcast v0, $0xF  }
0x573: {  	vm1 =	veq.s32 v62, v63  }
0x574: {  	v8 =	vsel vm1, v0, v29  }
0x575: {  	[tilespmem:$0x10080] =	vst v8  }
0x576: {  	_ =	swait.ge [sflag:s14], $0x4000  }
0x577: {  	s7 =	simm.s32 $0x0;
	s4 =	simm.s32 $0x0;
	[sflag:s14] =	ssyncset.done $0x0  }
0x578: {  	v63 =	vlaneseq.u32;
	s5 =	simm.s32 $0x0;
	s15 =	simm.s32 $0x0;
	[sflag:s14] =	ssyncadd.s32 $0xFFFFC000  }
.LBB2_10:
0x579: {  	s16 =	sand.u32 $0x2000, s5;
	s17 =	sand.u32 $0x380, s7  }
0x57a: {  	v0 =	vld [tilespmem:$0x10080];
	s16 =	sor.u32 s17, s16  }
0x57b: {  	v1 =	vld [tilespmem:s16+$0x4000]  }
0x57c: {  	v2 =	vld [tilespmem:s16+$0xC000]  }
0x57d: {  	v3 =	vld [tilespmem:s16+$0x4010]  }
0x57e: {  	v4 =	vld [tilespmem:s16+$0xC010]  }
0x57f: {  	v5 =	vld [tilespmem:s16+$0x4020]  }
0x580: {  	v6 =	vld [tilespmem:s16+$0xC020]  }
0x581: {  	v7 =	vld [tilespmem:s16+$0x4030]  }
0x582: {  	v10 =	vld [tilespmem:s16+$0xC030]  }
0x583: {  	v11 =	vld [tilespmem:s16+$0x4040]  }
0x584: {  	v12 =	vld [tilespmem:s16+$0xC040]  }
0x585: {  	v13 =	vld [tilespmem:s16+$0x4050]  }
0x586: {  	v14 =	vld [tilespmem:s16+$0xC050]  }
0x587: {  	v15 =	vld [tilespmem:s16+$0x4060]  }
0x588: {  	v16 =	vld [tilespmem:s16+$0xC060]  }
0x589: {  	v17 =	vld [tilespmem:s16+$0x4070]  }
0x58a: {  	v18 =	vld [tilespmem:s16+$0xC070]  }
0x58b: {  	v19 =	vld [tilespmem:s16+$0x4400]  }
0x58c: {  	v20 =	vld [tilespmem:s16+$0xC400]  }
0x58d: {  	v21 =	vld [tilespmem:s16+$0x4410]  }
0x58e: {  	v22 =	vld [tilespmem:s16+$0xC410]  }
0x58f: {  	v23 =	vld [tilespmem:s16+$0x4420]  }
0x590: {  	v24 =	vld [tilespmem:s16+$0xC420]  }
0x591: {  	v25 =	vld [tilespmem:s16+$0x4430]  }
0x592: {  	v26 =	vld [tilespmem:s16+$0xC430]  }
0x593: {  	v27 =	vld [tilespmem:s16+$0x4440]  }
0x594: {  	v28 =	vld [tilespmem:s16+$0xC440]  }
0x595: {  	v29 =	vld [tilespmem:s16+$0x4450]  }
0x596: {  	v30 =	vld [tilespmem:s16+$0xC450]  }
0x597: {  	v31 =	vld [tilespmem:s16+$0x4460]  }
0x598: {  	v32 =	vld [tilespmem:s16+$0xC460]  }
0x599: {  	v33 =	vld [tilespmem:s16+$0x4470]  }
0x59a: {  	v34 =	vld [tilespmem:s16+$0xC470]  }
0x59b: {  	v35 =	vld [tilespmem:s16+$0x4800]  }
0x59c: {  	v36 =	vld [tilespmem:s16+$0xC800]  }
0x59d: {  	v37 =	vld [tilespmem:s16+$0x4810]  }
0x59e: {  	v38 =	vld [tilespmem:s16+$0xC810]  }
0x59f: {  	v39 =	vld [tilespmem:s16+$0x4820]  }
0x5a0: {  	v40 =	vld [tilespmem:s16+$0xC820]  }
0x5a1: {  	v41 =	vld [tilespmem:s16+$0x4830]  }
0x5a2: {  	v42 =	vld [tilespmem:s16+$0xC830]  }
0x5a3: {  	v43 =	vld [tilespmem:s16+$0x4840]  }
0x5a4: {  	v44 =	vld [tilespmem:s16+$0xC840]  }
0x5a5: {  	v45 =	vld [tilespmem:s16+$0x4850]  }
0x5a6: {  	v9 =	vmov s15;
	v46 =	vld [tilespmem:s16+$0xC850]  }
0x5a7: {  	vm1 =	veq.s32 v9, v63;
	v47 =	vld [tilespmem:s16+$0x4860]  }
0x5a8: {  	v48 =	vld [tilespmem:s16+$0xC860];
	v0 =	vnsel vm1, $0x0, v0  }
0x5a9: {  	v49 =	vld [tilespmem:s16+$0xC870];
	(xrf2) =	vadd.scan.msk.f32 $0xffff, v0  }
0x5aa: {  	v50 =	vld [tilespmem:s16+$0x4C00]  }
0x5ab: {  	v51 =	vld [tilespmem:s16+$0xCC00]  }
0x5ac: {  	v52 =	vld [tilespmem:s16+$0x4C10]  }
0x5ad: {  	v53 =	vld [tilespmem:s16+$0xCC10]  }
0x5ae: {  	v54 =	vld [tilespmem:s16+$0x4C20]  }
0x5af: {  	v55 =	vld [tilespmem:s16+$0xCC20]  }
0x5b0: {  	v56 =	vld [tilespmem:s16+$0x4C30]  }
0x5b1: {  	v57 =	vld [tilespmem:s16+$0xCC30]  }
0x5b2: {  	v58 =	vld [tilespmem:s16+$0x4C40]  }
0x5b3: {  	v59 =	vld [tilespmem:s16+$0xCC40];
	v9, _, _ =	vpop (xrf2)  }
0x5b4: {  	v60 =	vld [tilespmem:s16+$0x4C50];
	v9 =	vbroadcast v9, $0xF  }
0x5b5: {  	v61 =	vld [tilespmem:s16+$0xCC50]  }
0x5b6: {  	v62 =	vld [tilespmem:s16+$0x4C60];
	v2 =	vmul.f32 v9, v2  }
0x5b7: {  	v0 =	vld [tilespmem:s16+$0x4870];
	v4 =	vmul.f32 v4, v9  }
0x5b8: {  	v18 =	vmul.f32 v18, v9;
	v1 =	vadd.f32 v2, v1;
	v2 =	vmul.f32 v6, v9;
	v6 =	vld [tilespmem:s16+$0xCC60]  }
0x5b9: {  	v3 =	vadd.f32 v4, v3;
	v4 =	vmul.f32 v10, v9;
	v10 =	vld [tilespmem:s16+$0x4C70]  }
0x5ba: {  	v18 =	vadd.f32 v18, v17;
	v17 =	vld [tilespmem:s16+$0xD030];
	[tilespmem:s16+$0x4000] =	vst v1;
	v1 =	vadd.f32 v2, v5;
	v2 =	vmul.f32 v12, v9  }
0x5bb: {  	v14 =	vmul.f32 v14, v9;
	v5 =	vld [tilespmem:s16+$0xCC70];
	[tilespmem:s16+$0x4010] =	vst v3  }
0x5bc: {  	v16 =	vmul.f32 v16, v9;
	v12 =	vadd.f32 v4, v7;
	v7 =	vld [tilespmem:s16+$0x5000];
	[tilespmem:s16+$0x4020] =	vst v1;
	v1 =	vadd.f32 v2, v11  }
0x5bd: {  	v3 =	vadd.f32 v14, v13;
	v13 =	vld [tilespmem:s16+$0xD010];
	[tilespmem:s16+$0x4070] =	vst v18  }
0x5be: {  	v14 =	vld [tilespmem:s16+$0x5020];
	[tilespmem:s16+$0x4040] =	vst v1;
	v1 =	vadd.f32 v16, v15;
	v16 =	vmul.f32 v20, v9  }
0x5bf: {  	v18 =	vld [tilespmem:s16+$0x5040];
	[tilespmem:s16+$0x4030] =	vst v12;
	v20 =	vmul.f32 v22, v9  }
0x5c0: {  	v24 =	vmul.f32 v24, v9;
	v4 =	vld [tilespmem:s16+$0x5420];
	[tilespmem:s16+$0x4050] =	vst v3;
	v22 =	vadd.f32 v16, v19  }
0x5c1: {  	v11 =	vld [tilespmem:s16+$0xD000];
	[tilespmem:s16+$0x4060] =	vst v1;
	v20 =	vadd.f32 v20, v21;
	v21 =	vmul.f32 v26, v9  }
0x5c2: {  	v12 =	vld [tilespmem:s16+$0x5010];
	[tilespmem:s16+$0x4400] =	vst v22;
	v22 =	vadd.f32 v24, v23;
	v23 =	vmul.f32 v28, v9  }
0x5c3: {  	v15 =	vld [tilespmem:s16+$0xD020];
	[tilespmem:s16+$0x4410] =	vst v20;
	v24 =	vadd.f32 v21, v25;
	v25 =	vmul.f32 v30, v9  }
0x5c4: {  	v16 =	vld [tilespmem:s16+$0x5030];
	[tilespmem:s16+$0x4420] =	vst v22;
	v26 =	vadd.f32 v23, v27;
	v27 =	vmul.f32 v32, v9  }
0x5c5: {  	v19 =	vld [tilespmem:s16+$0xD040];
	[tilespmem:s16+$0x4430] =	vst v24;
	v28 =	vadd.f32 v25, v29;
	v29 =	vmul.f32 v34, v9  }
0x5c6: {  	v20 =	vld [tilespmem:s16+$0x5050];
	[tilespmem:s16+$0x4440] =	vst v26;
	v30 =	vadd.f32 v27, v31;
	v31 =	vmul.f32 v36, v9  }
0x5c7: {  	v21 =	vld [tilespmem:s16+$0xD050];
	[tilespmem:s16+$0x4450] =	vst v28;
	v32 =	vadd.f32 v29, v33;
	v33 =	vmul.f32 v38, v9  }
0x5c8: {  	v22 =	vld [tilespmem:s16+$0x5060];
	[tilespmem:s16+$0x4460] =	vst v30;
	v34 =	vadd.f32 v31, v35;
	v35 =	vmul.f32 v40, v9  }
0x5c9: {  	v23 =	vld [tilespmem:s16+$0xD060];
	[tilespmem:s16+$0x4470] =	vst v32;
	v36 =	vadd.f32 v33, v37;
	v37 =	vmul.f32 v42, v9  }
0x5ca: {  	v24 =	vld [tilespmem:s16+$0x5070];
	[tilespmem:s16+$0x4800] =	vst v34;
	v38 =	vadd.f32 v35, v39;
	v39 =	vmul.f32 v44, v9  }
0x5cb: {  	v25 =	vld [tilespmem:s16+$0xD070];
	[tilespmem:s16+$0x4810] =	vst v36;
	v40 =	vadd.f32 v37, v41;
	v41 =	vmul.f32 v46, v9  }
0x5cc: {  	v26 =	vld [tilespmem:s16+$0x5400];
	v35 =	vmul.f32 v13, v9;
	[tilespmem:s16+$0x4820] =	vst v38;
	v42 =	vadd.f32 v39, v43  }
0x5cd: {  	v27 =	vld [tilespmem:s16+$0xD400];
	v37 =	vmul.f32 v15, v9;
	[tilespmem:s16+$0x4830] =	vst v40;
	v44 =	vadd.f32 v41, v45  }
0x5ce: {  	v28 =	vld [tilespmem:s16+$0x5410];
	v43 =	vmul.f32 v48, v9;
	v38 =	vadd.f32 v35, v12;
	[tilespmem:s16+$0x4840] =	vst v42  }
0x5cf: {  	v29 =	vld [tilespmem:s16+$0xD410];
	v45 =	vmul.f32 v49, v9;
	v41 =	vadd.f32 v37, v14;
	[tilespmem:s16+$0x4850] =	vst v44  }
0x5d0: {  	v30 =	vld [tilespmem:s16+$0xD420];
	v48 =	vmul.f32 v53, v9;
	v46 =	vadd.f32 v43, v47;
	[tilespmem:s16+$0x5010] =	vst v38  }
0x5d1: {  	v31 =	vld [tilespmem:s16+$0x5430];
	v39 =	vmul.f32 v17, v9;
	v0 =	vadd.f32 v45, v0;
	[tilespmem:s16+$0x5020] =	vst v41  }
0x5d2: {  	v32 =	vld [tilespmem:s16+$0xD430];
	v47 =	vmul.f32 v51, v9;
	v51 =	vadd.f32 v48, v52;
	[tilespmem:s16+$0x4860] =	vst v46  }
0x5d3: {  	v33 =	vld [tilespmem:s16+$0x5440];
	v52 =	vmul.f32 v57, v9;
	v44 =	vadd.f32 v39, v16;
	[tilespmem:s16+$0x4870] =	vst v0  }
0x5d4: {  	v40 =	vld [tilespmem:s16+$0x5470];
	v42 =	vmul.f32 v19, v9;
	v49 =	vadd.f32 v47, v50;
	[tilespmem:s16+$0x4C10] =	vst v51  }
0x5d5: {  	v43 =	vld [tilespmem:s16+$0xD470];
	v50 =	vmul.f32 v55, v9;
	v55 =	vadd.f32 v52, v56;
	[tilespmem:s16+$0x5030] =	vst v44  }
0x5d6: {  	v56 =	vmul.f32 v61, v9;
	v46 =	vld [tilespmem:s16+$0x5800];
	v47 =	vadd.f32 v42, v18;
	[tilespmem:s16+$0x4C00] =	vst v49  }
0x5d7: {  	v45 =	vmul.f32 v21, v9;
	v52 =	vld [tilespmem:s16+$0x5810];
	v53 =	vadd.f32 v50, v54;
	[tilespmem:s16+$0x4C30] =	vst v55  }
0x5d8: {  	v51 =	vmul.f32 v25, v9;
	v25 =	vld [tilespmem:s16+$0x5830];
	v54 =	vmul.f32 v59, v9;
	v59 =	vadd.f32 v56, v60;
	[tilespmem:s16+$0x5040] =	vst v47  }
0x5d9: {  	v42 =	vld [tilespmem:s16+$0xD870];
	v50 =	vadd.f32 v45, v20;
	[tilespmem:s16+$0x4C20] =	vst v53  }
0x5da: {  	v60 =	vmul.f32 v5, v9;
	v5 =	vld [tilespmem:s16+$0x5450];
	v56 =	vadd.f32 v51, v24;
	[tilespmem:s16+$0x4C50] =	vst v59  }
0x5db: {  	v48 =	vmul.f32 v23, v9;
	v49 =	vld [tilespmem:s16+$0xD800];
	v57 =	vadd.f32 v54, v58;
	[tilespmem:s16+$0x5050] =	vst v50  }
0x5dc: {  	v55 =	vld [tilespmem:s16+$0xD810];
	v58 =	vmul.f32 v6, v9;
	v34 =	vadd.f32 v60, v10;
	[tilespmem:s16+$0x5070] =	vst v56  }
0x5dd: {  	v6 =	vld [tilespmem:s16+$0xD440];
	v53 =	vadd.f32 v48, v22;
	v54 =	vmul.f32 v27, v9;
	[tilespmem:s16+$0x4C40] =	vst v57  }
0x5de: {  	v10 =	vld [tilespmem:s16+$0x5460];
	v60 =	vmul.f32 v30, v9;
	v61 =	vadd.f32 v58, v62;
	v62 =	vmul.f32 v11, v9;
	[tilespmem:s16+$0x4C70] =	vst v34  }
0x5df: {  	v24 =	vmul.f32 v32, v9;
	v11 =	vld [tilespmem:s16+$0xD450];
	[tilespmem:s16+$0x5060] =	vst v53;
	v59 =	vadd.f32 v54, v26  }
0x5e0: {  	v26 =	vadd.f32 v60, v4;
	[tilespmem:s16+$0x4C60] =	vst v61;
	v36 =	vadd.f32 v62, v7;
	v7 =	vld [tilespmem:s16+$0xD460]  }
0x5e1: {  	v57 =	vmul.f32 v29, v9;
	v58 =	vld [tilespmem:s16+$0x5820];
	v29 =	vadd.f32 v24, v31;
	[tilespmem:s16+$0x5400] =	vst v59  }
0x5e2: {  	v34 =	vmul.f32 v43, v9;
	v61 =	vld [tilespmem:s16+$0xD820];
	[tilespmem:s16+$0x5420] =	vst v26  }
0x5e3: {  	v37 =	vmul.f32 v49, v9;
	v62 =	vadd.f32 v57, v28;
	v28 =	vld [tilespmem:s16+$0xD830];
	[tilespmem:s16+$0x5430] =	vst v29  }
0x5e4: {  	v39 =	vmul.f32 v55, v9;
	v38 =	vadd.f32 v34, v40;
	[tilespmem:s16+$0x5000] =	vst v36;
	v30 =	vmul.f32 v11, v9;
	v11 =	vld [tilespmem:s16+$0xD860]  }
0x5e5: {  	v27 =	vmul.f32 v6, v9;
	v40 =	vadd.f32 v37, v46;
	[tilespmem:s16+$0x5410] =	vst v62;
	v32 =	vmul.f32 v7, v9;
	v7 =	vld [tilespmem:s16+$0xD840]  }
0x5e6: {  	v45 =	vld [tilespmem:s16+$0x5860];
	v43 =	vadd.f32 v39, v52;
	[tilespmem:s16+$0x5470] =	vst v38  }
0x5e7: {  	v31 =	vadd.f32 v27, v33;
	[tilespmem:s16+$0x5800] =	vst v40;
	v36 =	vadd.f32 v32, v10;
	v10 =	vld [tilespmem:s16+$0xD850]  }
0x5e8: {  	v6 =	vld [tilespmem:s16+$0x5840];
	[tilespmem:s16+$0x5810] =	vst v43;
	v33 =	vadd.f32 v30, v5;
	v41 =	vmul.f32 v61, v9  }
0x5e9: {  	v35 =	vld [tilespmem:s16+$0x5850];
	[tilespmem:s16+$0x5440] =	vst v31;
	v44 =	vmul.f32 v28, v9  }
0x5ea: {  	[tilespmem:s16+$0x5450] =	vst v33;
	v46 =	vadd.f32 v41, v58;
	v51 =	vmul.f32 v11, v9;
	v47 =	vmul.f32 v7, v9;
	v7 =	vld [tilespmem:s16+$0x5870]  }
0x5eb: {  	v48 =	vadd.f32 v44, v25;
	[tilespmem:s16+$0x5460] =	vst v36  }
0x5ec: {  	[tilespmem:s16+$0x5820] =	vst v46;
	v54 =	vadd.f32 v51, v45;
	v49 =	vmul.f32 v10, v9  }
0x5ed: {  	v53 =	vmul.f32 v42, v9;
	[tilespmem:s16+$0x5830] =	vst v48;
	v50 =	vadd.f32 v47, v6  }
0x5ee: {  	s19 =	sand.u32 $0x7, s4;
	[tilespmem:s16+$0x5860] =	vst v54;
	v52 =	vadd.f32 v49, v35  }
0x5ef: {  	s17 =	sshll.u32 s19, $0x7;
	[tilespmem:s16+$0x5840] =	vst v50;
	v55 =	vadd.f32 v53, v7  }
0x5f0: {  	s17 =	sadd.s32 s17, s5;
	[tilespmem:s16+$0x5850] =	vst v52  }
0x5f1: {  	s18 =	sor.u32 $0x1C00, s17;
	[tilespmem:s16+$0x5870] =	vst v55  }
0x5f2: {  	v0 =	vld [tilespmem:s18+$0xC000];
	_ =	sdelay $0x1  }
0x5f3: {  	v1 =	vld [tilespmem:s18+$0x4000];
	_ =	sdelay $0x2  }
0x5f4: {  	v0 =	vmul.f32 v0, v9;
	_ =	sdelay $0x1  }
0x5f5: {  	v0 =	vadd.f32 v0, v1;
	_ =	sdelay $0x1  }
0x5f6: {  	s19 =	sor.u32 $0x1C10, s17;
	[tilespmem:s18+$0x4000] =	vst v0  }
0x5f7: {  	v0 =	vld [tilespmem:s19+$0xC000];
	_ =	sdelay $0x1  }
0x5f8: {  	v56 =	vld [tilespmem:s19+$0x4000];
	_ =	sdelay $0x2  }
0x5f9: {  	v0 =	vmul.f32 v0, v9;
	_ =	sdelay $0x1  }
0x5fa: {  	v0 =	vadd.f32 v0, v56;
	_ =	sdelay $0x1  }
0x5fb: {  	s18 =	sor.u32 $0x1C20, s17;
	[tilespmem:s19+$0x4000] =	vst v0  }
0x5fc: {  	v0 =	vld [tilespmem:s18+$0xC000];
	_ =	sdelay $0x1  }
0x5fd: {  	v57 =	vld [tilespmem:s18+$0x4000];
	_ =	sdelay $0x2  }
0x5fe: {  	v0 =	vmul.f32 v0, v9;
	_ =	sdelay $0x1  }
0x5ff: {  	v0 =	vadd.f32 v0, v57;
	_ =	sdelay $0x1  }
0x600: {  	s19 =	sor.u32 $0x1C30, s17;
	[tilespmem:s18+$0x4000] =	vst v0  }
0x601: {  	v0 =	vld [tilespmem:s19+$0xC000];
	_ =	sdelay $0x1  }
0x602: {  	v58 =	vld [tilespmem:s19+$0x4000];
	_ =	sdelay $0x2  }
0x603: {  	v0 =	vmul.f32 v0, v9;
	_ =	sdelay $0x1  }
0x604: {  	v0 =	vadd.f32 v0, v58;
	_ =	sdelay $0x1  }
0x605: {  	s18 =	sor.u32 $0x1C40, s17;
	[tilespmem:s19+$0x4000] =	vst v0  }
0x606: {  	v0 =	vld [tilespmem:s18+$0xC000];
	_ =	sdelay $0x1  }
0x607: {  	v59 =	vld [tilespmem:s18+$0x4000];
	_ =	sdelay $0x2  }
0x608: {  	v0 =	vmul.f32 v0, v9;
	_ =	sdelay $0x1  }
0x609: {  	v0 =	vadd.f32 v0, v59;
	_ =	sdelay $0x1  }
0x60a: {  	s19 =	sor.u32 $0x1C50, s17;
	[tilespmem:s18+$0x4000] =	vst v0  }
0x60b: {  	v0 =	vld [tilespmem:s19+$0xC000];
	_ =	sdelay $0x1  }
0x60c: {  	v60 =	vld [tilespmem:s19+$0x4000];
	_ =	sdelay $0x2  }
0x60d: {  	v0 =	vmul.f32 v0, v9;
	_ =	sdelay $0x1  }
0x60e: {  	v0 =	vadd.f32 v0, v60;
	_ =	sdelay $0x1  }
0x60f: {  	s18 =	sor.u32 $0x1C60, s17;
	[tilespmem:s19+$0x4000] =	vst v0  }
0x610: {  	v0 =	vld [tilespmem:s18+$0xC000];
	_ =	sdelay $0x1  }
0x611: {  	v61 =	vld [tilespmem:s18+$0x4000];
	_ =	sdelay $0x2  }
0x612: {  	v0 =	vmul.f32 v0, v9;
	_ =	sdelay $0x1  }
0x613: {  	v0 =	vadd.f32 v0, v61;
	_ =	sdelay $0x1  }
0x614: {  	s19 =	sor.u32 $0x1C70, s17;
	[tilespmem:s18+$0x4000] =	vst v0  }
0x615: {  	v0 =	vld [tilespmem:s19+$0xC000];
	_ =	sdelay $0x1  }
0x616: {  	v62 =	vld [tilespmem:s19+$0x4000];
	_ =	sdelay $0x1  }
0x617: {  	p0 =	sne.s32 s15, $0xF  }
.Ltmp3:
0x618: {  	v0 =	vmul.f32 v0, v9;
	(pc) =	sbr.rel @p0 .LBB2_10-.Ltmp3, $4  }
0x619: {  	_ = 	snop  }
0x61a: {  	v0 =	vadd.f32 v0, v62  }
0x61b: {  	s7 =	sadd.s32 $0x80, s7  }
0x61c: {  	s4 =	sadd.s32 $0x1, s4;
	s15 =	sadd.s32 $0x1, s15;
	s5 =	sadd.s32 $0x400, s5;
	[tilespmem:s19+$0x4000] =	vst v0  }
0x61d: {  	v0 =	vld [tilespmem:$0x10000]  }
0x61e: {  	s1 =	sadd.s32 $0x1, s1  }
0x61f: {  	p0 =	sne.s32 s1, $0xE  }
.Ltmp4:
0x620: {  	_ = 	snop;
	(pc) =	sbr.rel @p0 .LBB2_7-.Ltmp4, $4  }
0x621: {  	vm1 =	vgt.f32 v8, $0.0e+00;
	v1 =	vimm.s32 $0x1  }
0x622: {  	v1 =	vsel vm1, $0x2, v1;
	v0 =	vshll.u32 v0, $0x1  }
0x623: {  	v0 =	vadd.s32 v0, v1  }
0x624: {  	[tilespmem:$0x10000] =	vst v0  }
0x625: {  	s1 =	rddreg [dreg:$0x3]  }
0x626: {  	s4 =	rddreg [dreg:$0x9]  }
0x627: {  	s18 =	simm.s32 $0x0;
	s5 =	simm.s32 $0x4000;
	s1 =	sadd.s32 s1, s4  }
0x628: {  	[hbm4b:s1+s18] =	stream.linear.scatter [tilespmem:s5], [sflag:$0x3], $0x4000, $0x38;
	[tilespmem:$0x10100] =	vst v63  }
0x629: {  	s5 =	simm.s32 $0x3  }
0x62a: {  	_ =	swait.ge [sflag:s5], $0x4000  }
0x62b: {  	s19 =	rddreg [dreg:$0x8]  }
0x62c: {  	s1 =	sadd.s32 $0x1, s19  }
0x62d: {  	p0 =	sne.s32 s1, $0x10  }
.Ltmp5:
0x62e: {  	_ = 	snop;
	(pc) =	sbr.rel @p0 .LBB2_2-.Ltmp5, $3  }
0x62f: {  	_ =	sdelay $0x1  }
0x630: {  	[sflag:s5] =	ssyncset.done $0x0  }
0x631: {  	[sflag:s5] =	ssyncadd.s32 $0xFFFFC000  }
0x632: {  	s4 =	rddreg [dreg:$0x7]  }
0x633: {  	s1 =	rddreg [dreg:$0x6];
	s4 =	sadd.s32 $0x1, s4  }
0x634: {  	p0 =	sne.s32 s4, s1  }
.Ltmp6:
0x635: {  	_ = 	snop;
	(pc) =	sbr.rel @p0 .LBB2_1-.Ltmp6, $1  }
0x636: {  	_ =	sdelay $0x3  }
0x637: {  	_ =	sfence.sel $0x180000  }
0x638: {  	[bflag:$0x0] =	sbarrier.arrive $0xFFFF  }
0x639: {  	_ =	strace $0x90000047  }
0x63a: {  	s0 =	stileid.u32;
	[bflag:$0x2] =	sbarrier.arrive $0xFFFF  }
0x63b: {  	p0 =	sne.s32 s0, $0x0;
	s0 =	rddreg [dreg:$0x4]  }
0x63c: {  	s0 =	sadd.s32 @!p0 $0x100000, s0  }
0x63d: {  	[sflag:s0] =	ssyncadd.tile.s32 @!p0 $0x1;
	_ =	shalt  }
.Lfunc_end2:
_tile_overlayer_lowered:
.L_overlay_start_2:
0x63e: {  	(tag) =	ssettag $0x2  }
0x63f: {  	s0 =	rddreg [dreg:$0x0];
	s2 =	stileid.u32  }
0x640: {  	s1 =	rddreg [dreg:$0x1];
	p0 =	sne.s32 s2, $0x0  }
0x641: {  	s3 =	rddreg [dreg:$0x2];
	[bflag:$0x3] =	sbarrier.arrive $0xFFFF;
	s2 =	simm.s32 @!p0 $0x1C03  }
0x642: {  	[timem:s3], [sflag:s2] =	dma.local @!p0 [hbm:s0], s1  }
0x643: {  	s0 =	simm.s32 @!p0 $0x3  }
0x644: {  	_ =	swait.ge @!p0 [sflag:s0], s1  }
0x645: {  	s1 =	ssub.s32 @!p0 $0x0, s1;
	[sflag:s0] =	ssyncset.done @!p0 $0x0  }
0x646: {  	[sflag:s0] =	ssyncadd.s32 @!p0 s1  }
0x647: {  	[bflag:$0x3] =	sbarrier.arrive $0xFFFF  }
0x648: {  	_ =	shalt  }

</sc_bundles>
